<compile_context>
chip_gen: v7x
topology: tpu7x:2x2x1
jax: 0.10.2.dev20260603
libtpu: 0.0.44.dev20260713+nightly
codegen_flags: <defaults>
</compile_context>

<pallas_src>
import jax
import jax.numpy as jnp
from jax import lax
from jax.experimental import pallas as pl
from jax.experimental.pallas import tpu as pltpu
from jax.experimental.pallas import tpu_sc as plsc

N_NODES = 50000
N_EDGES = 800000
HALF = 32
PACK = 128 // HALF
EP_ROWS = N_EDGES // PACK
CHUNK = 128
CROWS = CHUNK // PACK
NCHUNKS = N_EDGES // CHUNK
HCHUNKS = NCHUNKS // 2
NS = 16
N_PAD = 50048
ROWS_PT = N_PAD // NS
EDGE_BLK = 6400
f32 = jnp.float32
i32 = jnp.int32


def _sigmoid(v):
    return 1.0 / (1.0 + jnp.exp(-v))


def _full(shape):
    n = len(shape)
    return pl.BlockSpec(shape, lambda i, _n=n: (0,) * _n)


def _edge_enc_body(ea0, ea1, W1b0, W1b1, b1b, W2b, b2b, Web0, Web1, Wgb0,
                   Wgb1, beb0, beb1, bg4, ep0_o, ep1_o):
    u4 = jnp.maximum(bg4[...], 0.0)
    h = jnp.maximum(jnp.dot(ea0[...], W1b0[...], preferred_element_type=f32)
                    + jnp.dot(ea1[...], W1b1[...], preferred_element_type=f32)
                    + b1b[...], 0.0)
    h = jnp.maximum(jnp.dot(h, W2b[...], preferred_element_type=f32) + b2b[...], 0.0)
    ce0 = jnp.dot(u4, Wgb0[...], preferred_element_type=f32) + beb0[...]
    ce1 = jnp.dot(u4, Wgb1[...], preferred_element_type=f32) + beb1[...]
    ep0_o[...] = jnp.dot(h, Web0[...], preferred_element_type=f32) + ce0
    ep1_o[...] = jnp.dot(h, Web1[...], preferred_element_type=f32) + ce1


def _bd4(W):
    r, c = W.shape
    out = jnp.zeros((4 * r, 4 * c), W.dtype)
    for k in range(4):
        out = out.at[k * r:(k + 1) * r, k * c:(k + 1) * c].set(W)
    return out


def _edge_encode(edge_attr, We1, be1, We2, be2, We_e, We_g, be, bg_enc):
    ea0 = edge_attr[:, 0].reshape(EP_ROWS, PACK)
    ea1 = edge_attr[:, 1].reshape(EP_ROWS, PACK)
    t4 = lambda v: jnp.tile(v.reshape(1, -1), (1, 4))
    grid = (EP_ROWS // (EDGE_BLK // PACK),)
    blk = EDGE_BLK // PACK
    return pl.pallas_call(
        _edge_enc_body,
        grid=grid,
        in_specs=[
            pl.BlockSpec((blk, PACK), lambda i: (i, 0)),
            pl.BlockSpec((blk, PACK), lambda i: (i, 0)),
            _full((PACK, 16)), _full((PACK, 16)), _full((1, 16)),
            _full((16, 32)), _full((1, 32)), _full((32, 128)),
            _full((32, 128)), _full((16, 128)), _full((16, 128)),
            _full((1, 128)), _full((1, 128)), _full((1, 16)),
        ],
        out_specs=[pl.BlockSpec((blk, 128), lambda i: (i, 0))] * 2,
        out_shape=[jax.ShapeDtypeStruct((EP_ROWS, 128), f32)] * 2,
    )(ea0, ea1, _bd4(We1[0:1, :]), _bd4(We1[1:2, :]), t4(be1), _bd4(We2),
      t4(be2), _bd4(We_e[:, :HALF]), _bd4(We_e[:, HALF:]),
      _bd4(We_g[:, :HALF]), _bd4(We_g[:, HALF:]), t4(be[:HALF]),
      t4(be[HALF:]), t4(bg_enc))


def _node_enc_body(x, Wn1, bn1, Wn2, bn2, Wes, n_o, np0_o, np1_o):
    h = jnp.maximum(jnp.dot(x[...], Wn1[...], preferred_element_type=f32) + bn1[...], 0.0)
    n = jnp.maximum(jnp.dot(h, Wn2[...], preferred_element_type=f32) + bn2[...], 0.0)
    npj = jnp.dot(n, Wes[...], preferred_element_type=f32)
    n_o[...] = n
    np0_o[...] = npj[:, :HALF]
    np1_o[...] = npj[:, HALF:]


NENC_BLK = 1000


def _node_encode(x, Wn1, bn1, Wn2, bn2, We_s):
    grid = (N_NODES // NENC_BLK,)
    return pl.pallas_call(
        _node_enc_body,
        grid=grid,
        in_specs=[
            pl.BlockSpec((NENC_BLK, 83), lambda i: (i, 0)),
            _full((83, 8)), _full((1, 8)), _full((8, 16)), _full((1, 16)),
            _full((16, 64)),
        ],
        out_specs=[pl.BlockSpec((NENC_BLK, 16), lambda i: (i, 0))]
        + [pl.BlockSpec((NENC_BLK, HALF), lambda i: (i, 0))] * 2,
        out_shape=[jax.ShapeDtypeStruct((N_NODES, 16), f32)]
        + [jax.ShapeDtypeStruct((N_PAD, HALF), f32)] * 2,
    )(x, Wn1, bn1, Wn2, bn2, We_s)


NJT = (NCHUNKS + NS - 1) // NS


def _sc_body(ep0, ep1, np0, np1, snd, rcv, zh, ones_h,
             seg0_o, seg1_o, cnta_o, cntb_o,
             idx_s0, idx_s1, idx_r0, idx_r1, idx_r2, idx_r3,
             msg0, msg1, gat0, gat1, sct0, sct1, ones_v, seg_sh,
             sem_l0, sem_l1, sem_g0, sem_g1, sem_s0, sem_s1):
    s = lax.axis_index("s")
    c = lax.axis_index("c")
    r0 = s * ROWS_PT
    rows = pl.ds(r0, ROWS_PT)
    base = s * NJT
    idx_s = (idx_s0, idx_s1)
    idx_r = (idx_r0, idx_r1, idx_r2, idx_r3)
    msg = (msg0, msg1)
    gat = (gat0, gat1)
    sct = (sct0, sct1)
    sem_l = (sem_l0, sem_l1)
    sem_g = (sem_g0, sem_g1)
    sem_s = (sem_s0, sem_s1)

    def do_pass(ep_h, np_h, seg_o):
        pltpu.sync_copy(zh.at[rows], seg_sh.at[rows])
        plsc.subcore_barrier()

        def valid(j):
            return jnp.logical_and(jnp.logical_and(j >= 0, j < NJT),
                                   base + j < NCHUNKS)

        def fire_loads(j, ls, rs):
            @pl.when(valid(j))
            def _():
                ck = base + j
                off = ck * CHUNK
                pltpu.async_copy(snd.at[pl.ds(off, CHUNK)], idx_s[ls], sem_l[ls])
                pltpu.async_copy(rcv.at[pl.ds(off, CHUNK)], idx_r[rs], sem_l[ls])
                pltpu.async_copy(ep_h.at[pl.ds(ck * CHUNK * HALF, CHUNK * HALF)],
                                 msg[ls], sem_l[ls])

        def wait_loads(j, ls, rs):
            @pl.when(valid(j))
            def _():
                ck = base + j
                off = ck * CHUNK
                pltpu.make_async_copy(snd.at[pl.ds(off, CHUNK)], idx_s[ls], sem_l[ls]).wait()
                pltpu.make_async_copy(rcv.at[pl.ds(off, CHUNK)], idx_r[rs], sem_l[ls]).wait()
                pltpu.make_async_copy(ep_h.at[pl.ds(0, CHUNK * HALF)], msg[ls], sem_l[ls]).wait()

        def fire_gather(j, ls):
            @pl.when(valid(j))
            def _():
                pltpu.async_copy(np_h.at[idx_s[ls]], gat[ls], sem_g[ls])

        def wait_scatter(j, ls, rs):
            @pl.when(valid(j))
            def _():
                pltpu.make_async_copy(sct[ls], seg_sh.at[idx_r[rs]], sem_s[ls]).wait()

        def process(j, ls, rs):
            wait_scatter(j - 2, ls, (rs + 2) % 4)

            @pl.when(valid(j))
            def _():
                pltpu.make_async_copy(np_h.at[idx_s[ls]], gat[ls], sem_g[ls]).wait()

                def row_body(r, rc):
                    for e4 in range(PACK):
                        e = r * PACK + e4
                        for kk in range(HALF // 16):
                            src = pl.ds(r * 128 + e4 * HALF + kk * 16, 16)
                            dst = pl.ds(kk * 16, 16)
                            sct[ls][e, dst] = jnp.maximum(
                                msg[ls][src] + gat[ls][e, dst], 0.0)
                    return rc

                lax.fori_loop(0, CROWS, row_body, 0)
                pltpu.async_copy(sct[ls], seg_sh.at[idx_r[rs]], sem_s[ls], add=True)

        fire_loads(0, 0, 0)
        fire_loads(1, 1, 1)
        wait_loads(0, 0, 0)
        fire_gather(0, 0)

        def loop(jo, carry):
            for b in range(4):
                j = jo * 4 + b
                wait_loads(j + 1, (b + 1) % 2, (b + 1) % 4)
                fire_gather(j + 1, (b + 1) % 2)
                process(j, b % 2, b)
                fire_loads(j + 2, b % 2, (b + 2) % 4)
            return carry

        NJ4 = (NJT + 3) // 4
        lax.fori_loop(0, NJ4, loop, 0)
        wait_scatter(4 * NJ4 - 2, 0, 2)
        wait_scatter(4 * NJ4 - 1, 1, 3)
        plsc.subcore_barrier()
        pltpu.sync_copy(seg_sh.at[rows], seg_o.at[rows])

    def do_cnt_pass(cnt_o, ck_base):
        pltpu.sync_copy(zh.at[rows], seg_sh.at[rows])
        pltpu.sync_copy(ones_h, ones_v)
        plsc.subcore_barrier()
        HJT = (HCHUNKS + NS - 1) // NS
        cbase = ck_base + s * HJT

        def cvalid(j):
            return jnp.logical_and(j < HJT, cbase + j < ck_base + HCHUNKS)

        def fire(j, b):
            @pl.when(cvalid(j))
            def _():
                off = (cbase + j) * CHUNK
                pltpu.async_copy(rcv.at[pl.ds(off, CHUNK)], idx_r[b], sem_l[b])

        def cproc(j, b):
            @pl.when(cvalid(j))
            def _():
                off = (cbase + j) * CHUNK
                pltpu.make_async_copy(rcv.at[pl.ds(off, CHUNK)], idx_r[b], sem_l[b]).wait()
                pltpu.sync_copy(ones_v, seg_sh.at[idx_r[b]], add=True)

        fire(0, 0)
        fire(1, 1)

        def cloop(jo, carry):
            for b in range(2):
                j = jo * 2 + b
                cproc(j, b)
                fire(j + 2, b)
            return carry

        lax.fori_loop(0, (HJT + 1) // 2, cloop, 0)
        plsc.subcore_barrier()
        pltpu.sync_copy(seg_sh.at[rows], cnt_o.at[rows])

    @pl.when(c == 0)
    def _():
        do_pass(ep0, np0, seg0_o)
        do_cnt_pass(cnta_o, 0)

    @pl.when(c == 1)
    def _():
        do_pass(ep1, np1, seg1_o)
        do_cnt_pass(cntb_o, HCHUNKS)


def _sc_scatter(eps, nps, senders, receivers, zh, ones32):
    mesh = plsc.VectorSubcoreMesh(
        core_axis_name="c", subcore_axis_name="s", num_cores=2, num_subcores=NS)
    return pl.kernel(
        _sc_body,
        out_type=tuple([jax.ShapeDtypeStruct((N_PAD, HALF), f32)] * 4),
        mesh=mesh,
        compiler_params=pltpu.CompilerParams(use_tc_tiling_on_sc=False),
        scratch_types=[
            pltpu.VMEM((CHUNK,), i32),
            pltpu.VMEM((CHUNK,), i32),
            pltpu.VMEM((CHUNK,), i32),
            pltpu.VMEM((CHUNK,), i32),
            pltpu.VMEM((CHUNK,), i32),
            pltpu.VMEM((CHUNK,), i32),
            pltpu.VMEM((CHUNK * HALF,), f32),
            pltpu.VMEM((CHUNK * HALF,), f32),
            pltpu.VMEM((CHUNK, HALF), f32),
            pltpu.VMEM((CHUNK, HALF), f32),
            pltpu.VMEM((CHUNK, HALF), f32),
            pltpu.VMEM((CHUNK, HALF), f32),
            pltpu.VMEM((CHUNK, HALF), f32),
            pltpu.VMEM_SHARED((N_PAD, HALF), f32),
            pltpu.SemaphoreType.DMA,
            pltpu.SemaphoreType.DMA,
            pltpu.SemaphoreType.DMA,
            pltpu.SemaphoreType.DMA,
            pltpu.SemaphoreType.DMA,
            pltpu.SemaphoreType.DMA,
        ],
    )(*eps, *nps, senders, receivers, zh, ones32)


def _update_body(seg0, seg1, cnta, cntb, n, bg, Wnn, Wni, Wng, bn_, Wge,
                 Wgn, Wgg, bg_, Wrn, brn, Wrg, brg, nout_o, gout_o, acc_e, acc_n):
    i = pl.program_id(0)
    nblocks = pl.num_programs(0)

    @pl.when(i == 0)
    def _():
        acc_e[...] = jnp.zeros_like(acc_e)
        acc_n[...] = jnp.zeros_like(acc_n)

    seg = jnp.concatenate([seg0[...], seg1[...]], axis=1)
    deg = jnp.maximum(cnta[:, 0:1] + cntb[:, 0:1], 1.0)
    inc = seg / deg
    u = jnp.maximum(bg[...], 0.0)
    cn = jnp.dot(u, Wng[...], preferred_element_type=f32) + bn_[...]
    n2 = jnp.maximum(
        jnp.dot(n[...], Wnn[...], preferred_element_type=f32)
        + jnp.dot(inc, Wni[...], preferred_element_type=f32) + cn, 0.0)
    nout_o[...] = _sigmoid(jnp.dot(n2, Wrn[...], preferred_element_type=f32) + brn[...])
    acc_e[...] += jnp.sum(seg, axis=0, keepdims=True)
    acc_n[...] += jnp.sum(n2, axis=0, keepdims=True)

    @pl.when(i == nblocks - 1)
    def _():
        mean_e2 = acc_e[...] * (1.0 / N_EDGES)
        mean_n2 = acc_n[...] * (1.0 / N_NODES)
        u2 = jnp.maximum(
            jnp.dot(mean_e2, Wge[...], preferred_element_type=f32)
            + jnp.dot(mean_n2, Wgn[...], preferred_element_type=f32)
            + jnp.dot(u, Wgg[...], preferred_element_type=f32) + bg_[...], 0.0)
        gout_o[...] = _sigmoid(jnp.dot(u2, Wrg[...], preferred_element_type=f32) + brg[...])


def _update(seg0, seg1, cnta, cntb, n, bg, Wn_n, Wn_i, Wn_g, bn_, Wg_e, Wg_n,
            Wg_g, bg_, Wr_n, br_n, Wr_g, br_g):
    grid = (N_NODES // NENC_BLK,)
    return pl.pallas_call(
        _update_body,
        grid=grid,
        in_specs=[pl.BlockSpec((NENC_BLK, HALF), lambda i: (i, 0))] * 4 + [
            pl.BlockSpec((NENC_BLK, 16), lambda i: (i, 0)),
            _full((1, 4)), _full((16, 128)), _full((64, 128)), _full((4, 128)),
            _full((1, 128)), _full((64, 32)), _full((128, 32)), _full((4, 32)),
            _full((1, 32)), _full((128, 1)), _full((1, 1)), _full((32, 1)),
            _full((1, 1)),
        ],
        out_specs=[
            pl.BlockSpec((NENC_BLK, 1), lambda i: (i, 0)),
            pl.BlockSpec((1, 1), lambda i: (0, 0)),
        ],
        out_shape=[
            jax.ShapeDtypeStruct((N_NODES, 1), f32),
            jax.ShapeDtypeStruct((1, 1), f32),
        ],
        scratch_shapes=[
            pltpu.VMEM((1, 64), f32),
            pltpu.VMEM((1, 128), f32),
        ],
    )(seg0, seg1, cnta, cntb, n, bg, Wn_n, Wn_i, Wn_g, bn_, Wg_e, Wg_n,
      Wg_g, bg_, Wr_n, br_n, Wr_g, br_g)


def kernel(x, edge_attr, senders, receivers, We1, be1, We2, be2, Wn1, bn1,
           Wn2, bn2, bg_enc, We_e, We_s, We_g, be, Wn_n, Wn_i, Wn_g, bn,
           Wg_e, Wg_n, Wg_g, bg, Wr_n, br_n, Wr_g, br_g):
    r = lambda v: v.reshape(1, -1)
    eps = _edge_encode(edge_attr, We1, be1, We2, be2, We_e, We_g, be, bg_enc)
    n_enc, np0, np1 = _node_encode(x, Wn1, r(bn1), Wn2, r(bn2), We_s)
    zh = jnp.zeros((N_PAD, HALF), f32)
    ones32 = jnp.ones((CHUNK, HALF), f32)
    eps_flat = tuple(e.reshape(-1) for e in eps)
    seg0, seg1, cnta, cntb = _sc_scatter(eps_flat, (np0, np1), senders,
                                         receivers, zh, ones32)
    node_out, global_out = _update(seg0, seg1, cnta, cntb, n_enc, r(bg_enc),
                                   Wn_n, Wn_i, Wn_g, r(bn), Wg_e, Wg_n, Wg_g,
                                   r(bg), Wr_n, r(br_n), Wr_g, r(br_g))
    return node_out, global_out

# --- scband reference (transcript-rebuilt; emitter-appended) ---
"""Pipeline reference for scband-protein-gn-23364622090308 (READ-ONLY COPY).

The authoritative reference and input builder live on the scoring server;
editing this copy changes nothing except your own understanding.
"""

import jax, jax.numpy as jnp
import numpy as np

N_NODES = 50000
N_EDGES = 800000

def setup_inputs(seed: int = 0) -> dict:
    key = jax.random.key(seed)
    ks = jax.random.split(key, 24)
    f32 = jnp.float32
    def w(k, shape):
        return 0.05 * jax.random.normal(k, shape, f32)
    inp = {}
    inp['x'] = jax.random.normal(ks[0], (N_NODES, 83), f32)
    inp['edge_attr'] = jax.random.normal(ks[1], (N_EDGES, 2), f32)
    inp['senders'] = jax.random.randint(ks[2], (N_EDGES,), 0, N_NODES, dtype=jnp.int32)
    inp['receivers'] = jax.random.randint(ks[3], (N_EDGES,), 0, N_NODES, dtype=jnp.int32)
    # encoder params
    inp['We1'] = w(ks[4], (2, 4));   inp['be1'] = jnp.zeros((4,), f32)
    inp['We2'] = w(ks[5], (4, 8));   inp['be2'] = jnp.zeros((8,), f32)
    inp['Wn1'] = w(ks[6], (83, 8));  inp['bn1'] = jnp.zeros((8,), f32)
    inp['Wn2'] = w(ks[7], (8, 16));  inp['bn2'] = jnp.zeros((16,), f32)
    inp['bg_enc'] = w(ks[8], (4,))
    # message-passing layer params (in_e,in_n,in_g)=(8,16,4) -> (out_e,out_n,out_g)=(64,128,32)
    inp['We_e'] = w(ks[9], (8, 64));   inp['We_s'] = w(ks[10], (16, 64));  inp['We_g'] = w(ks[11], (4, 64));  inp['be'] = jnp.zeros((64,), f32)
    inp['Wn_n'] = w(ks[12], (16, 128)); inp['Wn_i'] = w(ks[13], (64, 128)); inp['Wn_g'] = w(ks[14], (4, 128)); inp['bn'] = jnp.zeros((128,), f32)
    inp['Wg_e'] = w(ks[15], (64, 32));  inp['Wg_n'] = w(ks[16], (128, 32)); inp['Wg_g'] = w(ks[17], (4, 32));  inp['bg'] = jnp.zeros((32,), f32)
    # readout params (output lengths assumed 1)
    inp['Wr_n'] = w(ks[18], (128, 1)); inp['br_n'] = jnp.zeros((1,), f32)
    inp['Wr_g'] = w(ks[19], (32, 1));  inp['br_g'] = jnp.zeros((1,), f32)
    return inp

def reference(x, edge_attr, senders, receivers, We1, be1, We2, be2, Wn1, bn1, Wn2, bn2, bg_enc, We_e, We_s, We_g, be, Wn_n, Wn_i, Wn_g, bn, Wg_e, Wg_n, Wg_g, bg, Wr_n, br_n, Wr_g, br_g):
    # --- encoder ---
    e = jax.nn.relu(edge_attr @ We1 + be1)
    e = jax.nn.relu(e @ We2 + be2)
    n = jax.nn.relu(x @ Wn1 + bn1)
    n = jax.nn.relu(n @ Wn2 + bn2)
    u = jax.nn.relu(bg_enc)[None, :]  # GlobalLinear with bias only -> learned global vector, single graph batch
    # --- message passing layer ---
    e2 = jax.nn.relu(e @ We_e + jnp.take(n, senders, axis=0) @ We_s + (u @ We_g) + be)
    seg = jax.ops.segment_sum(e2, receivers, num_segments=x.shape[0])
    cnt = jax.ops.segment_sum(jnp.ones((e2.shape[0], 1), e2.dtype), receivers, num_segments=x.shape[0])
    incoming = seg / jnp.clip(cnt, 1.0)  # mean aggregation of incoming edges
    n2 = jax.nn.relu(n @ Wn_n + incoming @ Wn_i + (u @ Wn_g) + bn)
    u2 = jax.nn.relu(jnp.mean(e2, axis=0, keepdims=True) @ Wg_e + jnp.mean(n2, axis=0, keepdims=True) @ Wg_n + u @ Wg_g + bg)
    # --- readout ---
    node_out = jax.nn.sigmoid(n2 @ Wr_n + br_n)
    global_out = jax.nn.sigmoid(u2 @ Wr_g + br_g)
    return node_out, global_out

if __name__ == "__main__":
    import jax
    _d = setup_inputs()
    print(jax.jit(kernel)(*tuple(_d.values())))

</pallas_src>

<mosaic_0001>
#map = affine_map<(d0, d1) -> (0)>
#map1 = affine_map<(d0, d1) -> (0, 0)>
module attributes {stable_mosaic.version = 14 : i64} {
  func.func @_sc_body(%arg0: i32, %arg1: i32, %arg2: memref<25600000xf32, #tpu.memory_space<hbm>>, %arg3: memref<25600000xf32, #tpu.memory_space<hbm>>, %arg4: memref<50048x32xf32, #tpu.memory_space<hbm>>, %arg5: memref<50048x32xf32, #tpu.memory_space<hbm>>, %arg6: memref<800000xi32, #tpu.memory_space<hbm>>, %arg7: memref<800000xi32, #tpu.memory_space<hbm>>, %arg8: memref<50048x32xf32, #tpu.memory_space<hbm>>, %arg9: memref<128x32xf32, #tpu.memory_space<hbm>>, %arg10: memref<50048x32xf32, #tpu.memory_space<hbm>>, %arg11: memref<50048x32xf32, #tpu.memory_space<hbm>>, %arg12: memref<50048x32xf32, #tpu.memory_space<hbm>>, %arg13: memref<50048x32xf32, #tpu.memory_space<hbm>>, %arg14: memref<128xi32, #tpu.memory_space<vmem>>, %arg15: memref<128xi32, #tpu.memory_space<vmem>>, %arg16: memref<128xi32, #tpu.memory_space<vmem>>, %arg17: memref<128xi32, #tpu.memory_space<vmem>>, %arg18: memref<128xi32, #tpu.memory_space<vmem>>, %arg19: memref<128xi32, #tpu.memory_space<vmem>>, %arg20: memref<4096xf32, #tpu.memory_space<vmem>>, %arg21: memref<4096xf32, #tpu.memory_space<vmem>>, %arg22: memref<128x32xf32, #tpu.memory_space<vmem>>, %arg23: memref<128x32xf32, #tpu.memory_space<vmem>>, %arg24: memref<128x32xf32, #tpu.memory_space<vmem>>, %arg25: memref<128x32xf32, #tpu.memory_space<vmem>>, %arg26: memref<128x32xf32, #tpu.memory_space<vmem>>, %arg27: memref<50048x32xf32, #tpu.memory_space<vmem_shared>>, %arg28: memref<!tpu.dma_semaphore, #tpu.memory_space<semaphore_mem>>, %arg29: memref<!tpu.dma_semaphore, #tpu.memory_space<semaphore_mem>>, %arg30: memref<!tpu.dma_semaphore, #tpu.memory_space<semaphore_mem>>, %arg31: memref<!tpu.dma_semaphore, #tpu.memory_space<semaphore_mem>>, %arg32: memref<!tpu.dma_semaphore, #tpu.memory_space<semaphore_mem>>, %arg33: memref<!tpu.dma_semaphore, #tpu.memory_space<semaphore_mem>>) attributes {dimension_semantics = [#tpu.dimension_semantics<core_parallel>, #tpu.dimension_semantics<subcore_parallel>], iteration_bounds = array<i64: 2, 16>, scalar_prefetch = 0 : i64, scratch_operands = 20 : i64, tpu.core_type = #tpu.core_type<sc_vector_subcore>, window_params = [{transform_indices = #map}, {transform_indices = #map}, {transform_indices = #map1}, {transform_indices = #map1}, {transform_indices = #map}, {transform_indices = #map}, {transform_indices = #map1}, {transform_indices = #map1}, {transform_indices = #map1}, {transform_indices = #map1}, {transform_indices = #map1}, {transform_indices = #map1}]} {
    %mul3A = arith.constant 3128 : i32
    %mul3A_0 = arith.muli %arg1, %mul3A : i32
    %mul3A_1 = arith.constant 391 : i32
    %mul3A_2 = arith.muli %arg1, %mul3A_1 : i32
    %eq3A = arith.constant 0 : i32
    %eq3A_3 = arith.cmpi eq, %arg0, %eq3A : i32
    %convert_element_type3A = arith.extui %eq3A_3 : i1 to i32
    %cond3A = arith.constant 0 : i32
    %cond3A_4 = arith.cmpi ne, %convert_element_type3A, %cond3A : i32
    scf.if %cond3A_4 {
      "tpu.region"() ({
        %run_scoped3A = tpu.sem_alloc : memref<!tpu.dma_semaphore, #tpu.memory_space<semaphore_mem>>
        %dma_start3A = arith.constant 0 : i32
        %dma_start3A_109 = tpu.memref_slice %arg27[%mul3A_0, %dma_start3A] : memref<50048x32xf32, #tpu.memory_space<vmem_shared>> -> memref<3128x32xf32, #tpu.memory_space<vmem_shared>>
        %dma_start3A_110 = arith.constant 0 : i32
        %dma_start3A_111 = tpu.memref_slice %arg8[%mul3A_0, %dma_start3A_110] : memref<50048x32xf32, #tpu.memory_space<hbm>> -> memref<3128x32xf32, #tpu.memory_space<hbm>>
        tpu.enqueue_dma source(%dma_start3A_111 : memref<3128x32xf32, #tpu.memory_space<hbm>>) target(%dma_start3A_109 : memref<3128x32xf32, #tpu.memory_space<vmem_shared>>) target_semaphore(%run_scoped3A : memref<!tpu.dma_semaphore, #tpu.memory_space<semaphore_mem>>)
        %dma_wait3A = arith.constant 0 : i32
        %dma_wait3A_112 = tpu.memref_slice %arg27[%mul3A_0, %dma_wait3A] : memref<50048x32xf32, #tpu.memory_space<vmem_shared>> -> memref<3128x32xf32, #tpu.memory_space<vmem_shared>>
        %dma_wait3A_113 = arith.constant 0 : i32
        %dma_wait3A_114 = tpu.memref_slice %arg8[%mul3A_0, %dma_wait3A_113] : memref<50048x32xf32, #tpu.memory_space<hbm>> -> memref<3128x32xf32, #tpu.memory_space<hbm>>
        tpu.wait_dma2 semaphore(%run_scoped3A : memref<!tpu.dma_semaphore, #tpu.memory_space<semaphore_mem>>) src(%dma_wait3A_114 : memref<3128x32xf32, #tpu.memory_space<hbm>>) dst(%dma_wait3A_112 : memref<3128x32xf32, #tpu.memory_space<vmem_shared>>)
        tpu.yield
      }) : () -> ()
      %barrier3A = arith.constant 0 : index
      tpu.barrier barrier_id(%barrier3A)
      %and3A = arith.constant true
      %and3A_10 = arith.constant true
      %and3A_11 = arith.andi %and3A, %and3A_10 : i1
      %add3A = arith.constant 0 : i32
      %add3A_12 = arith.addi %mul3A_2, %add3A : i32
      %lt3A = arith.constant 6250 : i32
      %lt3A_13 = arith.cmpi slt, %add3A_12, %lt3A : i32
      %and3A_14 = arith.andi %and3A_11, %lt3A_13 : i1
      %convert_element_type3A_15 = arith.extui %and3A_14 : i1 to i32
      %cond3A_16 = arith.constant 0 : i32
      %cond3A_17 = arith.cmpi ne, %convert_element_type3A_15, %cond3A_16 : i32
      scf.if %cond3A_17 {
        %add3A_109 = arith.constant 0 : i32
        %add3A_110 = arith.addi %mul3A_2, %add3A_109 : i32
        %mul3A_111 = arith.constant 128 : i32
        %mul3A_112 = arith.muli %add3A_110, %mul3A_111 : i32
        %dma_start3A = tpu.memref_slice %arg6[%mul3A_112] : memref<800000xi32, #tpu.memory_space<hbm>> -> memref<128xi32, #tpu.memory_space<hbm>>
        %dma_start3A_113 = tpu.memref_slice %arg6[%mul3A_112] : memref<800000xi32, #tpu.memory_space<hbm>> -> memref<128xi32, #tpu.memory_space<hbm>>
        tpu.enqueue_dma source(%dma_start3A_113 : memref<128xi32, #tpu.memory_space<hbm>>) target(%arg14 : memref<128xi32, #tpu.memory_space<vmem>>) target_semaphore(%arg28 : memref<!tpu.dma_semaphore, #tpu.memory_space<semaphore_mem>>)
        %dma_start3A_114 = tpu.memref_slice %arg7[%mul3A_112] : memref<800000xi32, #tpu.memory_space<hbm>> -> memref<128xi32, #tpu.memory_space<hbm>>
        %dma_start3A_115 = tpu.memref_slice %arg7[%mul3A_112] : memref<800000xi32, #tpu.memory_space<hbm>> -> memref<128xi32, #tpu.memory_space<hbm>>
        tpu.enqueue_dma source(%dma_start3A_115 : memref<128xi32, #tpu.memory_space<hbm>>) target(%arg16 : memref<128xi32, #tpu.memory_space<vmem>>) target_semaphore(%arg28 : memref<!tpu.dma_semaphore, #tpu.memory_space<semaphore_mem>>)
        %mul3A_116 = arith.constant 128 : i32
        %mul3A_117 = arith.muli %add3A_110, %mul3A_116 : i32
        %mul3A_118 = arith.constant 32 : i32
        %mul3A_119 = arith.muli %mul3A_117, %mul3A_118 : i32
        %dma_start3A_120 = tpu.memref_slice %arg2[%mul3A_119] : memref<25600000xf32, #tpu.memory_space<hbm>> -> memref<4096xf32, #tpu.memory_space<hbm>>
        %dma_start3A_121 = tpu.memref_slice %arg2[%mul3A_119] : memref<25600000xf32, #tpu.memory_space<hbm>> -> memref<4096xf32, #tpu.memory_space<hbm>>
        tpu.enqueue_dma source(%dma_start3A_121 : memref<4096xf32, #tpu.memory_space<hbm>>) target(%arg20 : memref<4096xf32, #tpu.memory_space<vmem>>) target_semaphore(%arg28 : memref<!tpu.dma_semaphore, #tpu.memory_space<semaphore_mem>>)
      } else {
      }
      %and3A_18 = arith.constant true
      %and3A_19 = arith.constant true
      %and3A_20 = arith.andi %and3A_18, %and3A_19 : i1
      %add3A_21 = arith.constant 1 : i32
      %add3A_22 = arith.addi %mul3A_2, %add3A_21 : i32
      %lt3A_23 = arith.constant 6250 : i32
      %lt3A_24 = arith.cmpi slt, %add3A_22, %lt3A_23 : i32
      %and3A_25 = arith.andi %and3A_20, %lt3A_24 : i1
      %convert_element_type3A_26 = arith.extui %and3A_25 : i1 to i32
      %cond3A_27 = arith.constant 0 : i32
      %cond3A_28 = arith.cmpi ne, %convert_element_type3A_26, %cond3A_27 : i32
      scf.if %cond3A_28 {
        %add3A_109 = arith.constant 1 : i32
        %add3A_110 = arith.addi %mul3A_2, %add3A_109 : i32
        %mul3A_111 = arith.constant 128 : i32
        %mul3A_112 = arith.muli %add3A_110, %mul3A_111 : i32
        %dma_start3A = tpu.memref_slice %arg6[%mul3A_112] : memref<800000xi32, #tpu.memory_space<hbm>> -> memref<128xi32, #tpu.memory_space<hbm>>
        %dma_start3A_113 = tpu.memref_slice %arg6[%mul3A_112] : memref<800000xi32, #tpu.memory_space<hbm>> -> memref<128xi32, #tpu.memory_space<hbm>>
        tpu.enqueue_dma source(%dma_start3A_113 : memref<128xi32, #tpu.memory_space<hbm>>) target(%arg15 : memref<128xi32, #tpu.memory_space<vmem>>) target_semaphore(%arg29 : memref<!tpu.dma_semaphore, #tpu.memory_space<semaphore_mem>>)
        %dma_start3A_114 = tpu.memref_slice %arg7[%mul3A_112] : memref<800000xi32, #tpu.memory_space<hbm>> -> memref<128xi32, #tpu.memory_space<hbm>>
        %dma_start3A_115 = tpu.memref_slice %arg7[%mul3A_112] : memref<800000xi32, #tpu.memory_space<hbm>> -> memref<128xi32, #tpu.memory_space<hbm>>
        tpu.enqueue_dma source(%dma_start3A_115 : memref<128xi32, #tpu.memory_space<hbm>>) target(%arg17 : memref<128xi32, #tpu.memory_space<vmem>>) target_semaphore(%arg29 : memref<!tpu.dma_semaphore, #tpu.memory_space<semaphore_mem>>)
        %mul3A_116 = arith.constant 128 : i32
        %mul3A_117 = arith.muli %add3A_110, %mul3A_116 : i32
        %mul3A_118 = arith.constant 32 : i32
        %mul3A_119 = arith.muli %mul3A_117, %mul3A_118 : i32
        %dma_start3A_120 = tpu.memref_slice %arg2[%mul3A_119] : memref<25600000xf32, #tpu.memory_space<hbm>> -> memref<4096xf32, #tpu.memory_space<hbm>>
        %dma_start3A_121 = tpu.memref_slice %arg2[%mul3A_119] : memref<25600000xf32, #tpu.memory_space<hbm>> -> memref<4096xf32, #tpu.memory_space<hbm>>
        tpu.enqueue_dma source(%dma_start3A_121 : memref<4096xf32, #tpu.memory_space<hbm>>) target(%arg21 : memref<4096xf32, #tpu.memory_space<vmem>>) target_semaphore(%arg29 : memref<!tpu.dma_semaphore, #tpu.memory_space<semaphore_mem>>)
      } else {
      }
      %and3A_29 = arith.constant true
      %and3A_30 = arith.constant true
      %and3A_31 = arith.andi %and3A_29, %and3A_30 : i1
      %add3A_32 = arith.constant 0 : i32
      %add3A_33 = arith.addi %mul3A_2, %add3A_32 : i32
      %lt3A_34 = arith.constant 6250 : i32
      %lt3A_35 = arith.cmpi slt, %add3A_33, %lt3A_34 : i32
      %and3A_36 = arith.andi %and3A_31, %lt3A_35 : i1
      %convert_element_type3A_37 = arith.extui %and3A_36 : i1 to i32
      %cond3A_38 = arith.constant 0 : i32
      %cond3A_39 = arith.cmpi ne, %convert_element_type3A_37, %cond3A_38 : i32
      scf.if %cond3A_39 {
        %add3A_109 = arith.constant 0 : i32
        %add3A_110 = arith.addi %mul3A_2, %add3A_109 : i32
        %mul3A_111 = arith.constant 128 : i32
        %mul3A_112 = arith.muli %add3A_110, %mul3A_111 : i32
        %dma_wait3A = tpu.memref_slice %arg6[%mul3A_112] : memref<800000xi32, #tpu.memory_space<hbm>> -> memref<128xi32, #tpu.memory_space<hbm>>
        %dma_wait3A_113 = tpu.memref_slice %arg6[%mul3A_112] : memref<800000xi32, #tpu.memory_space<hbm>> -> memref<128xi32, #tpu.memory_space<hbm>>
        tpu.wait_dma2 semaphore(%arg28 : memref<!tpu.dma_semaphore, #tpu.memory_space<semaphore_mem>>) src(%dma_wait3A_113 : memref<128xi32, #tpu.memory_space<hbm>>) dst(%arg14 : memref<128xi32, #tpu.memory_space<vmem>>)
        %dma_wait3A_114 = tpu.memref_slice %arg7[%mul3A_112] : memref<800000xi32, #tpu.memory_space<hbm>> -> memref<128xi32, #tpu.memory_space<hbm>>
        %dma_wait3A_115 = tpu.memref_slice %arg7[%mul3A_112] : memref<800000xi32, #tpu.memory_space<hbm>> -> memref<128xi32, #tpu.memory_space<hbm>>
        tpu.wait_dma2 semaphore(%arg28 : memref<!tpu.dma_semaphore, #tpu.memory_space<semaphore_mem>>) src(%dma_wait3A_115 : memref<128xi32, #tpu.memory_space<hbm>>) dst(%arg16 : memref<128xi32, #tpu.memory_space<vmem>>)
        %dma_wait3A_116 = arith.constant 0 : i32
        %dma_wait3A_117 = tpu.memref_slice %arg2[%dma_wait3A_116] : memref<25600000xf32, #tpu.memory_space<hbm>> -> memref<4096xf32, #tpu.memory_space<hbm>>
        %dma_wait3A_118 = arith.constant 0 : i32
        %dma_wait3A_119 = tpu.memref_slice %arg2[%dma_wait3A_118] : memref<25600000xf32, #tpu.memory_space<hbm>> -> memref<4096xf32, #tpu.memory_space<hbm>>
        tpu.wait_dma2 semaphore(%arg28 : memref<!tpu.dma_semaphore, #tpu.memory_space<semaphore_mem>>) src(%dma_wait3A_119 : memref<4096xf32, #tpu.memory_space<hbm>>) dst(%arg20 : memref<4096xf32, #tpu.memory_space<vmem>>)
      } else {
      }
      %and3A_40 = arith.constant true
      %and3A_41 = arith.constant true
      %and3A_42 = arith.andi %and3A_40, %and3A_41 : i1
      %add3A_43 = arith.constant 0 : i32
      %add3A_44 = arith.addi %mul3A_2, %add3A_43 : i32
      %lt3A_45 = arith.constant 6250 : i32
      %lt3A_46 = arith.cmpi slt, %add3A_44, %lt3A_45 : i32
      %and3A_47 = arith.andi %and3A_42, %lt3A_46 : i1
      %convert_element_type3A_48 = arith.extui %and3A_47 : i1 to i32
      %cond3A_49 = arith.constant 0 : i32
      %cond3A_50 = arith.cmpi ne, %convert_element_type3A_48, %cond3A_49 : i32
      scf.if %cond3A_50 {
        %dma_start3A = arith.constant 0 : i32
        %dma_start3A_109 = arith.constant 0 : i32
        %dma_start3A_110 = tpu.memref_slice %arg4[%dma_start3A, %dma_start3A_109] : memref<50048x32xf32, #tpu.memory_space<hbm>> -> memref<50048x32xf32, #tpu.memory_space<hbm>>
        tpu.enqueue_indirect_dma source(%dma_start3A_110 : memref<50048x32xf32, #tpu.memory_space<hbm>>) target(%arg22 : memref<128x32xf32, #tpu.memory_space<vmem>>) offsets(%arg14 : memref<128xi32, #tpu.memory_space<vmem>>) semaphore(%arg30 : memref<!tpu.dma_semaphore, #tpu.memory_space<semaphore_mem>>)
      } else {
      }
      %scan3A = arith.constant 0 : i32
      %scan3A_51 = arith.constant 0 : i32
      %scan3A_52 = arith.constant 98 : i32
      %scan3A_53 = arith.addi %scan3A_51, %scan3A_52 : i32
      %scan3A_54 = arith.constant 1 : i32
      scf.for %scan3A_109 = %scan3A_51 to %scan3A_53 step %scan3A_54  : i32 {
        %mul3A_110 = arith.constant 4 : i32
        %mul3A_111 = arith.muli %scan3A_109, %mul3A_110 : i32
        %add3A_112 = arith.constant 0 : i32
        %add3A_113 = arith.addi %mul3A_111, %add3A_112 : i32
        %add3A_114 = arith.constant 1 : i32
        %add3A_115 = arith.addi %add3A_113, %add3A_114 : i32
        %ge3A = arith.constant 0 : i32
        %ge3A_116 = arith.cmpi sge, %add3A_115, %ge3A : i32
        %lt3A_117 = arith.constant 391 : i32
        %lt3A_118 = arith.cmpi slt, %add3A_115, %lt3A_117 : i32
        %and3A_119 = arith.andi %ge3A_116, %lt3A_118 : i1
        %add3A_120 = arith.addi %mul3A_2, %add3A_115 : i32
        %lt3A_121 = arith.constant 6250 : i32
        %lt3A_122 = arith.cmpi slt, %add3A_120, %lt3A_121 : i32
        %and3A_123 = arith.andi %and3A_119, %lt3A_122 : i1
        %convert_element_type3A_124 = arith.extui %and3A_123 : i1 to i32
        %cond3A_125 = arith.constant 0 : i32
        %cond3A_126 = arith.cmpi ne, %convert_element_type3A_124, %cond3A_125 : i32
        scf.if %cond3A_126 {
          %add3A_396 = arith.addi %mul3A_2, %add3A_115 : i32
          %mul3A_397 = arith.constant 128 : i32
          %mul3A_398 = arith.muli %add3A_396, %mul3A_397 : i32
          %dma_wait3A = tpu.memref_slice %arg6[%mul3A_398] : memref<800000xi32, #tpu.memory_space<hbm>> -> memref<128xi32, #tpu.memory_space<hbm>>
          %dma_wait3A_399 = tpu.memref_slice %arg6[%mul3A_398] : memref<800000xi32, #tpu.memory_space<hbm>> -> memref<128xi32, #tpu.memory_space<hbm>>
          tpu.wait_dma2 semaphore(%arg29 : memref<!tpu.dma_semaphore, #tpu.memory_space<semaphore_mem>>) src(%dma_wait3A_399 : memref<128xi32, #tpu.memory_space<hbm>>) dst(%arg15 : memref<128xi32, #tpu.memory_space<vmem>>)
          %dma_wait3A_400 = tpu.memref_slice %arg7[%mul3A_398] : memref<800000xi32, #tpu.memory_space<hbm>> -> memref<128xi32, #tpu.memory_space<hbm>>
          %dma_wait3A_401 = tpu.memref_slice %arg7[%mul3A_398] : memref<800000xi32, #tpu.memory_space<hbm>> -> memref<128xi32, #tpu.memory_space<hbm>>
          tpu.wait_dma2 semaphore(%arg29 : memref<!tpu.dma_semaphore, #tpu.memory_space<semaphore_mem>>) src(%dma_wait3A_401 : memref<128xi32, #tpu.memory_space<hbm>>) dst(%arg17 : memref<128xi32, #tpu.memory_space<vmem>>)
          %dma_wait3A_402 = arith.constant 0 : i32
          %dma_wait3A_403 = tpu.memref_slice %arg2[%dma_wait3A_402] : memref<25600000xf32, #tpu.memory_space<hbm>> -> memref<4096xf32, #tpu.memory_space<hbm>>
          %dma_wait3A_404 = arith.constant 0 : i32
          %dma_wait3A_405 = tpu.memref_slice %arg2[%dma_wait3A_404] : memref<25600000xf32, #tpu.memory_space<hbm>> -> memref<4096xf32, #tpu.memory_space<hbm>>
          tpu.wait_dma2 semaphore(%arg29 : memref<!tpu.dma_semaphore, #tpu.memory_space<semaphore_mem>>) src(%dma_wait3A_405 : memref<4096xf32, #tpu.memory_space<hbm>>) dst(%arg21 : memref<4096xf32, #tpu.memory_space<vmem>>)
        } else {
        }
        %add3A_127 = arith.constant 1 : i32
        %add3A_128 = arith.addi %add3A_113, %add3A_127 : i32
        %ge3A_129 = arith.constant 0 : i32
        %ge3A_130 = arith.cmpi sge, %add3A_128, %ge3A_129 : i32
        %lt3A_131 = arith.constant 391 : i32
        %lt3A_132 = arith.cmpi slt, %add3A_128, %lt3A_131 : i32
        %and3A_133 = arith.andi %ge3A_130, %lt3A_132 : i1
        %add3A_134 = arith.addi %mul3A_2, %add3A_128 : i32
        %lt3A_135 = arith.constant 6250 : i32
        %lt3A_136 = arith.cmpi slt, %add3A_134, %lt3A_135 : i32
        %and3A_137 = arith.andi %and3A_133, %lt3A_136 : i1
        %convert_element_type3A_138 = arith.extui %and3A_137 : i1 to i32
        %cond3A_139 = arith.constant 0 : i32
        %cond3A_140 = arith.cmpi ne, %convert_element_type3A_138, %cond3A_139 : i32
        scf.if %cond3A_140 {
          %dma_start3A = arith.constant 0 : i32
          %dma_start3A_396 = arith.constant 0 : i32
          %dma_start3A_397 = tpu.memref_slice %arg4[%dma_start3A, %dma_start3A_396] : memref<50048x32xf32, #tpu.memory_space<hbm>> -> memref<50048x32xf32, #tpu.memory_space<hbm>>
          tpu.enqueue_indirect_dma source(%dma_start3A_397 : memref<50048x32xf32, #tpu.memory_space<hbm>>) target(%arg23 : memref<128x32xf32, #tpu.memory_space<vmem>>) offsets(%arg15 : memref<128xi32, #tpu.memory_space<vmem>>) semaphore(%arg31 : memref<!tpu.dma_semaphore, #tpu.memory_space<semaphore_mem>>)
        } else {
        }
        %sub3A = arith.constant 2 : i32
        %sub3A_141 = arith.subi %add3A_113, %sub3A : i32
        %ge3A_142 = arith.constant 0 : i32
        %ge3A_143 = arith.cmpi sge, %sub3A_141, %ge3A_142 : i32
        %lt3A_144 = arith.constant 391 : i32
        %lt3A_145 = arith.cmpi slt, %sub3A_141, %lt3A_144 : i32
        %and3A_146 = arith.andi %ge3A_143, %lt3A_145 : i1
        %add3A_147 = arith.addi %mul3A_2, %sub3A_141 : i32
        %lt3A_148 = arith.constant 6250 : i32
        %lt3A_149 = arith.cmpi slt, %add3A_147, %lt3A_148 : i32
        %and3A_150 = arith.andi %and3A_146, %lt3A_149 : i1
        %convert_element_type3A_151 = arith.extui %and3A_150 : i1 to i32
        %cond3A_152 = arith.constant 0 : i32
        %cond3A_153 = arith.cmpi ne, %convert_element_type3A_151, %cond3A_152 : i32
        scf.if %cond3A_153 {
          %dma_wait3A = arith.constant 0 : i32
          %dma_wait3A_396 = arith.constant 0 : i32
          %dma_wait3A_397 = tpu.memref_slice %arg27[%dma_wait3A, %dma_wait3A_396] : memref<50048x32xf32, #tpu.memory_space<vmem_shared>> -> memref<50048x32xf32, #tpu.memory_space<vmem_shared>>
          tpu.wait_indirect_dma semaphore(%arg32 : memref<!tpu.dma_semaphore, #tpu.memory_space<semaphore_mem>>) src(%arg24 : memref<128x32xf32, #tpu.memory_space<vmem>>) dst(%dma_wait3A_397 : memref<50048x32xf32, #tpu.memory_space<vmem_shared>>)
        } else {
        }
        %ge3A_154 = arith.constant 0 : i32
        %ge3A_155 = arith.cmpi sge, %add3A_113, %ge3A_154 : i32
        %lt3A_156 = arith.constant 391 : i32
        %lt3A_157 = arith.cmpi slt, %add3A_113, %lt3A_156 : i32
        %and3A_158 = arith.andi %ge3A_155, %lt3A_157 : i1
        %add3A_159 = arith.addi %mul3A_2, %add3A_113 : i32
        %lt3A_160 = arith.constant 6250 : i32
        %lt3A_161 = arith.cmpi slt, %add3A_159, %lt3A_160 : i32
        %and3A_162 = arith.andi %and3A_158, %lt3A_161 : i1
        %convert_element_type3A_163 = arith.extui %and3A_162 : i1 to i32
        %cond3A_164 = arith.constant 0 : i32
        %cond3A_165 = arith.cmpi ne, %convert_element_type3A_163, %cond3A_164 : i32
        scf.if %cond3A_165 {
          %dma_wait3A = arith.constant 0 : i32
          %dma_wait3A_396 = arith.constant 0 : i32
          %dma_wait3A_397 = tpu.memref_slice %arg4[%dma_wait3A, %dma_wait3A_396] : memref<50048x32xf32, #tpu.memory_space<hbm>> -> memref<50048x32xf32, #tpu.memory_space<hbm>>
          tpu.wait_indirect_dma semaphore(%arg30 : memref<!tpu.dma_semaphore, #tpu.memory_space<semaphore_mem>>) src(%dma_wait3A_397 : memref<50048x32xf32, #tpu.memory_space<hbm>>) dst(%arg22 : memref<128x32xf32, #tpu.memory_space<vmem>>)
          %scan3A_398 = arith.constant 0 : i32
          %scan3A_399 = arith.constant 0 : i32
          %scan3A_400 = arith.constant 32 : i32
          %scan3A_401 = arith.addi %scan3A_399, %scan3A_400 : i32
          %scan3A_402 = arith.constant 1 : i32
          scf.for %scan3A_406 = %scan3A_399 to %scan3A_401 step %scan3A_402  : i32 {
            %mul3A_407 = arith.constant 4 : i32
            %mul3A_408 = arith.muli %scan3A_406, %mul3A_407 : i32
            %add3A_409 = arith.constant 0 : i32
            %add3A_410 = arith.addi %mul3A_408, %add3A_409 : i32
            %mul3A_411 = arith.constant 128 : i32
            %mul3A_412 = arith.muli %scan3A_406, %mul3A_411 : i32
            %add3A_413 = arith.constant 0 : i32
            %add3A_414 = arith.addi %mul3A_412, %add3A_413 : i32
            %add3A_415 = arith.constant 0 : i32
            %add3A_416 = arith.addi %add3A_414, %add3A_415 : i32
            %get3A = arith.index_cast %add3A_416 : i32 to index
            %get3A_417 = tpu.vector_load %arg20[%get3A] {strides = array<i32>} : memref<4096xf32, #tpu.memory_space<vmem>>, vector<16xf32>,
            %get3A_418 = vector.shape_cast %get3A_417 : vector<16xf32> to vector<16xf32>
            %get3A_419 = arith.index_cast %add3A_410 : i32 to index
            %get3A_420 = arith.constant 0 : index
            %get3A_421 = tpu.vector_load %arg22[%get3A_419, %get3A_420] {strides = array<i32>} : memref<128x32xf32, #tpu.memory_space<vmem>>, vector<1x16xf32>,
            %get3A_422 = vector.shape_cast %get3A_421 : vector<1x16xf32> to vector<16xf32>
            %add3A_423 = arith.addf %get3A_418, %get3A_422 : vector<16xf32>
            %max3A = arith.constant 0.000000e+00 : f32
            %max3A_424 = vector.broadcast %max3A : f32 to vector<16xf32>
            %max3A_425 = arith.maximumf %add3A_423, %max3A_424 : vector<16xf32>
            %swap3A = arith.index_cast %add3A_410 : i32 to index
            %swap3A_426 = arith.constant 0 : index
            %swap3A_427 = tpu.vector_load %arg24[%swap3A, %swap3A_426] {strides = array<i32>} : memref<128x32xf32, #tpu.memory_space<vmem>>, vector<1x16xf32>,
            %swap3A_428 = vector.shape_cast %swap3A_427 : vector<1x16xf32> to vector<16xf32>
            %swap3A_429 = vector.shape_cast %max3A_425 : vector<16xf32> to vector<1x16xf32>
            tpu.vector_store %arg24[%swap3A, %swap3A_426], %swap3A_429 {strides = array<i32>} : memref<128x32xf32, #tpu.memory_space<vmem>>, vector<1x16xf32>,
            %mul3A_430 = arith.constant 128 : i32
            %mul3A_431 = arith.muli %scan3A_406, %mul3A_430 : i32
            %add3A_432 = arith.constant 0 : i32
            %add3A_433 = arith.addi %mul3A_431, %add3A_432 : i32
            %add3A_434 = arith.constant 16 : i32
            %add3A_435 = arith.addi %add3A_433, %add3A_434 : i32
            %get3A_436 = arith.index_cast %add3A_435 : i32 to index
            %get3A_437 = tpu.vector_load %arg20[%get3A_436] {strides = array<i32>} : memref<4096xf32, #tpu.memory_space<vmem>>, vector<16xf32>,
            %get3A_438 = vector.shape_cast %get3A_437 : vector<16xf32> to vector<16xf32>
            %get3A_439 = arith.index_cast %add3A_410 : i32 to index
            %get3A_440 = arith.constant 16 : index
            %get3A_441 = tpu.vector_load %arg22[%get3A_439, %get3A_440] {strides = array<i32>} : memref<128x32xf32, #tpu.memory_space<vmem>>, vector<1x16xf32>,
            %get3A_442 = vector.shape_cast %get3A_441 : vector<1x16xf32> to vector<16xf32>
            %add3A_443 = arith.addf %get3A_438, %get3A_442 : vector<16xf32>
            %max3A_444 = arith.constant 0.000000e+00 : f32
            %max3A_445 = vector.broadcast %max3A_444 : f32 to vector<16xf32>
            %max3A_446 = arith.maximumf %add3A_443, %max3A_445 : vector<16xf32>
            %swap3A_447 = arith.index_cast %add3A_410 : i32 to index
            %swap3A_448 = arith.constant 16 : index
            %swap3A_449 = tpu.vector_load %arg24[%swap3A_447, %swap3A_448] {strides = array<i32>} : memref<128x32xf32, #tpu.memory_space<vmem>>, vector<1x16xf32>,
            %swap3A_450 = vector.shape_cast %swap3A_449 : vector<1x16xf32> to vector<16xf32>
            %swap3A_451 = vector.shape_cast %max3A_446 : vector<16xf32> to vector<1x16xf32>
            tpu.vector_store %arg24[%swap3A_447, %swap3A_448], %swap3A_451 {strides = array<i32>} : memref<128x32xf32, #tpu.memory_space<vmem>>, vector<1x16xf32>,
            %mul3A_452 = arith.constant 4 : i32
            %mul3A_453 = arith.muli %scan3A_406, %mul3A_452 : i32
            %add3A_454 = arith.constant 1 : i32
            %add3A_455 = arith.addi %mul3A_453, %add3A_454 : i32
            %mul3A_456 = arith.constant 128 : i32
            %mul3A_457 = arith.muli %scan3A_406, %mul3A_456 : i32
            %add3A_458 = arith.constant 32 : i32
            %add3A_459 = arith.addi %mul3A_457, %add3A_458 : i32
            %add3A_460 = arith.constant 0 : i32
            %add3A_461 = arith.addi %add3A_459, %add3A_460 : i32
            %get3A_462 = arith.index_cast %add3A_461 : i32 to index
            %get3A_463 = tpu.vector_load %arg20[%get3A_462] {strides = array<i32>} : memref<4096xf32, #tpu.memory_space<vmem>>, vector<16xf32>,
            %get3A_464 = vector.shape_cast %get3A_463 : vector<16xf32> to vector<16xf32>
            %get3A_465 = arith.index_cast %add3A_455 : i32 to index
            %get3A_466 = arith.constant 0 : index
            %get3A_467 = tpu.vector_load %arg22[%get3A_465, %get3A_466] {strides = array<i32>} : memref<128x32xf32, #tpu.memory_space<vmem>>, vector<1x16xf32>,
            %get3A_468 = vector.shape_cast %get3A_467 : vector<1x16xf32> to vector<16xf32>
            %add3A_469 = arith.addf %get3A_464, %get3A_468 : vector<16xf32>
            %max3A_470 = arith.constant 0.000000e+00 : f32
            %max3A_471 = vector.broadcast %max3A_470 : f32 to vector<16xf32>
            %max3A_472 = arith.maximumf %add3A_469, %max3A_471 : vector<16xf32>
            %swap3A_473 = arith.index_cast %add3A_455 : i32 to index
            %swap3A_474 = arith.constant 0 : index
            %swap3A_475 = tpu.vector_load %arg24[%swap3A_473, %swap3A_474] {strides = array<i32>} : memref<128x32xf32, #tpu.memory_space<vmem>>, vector<1x16xf32>,
            %swap3A_476 = vector.shape_cast %swap3A_475 : vector<1x16xf32> to vector<16xf32>
            %swap3A_477 = vector.shape_cast %max3A_472 : vector<16xf32> to vector<1x16xf32>
            tpu.vector_store %arg24[%swap3A_473, %swap3A_474], %swap3A_477 {strides = array<i32>} : memref<128x32xf32, #tpu.memory_space<vmem>>, vector<1x16xf32>,
            %mul3A_478 = arith.constant 128 : i32
            %mul3A_479 = arith.muli %scan3A_406, %mul3A_478 : i32
            %add3A_480 = arith.constant 32 : i32
            %add3A_481 = arith.addi %mul3A_479, %add3A_480 : i32
            %add3A_482 = arith.constant 16 : i32
            %add3A_483 = arith.addi %add3A_481, %add3A_482 : i32
            %get3A_484 = arith.index_cast %add3A_483 : i32 to index
            %get3A_485 = tpu.vector_load %arg20[%get3A_484] {strides = array<i32>} : memref<4096xf32, #tpu.memory_space<vmem>>, vector<16xf32>,
            %get3A_486 = vector.shape_cast %get3A_485 : vector<16xf32> to vector<16xf32>
            %get3A_487 = arith.index_cast %add3A_455 : i32 to index
            %get3A_488 = arith.constant 16 : index
            %get3A_489 = tpu.vector_load %arg22[%get3A_487, %get3A_488] {strides = array<i32>} : memref<128x32xf32, #tpu.memory_space<vmem>>, vector<1x16xf32>,
            %get3A_490 = vector.shape_cast %get3A_489 : vector<1x16xf32> to vector<16xf32>
            %add3A_491 = arith.addf %get3A_486, %get3A_490 : vector<16xf32>
            %max3A_492 = arith.constant 0.000000e+00 : f32
            %max3A_493 = vector.broadcast %max3A_492 : f32 to vector<16xf32>
            %max3A_494 = arith.maximumf %add3A_491, %max3A_493 : vector<16xf32>
            %swap3A_495 = arith.index_cast %add3A_455 : i32 to index
            %swap3A_496 = arith.constant 16 : index
            %swap3A_497 = tpu.vector_load %arg24[%swap3A_495, %swap3A_496] {strides = array<i32>} : memref<128x32xf32, #tpu.memory_space<vmem>>, vector<1x16xf32>,
            %swap3A_498 = vector.shape_cast %swap3A_497 : vector<1x16xf32> to vector<16xf32>
            %swap3A_499 = vector.shape_cast %max3A_494 : vector<16xf32> to vector<1x16xf32>
            tpu.vector_store %arg24[%swap3A_495, %swap3A_496], %swap3A_499 {strides = array<i32>} : memref<128x32xf32, #tpu.memory_space<vmem>>, vector<1x16xf32>,
            %mul3A_500 = arith.constant 4 : i32
            %mul3A_501 = arith.muli %scan3A_406, %mul3A_500 : i32
            %add3A_502 = arith.constant 2 : i32
            %add3A_503 = arith.addi %mul3A_501, %add3A_502 : i32
            %mul3A_504 = arith.constant 128 : i32
            %mul3A_505 = arith.muli %scan3A_406, %mul3A_504 : i32
            %add3A_506 = arith.constant 64 : i32
            %add3A_507 = arith.addi %mul3A_505, %add3A_506 : i32
            %add3A_508 = arith.constant 0 : i32
            %add3A_509 = arith.addi %add3A_507, %add3A_508 : i32
            %get3A_510 = arith.index_cast %add3A_509 : i32 to index
            %get3A_511 = tpu.vector_load %arg20[%get3A_510] {strides = array<i32>} : memref<4096xf32, #tpu.memory_space<vmem>>, vector<16xf32>,
            %get3A_512 = vector.shape_cast %get3A_511 : vector<16xf32> to vector<16xf32>
            %get3A_513 = arith.index_cast %add3A_503 : i32 to index
            %get3A_514 = arith.constant 0 : index
            %get3A_515 = tpu.vector_load %arg22[%get3A_513, %get3A_514] {strides = array<i32>} : memref<128x32xf32, #tpu.memory_space<vmem>>, vector<1x16xf32>,
            %get3A_516 = vector.shape_cast %get3A_515 : vector<1x16xf32> to vector<16xf32>
            %add3A_517 = arith.addf %get3A_512, %get3A_516 : vector<16xf32>
            %max3A_518 = arith.constant 0.000000e+00 : f32
            %max3A_519 = vector.broadcast %max3A_518 : f32 to vector<16xf32>
            %max3A_520 = arith.maximumf %add3A_517, %max3A_519 : vector<16xf32>
            %swap3A_521 = arith.index_cast %add3A_503 : i32 to index
            %swap3A_522 = arith.constant 0 : index
            %swap3A_523 = tpu.vector_load %arg24[%swap3A_521, %swap3A_522] {strides = array<i32>} : memref<128x32xf32, #tpu.memory_space<vmem>>, vector<1x16xf32>,
            %swap3A_524 = vector.shape_cast %swap3A_523 : vector<1x16xf32> to vector<16xf32>
            %swap3A_525 = vector.shape_cast %max3A_520 : vector<16xf32> to vector<1x16xf32>
            tpu.vector_store %arg24[%swap3A_521, %swap3A_522], %swap3A_525 {strides = array<i32>} : memref<128x32xf32, #tpu.memory_space<vmem>>, vector<1x16xf32>,
            %mul3A_526 = arith.constant 128 : i32
            %mul3A_527 = arith.muli %scan3A_406, %mul3A_526 : i32
            %add3A_528 = arith.constant 64 : i32
            %add3A_529 = arith.addi %mul3A_527, %add3A_528 : i32
            %add3A_530 = arith.constant 16 : i32
            %add3A_531 = arith.addi %add3A_529, %add3A_530 : i32
            %get3A_532 = arith.index_cast %add3A_531 : i32 to index
            %get3A_533 = tpu.vector_load %arg20[%get3A_532] {strides = array<i32>} : memref<4096xf32, #tpu.memory_space<vmem>>, vector<16xf32>,
            %get3A_534 = vector.shape_cast %get3A_533 : vector<16xf32> to vector<16xf32>
            %get3A_535 = arith.index_cast %add3A_503 : i32 to index
            %get3A_536 = arith.constant 16 : index
            %get3A_537 = tpu.vector_load %arg22[%get3A_535, %get3A_536] {strides = array<i32>} : memref<128x32xf32, #tpu.memory_space<vmem>>, vector<1x16xf32>,
            %get3A_538 = vector.shape_cast %get3A_537 : vector<1x16xf32> to vector<16xf32>
            %add3A_539 = arith.addf %get3A_534, %get3A_538 : vector<16xf32>
            %max3A_540 = arith.constant 0.000000e+00 : f32
            %max3A_541 = vector.broadcast %max3A_540 : f32 to vector<16xf32>
            %max3A_542 = arith.maximumf %add3A_539, %max3A_541 : vector<16xf32>
            %swap3A_543 = arith.index_cast %add3A_503 : i32 to index
            %swap3A_544 = arith.constant 16 : index
            %swap3A_545 = tpu.vector_load %arg24[%swap3A_543, %swap3A_544] {strides = array<i32>} : memref<128x32xf32, #tpu.memory_space<vmem>>, vector<1x16xf32>,
            %swap3A_546 = vector.shape_cast %swap3A_545 : vector<1x16xf32> to vector<16xf32>
            %swap3A_547 = vector.shape_cast %max3A_542 : vector<16xf32> to vector<1x16xf32>
            tpu.vector_store %arg24[%swap3A_543, %swap3A_544], %swap3A_547 {strides = array<i32>} : memref<128x32xf32, #tpu.memory_space<vmem>>, vector<1x16xf32>,
            %mul3A_548 = arith.constant 4 : i32
            %mul3A_549 = arith.muli %scan3A_406, %mul3A_548 : i32
            %add3A_550 = arith.constant 3 : i32
            %add3A_551 = arith.addi %mul3A_549, %add3A_550 : i32
            %mul3A_552 = arith.constant 128 : i32
            %mul3A_553 = arith.muli %scan3A_406, %mul3A_552 : i32
            %add3A_554 = arith.constant 96 : i32
            %add3A_555 = arith.addi %mul3A_553, %add3A_554 : i32
            %add3A_556 = arith.constant 0 : i32
            %add3A_557 = arith.addi %add3A_555, %add3A_556 : i32
            %get3A_558 = arith.index_cast %add3A_557 : i32 to index
            %get3A_559 = tpu.vector_load %arg20[%get3A_558] {strides = array<i32>} : memref<4096xf32, #tpu.memory_space<vmem>>, vector<16xf32>,
            %get3A_560 = vector.shape_cast %get3A_559 : vector<16xf32> to vector<16xf32>
            %get3A_561 = arith.index_cast %add3A_551 : i32 to index
            %get3A_562 = arith.constant 0 : index
            %get3A_563 = tpu.vector_load %arg22[%get3A_561, %get3A_562] {strides = array<i32>} : memref<128x32xf32, #tpu.memory_space<vmem>>, vector<1x16xf32>,
            %get3A_564 = vector.shape_cast %get3A_563 : vector<1x16xf32> to vector<16xf32>
            %add3A_565 = arith.addf %get3A_560, %get3A_564 : vector<16xf32>
            %max3A_566 = arith.constant 0.000000e+00 : f32
            %max3A_567 = vector.broadcast %max3A_566 : f32 to vector<16xf32>
            %max3A_568 = arith.maximumf %add3A_565, %max3A_567 : vector<16xf32>
            %swap3A_569 = arith.index_cast %add3A_551 : i32 to index
            %swap3A_570 = arith.constant 0 : index
            %swap3A_571 = tpu.vector_load %arg24[%swap3A_569, %swap3A_570] {strides = array<i32>} : memref<128x32xf32, #tpu.memory_space<vmem>>, vector<1x16xf32>,
            %swap3A_572 = vector.shape_cast %swap3A_571 : vector<1x16xf32> to vector<16xf32>
            %swap3A_573 = vector.shape_cast %max3A_568 : vector<16xf32> to vector<1x16xf32>
            tpu.vector_store %arg24[%swap3A_569, %swap3A_570], %swap3A_573 {strides = array<i32>} : memref<128x32xf32, #tpu.memory_space<vmem>>, vector<1x16xf32>,
            %mul3A_574 = arith.constant 128 : i32
            %mul3A_575 = arith.muli %scan3A_406, %mul3A_574 : i32
            %add3A_576 = arith.constant 96 : i32
            %add3A_577 = arith.addi %mul3A_575, %add3A_576 : i32
            %add3A_578 = arith.constant 16 : i32
            %add3A_579 = arith.addi %add3A_577, %add3A_578 : i32
            %get3A_580 = arith.index_cast %add3A_579 : i32 to index
            %get3A_581 = tpu.vector_load %arg20[%get3A_580] {strides = array<i32>} : memref<4096xf32, #tpu.memory_space<vmem>>, vector<16xf32>,
            %get3A_582 = vector.shape_cast %get3A_581 : vector<16xf32> to vector<16xf32>
            %get3A_583 = arith.index_cast %add3A_551 : i32 to index
            %get3A_584 = arith.constant 16 : index
            %get3A_585 = tpu.vector_load %arg22[%get3A_583, %get3A_584] {strides = array<i32>} : memref<128x32xf32, #tpu.memory_space<vmem>>, vector<1x16xf32>,
            %get3A_586 = vector.shape_cast %get3A_585 : vector<1x16xf32> to vector<16xf32>
            %add3A_587 = arith.addf %get3A_582, %get3A_586 : vector<16xf32>
            %max3A_588 = arith.constant 0.000000e+00 : f32
            %max3A_589 = vector.broadcast %max3A_588 : f32 to vector<16xf32>
            %max3A_590 = arith.maximumf %add3A_587, %max3A_589 : vector<16xf32>
            %swap3A_591 = arith.index_cast %add3A_551 : i32 to index
            %swap3A_592 = arith.constant 16 : index
            %swap3A_593 = tpu.vector_load %arg24[%swap3A_591, %swap3A_592] {strides = array<i32>} : memref<128x32xf32, #tpu.memory_space<vmem>>, vector<1x16xf32>,
            %swap3A_594 = vector.shape_cast %swap3A_593 : vector<1x16xf32> to vector<16xf32>
            %swap3A_595 = vector.shape_cast %max3A_590 : vector<16xf32> to vector<1x16xf32>
            tpu.vector_store %arg24[%swap3A_591, %swap3A_592], %swap3A_595 {strides = array<i32>} : memref<128x32xf32, #tpu.memory_space<vmem>>, vector<1x16xf32>,
          }
          %scan3A_403 = arith.constant 32 : i32
          %dma_start3A = arith.constant 0 : i32
          %dma_start3A_404 = arith.constant 0 : i32
          %dma_start3A_405 = tpu.memref_slice %arg27[%dma_start3A, %dma_start3A_404] : memref<50048x32xf32, #tpu.memory_space<vmem_shared>> -> memref<50048x32xf32, #tpu.memory_space<vmem_shared>>
          tpu.enqueue_indirect_dma source(%arg24 : memref<128x32xf32, #tpu.memory_space<vmem>>) target(%dma_start3A_405 : memref<50048x32xf32, #tpu.memory_space<vmem_shared>>) offsets(%arg16 : memref<128xi32, #tpu.memory_space<vmem>>) semaphore(%arg32 : memref<!tpu.dma_semaphore, #tpu.memory_space<semaphore_mem>>) {add = true}
        } else {
        }
        %add3A_166 = arith.constant 2 : i32
        %add3A_167 = arith.addi %add3A_113, %add3A_166 : i32
        %ge3A_168 = arith.constant 0 : i32
        %ge3A_169 = arith.cmpi sge, %add3A_167, %ge3A_168 : i32
        %lt3A_170 = arith.constant 391 : i32
        %lt3A_171 = arith.cmpi slt, %add3A_167, %lt3A_170 : i32
        %and3A_172 = arith.andi %ge3A_169, %lt3A_171 : i1
        %add3A_173 = arith.addi %mul3A_2, %add3A_167 : i32
        %lt3A_174 = arith.constant 6250 : i32
        %lt3A_175 = arith.cmpi slt, %add3A_173, %lt3A_174 : i32
        %and3A_176 = arith.andi %and3A_172, %lt3A_175 : i1
        %convert_element_type3A_177 = arith.extui %and3A_176 : i1 to i32
        %cond3A_178 = arith.constant 0 : i32
        %cond3A_179 = arith.cmpi ne, %convert_element_type3A_177, %cond3A_178 : i32
        scf.if %cond3A_179 {
          %add3A_396 = arith.addi %mul3A_2, %add3A_167 : i32
          %mul3A_397 = arith.constant 128 : i32
          %mul3A_398 = arith.muli %add3A_396, %mul3A_397 : i32
          %dma_start3A = tpu.memref_slice %arg6[%mul3A_398] : memref<800000xi32, #tpu.memory_space<hbm>> -> memref<128xi32, #tpu.memory_space<hbm>>
          %dma_start3A_399 = tpu.memref_slice %arg6[%mul3A_398] : memref<800000xi32, #tpu.memory_space<hbm>> -> memref<128xi32, #tpu.memory_space<hbm>>
          tpu.enqueue_dma source(%dma_start3A_399 : memref<128xi32, #tpu.memory_space<hbm>>) target(%arg14 : memref<128xi32, #tpu.memory_space<vmem>>) target_semaphore(%arg28 : memref<!tpu.dma_semaphore, #tpu.memory_space<semaphore_mem>>)
          %dma_start3A_400 = tpu.memref_slice %arg7[%mul3A_398] : memref<800000xi32, #tpu.memory_space<hbm>> -> memref<128xi32, #tpu.memory_space<hbm>>
          %dma_start3A_401 = tpu.memref_slice %arg7[%mul3A_398] : memref<800000xi32, #tpu.memory_space<hbm>> -> memref<128xi32, #tpu.memory_space<hbm>>
          tpu.enqueue_dma source(%dma_start3A_401 : memref<128xi32, #tpu.memory_space<hbm>>) target(%arg18 : memref<128xi32, #tpu.memory_space<vmem>>) target_semaphore(%arg28 : memref<!tpu.dma_semaphore, #tpu.memory_space<semaphore_mem>>)
          %mul3A_402 = arith.constant 128 : i32
          %mul3A_403 = arith.muli %add3A_396, %mul3A_402 : i32
          %mul3A_404 = arith.constant 32 : i32
          %mul3A_405 = arith.muli %mul3A_403, %mul3A_404 : i32
          %dma_start3A_406 = tpu.memref_slice %arg2[%mul3A_405] : memref<25600000xf32, #tpu.memory_space<hbm>> -> memref<4096xf32, #tpu.memory_space<hbm>>
          %dma_start3A_407 = tpu.memref_slice %arg2[%mul3A_405] : memref<25600000xf32, #tpu.memory_space<hbm>> -> memref<4096xf32, #tpu.memory_space<hbm>>
          tpu.enqueue_dma source(%dma_start3A_407 : memref<4096xf32, #tpu.memory_space<hbm>>) target(%arg20 : memref<4096xf32, #tpu.memory_space<vmem>>) target_semaphore(%arg28 : memref<!tpu.dma_semaphore, #tpu.memory_space<semaphore_mem>>)
        } else {
        }
        %mul3A_180 = arith.constant 4 : i32
        %mul3A_181 = arith.muli %scan3A_109, %mul3A_180 : i32
        %add3A_182 = arith.constant 1 : i32
        %add3A_183 = arith.addi %mul3A_181, %add3A_182 : i32
        %add3A_184 = arith.constant 1 : i32
        %add3A_185 = arith.addi %add3A_183, %add3A_184 : i32
        %ge3A_186 = arith.constant 0 : i32
        %ge3A_187 = arith.cmpi sge, %add3A_185, %ge3A_186 : i32
        %lt3A_188 = arith.constant 391 : i32
        %lt3A_189 = arith.cmpi slt, %add3A_185, %lt3A_188 : i32
        %and3A_190 = arith.andi %ge3A_187, %lt3A_189 : i1
        %add3A_191 = arith.addi %mul3A_2, %add3A_185 : i32
        %lt3A_192 = arith.constant 6250 : i32
        %lt3A_193 = arith.cmpi slt, %add3A_191, %lt3A_192 : i32
        %and3A_194 = arith.andi %and3A_190, %lt3A_193 : i1
        %convert_element_type3A_195 = arith.extui %and3A_194 : i1 to i32
        %cond3A_196 = arith.constant 0 : i32
        %cond3A_197 = arith.cmpi ne, %convert_element_type3A_195, %cond3A_196 : i32
        scf.if %cond3A_197 {
          %add3A_396 = arith.addi %mul3A_2, %add3A_185 : i32
          %mul3A_397 = arith.constant 128 : i32
          %mul3A_398 = arith.muli %add3A_396, %mul3A_397 : i32
          %dma_wait3A = tpu.memref_slice %arg6[%mul3A_398] : memref<800000xi32, #tpu.memory_space<hbm>> -> memref<128xi32, #tpu.memory_space<hbm>>
          %dma_wait3A_399 = tpu.memref_slice %arg6[%mul3A_398] : memref<800000xi32, #tpu.memory_space<hbm>> -> memref<128xi32, #tpu.memory_space<hbm>>
          tpu.wait_dma2 semaphore(%arg28 : memref<!tpu.dma_semaphore, #tpu.memory_space<semaphore_mem>>) src(%dma_wait3A_399 : memref<128xi32, #tpu.memory_space<hbm>>) dst(%arg14 : memref<128xi32, #tpu.memory_space<vmem>>)
          %dma_wait3A_400 = tpu.memref_slice %arg7[%mul3A_398] : memref<800000xi32, #tpu.memory_space<hbm>> -> memref<128xi32, #tpu.memory_space<hbm>>
          %dma_wait3A_401 = tpu.memref_slice %arg7[%mul3A_398] : memref<800000xi32, #tpu.memory_space<hbm>> -> memref<128xi32, #tpu.memory_space<hbm>>
          tpu.wait_dma2 semaphore(%arg28 : memref<!tpu.dma_semaphore, #tpu.memory_space<semaphore_mem>>) src(%dma_wait3A_401 : memref<128xi32, #tpu.memory_space<hbm>>) dst(%arg18 : memref<128xi32, #tpu.memory_space<vmem>>)
          %dma_wait3A_402 = arith.constant 0 : i32
          %dma_wait3A_403 = tpu.memref_slice %arg2[%dma_wait3A_402] : memref<25600000xf32, #tpu.memory_space<hbm>> -> memref<4096xf32, #tpu.memory_space<hbm>>
          %dma_wait3A_404 = arith.constant 0 : i32
          %dma_wait3A_405 = tpu.memref_slice %arg2[%dma_wait3A_404] : memref<25600000xf32, #tpu.memory_space<hbm>> -> memref<4096xf32, #tpu.memory_space<hbm>>
          tpu.wait_dma2 semaphore(%arg28 : memref<!tpu.dma_semaphore, #tpu.memory_space<semaphore_mem>>) src(%dma_wait3A_405 : memref<4096xf32, #tpu.memory_space<hbm>>) dst(%arg20 : memref<4096xf32, #tpu.memory_space<vmem>>)
        } else {
        }
        %add3A_198 = arith.constant 1 : i32
        %add3A_199 = arith.addi %add3A_183, %add3A_198 : i32
        %ge3A_200 = arith.constant 0 : i32
        %ge3A_201 = arith.cmpi sge, %add3A_199, %ge3A_200 : i32
        %lt3A_202 = arith.constant 391 : i32
        %lt3A_203 = arith.cmpi slt, %add3A_199, %lt3A_202 : i32
        %and3A_204 = arith.andi %ge3A_201, %lt3A_203 : i1
        %add3A_205 = arith.addi %mul3A_2, %add3A_199 : i32
        %lt3A_206 = arith.constant 6250 : i32
        %lt3A_207 = arith.cmpi slt, %add3A_205, %lt3A_206 : i32
        %and3A_208 = arith.andi %and3A_204, %lt3A_207 : i1
        %convert_element_type3A_209 = arith.extui %and3A_208 : i1 to i32
        %cond3A_210 = arith.constant 0 : i32
        %cond3A_211 = arith.cmpi ne, %convert_element_type3A_209, %cond3A_210 : i32
        scf.if %cond3A_211 {
          %dma_start3A = arith.constant 0 : i32
          %dma_start3A_396 = arith.constant 0 : i32
          %dma_start3A_397 = tpu.memref_slice %arg4[%dma_start3A, %dma_start3A_396] : memref<50048x32xf32, #tpu.memory_space<hbm>> -> memref<50048x32xf32, #tpu.memory_space<hbm>>
          tpu.enqueue_indirect_dma source(%dma_start3A_397 : memref<50048x32xf32, #tpu.memory_space<hbm>>) target(%arg22 : memref<128x32xf32, #tpu.memory_space<vmem>>) offsets(%arg14 : memref<128xi32, #tpu.memory_space<vmem>>) semaphore(%arg30 : memref<!tpu.dma_semaphore, #tpu.memory_space<semaphore_mem>>)
        } else {
        }
        %sub3A_212 = arith.constant 2 : i32
        %sub3A_213 = arith.subi %add3A_183, %sub3A_212 : i32
        %ge3A_214 = arith.constant 0 : i32
        %ge3A_215 = arith.cmpi sge, %sub3A_213, %ge3A_214 : i32
        %lt3A_216 = arith.constant 391 : i32
        %lt3A_217 = arith.cmpi slt, %sub3A_213, %lt3A_216 : i32
        %and3A_218 = arith.andi %ge3A_215, %lt3A_217 : i1
        %add3A_219 = arith.addi %mul3A_2, %sub3A_213 : i32
        %lt3A_220 = arith.constant 6250 : i32
        %lt3A_221 = arith.cmpi slt, %add3A_219, %lt3A_220 : i32
        %and3A_222 = arith.andi %and3A_218, %lt3A_221 : i1
        %convert_element_type3A_223 = arith.extui %and3A_222 : i1 to i32
        %cond3A_224 = arith.constant 0 : i32
        %cond3A_225 = arith.cmpi ne, %convert_element_type3A_223, %cond3A_224 : i32
        scf.if %cond3A_225 {
          %dma_wait3A = arith.constant 0 : i32
          %dma_wait3A_396 = arith.constant 0 : i32
          %dma_wait3A_397 = tpu.memref_slice %arg27[%dma_wait3A, %dma_wait3A_396] : memref<50048x32xf32, #tpu.memory_space<vmem_shared>> -> memref<50048x32xf32, #tpu.memory_space<vmem_shared>>
          tpu.wait_indirect_dma semaphore(%arg33 : memref<!tpu.dma_semaphore, #tpu.memory_space<semaphore_mem>>) src(%arg25 : memref<128x32xf32, #tpu.memory_space<vmem>>) dst(%dma_wait3A_397 : memref<50048x32xf32, #tpu.memory_space<vmem_shared>>)
        } else {
        }
        %ge3A_226 = arith.constant 0 : i32
        %ge3A_227 = arith.cmpi sge, %add3A_183, %ge3A_226 : i32
        %lt3A_228 = arith.constant 391 : i32
        %lt3A_229 = arith.cmpi slt, %add3A_183, %lt3A_228 : i32
        %and3A_230 = arith.andi %ge3A_227, %lt3A_229 : i1
        %add3A_231 = arith.addi %mul3A_2, %add3A_183 : i32
        %lt3A_232 = arith.constant 6250 : i32
        %lt3A_233 = arith.cmpi slt, %add3A_231, %lt3A_232 : i32
        %and3A_234 = arith.andi %and3A_230, %lt3A_233 : i1
        %convert_element_type3A_235 = arith.extui %and3A_234 : i1 to i32
        %cond3A_236 = arith.constant 0 : i32
        %cond3A_237 = arith.cmpi ne, %convert_element_type3A_235, %cond3A_236 : i32
        scf.if %cond3A_237 {
          %dma_wait3A = arith.constant 0 : i32
          %dma_wait3A_396 = arith.constant 0 : i32
          %dma_wait3A_397 = tpu.memref_slice %arg4[%dma_wait3A, %dma_wait3A_396] : memref<50048x32xf32, #tpu.memory_space<hbm>> -> memref<50048x32xf32, #tpu.memory_space<hbm>>
          tpu.wait_indirect_dma semaphore(%arg31 : memref<!tpu.dma_semaphore, #tpu.memory_space<semaphore_mem>>) src(%dma_wait3A_397 : memref<50048x32xf32, #tpu.memory_space<hbm>>) dst(%arg23 : memref<128x32xf32, #tpu.memory_space<vmem>>)
          %scan3A_398 = arith.constant 0 : i32
          %scan3A_399 = arith.constant 0 : i32
          %scan3A_400 = arith.constant 32 : i32
          %scan3A_401 = arith.addi %scan3A_399, %scan3A_400 : i32
          %scan3A_402 = arith.constant 1 : i32
          scf.for %scan3A_406 = %scan3A_399 to %scan3A_401 step %scan3A_402  : i32 {
            %mul3A_407 = arith.constant 4 : i32
            %mul3A_408 = arith.muli %scan3A_406, %mul3A_407 : i32
            %add3A_409 = arith.constant 0 : i32
            %add3A_410 = arith.addi %mul3A_408, %add3A_409 : i32
            %mul3A_411 = arith.constant 128 : i32
            %mul3A_412 = arith.muli %scan3A_406, %mul3A_411 : i32
            %add3A_413 = arith.constant 0 : i32
            %add3A_414 = arith.addi %mul3A_412, %add3A_413 : i32
            %add3A_415 = arith.constant 0 : i32
            %add3A_416 = arith.addi %add3A_414, %add3A_415 : i32
            %get3A = arith.index_cast %add3A_416 : i32 to index
            %get3A_417 = tpu.vector_load %arg21[%get3A] {strides = array<i32>} : memref<4096xf32, #tpu.memory_space<vmem>>, vector<16xf32>,
            %get3A_418 = vector.shape_cast %get3A_417 : vector<16xf32> to vector<16xf32>
            %get3A_419 = arith.index_cast %add3A_410 : i32 to index
            %get3A_420 = arith.constant 0 : index
            %get3A_421 = tpu.vector_load %arg23[%get3A_419, %get3A_420] {strides = array<i32>} : memref<128x32xf32, #tpu.memory_space<vmem>>, vector<1x16xf32>,
            %get3A_422 = vector.shape_cast %get3A_421 : vector<1x16xf32> to vector<16xf32>
            %add3A_423 = arith.addf %get3A_418, %get3A_422 : vector<16xf32>
            %max3A = arith.constant 0.000000e+00 : f32
            %max3A_424 = vector.broadcast %max3A : f32 to vector<16xf32>
            %max3A_425 = arith.maximumf %add3A_423, %max3A_424 : vector<16xf32>
            %swap3A = arith.index_cast %add3A_410 : i32 to index
            %swap3A_426 = arith.constant 0 : index
            %swap3A_427 = tpu.vector_load %arg25[%swap3A, %swap3A_426] {strides = array<i32>} : memref<128x32xf32, #tpu.memory_space<vmem>>, vector<1x16xf32>,
            %swap3A_428 = vector.shape_cast %swap3A_427 : vector<1x16xf32> to vector<16xf32>
            %swap3A_429 = vector.shape_cast %max3A_425 : vector<16xf32> to vector<1x16xf32>
            tpu.vector_store %arg25[%swap3A, %swap3A_426], %swap3A_429 {strides = array<i32>} : memref<128x32xf32, #tpu.memory_space<vmem>>, vector<1x16xf32>,
            %mul3A_430 = arith.constant 128 : i32
            %mul3A_431 = arith.muli %scan3A_406, %mul3A_430 : i32
            %add3A_432 = arith.constant 0 : i32
            %add3A_433 = arith.addi %mul3A_431, %add3A_432 : i32
            %add3A_434 = arith.constant 16 : i32
            %add3A_435 = arith.addi %add3A_433, %add3A_434 : i32
            %get3A_436 = arith.index_cast %add3A_435 : i32 to index
            %get3A_437 = tpu.vector_load %arg21[%get3A_436] {strides = array<i32>} : memref<4096xf32, #tpu.memory_space<vmem>>, vector<16xf32>,
            %get3A_438 = vector.shape_cast %get3A_437 : vector<16xf32> to vector<16xf32>
            %get3A_439 = arith.index_cast %add3A_410 : i32 to index
            %get3A_440 = arith.constant 16 : index
            %get3A_441 = tpu.vector_load %arg23[%get3A_439, %get3A_440] {strides = array<i32>} : memref<128x32xf32, #tpu.memory_space<vmem>>, vector<1x16xf32>,
            %get3A_442 = vector.shape_cast %get3A_441 : vector<1x16xf32> to vector<16xf32>
            %add3A_443 = arith.addf %get3A_438, %get3A_442 : vector<16xf32>
            %max3A_444 = arith.constant 0.000000e+00 : f32
            %max3A_445 = vector.broadcast %max3A_444 : f32 to vector<16xf32>
            %max3A_446 = arith.maximumf %add3A_443, %max3A_445 : vector<16xf32>
            %swap3A_447 = arith.index_cast %add3A_410 : i32 to index
            %swap3A_448 = arith.constant 16 : index
            %swap3A_449 = tpu.vector_load %arg25[%swap3A_447, %swap3A_448] {strides = array<i32>} : memref<128x32xf32, #tpu.memory_space<vmem>>, vector<1x16xf32>,
            %swap3A_450 = vector.shape_cast %swap3A_449 : vector<1x16xf32> to vector<16xf32>
            %swap3A_451 = vector.shape_cast %max3A_446 : vector<16xf32> to vector<1x16xf32>
            tpu.vector_store %arg25[%swap3A_447, %swap3A_448], %swap3A_451 {strides = array<i32>} : memref<128x32xf32, #tpu.memory_space<vmem>>, vector<1x16xf32>,
            %mul3A_452 = arith.constant 4 : i32
            %mul3A_453 = arith.muli %scan3A_406, %mul3A_452 : i32
            %add3A_454 = arith.constant 1 : i32
            %add3A_455 = arith.addi %mul3A_453, %add3A_454 : i32
            %mul3A_456 = arith.constant 128 : i32
            %mul3A_457 = arith.muli %scan3A_406, %mul3A_456 : i32
            %add3A_458 = arith.constant 32 : i32
            %add3A_459 = arith.addi %mul3A_457, %add3A_458 : i32
            %add3A_460 = arith.constant 0 : i32
            %add3A_461 = arith.addi %add3A_459, %add3A_460 : i32
            %get3A_462 = arith.index_cast %add3A_461 : i32 to index
            %get3A_463 = tpu.vector_load %arg21[%get3A_462] {strides = array<i32>} : memref<4096xf32, #tpu.memory_space<vmem>>, vector<16xf32>,
            %get3A_464 = vector.shape_cast %get3A_463 : vector<16xf32> to vector<16xf32>
            %get3A_465 = arith.index_cast %add3A_455 : i32 to index
            %get3A_466 = arith.constant 0 : index
            %get3A_467 = tpu.vector_load %arg23[%get3A_465, %get3A_466] {strides = array<i32>} : memref<128x32xf32, #tpu.memory_space<vmem>>, vector<1x16xf32>,
            %get3A_468 = vector.shape_cast %get3A_467 : vector<1x16xf32> to vector<16xf32>
            %add3A_469 = arith.addf %get3A_464, %get3A_468 : vector<16xf32>
            %max3A_470 = arith.constant 0.000000e+00 : f32
            %max3A_471 = vector.broadcast %max3A_470 : f32 to vector<16xf32>
            %max3A_472 = arith.maximumf %add3A_469, %max3A_471 : vector<16xf32>
            %swap3A_473 = arith.index_cast %add3A_455 : i32 to index
            %swap3A_474 = arith.constant 0 : index
            %swap3A_475 = tpu.vector_load %arg25[%swap3A_473, %swap3A_474] {strides = array<i32>} : memref<128x32xf32, #tpu.memory_space<vmem>>, vector<1x16xf32>,
            %swap3A_476 = vector.shape_cast %swap3A_475 : vector<1x16xf32> to vector<16xf32>
            %swap3A_477 = vector.shape_cast %max3A_472 : vector<16xf32> to vector<1x16xf32>
            tpu.vector_store %arg25[%swap3A_473, %swap3A_474], %swap3A_477 {strides = array<i32>} : memref<128x32xf32, #tpu.memory_space<vmem>>, vector<1x16xf32>,
            %mul3A_478 = arith.constant 128 : i32
            %mul3A_479 = arith.muli %scan3A_406, %mul3A_478 : i32
            %add3A_480 = arith.constant 32 : i32
            %add3A_481 = arith.addi %mul3A_479, %add3A_480 : i32
            %add3A_482 = arith.constant 16 : i32
            %add3A_483 = arith.addi %add3A_481, %add3A_482 : i32
            %get3A_484 = arith.index_cast %add3A_483 : i32 to index
            %get3A_485 = tpu.vector_load %arg21[%get3A_484] {strides = array<i32>} : memref<4096xf32, #tpu.memory_space<vmem>>, vector<16xf32>,
            %get3A_486 = vector.shape_cast %get3A_485 : vector<16xf32> to vector<16xf32>
            %get3A_487 = arith.index_cast %add3A_455 : i32 to index
            %get3A_488 = arith.constant 16 : index
            %get3A_489 = tpu.vector_load %arg23[%get3A_487, %get3A_488] {strides = array<i32>} : memref<128x32xf32, #tpu.memory_space<vmem>>, vector<1x16xf32>,
            %get3A_490 = vector.shape_cast %get3A_489 : vector<1x16xf32> to vector<16xf32>
            %add3A_491 = arith.addf %get3A_486, %get3A_490 : vector<16xf32>
            %max3A_492 = arith.constant 0.000000e+00 : f32
            %max3A_493 = vector.broadcast %max3A_492 : f32 to vector<16xf32>
            %max3A_494 = arith.maximumf %add3A_491, %max3A_493 : vector<16xf32>
            %swap3A_495 = arith.index_cast %add3A_455 : i32 to index
            %swap3A_496 = arith.constant 16 : index
            %swap3A_497 = tpu.vector_load %arg25[%swap3A_495, %swap3A_496] {strides = array<i32>} : memref<128x32xf32, #tpu.memory_space<vmem>>, vector<1x16xf32>,
            %swap3A_498 = vector.shape_cast %swap3A_497 : vector<1x16xf32> to vector<16xf32>
            %swap3A_499 = vector.shape_cast %max3A_494 : vector<16xf32> to vector<1x16xf32>
            tpu.vector_store %arg25[%swap3A_495, %swap3A_496], %swap3A_499 {strides = array<i32>} : memref<128x32xf32, #tpu.memory_space<vmem>>, vector<1x16xf32>,
            %mul3A_500 = arith.constant 4 : i32
            %mul3A_501 = arith.muli %scan3A_406, %mul3A_500 : i32
            %add3A_502 = arith.constant 2 : i32
            %add3A_503 = arith.addi %mul3A_501, %add3A_502 : i32
            %mul3A_504 = arith.constant 128 : i32
            %mul3A_505 = arith.muli %scan3A_406, %mul3A_504 : i32
            %add3A_506 = arith.constant 64 : i32
            %add3A_507 = arith.addi %mul3A_505, %add3A_506 : i32
            %add3A_508 = arith.constant 0 : i32
            %add3A_509 = arith.addi %add3A_507, %add3A_508 : i32
            %get3A_510 = arith.index_cast %add3A_509 : i32 to index
            %get3A_511 = tpu.vector_load %arg21[%get3A_510] {strides = array<i32>} : memref<4096xf32, #tpu.memory_space<vmem>>, vector<16xf32>,
            %get3A_512 = vector.shape_cast %get3A_511 : vector<16xf32> to vector<16xf32>
            %get3A_513 = arith.index_cast %add3A_503 : i32 to index
            %get3A_514 = arith.constant 0 : index
            %get3A_515 = tpu.vector_load %arg23[%get3A_513, %get3A_514] {strides = array<i32>} : memref<128x32xf32, #tpu.memory_space<vmem>>, vector<1x16xf32>,
            %get3A_516 = vector.shape_cast %get3A_515 : vector<1x16xf32> to vector<16xf32>
            %add3A_517 = arith.addf %get3A_512, %get3A_516 : vector<16xf32>
            %max3A_518 = arith.constant 0.000000e+00 : f32
            %max3A_519 = vector.broadcast %max3A_518 : f32 to vector<16xf32>
            %max3A_520 = arith.maximumf %add3A_517, %max3A_519 : vector<16xf32>
            %swap3A_521 = arith.index_cast %add3A_503 : i32 to index
            %swap3A_522 = arith.constant 0 : index
            %swap3A_523 = tpu.vector_load %arg25[%swap3A_521, %swap3A_522] {strides = array<i32>} : memref<128x32xf32, #tpu.memory_space<vmem>>, vector<1x16xf32>,
            %swap3A_524 = vector.shape_cast %swap3A_523 : vector<1x16xf32> to vector<16xf32>
            %swap3A_525 = vector.shape_cast %max3A_520 : vector<16xf32> to vector<1x16xf32>
            tpu.vector_store %arg25[%swap3A_521, %swap3A_522], %swap3A_525 {strides = array<i32>} : memref<128x32xf32, #tpu.memory_space<vmem>>, vector<1x16xf32>,
            %mul3A_526 = arith.constant 128 : i32
            %mul3A_527 = arith.muli %scan3A_406, %mul3A_526 : i32
            %add3A_528 = arith.constant 64 : i32
            %add3A_529 = arith.addi %mul3A_527, %add3A_528 : i32
            %add3A_530 = arith.constant 16 : i32
            %add3A_531 = arith.addi %add3A_529, %add3A_530 : i32
            %get3A_532 = arith.index_cast %add3A_531 : i32 to index
            %get3A_533 = tpu.vector_load %arg21[%get3A_532] {strides = array<i32>} : memref<4096xf32, #tpu.memory_space<vmem>>, vector<16xf32>,
            %get3A_534 = vector.shape_cast %get3A_533 : vector<16xf32> to vector<16xf32>
            %get3A_535 = arith.index_cast %add3A_503 : i32 to index
            %get3A_536 = arith.constant 16 : index
            %get3A_537 = tpu.vector_load %arg23[%get3A_535, %get3A_536] {strides = array<i32>} : memref<128x32xf32, #tpu.memory_space<vmem>>, vector<1x16xf32>,
            %get3A_538 = vector.shape_cast %get3A_537 : vector<1x16xf32> to vector<16xf32>
            %add3A_539 = arith.addf %get3A_534, %get3A_538 : vector<16xf32>
            %max3A_540 = arith.constant 0.000000e+00 : f32
            %max3A_541 = vector.broadcast %max3A_540 : f32 to vector<16xf32>
            %max3A_542 = arith.maximumf %add3A_539, %max3A_541 : vector<16xf32>
            %swap3A_543 = arith.index_cast %add3A_503 : i32 to index
            %swap3A_544 = arith.constant 16 : index
            %swap3A_545 = tpu.vector_load %arg25[%swap3A_543, %swap3A_544] {strides = array<i32>} : memref<128x32xf32, #tpu.memory_space<vmem>>, vector<1x16xf32>,
            %swap3A_546 = vector.shape_cast %swap3A_545 : vector<1x16xf32> to vector<16xf32>
            %swap3A_547 = vector.shape_cast %max3A_542 : vector<16xf32> to vector<1x16xf32>
            tpu.vector_store %arg25[%swap3A_543, %swap3A_544], %swap3A_547 {strides = array<i32>} : memref<128x32xf32, #tpu.memory_space<vmem>>, vector<1x16xf32>,
            %mul3A_548 = arith.constant 4 : i32
            %mul3A_549 = arith.muli %scan3A_406, %mul3A_548 : i32
            %add3A_550 = arith.constant 3 : i32
            %add3A_551 = arith.addi %mul3A_549, %add3A_550 : i32
            %mul3A_552 = arith.constant 128 : i32
            %mul3A_553 = arith.muli %scan3A_406, %mul3A_552 : i32
            %add3A_554 = arith.constant 96 : i32
            %add3A_555 = arith.addi %mul3A_553, %add3A_554 : i32
            %add3A_556 = arith.constant 0 : i32
            %add3A_557 = arith.addi %add3A_555, %add3A_556 : i32
            %get3A_558 = arith.index_cast %add3A_557 : i32 to index
            %get3A_559 = tpu.vector_load %arg21[%get3A_558] {strides = array<i32>} : memref<4096xf32, #tpu.memory_space<vmem>>, vector<16xf32>,
            %get3A_560 = vector.shape_cast %get3A_559 : vector<16xf32> to vector<16xf32>
            %get3A_561 = arith.index_cast %add3A_551 : i32 to index
            %get3A_562 = arith.constant 0 : index
            %get3A_563 = tpu.vector_load %arg23[%get3A_561, %get3A_562] {strides = array<i32>} : memref<128x32xf32, #tpu.memory_space<vmem>>, vector<1x16xf32>,
            %get3A_564 = vector.shape_cast %get3A_563 : vector<1x16xf32> to vector<16xf32>
            %add3A_565 = arith.addf %get3A_560, %get3A_564 : vector<16xf32>
            %max3A_566 = arith.constant 0.000000e+00 : f32
            %max3A_567 = vector.broadcast %max3A_566 : f32 to vector<16xf32>
            %max3A_568 = arith.maximumf %add3A_565, %max3A_567 : vector<16xf32>
            %swap3A_569 = arith.index_cast %add3A_551 : i32 to index
            %swap3A_570 = arith.constant 0 : index
            %swap3A_571 = tpu.vector_load %arg25[%swap3A_569, %swap3A_570] {strides = array<i32>} : memref<128x32xf32, #tpu.memory_space<vmem>>, vector<1x16xf32>,
            %swap3A_572 = vector.shape_cast %swap3A_571 : vector<1x16xf32> to vector<16xf32>
            %swap3A_573 = vector.shape_cast %max3A_568 : vector<16xf32> to vector<1x16xf32>
            tpu.vector_store %arg25[%swap3A_569, %swap3A_570], %swap3A_573 {strides = array<i32>} : memref<128x32xf32, #tpu.memory_space<vmem>>, vector<1x16xf32>,
            %mul3A_574 = arith.constant 128 : i32
            %mul3A_575 = arith.muli %scan3A_406, %mul3A_574 : i32
            %add3A_576 = arith.constant 96 : i32
            %add3A_577 = arith.addi %mul3A_575, %add3A_576 : i32
            %add3A_578 = arith.constant 16 : i32
            %add3A_579 = arith.addi %add3A_577, %add3A_578 : i32
            %get3A_580 = arith.index_cast %add3A_579 : i32 to index
            %get3A_581 = tpu.vector_load %arg21[%get3A_580] {strides = array<i32>} : memref<4096xf32, #tpu.memory_space<vmem>>, vector<16xf32>,
            %get3A_582 = vector.shape_cast %get3A_581 : vector<16xf32> to vector<16xf32>
            %get3A_583 = arith.index_cast %add3A_551 : i32 to index
            %get3A_584 = arith.constant 16 : index
            %get3A_585 = tpu.vector_load %arg23[%get3A_583, %get3A_584] {strides = array<i32>} : memref<128x32xf32, #tpu.memory_space<vmem>>, vector<1x16xf32>,
            %get3A_586 = vector.shape_cast %get3A_585 : vector<1x16xf32> to vector<16xf32>
            %add3A_587 = arith.addf %get3A_582, %get3A_586 : vector<16xf32>
            %max3A_588 = arith.constant 0.000000e+00 : f32
            %max3A_589 = vector.broadcast %max3A_588 : f32 to vector<16xf32>
            %max3A_590 = arith.maximumf %add3A_587, %max3A_589 : vector<16xf32>
            %swap3A_591 = arith.index_cast %add3A_551 : i32 to index
            %swap3A_592 = arith.constant 16 : index
            %swap3A_593 = tpu.vector_load %arg25[%swap3A_591, %swap3A_592] {strides = array<i32>} : memref<128x32xf32, #tpu.memory_space<vmem>>, vector<1x16xf32>,
            %swap3A_594 = vector.shape_cast %swap3A_593 : vector<1x16xf32> to vector<16xf32>
            %swap3A_595 = vector.shape_cast %max3A_590 : vector<16xf32> to vector<1x16xf32>
            tpu.vector_store %arg25[%swap3A_591, %swap3A_592], %swap3A_595 {strides = array<i32>} : memref<128x32xf32, #tpu.memory_space<vmem>>, vector<1x16xf32>,
          }
          %scan3A_403 = arith.constant 32 : i32
          %dma_start3A = arith.constant 0 : i32
          %dma_start3A_404 = arith.constant 0 : i32
          %dma_start3A_405 = tpu.memref_slice %arg27[%dma_start3A, %dma_start3A_404] : memref<50048x32xf32, #tpu.memory_space<vmem_shared>> -> memref<50048x32xf32, #tpu.memory_space<vmem_shared>>
          tpu.enqueue_indirect_dma source(%arg25 : memref<128x32xf32, #tpu.memory_space<vmem>>) target(%dma_start3A_405 : memref<50048x32xf32, #tpu.memory_space<vmem_shared>>) offsets(%arg17 : memref<128xi32, #tpu.memory_space<vmem>>) semaphore(%arg33 : memref<!tpu.dma_semaphore, #tpu.memory_space<semaphore_mem>>) {add = true}
        } else {
        }
        %add3A_238 = arith.constant 2 : i32
        %add3A_239 = arith.addi %add3A_183, %add3A_238 : i32
        %ge3A_240 = arith.constant 0 : i32
        %ge3A_241 = arith.cmpi sge, %add3A_239, %ge3A_240 : i32
        %lt3A_242 = arith.constant 391 : i32
        %lt3A_243 = arith.cmpi slt, %add3A_239, %lt3A_242 : i32
        %and3A_244 = arith.andi %ge3A_241, %lt3A_243 : i1
        %add3A_245 = arith.addi %mul3A_2, %add3A_239 : i32
        %lt3A_246 = arith.constant 6250 : i32
        %lt3A_247 = arith.cmpi slt, %add3A_245, %lt3A_246 : i32
        %and3A_248 = arith.andi %and3A_244, %lt3A_247 : i1
        %convert_element_type3A_249 = arith.extui %and3A_248 : i1 to i32
        %cond3A_250 = arith.constant 0 : i32
        %cond3A_251 = arith.cmpi ne, %convert_element_type3A_249, %cond3A_250 : i32
        scf.if %cond3A_251 {
          %add3A_396 = arith.addi %mul3A_2, %add3A_239 : i32
          %mul3A_397 = arith.constant 128 : i32
          %mul3A_398 = arith.muli %add3A_396, %mul3A_397 : i32
          %dma_start3A = tpu.memref_slice %arg6[%mul3A_398] : memref<800000xi32, #tpu.memory_space<hbm>> -> memref<128xi32, #tpu.memory_space<hbm>>
          %dma_start3A_399 = tpu.memref_slice %arg6[%mul3A_398] : memref<800000xi32, #tpu.memory_space<hbm>> -> memref<128xi32, #tpu.memory_space<hbm>>
          tpu.enqueue_dma source(%dma_start3A_399 : memref<128xi32, #tpu.memory_space<hbm>>) target(%arg15 : memref<128xi32, #tpu.memory_space<vmem>>) target_semaphore(%arg29 : memref<!tpu.dma_semaphore, #tpu.memory_space<semaphore_mem>>)
          %dma_start3A_400 = tpu.memref_slice %arg7[%mul3A_398] : memref<800000xi32, #tpu.memory_space<hbm>> -> memref<128xi32, #tpu.memory_space<hbm>>
          %dma_start3A_401 = tpu.memref_slice %arg7[%mul3A_398] : memref<800000xi32, #tpu.memory_space<hbm>> -> memref<128xi32, #tpu.memory_space<hbm>>
          tpu.enqueue_dma source(%dma_start3A_401 : memref<128xi32, #tpu.memory_space<hbm>>) target(%arg19 : memref<128xi32, #tpu.memory_space<vmem>>) target_semaphore(%arg29 : memref<!tpu.dma_semaphore, #tpu.memory_space<semaphore_mem>>)
          %mul3A_402 = arith.constant 128 : i32
          %mul3A_403 = arith.muli %add3A_396, %mul3A_402 : i32
          %mul3A_404 = arith.constant 32 : i32
          %mul3A_405 = arith.muli %mul3A_403, %mul3A_404 : i32
          %dma_start3A_406 = tpu.memref_slice %arg2[%mul3A_405] : memref<25600000xf32, #tpu.memory_space<hbm>> -> memref<4096xf32, #tpu.memory_space<hbm>>
          %dma_start3A_407 = tpu.memref_slice %arg2[%mul3A_405] : memref<25600000xf32, #tpu.memory_space<hbm>> -> memref<4096xf32, #tpu.memory_space<hbm>>
          tpu.enqueue_dma source(%dma_start3A_407 : memref<4096xf32, #tpu.memory_space<hbm>>) target(%arg21 : memref<4096xf32, #tpu.memory_space<vmem>>) target_semaphore(%arg29 : memref<!tpu.dma_semaphore, #tpu.memory_space<semaphore_mem>>)
        } else {
        }
        %mul3A_252 = arith.constant 4 : i32
        %mul3A_253 = arith.muli %scan3A_109, %mul3A_252 : i32
        %add3A_254 = arith.constant 2 : i32
        %add3A_255 = arith.addi %mul3A_253, %add3A_254 : i32
        %add3A_256 = arith.constant 1 : i32
        %add3A_257 = arith.addi %add3A_255, %add3A_256 : i32
        %ge3A_258 = arith.constant 0 : i32
        %ge3A_259 = arith.cmpi sge, %add3A_257, %ge3A_258 : i32
        %lt3A_260 = arith.constant 391 : i32
        %lt3A_261 = arith.cmpi slt, %add3A_257, %lt3A_260 : i32
        %and3A_262 = arith.andi %ge3A_259, %lt3A_261 : i1
        %add3A_263 = arith.addi %mul3A_2, %add3A_257 : i32
        %lt3A_264 = arith.constant 6250 : i32
        %lt3A_265 = arith.cmpi slt, %add3A_263, %lt3A_264 : i32
        %and3A_266 = arith.andi %and3A_262, %lt3A_265 : i1
        %convert_element_type3A_267 = arith.extui %and3A_266 : i1 to i32
        %cond3A_268 = arith.constant 0 : i32
        %cond3A_269 = arith.cmpi ne, %convert_element_type3A_267, %cond3A_268 : i32
        scf.if %cond3A_269 {
          %add3A_396 = arith.addi %mul3A_2, %add3A_257 : i32
          %mul3A_397 = arith.constant 128 : i32
          %mul3A_398 = arith.muli %add3A_396, %mul3A_397 : i32
          %dma_wait3A = tpu.memref_slice %arg6[%mul3A_398] : memref<800000xi32, #tpu.memory_space<hbm>> -> memref<128xi32, #tpu.memory_space<hbm>>
          %dma_wait3A_399 = tpu.memref_slice %arg6[%mul3A_398] : memref<800000xi32, #tpu.memory_space<hbm>> -> memref<128xi32, #tpu.memory_space<hbm>>
          tpu.wait_dma2 semaphore(%arg29 : memref<!tpu.dma_semaphore, #tpu.memory_space<semaphore_mem>>) src(%dma_wait3A_399 : memref<128xi32, #tpu.memory_space<hbm>>) dst(%arg15 : memref<128xi32, #tpu.memory_space<vmem>>)
          %dma_wait3A_400 = tpu.memref_slice %arg7[%mul3A_398] : memref<800000xi32, #tpu.memory_space<hbm>> -> memref<128xi32, #tpu.memory_space<hbm>>
          %dma_wait3A_401 = tpu.memref_slice %arg7[%mul3A_398] : memref<800000xi32, #tpu.memory_space<hbm>> -> memref<128xi32, #tpu.memory_space<hbm>>
          tpu.wait_dma2 semaphore(%arg29 : memref<!tpu.dma_semaphore, #tpu.memory_space<semaphore_mem>>) src(%dma_wait3A_401 : memref<128xi32, #tpu.memory_space<hbm>>) dst(%arg19 : memref<128xi32, #tpu.memory_space<vmem>>)
          %dma_wait3A_402 = arith.constant 0 : i32
          %dma_wait3A_403 = tpu.memref_slice %arg2[%dma_wait3A_402] : memref<25600000xf32, #tpu.memory_space<hbm>> -> memref<4096xf32, #tpu.memory_space<hbm>>
          %dma_wait3A_404 = arith.constant 0 : i32
          %dma_wait3A_405 = tpu.memref_slice %arg2[%dma_wait3A_404] : memref<25600000xf32, #tpu.memory_space<hbm>> -> memref<4096xf32, #tpu.memory_space<hbm>>
          tpu.wait_dma2 semaphore(%arg29 : memref<!tpu.dma_semaphore, #tpu.memory_space<semaphore_mem>>) src(%dma_wait3A_405 : memref<4096xf32, #tpu.memory_space<hbm>>) dst(%arg21 : memref<4096xf32, #tpu.memory_space<vmem>>)
        } else {
        }
        %add3A_270 = arith.constant 1 : i32
        %add3A_271 = arith.addi %add3A_255, %add3A_270 : i32
        %ge3A_272 = arith.constant 0 : i32
        %ge3A_273 = arith.cmpi sge, %add3A_271, %ge3A_272 : i32
        %lt3A_274 = arith.constant 391 : i32
        %lt3A_275 = arith.cmpi slt, %add3A_271, %lt3A_274 : i32
        %and3A_276 = arith.andi %ge3A_273, %lt3A_275 : i1
        %add3A_277 = arith.addi %mul3A_2, %add3A_271 : i32
        %lt3A_278 = arith.constant 6250 : i32
        %lt3A_279 = arith.cmpi slt, %add3A_277, %lt3A_278 : i32
        %and3A_280 = arith.andi %and3A_276, %lt3A_279 : i1
        %convert_element_type3A_281 = arith.extui %and3A_280 : i1 to i32
        %cond3A_282 = arith.constant 0 : i32
        %cond3A_283 = arith.cmpi ne, %convert_element_type3A_281, %cond3A_282 : i32
        scf.if %cond3A_283 {
          %dma_start3A = arith.constant 0 : i32
          %dma_start3A_396 = arith.constant 0 : i32
          %dma_start3A_397 = tpu.memref_slice %arg4[%dma_start3A, %dma_start3A_396] : memref<50048x32xf32, #tpu.memory_space<hbm>> -> memref<50048x32xf32, #tpu.memory_space<hbm>>
          tpu.enqueue_indirect_dma source(%dma_start3A_397 : memref<50048x32xf32, #tpu.memory_space<hbm>>) target(%arg23 : memref<128x32xf32, #tpu.memory_space<vmem>>) offsets(%arg15 : memref<128xi32, #tpu.memory_space<vmem>>) semaphore(%arg31 : memref<!tpu.dma_semaphore, #tpu.memory_space<semaphore_mem>>)
        } else {
        }
        %sub3A_284 = arith.constant 2 : i32
        %sub3A_285 = arith.subi %add3A_255, %sub3A_284 : i32
        %ge3A_286 = arith.constant 0 : i32
        %ge3A_287 = arith.cmpi sge, %sub3A_285, %ge3A_286 : i32
        %lt3A_288 = arith.constant 391 : i32
        %lt3A_289 = arith.cmpi slt, %sub3A_285, %lt3A_288 : i32
        %and3A_290 = arith.andi %ge3A_287, %lt3A_289 : i1
        %add3A_291 = arith.addi %mul3A_2, %sub3A_285 : i32
        %lt3A_292 = arith.constant 6250 : i32
        %lt3A_293 = arith.cmpi slt, %add3A_291, %lt3A_292 : i32
        %and3A_294 = arith.andi %and3A_290, %lt3A_293 : i1
        %convert_element_type3A_295 = arith.extui %and3A_294 : i1 to i32
        %cond3A_296 = arith.constant 0 : i32
        %cond3A_297 = arith.cmpi ne, %convert_element_type3A_295, %cond3A_296 : i32
        scf.if %cond3A_297 {
          %dma_wait3A = arith.constant 0 : i32
          %dma_wait3A_396 = arith.constant 0 : i32
          %dma_wait3A_397 = tpu.memref_slice %arg27[%dma_wait3A, %dma_wait3A_396] : memref<50048x32xf32, #tpu.memory_space<vmem_shared>> -> memref<50048x32xf32, #tpu.memory_space<vmem_shared>>
          tpu.wait_indirect_dma semaphore(%arg32 : memref<!tpu.dma_semaphore, #tpu.memory_space<semaphore_mem>>) src(%arg24 : memref<128x32xf32, #tpu.memory_space<vmem>>) dst(%dma_wait3A_397 : memref<50048x32xf32, #tpu.memory_space<vmem_shared>>)
        } else {
        }
        %ge3A_298 = arith.constant 0 : i32
        %ge3A_299 = arith.cmpi sge, %add3A_255, %ge3A_298 : i32
        %lt3A_300 = arith.constant 391 : i32
        %lt3A_301 = arith.cmpi slt, %add3A_255, %lt3A_300 : i32
        %and3A_302 = arith.andi %ge3A_299, %lt3A_301 : i1
        %add3A_303 = arith.addi %mul3A_2, %add3A_255 : i32
        %lt3A_304 = arith.constant 6250 : i32
        %lt3A_305 = arith.cmpi slt, %add3A_303, %lt3A_304 : i32
        %and3A_306 = arith.andi %and3A_302, %lt3A_305 : i1
        %convert_element_type3A_307 = arith.extui %and3A_306 : i1 to i32
        %cond3A_308 = arith.constant 0 : i32
        %cond3A_309 = arith.cmpi ne, %convert_element_type3A_307, %cond3A_308 : i32
        scf.if %cond3A_309 {
          %dma_wait3A = arith.constant 0 : i32
          %dma_wait3A_396 = arith.constant 0 : i32
          %dma_wait3A_397 = tpu.memref_slice %arg4[%dma_wait3A, %dma_wait3A_396] : memref<50048x32xf32, #tpu.memory_space<hbm>> -> memref<50048x32xf32, #tpu.memory_space<hbm>>
          tpu.wait_indirect_dma semaphore(%arg30 : memref<!tpu.dma_semaphore, #tpu.memory_space<semaphore_mem>>) src(%dma_wait3A_397 : memref<50048x32xf32, #tpu.memory_space<hbm>>) dst(%arg22 : memref<128x32xf32, #tpu.memory_space<vmem>>)
          %scan3A_398 = arith.constant 0 : i32
          %scan3A_399 = arith.constant 0 : i32
          %scan3A_400 = arith.constant 32 : i32
          %scan3A_401 = arith.addi %scan3A_399, %scan3A_400 : i32
          %scan3A_402 = arith.constant 1 : i32
          scf.for %scan3A_406 = %scan3A_399 to %scan3A_401 step %scan3A_402  : i32 {
            %mul3A_407 = arith.constant 4 : i32
            %mul3A_408 = arith.muli %scan3A_406, %mul3A_407 : i32
            %add3A_409 = arith.constant 0 : i32
            %add3A_410 = arith.addi %mul3A_408, %add3A_409 : i32
            %mul3A_411 = arith.constant 128 : i32
            %mul3A_412 = arith.muli %scan3A_406, %mul3A_411 : i32
            %add3A_413 = arith.constant 0 : i32
            %add3A_414 = arith.addi %mul3A_412, %add3A_413 : i32
            %add3A_415 = arith.constant 0 : i32
            %add3A_416 = arith.addi %add3A_414, %add3A_415 : i32
            %get3A = arith.index_cast %add3A_416 : i32 to index
            %get3A_417 = tpu.vector_load %arg20[%get3A] {strides = array<i32>} : memref<4096xf32, #tpu.memory_space<vmem>>, vector<16xf32>,
            %get3A_418 = vector.shape_cast %get3A_417 : vector<16xf32> to vector<16xf32>
            %get3A_419 = arith.index_cast %add3A_410 : i32 to index
            %get3A_420 = arith.constant 0 : index
            %get3A_421 = tpu.vector_load %arg22[%get3A_419, %get3A_420] {strides = array<i32>} : memref<128x32xf32, #tpu.memory_space<vmem>>, vector<1x16xf32>,
            %get3A_422 = vector.shape_cast %get3A_421 : vector<1x16xf32> to vector<16xf32>
            %add3A_423 = arith.addf %get3A_418, %get3A_422 : vector<16xf32>
            %max3A = arith.constant 0.000000e+00 : f32
            %max3A_424 = vector.broadcast %max3A : f32 to vector<16xf32>
            %max3A_425 = arith.maximumf %add3A_423, %max3A_424 : vector<16xf32>
            %swap3A = arith.index_cast %add3A_410 : i32 to index
            %swap3A_426 = arith.constant 0 : index
            %swap3A_427 = tpu.vector_load %arg24[%swap3A, %swap3A_426] {strides = array<i32>} : memref<128x32xf32, #tpu.memory_space<vmem>>, vector<1x16xf32>,
            %swap3A_428 = vector.shape_cast %swap3A_427 : vector<1x16xf32> to vector<16xf32>
            %swap3A_429 = vector.shape_cast %max3A_425 : vector<16xf32> to vector<1x16xf32>
            tpu.vector_store %arg24[%swap3A, %swap3A_426], %swap3A_429 {strides = array<i32>} : memref<128x32xf32, #tpu.memory_space<vmem>>, vector<1x16xf32>,
            %mul3A_430 = arith.constant 128 : i32
            %mul3A_431 = arith.muli %scan3A_406, %mul3A_430 : i32
            %add3A_432 = arith.constant 0 : i32
            %add3A_433 = arith.addi %mul3A_431, %add3A_432 : i32
            %add3A_434 = arith.constant 16 : i32
            %add3A_435 = arith.addi %add3A_433, %add3A_434 : i32
            %get3A_436 = arith.index_cast %add3A_435 : i32 to index
            %get3A_437 = tpu.vector_load %arg20[%get3A_436] {strides = array<i32>} : memref<4096xf32, #tpu.memory_space<vmem>>, vector<16xf32>,
            %get3A_438 = vector.shape_cast %get3A_437 : vector<16xf32> to vector<16xf32>
            %get3A_439 = arith.index_cast %add3A_410 : i32 to index
            %get3A_440 = arith.constant 16 : index
            %get3A_441 = tpu.vector_load %arg22[%get3A_439, %get3A_440] {strides = array<i32>} : memref<128x32xf32, #tpu.memory_space<vmem>>, vector<1x16xf32>,
            %get3A_442 = vector.shape_cast %get3A_441 : vector<1x16xf32> to vector<16xf32>
            %add3A_443 = arith.addf %get3A_438, %get3A_442 : vector<16xf32>
            %max3A_444 = arith.constant 0.000000e+00 : f32
            %max3A_445 = vector.broadcast %max3A_444 : f32 to vector<16xf32>
            %max3A_446 = arith.maximumf %add3A_443, %max3A_445 : vector<16xf32>
            %swap3A_447 = arith.index_cast %add3A_410 : i32 to index
            %swap3A_448 = arith.constant 16 : index
            %swap3A_449 = tpu.vector_load %arg24[%swap3A_447, %swap3A_448] {strides = array<i32>} : memref<128x32xf32, #tpu.memory_space<vmem>>, vector<1x16xf32>,
            %swap3A_450 = vector.shape_cast %swap3A_449 : vector<1x16xf32> to vector<16xf32>
            %swap3A_451 = vector.shape_cast %max3A_446 : vector<16xf32> to vector<1x16xf32>
            tpu.vector_store %arg24[%swap3A_447, %swap3A_448], %swap3A_451 {strides = array<i32>} : memref<128x32xf32, #tpu.memory_space<vmem>>, vector<1x16xf32>,
            %mul3A_452 = arith.constant 4 : i32
            %mul3A_453 = arith.muli %scan3A_406, %mul3A_452 : i32
            %add3A_454 = arith.constant 1 : i32
            %add3A_455 = arith.addi %mul3A_453, %add3A_454 : i32
            %mul3A_456 = arith.constant 128 : i32
            %mul3A_457 = arith.muli %scan3A_406, %mul3A_456 : i32
            %add3A_458 = arith.constant 32 : i32
            %add3A_459 = arith.addi %mul3A_457, %add3A_458 : i32
            %add3A_460 = arith.constant 0 : i32
            %add3A_461 = arith.addi %add3A_459, %add3A_460 : i32
            %get3A_462 = arith.index_cast %add3A_461 : i32 to index
            %get3A_463 = tpu.vector_load %arg20[%get3A_462] {strides = array<i32>} : memref<4096xf32, #tpu.memory_space<vmem>>, vector<16xf32>,
            %get3A_464 = vector.shape_cast %get3A_463 : vector<16xf32> to vector<16xf32>
            %get3A_465 = arith.index_cast %add3A_455 : i32 to index
            %get3A_466 = arith.constant 0 : index
            %get3A_467 = tpu.vector_load %arg22[%get3A_465, %get3A_466] {strides = array<i32>} : memref<128x32xf32, #tpu.memory_space<vmem>>, vector<1x16xf32>,
            %get3A_468 = vector.shape_cast %get3A_467 : vector<1x16xf32> to vector<16xf32>
            %add3A_469 = arith.addf %get3A_464, %get3A_468 : vector<16xf32>
            %max3A_470 = arith.constant 0.000000e+00 : f32
            %max3A_471 = vector.broadcast %max3A_470 : f32 to vector<16xf32>
            %max3A_472 = arith.maximumf %add3A_469, %max3A_471 : vector<16xf32>
            %swap3A_473 = arith.index_cast %add3A_455 : i32 to index
            %swap3A_474 = arith.constant 0 : index
            %swap3A_475 = tpu.vector_load %arg24[%swap3A_473, %swap3A_474] {strides = array<i32>} : memref<128x32xf32, #tpu.memory_space<vmem>>, vector<1x16xf32>,
            %swap3A_476 = vector.shape_cast %swap3A_475 : vector<1x16xf32> to vector<16xf32>
            %swap3A_477 = vector.shape_cast %max3A_472 : vector<16xf32> to vector<1x16xf32>
            tpu.vector_store %arg24[%swap3A_473, %swap3A_474], %swap3A_477 {strides = array<i32>} : memref<128x32xf32, #tpu.memory_space<vmem>>, vector<1x16xf32>,
            %mul3A_478 = arith.constant 128 : i32
            %mul3A_479 = arith.muli %scan3A_406, %mul3A_478 : i32
            %add3A_480 = arith.constant 32 : i32
            %add3A_481 = arith.addi %mul3A_479, %add3A_480 : i32
            %add3A_482 = arith.constant 16 : i32
            %add3A_483 = arith.addi %add3A_481, %add3A_482 : i32
            %get3A_484 = arith.index_cast %add3A_483 : i32 to index
            %get3A_485 = tpu.vector_load %arg20[%get3A_484] {strides = array<i32>} : memref<4096xf32, #tpu.memory_space<vmem>>, vector<16xf32>,
            %get3A_486 = vector.shape_cast %get3A_485 : vector<16xf32> to vector<16xf32>
            %get3A_487 = arith.index_cast %add3A_455 : i32 to index
            %get3A_488 = arith.constant 16 : index
            %get3A_489 = tpu.vector_load %arg22[%get3A_487, %get3A_488] {strides = array<i32>} : memref<128x32xf32, #tpu.memory_space<vmem>>, vector<1x16xf32>,
            %get3A_490 = vector.shape_cast %get3A_489 : vector<1x16xf32> to vector<16xf32>
            %add3A_491 = arith.addf %get3A_486, %get3A_490 : vector<16xf32>
            %max3A_492 = arith.constant 0.000000e+00 : f32
            %max3A_493 = vector.broadcast %max3A_492 : f32 to vector<16xf32>
            %max3A_494 = arith.maximumf %add3A_491, %max3A_493 : vector<16xf32>
            %swap3A_495 = arith.index_cast %add3A_455 : i32 to index
            %swap3A_496 = arith.constant 16 : index
            %swap3A_497 = tpu.vector_load %arg24[%swap3A_495, %swap3A_496] {strides = array<i32>} : memref<128x32xf32, #tpu.memory_space<vmem>>, vector<1x16xf32>,
            %swap3A_498 = vector.shape_cast %swap3A_497 : vector<1x16xf32> to vector<16xf32>
            %swap3A_499 = vector.shape_cast %max3A_494 : vector<16xf32> to vector<1x16xf32>
            tpu.vector_store %arg24[%swap3A_495, %swap3A_496], %swap3A_499 {strides = array<i32>} : memref<128x32xf32, #tpu.memory_space<vmem>>, vector<1x16xf32>,
            %mul3A_500 = arith.constant 4 : i32
            %mul3A_501 = arith.muli %scan3A_406, %mul3A_500 : i32
            %add3A_502 = arith.constant 2 : i32
            %add3A_503 = arith.addi %mul3A_501, %add3A_502 : i32
            %mul3A_504 = arith.constant 128 : i32
            %mul3A_505 = arith.muli %scan3A_406, %mul3A_504 : i32
            %add3A_506 = arith.constant 64 : i32
            %add3A_507 = arith.addi %mul3A_505, %add3A_506 : i32
            %add3A_508 = arith.constant 0 : i32
            %add3A_509 = arith.addi %add3A_507, %add3A_508 : i32
            %get3A_510 = arith.index_cast %add3A_509 : i32 to index
            %get3A_511 = tpu.vector_load %arg20[%get3A_510] {strides = array<i32>} : memref<4096xf32, #tpu.memory_space<vmem>>, vector<16xf32>,
            %get3A_512 = vector.shape_cast %get3A_511 : vector<16xf32> to vector<16xf32>
            %get3A_513 = arith.index_cast %add3A_503 : i32 to index
            %get3A_514 = arith.constant 0 : index
            %get3A_515 = tpu.vector_load %arg22[%get3A_513, %get3A_514] {strides = array<i32>} : memref<128x32xf32, #tpu.memory_space<vmem>>, vector<1x16xf32>,
            %get3A_516 = vector.shape_cast %get3A_515 : vector<1x16xf32> to vector<16xf32>
            %add3A_517 = arith.addf %get3A_512, %get3A_516 : vector<16xf32>
            %max3A_518 = arith.constant 0.000000e+00 : f32
            %max3A_519 = vector.broadcast %max3A_518 : f32 to vector<16xf32>
            %max3A_520 = arith.maximumf %add3A_517, %max3A_519 : vector<16xf32>
            %swap3A_521 = arith.index_cast %add3A_503 : i32 to index
            %swap3A_522 = arith.constant 0 : index
            %swap3A_523 = tpu.vector_load %arg24[%swap3A_521, %swap3A_522] {strides = array<i32>} : memref<128x32xf32, #tpu.memory_space<vmem>>, vector<1x16xf32>,
            %swap3A_524 = vector.shape_cast %swap3A_523 : vector<1x16xf32> to vector<16xf32>
            %swap3A_525 = vector.shape_cast %max3A_520 : vector<16xf32> to vector<1x16xf32>
            tpu.vector_store %arg24[%swap3A_521, %swap3A_522], %swap3A_525 {strides = array<i32>} : memref<128x32xf32, #tpu.memory_space<vmem>>, vector<1x16xf32>,
            %mul3A_526 = arith.constant 128 : i32
            %mul3A_527 = arith.muli %scan3A_406, %mul3A_526 : i32
            %add3A_528 = arith.constant 64 : i32
            %add3A_529 = arith.addi %mul3A_527, %add3A_528 : i32
            %add3A_530 = arith.constant 16 : i32
            %add3A_531 = arith.addi %add3A_529, %add3A_530 : i32
            %get3A_532 = arith.index_cast %add3A_531 : i32 to index
            %get3A_533 = tpu.vector_load %arg20[%get3A_532] {strides = array<i32>} : memref<4096xf32, #tpu.memory_space<vmem>>, vector<16xf32>,
            %get3A_534 = vector.shape_cast %get3A_533 : vector<16xf32> to vector<16xf32>
            %get3A_535 = arith.index_cast %add3A_503 : i32 to index
            %get3A_536 = arith.constant 16 : index
            %get3A_537 = tpu.vector_load %arg22[%get3A_535, %get3A_536] {strides = array<i32>} : memref<128x32xf32, #tpu.memory_space<vmem>>, vector<1x16xf32>,
            %get3A_538 = vector.shape_cast %get3A_537 : vector<1x16xf32> to vector<16xf32>
            %add3A_539 = arith.addf %get3A_534, %get3A_538 : vector<16xf32>
            %max3A_540 = arith.constant 0.000000e+00 : f32
            %max3A_541 = vector.broadcast %max3A_540 : f32 to vector<16xf32>
            %max3A_542 = arith.maximumf %add3A_539, %max3A_541 : vector<16xf32>
            %swap3A_543 = arith.index_cast %add3A_503 : i32 to index
            %swap3A_544 = arith.constant 16 : index
            %swap3A_545 = tpu.vector_load %arg24[%swap3A_543, %swap3A_544] {strides = array<i32>} : memref<128x32xf32, #tpu.memory_space<vmem>>, vector<1x16xf32>,
            %swap3A_546 = vector.shape_cast %swap3A_545 : vector<1x16xf32> to vector<16xf32>
            %swap3A_547 = vector.shape_cast %max3A_542 : vector<16xf32> to vector<1x16xf32>
            tpu.vector_store %arg24[%swap3A_543, %swap3A_544], %swap3A_547 {strides = array<i32>} : memref<128x32xf32, #tpu.memory_space<vmem>>, vector<1x16xf32>,
            %mul3A_548 = arith.constant 4 : i32
            %mul3A_549 = arith.muli %scan3A_406, %mul3A_548 : i32
            %add3A_550 = arith.constant 3 : i32
            %add3A_551 = arith.addi %mul3A_549, %add3A_550 : i32
            %mul3A_552 = arith.constant 128 : i32
            %mul3A_553 = arith.muli %scan3A_406, %mul3A_552 : i32
            %add3A_554 = arith.constant 96 : i32
            %add3A_555 = arith.addi %mul3A_553, %add3A_554 : i32
            %add3A_556 = arith.constant 0 : i32
            %add3A_557 = arith.addi %add3A_555, %add3A_556 : i32
            %get3A_558 = arith.index_cast %add3A_557 : i32 to index
            %get3A_559 = tpu.vector_load %arg20[%get3A_558] {strides = array<i32>} : memref<4096xf32, #tpu.memory_space<vmem>>, vector<16xf32>,
            %get3A_560 = vector.shape_cast %get3A_559 : vector<16xf32> to vector<16xf32>
            %get3A_561 = arith.index_cast %add3A_551 : i32 to index
            %get3A_562 = arith.constant 0 : index
            %get3A_563 = tpu.vector_load %arg22[%get3A_561, %get3A_562] {strides = array<i32>} : memref<128x32xf32, #tpu.memory_space<vmem>>, vector<1x16xf32>,
            %get3A_564 = vector.shape_cast %get3A_563 : vector<1x16xf32> to vector<16xf32>
            %add3A_565 = arith.addf %get3A_560, %get3A_564 : vector<16xf32>
            %max3A_566 = arith.constant 0.000000e+00 : f32
            %max3A_567 = vector.broadcast %max3A_566 : f32 to vector<16xf32>
            %max3A_568 = arith.maximumf %add3A_565, %max3A_567 : vector<16xf32>
            %swap3A_569 = arith.index_cast %add3A_551 : i32 to index
            %swap3A_570 = arith.constant 0 : index
            %swap3A_571 = tpu.vector_load %arg24[%swap3A_569, %swap3A_570] {strides = array<i32>} : memref<128x32xf32, #tpu.memory_space<vmem>>, vector<1x16xf32>,
            %swap3A_572 = vector.shape_cast %swap3A_571 : vector<1x16xf32> to vector<16xf32>
            %swap3A_573 = vector.shape_cast %max3A_568 : vector<16xf32> to vector<1x16xf32>
            tpu.vector_store %arg24[%swap3A_569, %swap3A_570], %swap3A_573 {strides = array<i32>} : memref<128x32xf32, #tpu.memory_space<vmem>>, vector<1x16xf32>,
            %mul3A_574 = arith.constant 128 : i32
            %mul3A_575 = arith.muli %scan3A_406, %mul3A_574 : i32
            %add3A_576 = arith.constant 96 : i32
            %add3A_577 = arith.addi %mul3A_575, %add3A_576 : i32
            %add3A_578 = arith.constant 16 : i32
            %add3A_579 = arith.addi %add3A_577, %add3A_578 : i32
            %get3A_580 = arith.index_cast %add3A_579 : i32 to index
            %get3A_581 = tpu.vector_load %arg20[%get3A_580] {strides = array<i32>} : memref<4096xf32, #tpu.memory_space<vmem>>, vector<16xf32>,
            %get3A_582 = vector.shape_cast %get3A_581 : vector<16xf32> to vector<16xf32>
            %get3A_583 = arith.index_cast %add3A_551 : i32 to index
            %get3A_584 = arith.constant 16 : index
            %get3A_585 = tpu.vector_load %arg22[%get3A_583, %get3A_584] {strides = array<i32>} : memref<128x32xf32, #tpu.memory_space<vmem>>, vector<1x16xf32>,
            %get3A_586 = vector.shape_cast %get3A_585 : vector<1x16xf32> to vector<16xf32>
            %add3A_587 = arith.addf %get3A_582, %get3A_586 : vector<16xf32>
            %max3A_588 = arith.constant 0.000000e+00 : f32
            %max3A_589 = vector.broadcast %max3A_588 : f32 to vector<16xf32>
            %max3A_590 = arith.maximumf %add3A_587, %max3A_589 : vector<16xf32>
            %swap3A_591 = arith.index_cast %add3A_551 : i32 to index
            %swap3A_592 = arith.constant 16 : index
            %swap3A_593 = tpu.vector_load %arg24[%swap3A_591, %swap3A_592] {strides = array<i32>} : memref<128x32xf32, #tpu.memory_space<vmem>>, vector<1x16xf32>,
            %swap3A_594 = vector.shape_cast %swap3A_593 : vector<1x16xf32> to vector<16xf32>
            %swap3A_595 = vector.shape_cast %max3A_590 : vector<16xf32> to vector<1x16xf32>
            tpu.vector_store %arg24[%swap3A_591, %swap3A_592], %swap3A_595 {strides = array<i32>} : memref<128x32xf32, #tpu.memory_space<vmem>>, vector<1x16xf32>,
          }
          %scan3A_403 = arith.constant 32 : i32
          %dma_start3A = arith.constant 0 : i32
          %dma_start3A_404 = arith.constant 0 : i32
          %dma_start3A_405 = tpu.memref_slice %arg27[%dma_start3A, %dma_start3A_404] : memref<50048x32xf32, #tpu.memory_space<vmem_shared>> -> memref<50048x32xf32, #tpu.memory_space<vmem_shared>>
          tpu.enqueue_indirect_dma source(%arg24 : memref<128x32xf32, #tpu.memory_space<vmem>>) target(%dma_start3A_405 : memref<50048x32xf32, #tpu.memory_space<vmem_shared>>) offsets(%arg18 : memref<128xi32, #tpu.memory_space<vmem>>) semaphore(%arg32 : memref<!tpu.dma_semaphore, #tpu.memory_space<semaphore_mem>>) {add = true}
        } else {
        }
        %add3A_310 = arith.constant 2 : i32
        %add3A_311 = arith.addi %add3A_255, %add3A_310 : i32
        %ge3A_312 = arith.constant 0 : i32
        %ge3A_313 = arith.cmpi sge, %add3A_311, %ge3A_312 : i32
        %lt3A_314 = arith.constant 391 : i32
        %lt3A_315 = arith.cmpi slt, %add3A_311, %lt3A_314 : i32
        %and3A_316 = arith.andi %ge3A_313, %lt3A_315 : i1
        %add3A_317 = arith.addi %mul3A_2, %add3A_311 : i32
        %lt3A_318 = arith.constant 6250 : i32
        %lt3A_319 = arith.cmpi slt, %add3A_317, %lt3A_318 : i32
        %and3A_320 = arith.andi %and3A_316, %lt3A_319 : i1
        %convert_element_type3A_321 = arith.extui %and3A_320 : i1 to i32
        %cond3A_322 = arith.constant 0 : i32
        %cond3A_323 = arith.cmpi ne, %convert_element_type3A_321, %cond3A_322 : i32
        scf.if %cond3A_323 {
          %add3A_396 = arith.addi %mul3A_2, %add3A_311 : i32
          %mul3A_397 = arith.constant 128 : i32
          %mul3A_398 = arith.muli %add3A_396, %mul3A_397 : i32
          %dma_start3A = tpu.memref_slice %arg6[%mul3A_398] : memref<800000xi32, #tpu.memory_space<hbm>> -> memref<128xi32, #tpu.memory_space<hbm>>
          %dma_start3A_399 = tpu.memref_slice %arg6[%mul3A_398] : memref<800000xi32, #tpu.memory_space<hbm>> -> memref<128xi32, #tpu.memory_space<hbm>>
          tpu.enqueue_dma source(%dma_start3A_399 : memref<128xi32, #tpu.memory_space<hbm>>) target(%arg14 : memref<128xi32, #tpu.memory_space<vmem>>) target_semaphore(%arg28 : memref<!tpu.dma_semaphore, #tpu.memory_space<semaphore_mem>>)
          %dma_start3A_400 = tpu.memref_slice %arg7[%mul3A_398] : memref<800000xi32, #tpu.memory_space<hbm>> -> memref<128xi32, #tpu.memory_space<hbm>>
          %dma_start3A_401 = tpu.memref_slice %arg7[%mul3A_398] : memref<800000xi32, #tpu.memory_space<hbm>> -> memref<128xi32, #tpu.memory_space<hbm>>
          tpu.enqueue_dma source(%dma_start3A_401 : memref<128xi32, #tpu.memory_space<hbm>>) target(%arg16 : memref<128xi32, #tpu.memory_space<vmem>>) target_semaphore(%arg28 : memref<!tpu.dma_semaphore, #tpu.memory_space<semaphore_mem>>)
          %mul3A_402 = arith.constant 128 : i32
          %mul3A_403 = arith.muli %add3A_396, %mul3A_402 : i32
          %mul3A_404 = arith.constant 32 : i32
          %mul3A_405 = arith.muli %mul3A_403, %mul3A_404 : i32
          %dma_start3A_406 = tpu.memref_slice %arg2[%mul3A_405] : memref<25600000xf32, #tpu.memory_space<hbm>> -> memref<4096xf32, #tpu.memory_space<hbm>>
          %dma_start3A_407 = tpu.memref_slice %arg2[%mul3A_405] : memref<25600000xf32, #tpu.memory_space<hbm>> -> memref<4096xf32, #tpu.memory_space<hbm>>
          tpu.enqueue_dma source(%dma_start3A_407 : memref<4096xf32, #tpu.memory_space<hbm>>) target(%arg20 : memref<4096xf32, #tpu.memory_space<vmem>>) target_semaphore(%arg28 : memref<!tpu.dma_semaphore, #tpu.memory_space<semaphore_mem>>)
        } else {
        }
        %mul3A_324 = arith.constant 4 : i32
        %mul3A_325 = arith.muli %scan3A_109, %mul3A_324 : i32
        %add3A_326 = arith.constant 3 : i32
        %add3A_327 = arith.addi %mul3A_325, %add3A_326 : i32
        %add3A_328 = arith.constant 1 : i32
        %add3A_329 = arith.addi %add3A_327, %add3A_328 : i32
        %ge3A_330 = arith.constant 0 : i32
        %ge3A_331 = arith.cmpi sge, %add3A_329, %ge3A_330 : i32
        %lt3A_332 = arith.constant 391 : i32
        %lt3A_333 = arith.cmpi slt, %add3A_329, %lt3A_332 : i32
        %and3A_334 = arith.andi %ge3A_331, %lt3A_333 : i1
        %add3A_335 = arith.addi %mul3A_2, %add3A_329 : i32
        %lt3A_336 = arith.constant 6250 : i32
        %lt3A_337 = arith.cmpi slt, %add3A_335, %lt3A_336 : i32
        %and3A_338 = arith.andi %and3A_334, %lt3A_337 : i1
        %convert_element_type3A_339 = arith.extui %and3A_338 : i1 to i32
        %cond3A_340 = arith.constant 0 : i32
        %cond3A_341 = arith.cmpi ne, %convert_element_type3A_339, %cond3A_340 : i32
        scf.if %cond3A_341 {
          %add3A_396 = arith.addi %mul3A_2, %add3A_329 : i32
          %mul3A_397 = arith.constant 128 : i32
          %mul3A_398 = arith.muli %add3A_396, %mul3A_397 : i32
          %dma_wait3A = tpu.memref_slice %arg6[%mul3A_398] : memref<800000xi32, #tpu.memory_space<hbm>> -> memref<128xi32, #tpu.memory_space<hbm>>
          %dma_wait3A_399 = tpu.memref_slice %arg6[%mul3A_398] : memref<800000xi32, #tpu.memory_space<hbm>> -> memref<128xi32, #tpu.memory_space<hbm>>
          tpu.wait_dma2 semaphore(%arg28 : memref<!tpu.dma_semaphore, #tpu.memory_space<semaphore_mem>>) src(%dma_wait3A_399 : memref<128xi32, #tpu.memory_space<hbm>>) dst(%arg14 : memref<128xi32, #tpu.memory_space<vmem>>)
          %dma_wait3A_400 = tpu.memref_slice %arg7[%mul3A_398] : memref<800000xi32, #tpu.memory_space<hbm>> -> memref<128xi32, #tpu.memory_space<hbm>>
          %dma_wait3A_401 = tpu.memref_slice %arg7[%mul3A_398] : memref<800000xi32, #tpu.memory_space<hbm>> -> memref<128xi32, #tpu.memory_space<hbm>>
          tpu.wait_dma2 semaphore(%arg28 : memref<!tpu.dma_semaphore, #tpu.memory_space<semaphore_mem>>) src(%dma_wait3A_401 : memref<128xi32, #tpu.memory_space<hbm>>) dst(%arg16 : memref<128xi32, #tpu.memory_space<vmem>>)
          %dma_wait3A_402 = arith.constant 0 : i32
          %dma_wait3A_403 = tpu.memref_slice %arg2[%dma_wait3A_402] : memref<25600000xf32, #tpu.memory_space<hbm>> -> memref<4096xf32, #tpu.memory_space<hbm>>
          %dma_wait3A_404 = arith.constant 0 : i32
          %dma_wait3A_405 = tpu.memref_slice %arg2[%dma_wait3A_404] : memref<25600000xf32, #tpu.memory_space<hbm>> -> memref<4096xf32, #tpu.memory_space<hbm>>
          tpu.wait_dma2 semaphore(%arg28 : memref<!tpu.dma_semaphore, #tpu.memory_space<semaphore_mem>>) src(%dma_wait3A_405 : memref<4096xf32, #tpu.memory_space<hbm>>) dst(%arg20 : memref<4096xf32, #tpu.memory_space<vmem>>)
        } else {
        }
        %add3A_342 = arith.constant 1 : i32
        %add3A_343 = arith.addi %add3A_327, %add3A_342 : i32
        %ge3A_344 = arith.constant 0 : i32
        %ge3A_345 = arith.cmpi sge, %add3A_343, %ge3A_344 : i32
        %lt3A_346 = arith.constant 391 : i32
        %lt3A_347 = arith.cmpi slt, %add3A_343, %lt3A_346 : i32
        %and3A_348 = arith.andi %ge3A_345, %lt3A_347 : i1
        %add3A_349 = arith.addi %mul3A_2, %add3A_343 : i32
        %lt3A_350 = arith.constant 6250 : i32
        %lt3A_351 = arith.cmpi slt, %add3A_349, %lt3A_350 : i32
        %and3A_352 = arith.andi %and3A_348, %lt3A_351 : i1
        %convert_element_type3A_353 = arith.extui %and3A_352 : i1 to i32
        %cond3A_354 = arith.constant 0 : i32
        %cond3A_355 = arith.cmpi ne, %convert_element_type3A_353, %cond3A_354 : i32
        scf.if %cond3A_355 {
          %dma_start3A = arith.constant 0 : i32
          %dma_start3A_396 = arith.constant 0 : i32
          %dma_start3A_397 = tpu.memref_slice %arg4[%dma_start3A, %dma_start3A_396] : memref<50048x32xf32, #tpu.memory_space<hbm>> -> memref<50048x32xf32, #tpu.memory_space<hbm>>
          tpu.enqueue_indirect_dma source(%dma_start3A_397 : memref<50048x32xf32, #tpu.memory_space<hbm>>) target(%arg22 : memref<128x32xf32, #tpu.memory_space<vmem>>) offsets(%arg14 : memref<128xi32, #tpu.memory_space<vmem>>) semaphore(%arg30 : memref<!tpu.dma_semaphore, #tpu.memory_space<semaphore_mem>>)
        } else {
        }
        %sub3A_356 = arith.constant 2 : i32
        %sub3A_357 = arith.subi %add3A_327, %sub3A_356 : i32
        %ge3A_358 = arith.constant 0 : i32
        %ge3A_359 = arith.cmpi sge, %sub3A_357, %ge3A_358 : i32
        %lt3A_360 = arith.constant 391 : i32
        %lt3A_361 = arith.cmpi slt, %sub3A_357, %lt3A_360 : i32
        %and3A_362 = arith.andi %ge3A_359, %lt3A_361 : i1
        %add3A_363 = arith.addi %mul3A_2, %sub3A_357 : i32
        %lt3A_364 = arith.constant 6250 : i32
        %lt3A_365 = arith.cmpi slt, %add3A_363, %lt3A_364 : i32
        %and3A_366 = arith.andi %and3A_362, %lt3A_365 : i1
        %convert_element_type3A_367 = arith.extui %and3A_366 : i1 to i32
        %cond3A_368 = arith.constant 0 : i32
        %cond3A_369 = arith.cmpi ne, %convert_element_type3A_367, %cond3A_368 : i32
        scf.if %cond3A_369 {
          %dma_wait3A = arith.constant 0 : i32
          %dma_wait3A_396 = arith.constant 0 : i32
          %dma_wait3A_397 = tpu.memref_slice %arg27[%dma_wait3A, %dma_wait3A_396] : memref<50048x32xf32, #tpu.memory_space<vmem_shared>> -> memref<50048x32xf32, #tpu.memory_space<vmem_shared>>
          tpu.wait_indirect_dma semaphore(%arg33 : memref<!tpu.dma_semaphore, #tpu.memory_space<semaphore_mem>>) src(%arg25 : memref<128x32xf32, #tpu.memory_space<vmem>>) dst(%dma_wait3A_397 : memref<50048x32xf32, #tpu.memory_space<vmem_shared>>)
        } else {
        }
        %ge3A_370 = arith.constant 0 : i32
        %ge3A_371 = arith.cmpi sge, %add3A_327, %ge3A_370 : i32
        %lt3A_372 = arith.constant 391 : i32
        %lt3A_373 = arith.cmpi slt, %add3A_327, %lt3A_372 : i32
        %and3A_374 = arith.andi %ge3A_371, %lt3A_373 : i1
        %add3A_375 = arith.addi %mul3A_2, %add3A_327 : i32
        %lt3A_376 = arith.constant 6250 : i32
        %lt3A_377 = arith.cmpi slt, %add3A_375, %lt3A_376 : i32
        %and3A_378 = arith.andi %and3A_374, %lt3A_377 : i1
        %convert_element_type3A_379 = arith.extui %and3A_378 : i1 to i32
        %cond3A_380 = arith.constant 0 : i32
        %cond3A_381 = arith.cmpi ne, %convert_element_type3A_379, %cond3A_380 : i32
        scf.if %cond3A_381 {
          %dma_wait3A = arith.constant 0 : i32
          %dma_wait3A_396 = arith.constant 0 : i32
          %dma_wait3A_397 = tpu.memref_slice %arg4[%dma_wait3A, %dma_wait3A_396] : memref<50048x32xf32, #tpu.memory_space<hbm>> -> memref<50048x32xf32, #tpu.memory_space<hbm>>
          tpu.wait_indirect_dma semaphore(%arg31 : memref<!tpu.dma_semaphore, #tpu.memory_space<semaphore_mem>>) src(%dma_wait3A_397 : memref<50048x32xf32, #tpu.memory_space<hbm>>) dst(%arg23 : memref<128x32xf32, #tpu.memory_space<vmem>>)
          %scan3A_398 = arith.constant 0 : i32
          %scan3A_399 = arith.constant 0 : i32
          %scan3A_400 = arith.constant 32 : i32
          %scan3A_401 = arith.addi %scan3A_399, %scan3A_400 : i32
          %scan3A_402 = arith.constant 1 : i32
          scf.for %scan3A_406 = %scan3A_399 to %scan3A_401 step %scan3A_402  : i32 {
            %mul3A_407 = arith.constant 4 : i32
            %mul3A_408 = arith.muli %scan3A_406, %mul3A_407 : i32
            %add3A_409 = arith.constant 0 : i32
            %add3A_410 = arith.addi %mul3A_408, %add3A_409 : i32
            %mul3A_411 = arith.constant 128 : i32
            %mul3A_412 = arith.muli %scan3A_406, %mul3A_411 : i32
            %add3A_413 = arith.constant 0 : i32
            %add3A_414 = arith.addi %mul3A_412, %add3A_413 : i32
            %add3A_415 = arith.constant 0 : i32
            %add3A_416 = arith.addi %add3A_414, %add3A_415 : i32
            %get3A = arith.index_cast %add3A_416 : i32 to index
            %get3A_417 = tpu.vector_load %arg21[%get3A] {strides = array<i32>} : memref<4096xf32, #tpu.memory_space<vmem>>, vector<16xf32>,
            %get3A_418 = vector.shape_cast %get3A_417 : vector<16xf32> to vector<16xf32>
            %get3A_419 = arith.index_cast %add3A_410 : i32 to index
            %get3A_420 = arith.constant 0 : index
            %get3A_421 = tpu.vector_load %arg23[%get3A_419, %get3A_420] {strides = array<i32>} : memref<128x32xf32, #tpu.memory_space<vmem>>, vector<1x16xf32>,
            %get3A_422 = vector.shape_cast %get3A_421 : vector<1x16xf32> to vector<16xf32>
            %add3A_423 = arith.addf %get3A_418, %get3A_422 : vector<16xf32>
            %max3A = arith.constant 0.000000e+00 : f32
            %max3A_424 = vector.broadcast %max3A : f32 to vector<16xf32>
            %max3A_425 = arith.maximumf %add3A_423, %max3A_424 : vector<16xf32>
            %swap3A = arith.index_cast %add3A_410 : i32 to index
            %swap3A_426 = arith.constant 0 : index
            %swap3A_427 = tpu.vector_load %arg25[%swap3A, %swap3A_426] {strides = array<i32>} : memref<128x32xf32, #tpu.memory_space<vmem>>, vector<1x16xf32>,
            %swap3A_428 = vector.shape_cast %swap3A_427 : vector<1x16xf32> to vector<16xf32>
            %swap3A_429 = vector.shape_cast %max3A_425 : vector<16xf32> to vector<1x16xf32>
            tpu.vector_store %arg25[%swap3A, %swap3A_426], %swap3A_429 {strides = array<i32>} : memref<128x32xf32, #tpu.memory_space<vmem>>, vector<1x16xf32>,
            %mul3A_430 = arith.constant 128 : i32
            %mul3A_431 = arith.muli %scan3A_406, %mul3A_430 : i32
            %add3A_432 = arith.constant 0 : i32
            %add3A_433 = arith.addi %mul3A_431, %add3A_432 : i32
            %add3A_434 = arith.constant 16 : i32
            %add3A_435 = arith.addi %add3A_433, %add3A_434 : i32
            %get3A_436 = arith.index_cast %add3A_435 : i32 to index
            %get3A_437 = tpu.vector_load %arg21[%get3A_436] {strides = array<i32>} : memref<4096xf32, #tpu.memory_space<vmem>>, vector<16xf32>,
            %get3A_438 = vector.shape_cast %get3A_437 : vector<16xf32> to vector<16xf32>
            %get3A_439 = arith.index_cast %add3A_410 : i32 to index
            %get3A_440 = arith.constant 16 : index
            %get3A_441 = tpu.vector_load %arg23[%get3A_439, %get3A_440] {strides = array<i32>} : memref<128x32xf32, #tpu.memory_space<vmem>>, vector<1x16xf32>,
            %get3A_442 = vector.shape_cast %get3A_441 : vector<1x16xf32> to vector<16xf32>
            %add3A_443 = arith.addf %get3A_438, %get3A_442 : vector<16xf32>
            %max3A_444 = arith.constant 0.000000e+00 : f32
            %max3A_445 = vector.broadcast %max3A_444 : f32 to vector<16xf32>
            %max3A_446 = arith.maximumf %add3A_443, %max3A_445 : vector<16xf32>
            %swap3A_447 = arith.index_cast %add3A_410 : i32 to index
            %swap3A_448 = arith.constant 16 : index
            %swap3A_449 = tpu.vector_load %arg25[%swap3A_447, %swap3A_448] {strides = array<i32>} : memref<128x32xf32, #tpu.memory_space<vmem>>, vector<1x16xf32>,
            %swap3A_450 = vector.shape_cast %swap3A_449 : vector<1x16xf32> to vector<16xf32>
            %swap3A_451 = vector.shape_cast %max3A_446 : vector<16xf32> to vector<1x16xf32>
            tpu.vector_store %arg25[%swap3A_447, %swap3A_448], %swap3A_451 {strides = array<i32>} : memref<128x32xf32, #tpu.memory_space<vmem>>, vector<1x16xf32>,
            %mul3A_452 = arith.constant 4 : i32
            %mul3A_453 = arith.muli %scan3A_406, %mul3A_452 : i32
            %add3A_454 = arith.constant 1 : i32
            %add3A_455 = arith.addi %mul3A_453, %add3A_454 : i32
            %mul3A_456 = arith.constant 128 : i32
            %mul3A_457 = arith.muli %scan3A_406, %mul3A_456 : i32
            %add3A_458 = arith.constant 32 : i32
            %add3A_459 = arith.addi %mul3A_457, %add3A_458 : i32
            %add3A_460 = arith.constant 0 : i32
            %add3A_461 = arith.addi %add3A_459, %add3A_460 : i32
            %get3A_462 = arith.index_cast %add3A_461 : i32 to index
            %get3A_463 = tpu.vector_load %arg21[%get3A_462] {strides = array<i32>} : memref<4096xf32, #tpu.memory_space<vmem>>, vector<16xf32>,
            %get3A_464 = vector.shape_cast %get3A_463 : vector<16xf32> to vector<16xf32>
            %get3A_465 = arith.index_cast %add3A_455 : i32 to index
            %get3A_466 = arith.constant 0 : index
            %get3A_467 = tpu.vector_load %arg23[%get3A_465, %get3A_466] {strides = array<i32>} : memref<128x32xf32, #tpu.memory_space<vmem>>, vector<1x16xf32>,
            %get3A_468 = vector.shape_cast %get3A_467 : vector<1x16xf32> to vector<16xf32>
            %add3A_469 = arith.addf %get3A_464, %get3A_468 : vector<16xf32>
            %max3A_470 = arith.constant 0.000000e+00 : f32
            %max3A_471 = vector.broadcast %max3A_470 : f32 to vector<16xf32>
            %max3A_472 = arith.maximumf %add3A_469, %max3A_471 : vector<16xf32>
            %swap3A_473 = arith.index_cast %add3A_455 : i32 to index
            %swap3A_474 = arith.constant 0 : index
            %swap3A_475 = tpu.vector_load %arg25[%swap3A_473, %swap3A_474] {strides = array<i32>} : memref<128x32xf32, #tpu.memory_space<vmem>>, vector<1x16xf32>,
            %swap3A_476 = vector.shape_cast %swap3A_475 : vector<1x16xf32> to vector<16xf32>
            %swap3A_477 = vector.shape_cast %max3A_472 : vector<16xf32> to vector<1x16xf32>
            tpu.vector_store %arg25[%swap3A_473, %swap3A_474], %swap3A_477 {strides = array<i32>} : memref<128x32xf32, #tpu.memory_space<vmem>>, vector<1x16xf32>,
            %mul3A_478 = arith.constant 128 : i32
            %mul3A_479 = arith.muli %scan3A_406, %mul3A_478 : i32
            %add3A_480 = arith.constant 32 : i32
            %add3A_481 = arith.addi %mul3A_479, %add3A_480 : i32
            %add3A_482 = arith.constant 16 : i32
            %add3A_483 = arith.addi %add3A_481, %add3A_482 : i32
            %get3A_484 = arith.index_cast %add3A_483 : i32 to index
            %get3A_485 = tpu.vector_load %arg21[%get3A_484] {strides = array<i32>} : memref<4096xf32, #tpu.memory_space<vmem>>, vector<16xf32>,
            %get3A_486 = vector.shape_cast %get3A_485 : vector<16xf32> to vector<16xf32>
            %get3A_487 = arith.index_cast %add3A_455 : i32 to index
            %get3A_488 = arith.constant 16 : index
            %get3A_489 = tpu.vector_load %arg23[%get3A_487, %get3A_488] {strides = array<i32>} : memref<128x32xf32, #tpu.memory_space<vmem>>, vector<1x16xf32>,
            %get3A_490 = vector.shape_cast %get3A_489 : vector<1x16xf32> to vector<16xf32>
            %add3A_491 = arith.addf %get3A_486, %get3A_490 : vector<16xf32>
            %max3A_492 = arith.constant 0.000000e+00 : f32
            %max3A_493 = vector.broadcast %max3A_492 : f32 to vector<16xf32>
            %max3A_494 = arith.maximumf %add3A_491, %max3A_493 : vector<16xf32>
            %swap3A_495 = arith.index_cast %add3A_455 : i32 to index
            %swap3A_496 = arith.constant 16 : index
            %swap3A_497 = tpu.vector_load %arg25[%swap3A_495, %swap3A_496] {strides = array<i32>} : memref<128x32xf32, #tpu.memory_space<vmem>>, vector<1x16xf32>,
            %swap3A_498 = vector.shape_cast %swap3A_497 : vector<1x16xf32> to vector<16xf32>
            %swap3A_499 = vector.shape_cast %max3A_494 : vector<16xf32> to vector<1x16xf32>
            tpu.vector_store %arg25[%swap3A_495, %swap3A_496], %swap3A_499 {strides = array<i32>} : memref<128x32xf32, #tpu.memory_space<vmem>>, vector<1x16xf32>,
            %mul3A_500 = arith.constant 4 : i32
            %mul3A_501 = arith.muli %scan3A_406, %mul3A_500 : i32
            %add3A_502 = arith.constant 2 : i32
            %add3A_503 = arith.addi %mul3A_501, %add3A_502 : i32
            %mul3A_504 = arith.constant 128 : i32
            %mul3A_505 = arith.muli %scan3A_406, %mul3A_504 : i32
            %add3A_506 = arith.constant 64 : i32
            %add3A_507 = arith.addi %mul3A_505, %add3A_506 : i32
            %add3A_508 = arith.constant 0 : i32
            %add3A_509 = arith.addi %add3A_507, %add3A_508 : i32
            %get3A_510 = arith.index_cast %add3A_509 : i32 to index
            %get3A_511 = tpu.vector_load %arg21[%get3A_510] {strides = array<i32>} : memref<4096xf32, #tpu.memory_space<vmem>>, vector<16xf32>,
            %get3A_512 = vector.shape_cast %get3A_511 : vector<16xf32> to vector<16xf32>
            %get3A_513 = arith.index_cast %add3A_503 : i32 to index
            %get3A_514 = arith.constant 0 : index
            %get3A_515 = tpu.vector_load %arg23[%get3A_513, %get3A_514] {strides = array<i32>} : memref<128x32xf32, #tpu.memory_space<vmem>>, vector<1x16xf32>,
            %get3A_516 = vector.shape_cast %get3A_515 : vector<1x16xf32> to vector<16xf32>
            %add3A_517 = arith.addf %get3A_512, %get3A_516 : vector<16xf32>
            %max3A_518 = arith.constant 0.000000e+00 : f32
            %max3A_519 = vector.broadcast %max3A_518 : f32 to vector<16xf32>
            %max3A_520 = arith.maximumf %add3A_517, %max3A_519 : vector<16xf32>
            %swap3A_521 = arith.index_cast %add3A_503 : i32 to index
            %swap3A_522 = arith.constant 0 : index
            %swap3A_523 = tpu.vector_load %arg25[%swap3A_521, %swap3A_522] {strides = array<i32>} : memref<128x32xf32, #tpu.memory_space<vmem>>, vector<1x16xf32>,
            %swap3A_524 = vector.shape_cast %swap3A_523 : vector<1x16xf32> to vector<16xf32>
            %swap3A_525 = vector.shape_cast %max3A_520 : vector<16xf32> to vector<1x16xf32>
            tpu.vector_store %arg25[%swap3A_521, %swap3A_522], %swap3A_525 {strides = array<i32>} : memref<128x32xf32, #tpu.memory_space<vmem>>, vector<1x16xf32>,
            %mul3A_526 = arith.constant 128 : i32
            %mul3A_527 = arith.muli %scan3A_406, %mul3A_526 : i32
            %add3A_528 = arith.constant 64 : i32
            %add3A_529 = arith.addi %mul3A_527, %add3A_528 : i32
            %add3A_530 = arith.constant 16 : i32
            %add3A_531 = arith.addi %add3A_529, %add3A_530 : i32
            %get3A_532 = arith.index_cast %add3A_531 : i32 to index
            %get3A_533 = tpu.vector_load %arg21[%get3A_532] {strides = array<i32>} : memref<4096xf32, #tpu.memory_space<vmem>>, vector<16xf32>,
            %get3A_534 = vector.shape_cast %get3A_533 : vector<16xf32> to vector<16xf32>
            %get3A_535 = arith.index_cast %add3A_503 : i32 to index
            %get3A_536 = arith.constant 16 : index
            %get3A_537 = tpu.vector_load %arg23[%get3A_535, %get3A_536] {strides = array<i32>} : memref<128x32xf32, #tpu.memory_space<vmem>>, vector<1x16xf32>,
            %get3A_538 = vector.shape_cast %get3A_537 : vector<1x16xf32> to vector<16xf32>
            %add3A_539 = arith.addf %get3A_534, %get3A_538 : vector<16xf32>
            %max3A_540 = arith.constant 0.000000e+00 : f32
            %max3A_541 = vector.broadcast %max3A_540 : f32 to vector<16xf32>
            %max3A_542 = arith.maximumf %add3A_539, %max3A_541 : vector<16xf32>
            %swap3A_543 = arith.index_cast %add3A_503 : i32 to index
            %swap3A_544 = arith.constant 16 : index
            %swap3A_545 = tpu.vector_load %arg25[%swap3A_543, %swap3A_544] {strides = array<i32>} : memref<128x32xf32, #tpu.memory_space<vmem>>, vector<1x16xf32>,
            %swap3A_546 = vector.shape_cast %swap3A_545 : vector<1x16xf32> to vector<16xf32>
            %swap3A_547 = vector.shape_cast %max3A_542 : vector<16xf32> to vector<1x16xf32>
            tpu.vector_store %arg25[%swap3A_543, %swap3A_544], %swap3A_547 {strides = array<i32>} : memref<128x32xf32, #tpu.memory_space<vmem>>, vector<1x16xf32>,
            %mul3A_548 = arith.constant 4 : i32
            %mul3A_549 = arith.muli %scan3A_406, %mul3A_548 : i32
            %add3A_550 = arith.constant 3 : i32
            %add3A_551 = arith.addi %mul3A_549, %add3A_550 : i32
            %mul3A_552 = arith.constant 128 : i32
            %mul3A_553 = arith.muli %scan3A_406, %mul3A_552 : i32
            %add3A_554 = arith.constant 96 : i32
            %add3A_555 = arith.addi %mul3A_553, %add3A_554 : i32
            %add3A_556 = arith.constant 0 : i32
            %add3A_557 = arith.addi %add3A_555, %add3A_556 : i32
            %get3A_558 = arith.index_cast %add3A_557 : i32 to index
            %get3A_559 = tpu.vector_load %arg21[%get3A_558] {strides = array<i32>} : memref<4096xf32, #tpu.memory_space<vmem>>, vector<16xf32>,
            %get3A_560 = vector.shape_cast %get3A_559 : vector<16xf32> to vector<16xf32>
            %get3A_561 = arith.index_cast %add3A_551 : i32 to index
            %get3A_562 = arith.constant 0 : index
            %get3A_563 = tpu.vector_load %arg23[%get3A_561, %get3A_562] {strides = array<i32>} : memref<128x32xf32, #tpu.memory_space<vmem>>, vector<1x16xf32>,
            %get3A_564 = vector.shape_cast %get3A_563 : vector<1x16xf32> to vector<16xf32>
            %add3A_565 = arith.addf %get3A_560, %get3A_564 : vector<16xf32>
            %max3A_566 = arith.constant 0.000000e+00 : f32
            %max3A_567 = vector.broadcast %max3A_566 : f32 to vector<16xf32>
            %max3A_568 = arith.maximumf %add3A_565, %max3A_567 : vector<16xf32>
            %swap3A_569 = arith.index_cast %add3A_551 : i32 to index
            %swap3A_570 = arith.constant 0 : index
            %swap3A_571 = tpu.vector_load %arg25[%swap3A_569, %swap3A_570] {strides = array<i32>} : memref<128x32xf32, #tpu.memory_space<vmem>>, vector<1x16xf32>,
            %swap3A_572 = vector.shape_cast %swap3A_571 : vector<1x16xf32> to vector<16xf32>
            %swap3A_573 = vector.shape_cast %max3A_568 : vector<16xf32> to vector<1x16xf32>
            tpu.vector_store %arg25[%swap3A_569, %swap3A_570], %swap3A_573 {strides = array<i32>} : memref<128x32xf32, #tpu.memory_space<vmem>>, vector<1x16xf32>,
            %mul3A_574 = arith.constant 128 : i32
            %mul3A_575 = arith.muli %scan3A_406, %mul3A_574 : i32
            %add3A_576 = arith.constant 96 : i32
            %add3A_577 = arith.addi %mul3A_575, %add3A_576 : i32
            %add3A_578 = arith.constant 16 : i32
            %add3A_579 = arith.addi %add3A_577, %add3A_578 : i32
            %get3A_580 = arith.index_cast %add3A_579 : i32 to index
            %get3A_581 = tpu.vector_load %arg21[%get3A_580] {strides = array<i32>} : memref<4096xf32, #tpu.memory_space<vmem>>, vector<16xf32>,
            %get3A_582 = vector.shape_cast %get3A_581 : vector<16xf32> to vector<16xf32>
            %get3A_583 = arith.index_cast %add3A_551 : i32 to index
            %get3A_584 = arith.constant 16 : index
            %get3A_585 = tpu.vector_load %arg23[%get3A_583, %get3A_584] {strides = array<i32>} : memref<128x32xf32, #tpu.memory_space<vmem>>, vector<1x16xf32>,
            %get3A_586 = vector.shape_cast %get3A_585 : vector<1x16xf32> to vector<16xf32>
            %add3A_587 = arith.addf %get3A_582, %get3A_586 : vector<16xf32>
            %max3A_588 = arith.constant 0.000000e+00 : f32
            %max3A_589 = vector.broadcast %max3A_588 : f32 to vector<16xf32>
            %max3A_590 = arith.maximumf %add3A_587, %max3A_589 : vector<16xf32>
            %swap3A_591 = arith.index_cast %add3A_551 : i32 to index
            %swap3A_592 = arith.constant 16 : index
            %swap3A_593 = tpu.vector_load %arg25[%swap3A_591, %swap3A_592] {strides = array<i32>} : memref<128x32xf32, #tpu.memory_space<vmem>>, vector<1x16xf32>,
            %swap3A_594 = vector.shape_cast %swap3A_593 : vector<1x16xf32> to vector<16xf32>
            %swap3A_595 = vector.shape_cast %max3A_590 : vector<16xf32> to vector<1x16xf32>
            tpu.vector_store %arg25[%swap3A_591, %swap3A_592], %swap3A_595 {strides = array<i32>} : memref<128x32xf32, #tpu.memory_space<vmem>>, vector<1x16xf32>,
          }
          %scan3A_403 = arith.constant 32 : i32
          %dma_start3A = arith.constant 0 : i32
          %dma_start3A_404 = arith.constant 0 : i32
          %dma_start3A_405 = tpu.memref_slice %arg27[%dma_start3A, %dma_start3A_404] : memref<50048x32xf32, #tpu.memory_space<vmem_shared>> -> memref<50048x32xf32, #tpu.memory_space<vmem_shared>>
          tpu.enqueue_indirect_dma source(%arg25 : memref<128x32xf32, #tpu.memory_space<vmem>>) target(%dma_start3A_405 : memref<50048x32xf32, #tpu.memory_space<vmem_shared>>) offsets(%arg19 : memref<128xi32, #tpu.memory_space<vmem>>) semaphore(%arg33 : memref<!tpu.dma_semaphore, #tpu.memory_space<semaphore_mem>>) {add = true}
        } else {
        }
        %add3A_382 = arith.constant 2 : i32
        %add3A_383 = arith.addi %add3A_327, %add3A_382 : i32
        %ge3A_384 = arith.constant 0 : i32
        %ge3A_385 = arith.cmpi sge, %add3A_383, %ge3A_384 : i32
        %lt3A_386 = arith.constant 391 : i32
        %lt3A_387 = arith.cmpi slt, %add3A_383, %lt3A_386 : i32
        %and3A_388 = arith.andi %ge3A_385, %lt3A_387 : i1
        %add3A_389 = arith.addi %mul3A_2, %add3A_383 : i32
        %lt3A_390 = arith.constant 6250 : i32
        %lt3A_391 = arith.cmpi slt, %add3A_389, %lt3A_390 : i32
        %and3A_392 = arith.andi %and3A_388, %lt3A_391 : i1
        %convert_element_type3A_393 = arith.extui %and3A_392 : i1 to i32
        %cond3A_394 = arith.constant 0 : i32
        %cond3A_395 = arith.cmpi ne, %convert_element_type3A_393, %cond3A_394 : i32
        scf.if %cond3A_395 {
          %add3A_396 = arith.addi %mul3A_2, %add3A_383 : i32
          %mul3A_397 = arith.constant 128 : i32
          %mul3A_398 = arith.muli %add3A_396, %mul3A_397 : i32
          %dma_start3A = tpu.memref_slice %arg6[%mul3A_398] : memref<800000xi32, #tpu.memory_space<hbm>> -> memref<128xi32, #tpu.memory_space<hbm>>
          %dma_start3A_399 = tpu.memref_slice %arg6[%mul3A_398] : memref<800000xi32, #tpu.memory_space<hbm>> -> memref<128xi32, #tpu.memory_space<hbm>>
          tpu.enqueue_dma source(%dma_start3A_399 : memref<128xi32, #tpu.memory_space<hbm>>) target(%arg15 : memref<128xi32, #tpu.memory_space<vmem>>) target_semaphore(%arg29 : memref<!tpu.dma_semaphore, #tpu.memory_space<semaphore_mem>>)
          %dma_start3A_400 = tpu.memref_slice %arg7[%mul3A_398] : memref<800000xi32, #tpu.memory_space<hbm>> -> memref<128xi32, #tpu.memory_space<hbm>>
          %dma_start3A_401 = tpu.memref_slice %arg7[%mul3A_398] : memref<800000xi32, #tpu.memory_space<hbm>> -> memref<128xi32, #tpu.memory_space<hbm>>
          tpu.enqueue_dma source(%dma_start3A_401 : memref<128xi32, #tpu.memory_space<hbm>>) target(%arg17 : memref<128xi32, #tpu.memory_space<vmem>>) target_semaphore(%arg29 : memref<!tpu.dma_semaphore, #tpu.memory_space<semaphore_mem>>)
          %mul3A_402 = arith.constant 128 : i32
          %mul3A_403 = arith.muli %add3A_396, %mul3A_402 : i32
          %mul3A_404 = arith.constant 32 : i32
          %mul3A_405 = arith.muli %mul3A_403, %mul3A_404 : i32
          %dma_start3A_406 = tpu.memref_slice %arg2[%mul3A_405] : memref<25600000xf32, #tpu.memory_space<hbm>> -> memref<4096xf32, #tpu.memory_space<hbm>>
          %dma_start3A_407 = tpu.memref_slice %arg2[%mul3A_405] : memref<25600000xf32, #tpu.memory_space<hbm>> -> memref<4096xf32, #tpu.memory_space<hbm>>
          tpu.enqueue_dma source(%dma_start3A_407 : memref<4096xf32, #tpu.memory_space<hbm>>) target(%arg21 : memref<4096xf32, #tpu.memory_space<vmem>>) target_semaphore(%arg29 : memref<!tpu.dma_semaphore, #tpu.memory_space<semaphore_mem>>)
        } else {
        }
      }
      %scan3A_55 = arith.constant 98 : i32
      %and3A_56 = arith.constant true
      %and3A_57 = arith.constant true
      %and3A_58 = arith.andi %and3A_56, %and3A_57 : i1
      %add3A_59 = arith.constant 390 : i32
      %add3A_60 = arith.addi %mul3A_2, %add3A_59 : i32
      %lt3A_61 = arith.constant 6250 : i32
      %lt3A_62 = arith.cmpi slt, %add3A_60, %lt3A_61 : i32
      %and3A_63 = arith.andi %and3A_58, %lt3A_62 : i1
      %convert_element_type3A_64 = arith.extui %and3A_63 : i1 to i32
      %cond3A_65 = arith.constant 0 : i32
      %cond3A_66 = arith.cmpi ne, %convert_element_type3A_64, %cond3A_65 : i32
      scf.if %cond3A_66 {
        %dma_wait3A = arith.constant 0 : i32
        %dma_wait3A_109 = arith.constant 0 : i32
        %dma_wait3A_110 = tpu.memref_slice %arg27[%dma_wait3A, %dma_wait3A_109] : memref<50048x32xf32, #tpu.memory_space<vmem_shared>> -> memref<50048x32xf32, #tpu.memory_space<vmem_shared>>
        tpu.wait_indirect_dma semaphore(%arg32 : memref<!tpu.dma_semaphore, #tpu.memory_space<semaphore_mem>>) src(%arg24 : memref<128x32xf32, #tpu.memory_space<vmem>>) dst(%dma_wait3A_110 : memref<50048x32xf32, #tpu.memory_space<vmem_shared>>)
      } else {
      }
      %and3A_67 = arith.constant true
      %and3A_68 = arith.constant false
      %and3A_69 = arith.andi %and3A_67, %and3A_68 : i1
      %add3A_70 = arith.constant 391 : i32
      %add3A_71 = arith.addi %mul3A_2, %add3A_70 : i32
      %lt3A_72 = arith.constant 6250 : i32
      %lt3A_73 = arith.cmpi slt, %add3A_71, %lt3A_72 : i32
      %and3A_74 = arith.andi %and3A_69, %lt3A_73 : i1
      %convert_element_type3A_75 = arith.extui %and3A_74 : i1 to i32
      %cond3A_76 = arith.constant 0 : i32
      %cond3A_77 = arith.cmpi ne, %convert_element_type3A_75, %cond3A_76 : i32
      scf.if %cond3A_77 {
        %dma_wait3A = arith.constant 0 : i32
        %dma_wait3A_109 = arith.constant 0 : i32
        %dma_wait3A_110 = tpu.memref_slice %arg27[%dma_wait3A, %dma_wait3A_109] : memref<50048x32xf32, #tpu.memory_space<vmem_shared>> -> memref<50048x32xf32, #tpu.memory_space<vmem_shared>>
        tpu.wait_indirect_dma semaphore(%arg33 : memref<!tpu.dma_semaphore, #tpu.memory_space<semaphore_mem>>) src(%arg25 : memref<128x32xf32, #tpu.memory_space<vmem>>) dst(%dma_wait3A_110 : memref<50048x32xf32, #tpu.memory_space<vmem_shared>>)
      } else {
      }
      %barrier3A_78 = arith.constant 0 : index
      tpu.barrier barrier_id(%barrier3A_78)
      "tpu.region"() ({
        %run_scoped3A = tpu.sem_alloc : memref<!tpu.dma_semaphore, #tpu.memory_space<semaphore_mem>>
        %dma_start3A = arith.constant 0 : i32
        %dma_start3A_109 = tpu.memref_slice %arg10[%mul3A_0, %dma_start3A] : memref<50048x32xf32, #tpu.memory_space<hbm>> -> memref<3128x32xf32, #tpu.memory_space<hbm>>
        %dma_start3A_110 = arith.constant 0 : i32
        %dma_start3A_111 = tpu.memref_slice %arg27[%mul3A_0, %dma_start3A_110] : memref<50048x32xf32, #tpu.memory_space<vmem_shared>> -> memref<3128x32xf32, #tpu.memory_space<vmem_shared>>
        tpu.enqueue_dma source(%dma_start3A_111 : memref<3128x32xf32, #tpu.memory_space<vmem_shared>>) target(%dma_start3A_109 : memref<3128x32xf32, #tpu.memory_space<hbm>>) target_semaphore(%run_scoped3A : memref<!tpu.dma_semaphore, #tpu.memory_space<semaphore_mem>>)
        %dma_wait3A = arith.constant 0 : i32
        %dma_wait3A_112 = tpu.memref_slice %arg10[%mul3A_0, %dma_wait3A] : memref<50048x32xf32, #tpu.memory_space<hbm>> -> memref<3128x32xf32, #tpu.memory_space<hbm>>
        %dma_wait3A_113 = arith.constant 0 : i32
        %dma_wait3A_114 = tpu.memref_slice %arg27[%mul3A_0, %dma_wait3A_113] : memref<50048x32xf32, #tpu.memory_space<vmem_shared>> -> memref<3128x32xf32, #tpu.memory_space<vmem_shared>>
        tpu.wait_dma2 semaphore(%run_scoped3A : memref<!tpu.dma_semaphore, #tpu.memory_space<semaphore_mem>>) src(%dma_wait3A_114 : memref<3128x32xf32, #tpu.memory_space<vmem_shared>>) dst(%dma_wait3A_112 : memref<3128x32xf32, #tpu.memory_space<hbm>>)
        tpu.yield
      }) : () -> ()
      "tpu.region"() ({
        %run_scoped3A = tpu.sem_alloc : memref<!tpu.dma_semaphore, #tpu.memory_space<semaphore_mem>>
        %dma_start3A = arith.constant 0 : i32
        %dma_start3A_109 = tpu.memref_slice %arg27[%mul3A_0, %dma_start3A] : memref<50048x32xf32, #tpu.memory_space<vmem_shared>> -> memref<3128x32xf32, #tpu.memory_space<vmem_shared>>
        %dma_start3A_110 = arith.constant 0 : i32
        %dma_start3A_111 = tpu.memref_slice %arg8[%mul3A_0, %dma_start3A_110] : memref<50048x32xf32, #tpu.memory_space<hbm>> -> memref<3128x32xf32, #tpu.memory_space<hbm>>
        tpu.enqueue_dma source(%dma_start3A_111 : memref<3128x32xf32, #tpu.memory_space<hbm>>) target(%dma_start3A_109 : memref<3128x32xf32, #tpu.memory_space<vmem_shared>>) target_semaphore(%run_scoped3A : memref<!tpu.dma_semaphore, #tpu.memory_space<semaphore_mem>>)
        %dma_wait3A = arith.constant 0 : i32
        %dma_wait3A_112 = tpu.memref_slice %arg27[%mul3A_0, %dma_wait3A] : memref<50048x32xf32, #tpu.memory_space<vmem_shared>> -> memref<3128x32xf32, #tpu.memory_space<vmem_shared>>
        %dma_wait3A_113 = arith.constant 0 : i32
        %dma_wait3A_114 = tpu.memref_slice %arg8[%mul3A_0, %dma_wait3A_113] : memref<50048x32xf32, #tpu.memory_space<hbm>> -> memref<3128x32xf32, #tpu.memory_space<hbm>>
        tpu.wait_dma2 semaphore(%run_scoped3A : memref<!tpu.dma_semaphore, #tpu.memory_space<semaphore_mem>>) src(%dma_wait3A_114 : memref<3128x32xf32, #tpu.memory_space<hbm>>) dst(%dma_wait3A_112 : memref<3128x32xf32, #tpu.memory_space<vmem_shared>>)
        tpu.yield
      }) : () -> ()
      "tpu.region"() ({
        %run_scoped3A = tpu.sem_alloc : memref<!tpu.dma_semaphore, #tpu.memory_space<semaphore_mem>>
        tpu.enqueue_dma source(%arg9 : memref<128x32xf32, #tpu.memory_space<hbm>>) target(%arg26 : memref<128x32xf32, #tpu.memory_space<vmem>>) target_semaphore(%run_scoped3A : memref<!tpu.dma_semaphore, #tpu.memory_space<semaphore_mem>>)
        tpu.wait_dma2 semaphore(%run_scoped3A : memref<!tpu.dma_semaphore, #tpu.memory_space<semaphore_mem>>) src(%arg9 : memref<128x32xf32, #tpu.memory_space<hbm>>) dst(%arg26 : memref<128x32xf32, #tpu.memory_space<vmem>>)
        tpu.yield
      }) : () -> ()
      %barrier3A_79 = arith.constant 0 : index
      tpu.barrier barrier_id(%barrier3A_79)
      %mul3A_80 = arith.constant 196 : i32
      %mul3A_81 = arith.muli %arg1, %mul3A_80 : i32
      %add3A_82 = arith.constant 0 : i32
      %add3A_83 = arith.addi %add3A_82, %mul3A_81 : i32
      %add3A_84 = arith.constant 0 : i32
      %add3A_85 = arith.addi %add3A_83, %add3A_84 : i32
      %lt3A_86 = arith.constant 3125 : i32
      %lt3A_87 = arith.cmpi slt, %add3A_85, %lt3A_86 : i32
      %and3A_88 = arith.constant true
      %and3A_89 = arith.andi %and3A_88, %lt3A_87 : i1
      %convert_element_type3A_90 = arith.extui %and3A_89 : i1 to i32
      %cond3A_91 = arith.constant 0 : i32
      %cond3A_92 = arith.cmpi ne, %convert_element_type3A_90, %cond3A_91 : i32
      scf.if %cond3A_92 {
        %add3A_109 = arith.constant 0 : i32
        %add3A_110 = arith.addi %add3A_83, %add3A_109 : i32
        %mul3A_111 = arith.constant 128 : i32
        %mul3A_112 = arith.muli %add3A_110, %mul3A_111 : i32
        %dma_start3A = tpu.memref_slice %arg7[%mul3A_112] : memref<800000xi32, #tpu.memory_space<hbm>> -> memref<128xi32, #tpu.memory_space<hbm>>
        %dma_start3A_113 = tpu.memref_slice %arg7[%mul3A_112] : memref<800000xi32, #tpu.memory_space<hbm>> -> memref<128xi32, #tpu.memory_space<hbm>>
        tpu.enqueue_dma source(%dma_start3A_113 : memref<128xi32, #tpu.memory_space<hbm>>) target(%arg16 : memref<128xi32, #tpu.memory_space<vmem>>) target_semaphore(%arg28 : memref<!tpu.dma_semaphore, #tpu.memory_space<semaphore_mem>>)
      } else {
      }
      %add3A_93 = arith.constant 1 : i32
      %add3A_94 = arith.addi %add3A_83, %add3A_93 : i32
      %lt3A_95 = arith.constant 3125 : i32
      %lt3A_96 = arith.cmpi slt, %add3A_94, %lt3A_95 : i32
      %and3A_97 = arith.constant true
      %and3A_98 = arith.andi %and3A_97, %lt3A_96 : i1
      %convert_element_type3A_99 = arith.extui %and3A_98 : i1 to i32
      %cond3A_100 = arith.constant 0 : i32
      %cond3A_101 = arith.cmpi ne, %convert_element_type3A_99, %cond3A_100 : i32
      scf.if %cond3A_101 {
        %add3A_109 = arith.constant 1 : i32
        %add3A_110 = arith.addi %add3A_83, %add3A_109 : i32
        %mul3A_111 = arith.constant 128 : i32
        %mul3A_112 = arith.muli %add3A_110, %mul3A_111 : i32
        %dma_start3A = tpu.memref_slice %arg7[%mul3A_112] : memref<800000xi32, #tpu.memory_space<hbm>> -> memref<128xi32, #tpu.memory_space<hbm>>
        %dma_start3A_113 = tpu.memref_slice %arg7[%mul3A_112] : memref<800000xi32, #tpu.memory_space<hbm>> -> memref<128xi32, #tpu.memory_space<hbm>>
        tpu.enqueue_dma source(%dma_start3A_113 : memref<128xi32, #tpu.memory_space<hbm>>) target(%arg17 : memref<128xi32, #tpu.memory_space<vmem>>) target_semaphore(%arg29 : memref<!tpu.dma_semaphore, #tpu.memory_space<semaphore_mem>>)
      } else {
      }
      %scan3A_102 = arith.constant 0 : i32
      %scan3A_103 = arith.constant 0 : i32
      %scan3A_104 = arith.constant 98 : i32
      %scan3A_105 = arith.addi %scan3A_103, %scan3A_104 : i32
      %scan3A_106 = arith.constant 1 : i32
      scf.for %scan3A_109 = %scan3A_103 to %scan3A_105 step %scan3A_106  : i32 {
        %mul3A_110 = arith.constant 2 : i32
        %mul3A_111 = arith.muli %scan3A_109, %mul3A_110 : i32
        %add3A_112 = arith.constant 0 : i32
        %add3A_113 = arith.addi %mul3A_111, %add3A_112 : i32
        %lt3A_114 = arith.constant 196 : i32
        %lt3A_115 = arith.cmpi slt, %add3A_113, %lt3A_114 : i32
        %add3A_116 = arith.addi %add3A_83, %add3A_113 : i32
        %lt3A_117 = arith.constant 3125 : i32
        %lt3A_118 = arith.cmpi slt, %add3A_116, %lt3A_117 : i32
        %and3A_119 = arith.andi %lt3A_115, %lt3A_118 : i1
        %convert_element_type3A_120 = arith.extui %and3A_119 : i1 to i32
        %cond3A_121 = arith.constant 0 : i32
        %cond3A_122 = arith.cmpi ne, %convert_element_type3A_120, %cond3A_121 : i32
        scf.if %cond3A_122 {
          %add3A_158 = arith.addi %add3A_83, %add3A_113 : i32
          %mul3A_159 = arith.constant 128 : i32
          %mul3A_160 = arith.muli %add3A_158, %mul3A_159 : i32
          %dma_wait3A = tpu.memref_slice %arg7[%mul3A_160] : memref<800000xi32, #tpu.memory_space<hbm>> -> memref<128xi32, #tpu.memory_space<hbm>>
          %dma_wait3A_161 = tpu.memref_slice %arg7[%mul3A_160] : memref<800000xi32, #tpu.memory_space<hbm>> -> memref<128xi32, #tpu.memory_space<hbm>>
          tpu.wait_dma2 semaphore(%arg28 : memref<!tpu.dma_semaphore, #tpu.memory_space<semaphore_mem>>) src(%dma_wait3A_161 : memref<128xi32, #tpu.memory_space<hbm>>) dst(%arg16 : memref<128xi32, #tpu.memory_space<vmem>>)
          "tpu.region"() ({
            %run_scoped3A = tpu.sem_alloc : memref<!tpu.dma_semaphore, #tpu.memory_space<semaphore_mem>>
            %dma_start3A = arith.constant 0 : i32
            %dma_start3A_162 = arith.constant 0 : i32
            %dma_start3A_163 = tpu.memref_slice %arg27[%dma_start3A, %dma_start3A_162] : memref<50048x32xf32, #tpu.memory_space<vmem_shared>> -> memref<50048x32xf32, #tpu.memory_space<vmem_shared>>
            tpu.enqueue_indirect_dma source(%arg26 : memref<128x32xf32, #tpu.memory_space<vmem>>) target(%dma_start3A_163 : memref<50048x32xf32, #tpu.memory_space<vmem_shared>>) offsets(%arg16 : memref<128xi32, #tpu.memory_space<vmem>>) semaphore(%run_scoped3A : memref<!tpu.dma_semaphore, #tpu.memory_space<semaphore_mem>>) {add = true}
            %dma_wait3A_164 = arith.constant 0 : i32
            %dma_wait3A_165 = arith.constant 0 : i32
            %dma_wait3A_166 = tpu.memref_slice %arg27[%dma_wait3A_164, %dma_wait3A_165] : memref<50048x32xf32, #tpu.memory_space<vmem_shared>> -> memref<50048x32xf32, #tpu.memory_space<vmem_shared>>
            tpu.wait_indirect_dma semaphore(%run_scoped3A : memref<!tpu.dma_semaphore, #tpu.memory_space<semaphore_mem>>) src(%arg26 : memref<128x32xf32, #tpu.memory_space<vmem>>) dst(%dma_wait3A_166 : memref<50048x32xf32, #tpu.memory_space<vmem_shared>>)
            tpu.yield
          }) : () -> ()
        } else {
        }
        %add3A_123 = arith.constant 2 : i32
        %add3A_124 = arith.addi %add3A_113, %add3A_123 : i32
        %lt3A_125 = arith.constant 196 : i32
        %lt3A_126 = arith.cmpi slt, %add3A_124, %lt3A_125 : i32
        %add3A_127 = arith.addi %add3A_83, %add3A_124 : i32
        %lt3A_128 = arith.constant 3125 : i32
        %lt3A_129 = arith.cmpi slt, %add3A_127, %lt3A_128 : i32
        %and3A_130 = arith.andi %lt3A_126, %lt3A_129 : i1
        %convert_element_type3A_131 = arith.extui %and3A_130 : i1 to i32
        %cond3A_132 = arith.constant 0 : i32
        %cond3A_133 = arith.cmpi ne, %convert_element_type3A_131, %cond3A_132 : i32
        scf.if %cond3A_133 {
          %add3A_158 = arith.addi %add3A_83, %add3A_124 : i32
          %mul3A_159 = arith.constant 128 : i32
          %mul3A_160 = arith.muli %add3A_158, %mul3A_159 : i32
          %dma_start3A = tpu.memref_slice %arg7[%mul3A_160] : memref<800000xi32, #tpu.memory_space<hbm>> -> memref<128xi32, #tpu.memory_space<hbm>>
          %dma_start3A_161 = tpu.memref_slice %arg7[%mul3A_160] : memref<800000xi32, #tpu.memory_space<hbm>> -> memref<128xi32, #tpu.memory_space<hbm>>
          tpu.enqueue_dma source(%dma_start3A_161 : memref<128xi32, #tpu.memory_space<hbm>>) target(%arg16 : memref<128xi32, #tpu.memory_space<vmem>>) target_semaphore(%arg28 : memref<!tpu.dma_semaphore, #tpu.memory_space<semaphore_mem>>)
        } else {
        }
        %mul3A_134 = arith.constant 2 : i32
        %mul3A_135 = arith.muli %scan3A_109, %mul3A_134 : i32
        %add3A_136 = arith.constant 1 : i32
        %add3A_137 = arith.addi %mul3A_135, %add3A_136 : i32
        %lt3A_138 = arith.constant 196 : i32
        %lt3A_139 = arith.cmpi slt, %add3A_137, %lt3A_138 : i32
        %add3A_140 = arith.addi %add3A_83, %add3A_137 : i32
        %lt3A_141 = arith.constant 3125 : i32
        %lt3A_142 = arith.cmpi slt, %add3A_140, %lt3A_141 : i32
        %and3A_143 = arith.andi %lt3A_139, %lt3A_142 : i1
        %convert_element_type3A_144 = arith.extui %and3A_143 : i1 to i32
        %cond3A_145 = arith.constant 0 : i32
        %cond3A_146 = arith.cmpi ne, %convert_element_type3A_144, %cond3A_145 : i32
        scf.if %cond3A_146 {
          %add3A_158 = arith.addi %add3A_83, %add3A_137 : i32
          %mul3A_159 = arith.constant 128 : i32
          %mul3A_160 = arith.muli %add3A_158, %mul3A_159 : i32
          %dma_wait3A = tpu.memref_slice %arg7[%mul3A_160] : memref<800000xi32, #tpu.memory_space<hbm>> -> memref<128xi32, #tpu.memory_space<hbm>>
          %dma_wait3A_161 = tpu.memref_slice %arg7[%mul3A_160] : memref<800000xi32, #tpu.memory_space<hbm>> -> memref<128xi32, #tpu.memory_space<hbm>>
          tpu.wait_dma2 semaphore(%arg29 : memref<!tpu.dma_semaphore, #tpu.memory_space<semaphore_mem>>) src(%dma_wait3A_161 : memref<128xi32, #tpu.memory_space<hbm>>) dst(%arg17 : memref<128xi32, #tpu.memory_space<vmem>>)
          "tpu.region"() ({
            %run_scoped3A = tpu.sem_alloc : memref<!tpu.dma_semaphore, #tpu.memory_space<semaphore_mem>>
            %dma_start3A = arith.constant 0 : i32
            %dma_start3A_162 = arith.constant 0 : i32
            %dma_start3A_163 = tpu.memref_slice %arg27[%dma_start3A, %dma_start3A_162] : memref<50048x32xf32, #tpu.memory_space<vmem_shared>> -> memref<50048x32xf32, #tpu.memory_space<vmem_shared>>
            tpu.enqueue_indirect_dma source(%arg26 : memref<128x32xf32, #tpu.memory_space<vmem>>) target(%dma_start3A_163 : memref<50048x32xf32, #tpu.memory_space<vmem_shared>>) offsets(%arg17 : memref<128xi32, #tpu.memory_space<vmem>>) semaphore(%run_scoped3A : memref<!tpu.dma_semaphore, #tpu.memory_space<semaphore_mem>>) {add = true}
            %dma_wait3A_164 = arith.constant 0 : i32
            %dma_wait3A_165 = arith.constant 0 : i32
            %dma_wait3A_166 = tpu.memref_slice %arg27[%dma_wait3A_164, %dma_wait3A_165] : memref<50048x32xf32, #tpu.memory_space<vmem_shared>> -> memref<50048x32xf32, #tpu.memory_space<vmem_shared>>
            tpu.wait_indirect_dma semaphore(%run_scoped3A : memref<!tpu.dma_semaphore, #tpu.memory_space<semaphore_mem>>) src(%arg26 : memref<128x32xf32, #tpu.memory_space<vmem>>) dst(%dma_wait3A_166 : memref<50048x32xf32, #tpu.memory_space<vmem_shared>>)
            tpu.yield
          }) : () -> ()
        } else {
        }
        %add3A_147 = arith.constant 2 : i32
        %add3A_148 = arith.addi %add3A_137, %add3A_147 : i32
        %lt3A_149 = arith.constant 196 : i32
        %lt3A_150 = arith.cmpi slt, %add3A_148, %lt3A_149 : i32
        %add3A_151 = arith.addi %add3A_83, %add3A_148 : i32
        %lt3A_152 = arith.constant 3125 : i32
        %lt3A_153 = arith.cmpi slt, %add3A_151, %lt3A_152 : i32
        %and3A_154 = arith.andi %lt3A_150, %lt3A_153 : i1
        %convert_element_type3A_155 = arith.extui %and3A_154 : i1 to i32
        %cond3A_156 = arith.constant 0 : i32
        %cond3A_157 = arith.cmpi ne, %convert_element_type3A_155, %cond3A_156 : i32
        scf.if %cond3A_157 {
          %add3A_158 = arith.addi %add3A_83, %add3A_148 : i32
          %mul3A_159 = arith.constant 128 : i32
          %mul3A_160 = arith.muli %add3A_158, %mul3A_159 : i32
          %dma_start3A = tpu.memref_slice %arg7[%mul3A_160] : memref<800000xi32, #tpu.memory_space<hbm>> -> memref<128xi32, #tpu.memory_space<hbm>>
          %dma_start3A_161 = tpu.memref_slice %arg7[%mul3A_160] : memref<800000xi32, #tpu.memory_space<hbm>> -> memref<128xi32, #tpu.memory_space<hbm>>
          tpu.enqueue_dma source(%dma_start3A_161 : memref<128xi32, #tpu.memory_space<hbm>>) target(%arg17 : memref<128xi32, #tpu.memory_space<vmem>>) target_semaphore(%arg29 : memref<!tpu.dma_semaphore, #tpu.memory_space<semaphore_mem>>)
        } else {
        }
      }
      %scan3A_107 = arith.constant 98 : i32
      %barrier3A_108 = arith.constant 0 : index
      tpu.barrier barrier_id(%barrier3A_108)
      "tpu.region"() ({
        %run_scoped3A = tpu.sem_alloc : memref<!tpu.dma_semaphore, #tpu.memory_space<semaphore_mem>>
        %dma_start3A = arith.constant 0 : i32
        %dma_start3A_109 = tpu.memref_slice %arg12[%mul3A_0, %dma_start3A] : memref<50048x32xf32, #tpu.memory_space<hbm>> -> memref<3128x32xf32, #tpu.memory_space<hbm>>
        %dma_start3A_110 = arith.constant 0 : i32
        %dma_start3A_111 = tpu.memref_slice %arg27[%mul3A_0, %dma_start3A_110] : memref<50048x32xf32, #tpu.memory_space<vmem_shared>> -> memref<3128x32xf32, #tpu.memory_space<vmem_shared>>
        tpu.enqueue_dma source(%dma_start3A_111 : memref<3128x32xf32, #tpu.memory_space<vmem_shared>>) target(%dma_start3A_109 : memref<3128x32xf32, #tpu.memory_space<hbm>>) target_semaphore(%run_scoped3A : memref<!tpu.dma_semaphore, #tpu.memory_space<semaphore_mem>>)
        %dma_wait3A = arith.constant 0 : i32
        %dma_wait3A_112 = tpu.memref_slice %arg12[%mul3A_0, %dma_wait3A] : memref<50048x32xf32, #tpu.memory_space<hbm>> -> memref<3128x32xf32, #tpu.memory_space<hbm>>
        %dma_wait3A_113 = arith.constant 0 : i32
        %dma_wait3A_114 = tpu.memref_slice %arg27[%mul3A_0, %dma_wait3A_113] : memref<50048x32xf32, #tpu.memory_space<vmem_shared>> -> memref<3128x32xf32, #tpu.memory_space<vmem_shared>>
        tpu.wait_dma2 semaphore(%run_scoped3A : memref<!tpu.dma_semaphore, #tpu.memory_space<semaphore_mem>>) src(%dma_wait3A_114 : memref<3128x32xf32, #tpu.memory_space<vmem_shared>>) dst(%dma_wait3A_112 : memref<3128x32xf32, #tpu.memory_space<hbm>>)
        tpu.yield
      }) : () -> ()
    } else {
    }
    %eq3A_5 = arith.constant 1 : i32
    %eq3A_6 = arith.cmpi eq, %arg0, %eq3A_5 : i32
    %convert_element_type3A_7 = arith.extui %eq3A_6 : i1 to i32
    %cond3A_8 = arith.constant 0 : i32
    %cond3A_9 = arith.cmpi ne, %convert_element_type3A_7, %cond3A_8 : i32
    scf.if %cond3A_9 {
      "tpu.region"() ({
        %run_scoped3A = tpu.sem_alloc : memref<!tpu.dma_semaphore, #tpu.memory_space<semaphore_mem>>
        %dma_start3A = arith.constant 0 : i32
        %dma_start3A_109 = tpu.memref_slice %arg27[%mul3A_0, %dma_start3A] : memref<50048x32xf32, #tpu.memory_space<vmem_shared>> -> memref<3128x32xf32, #tpu.memory_space<vmem_shared>>
        %dma_start3A_110 = arith.constant 0 : i32
        %dma_start3A_111 = tpu.memref_slice %arg8[%mul3A_0, %dma_start3A_110] : memref<50048x32xf32, #tpu.memory_space<hbm>> -> memref<3128x32xf32, #tpu.memory_space<hbm>>
        tpu.enqueue_dma source(%dma_start3A_111 : memref<3128x32xf32, #tpu.memory_space<hbm>>) target(%dma_start3A_109 : memref<3128x32xf32, #tpu.memory_space<vmem_shared>>) target_semaphore(%run_scoped3A : memref<!tpu.dma_semaphore, #tpu.memory_space<semaphore_mem>>)
        %dma_wait3A = arith.constant 0 : i32
        %dma_wait3A_112 = tpu.memref_slice %arg27[%mul3A_0, %dma_wait3A] : memref<50048x32xf32, #tpu.memory_space<vmem_shared>> -> memref<3128x32xf32, #tpu.memory_space<vmem_shared>>
        %dma_wait3A_113 = arith.constant 0 : i32
        %dma_wait3A_114 = tpu.memref_slice %arg8[%mul3A_0, %dma_wait3A_113] : memref<50048x32xf32, #tpu.memory_space<hbm>> -> memref<3128x32xf32, #tpu.memory_space<hbm>>
        tpu.wait_dma2 semaphore(%run_scoped3A : memref<!tpu.dma_semaphore, #tpu.memory_space<semaphore_mem>>) src(%dma_wait3A_114 : memref<3128x32xf32, #tpu.memory_space<hbm>>) dst(%dma_wait3A_112 : memref<3128x32xf32, #tpu.memory_space<vmem_shared>>)
        tpu.yield
      }) : () -> ()
      %barrier3A = arith.constant 0 : index
      tpu.barrier barrier_id(%barrier3A)
      %and3A = arith.constant true
      %and3A_10 = arith.constant true
      %and3A_11 = arith.andi %and3A, %and3A_10 : i1
      %add3A = arith.constant 0 : i32
      %add3A_12 = arith.addi %mul3A_2, %add3A : i32
      %lt3A = arith.constant 6250 : i32
      %lt3A_13 = arith.cmpi slt, %add3A_12, %lt3A : i32
      %and3A_14 = arith.andi %and3A_11, %lt3A_13 : i1
      %convert_element_type3A_15 = arith.extui %and3A_14 : i1 to i32
      %cond3A_16 = arith.constant 0 : i32
      %cond3A_17 = arith.cmpi ne, %convert_element_type3A_15, %cond3A_16 : i32
      scf.if %cond3A_17 {
        %add3A_109 = arith.constant 0 : i32
        %add3A_110 = arith.addi %mul3A_2, %add3A_109 : i32
        %mul3A_111 = arith.constant 128 : i32
        %mul3A_112 = arith.muli %add3A_110, %mul3A_111 : i32
        %dma_start3A = tpu.memref_slice %arg6[%mul3A_112] : memref<800000xi32, #tpu.memory_space<hbm>> -> memref<128xi32, #tpu.memory_space<hbm>>
        %dma_start3A_113 = tpu.memref_slice %arg6[%mul3A_112] : memref<800000xi32, #tpu.memory_space<hbm>> -> memref<128xi32, #tpu.memory_space<hbm>>
        tpu.enqueue_dma source(%dma_start3A_113 : memref<128xi32, #tpu.memory_space<hbm>>) target(%arg14 : memref<128xi32, #tpu.memory_space<vmem>>) target_semaphore(%arg28 : memref<!tpu.dma_semaphore, #tpu.memory_space<semaphore_mem>>)
        %dma_start3A_114 = tpu.memref_slice %arg7[%mul3A_112] : memref<800000xi32, #tpu.memory_space<hbm>> -> memref<128xi32, #tpu.memory_space<hbm>>
        %dma_start3A_115 = tpu.memref_slice %arg7[%mul3A_112] : memref<800000xi32, #tpu.memory_space<hbm>> -> memref<128xi32, #tpu.memory_space<hbm>>
        tpu.enqueue_dma source(%dma_start3A_115 : memref<128xi32, #tpu.memory_space<hbm>>) target(%arg16 : memref<128xi32, #tpu.memory_space<vmem>>) target_semaphore(%arg28 : memref<!tpu.dma_semaphore, #tpu.memory_space<semaphore_mem>>)
        %mul3A_116 = arith.constant 128 : i32
        %mul3A_117 = arith.muli %add3A_110, %mul3A_116 : i32
        %mul3A_118 = arith.constant 32 : i32
        %mul3A_119 = arith.muli %mul3A_117, %mul3A_118 : i32
        %dma_start3A_120 = tpu.memref_slice %arg3[%mul3A_119] : memref<25600000xf32, #tpu.memory_space<hbm>> -> memref<4096xf32, #tpu.memory_space<hbm>>
        %dma_start3A_121 = tpu.memref_slice %arg3[%mul3A_119] : memref<25600000xf32, #tpu.memory_space<hbm>> -> memref<4096xf32, #tpu.memory_space<hbm>>
        tpu.enqueue_dma source(%dma_start3A_121 : memref<4096xf32, #tpu.memory_space<hbm>>) target(%arg20 : memref<4096xf32, #tpu.memory_space<vmem>>) target_semaphore(%arg28 : memref<!tpu.dma_semaphore, #tpu.memory_space<semaphore_mem>>)
      } else {
      }
      %and3A_18 = arith.constant true
      %and3A_19 = arith.constant true
      %and3A_20 = arith.andi %and3A_18, %and3A_19 : i1
      %add3A_21 = arith.constant 1 : i32
      %add3A_22 = arith.addi %mul3A_2, %add3A_21 : i32
      %lt3A_23 = arith.constant 6250 : i32
      %lt3A_24 = arith.cmpi slt, %add3A_22, %lt3A_23 : i32
      %and3A_25 = arith.andi %and3A_20, %lt3A_24 : i1
      %convert_element_type3A_26 = arith.extui %and3A_25 : i1 to i32
      %cond3A_27 = arith.constant 0 : i32
      %cond3A_28 = arith.cmpi ne, %convert_element_type3A_26, %cond3A_27 : i32
      scf.if %cond3A_28 {
        %add3A_109 = arith.constant 1 : i32
        %add3A_110 = arith.addi %mul3A_2, %add3A_109 : i32
        %mul3A_111 = arith.constant 128 : i32
        %mul3A_112 = arith.muli %add3A_110, %mul3A_111 : i32
        %dma_start3A = tpu.memref_slice %arg6[%mul3A_112] : memref<800000xi32, #tpu.memory_space<hbm>> -> memref<128xi32, #tpu.memory_space<hbm>>
        %dma_start3A_113 = tpu.memref_slice %arg6[%mul3A_112] : memref<800000xi32, #tpu.memory_space<hbm>> -> memref<128xi32, #tpu.memory_space<hbm>>
        tpu.enqueue_dma source(%dma_start3A_113 : memref<128xi32, #tpu.memory_space<hbm>>) target(%arg15 : memref<128xi32, #tpu.memory_space<vmem>>) target_semaphore(%arg29 : memref<!tpu.dma_semaphore, #tpu.memory_space<semaphore_mem>>)
        %dma_start3A_114 = tpu.memref_slice %arg7[%mul3A_112] : memref<800000xi32, #tpu.memory_space<hbm>> -> memref<128xi32, #tpu.memory_space<hbm>>
        %dma_start3A_115 = tpu.memref_slice %arg7[%mul3A_112] : memref<800000xi32, #tpu.memory_space<hbm>> -> memref<128xi32, #tpu.memory_space<hbm>>
        tpu.enqueue_dma source(%dma_start3A_115 : memref<128xi32, #tpu.memory_space<hbm>>) target(%arg17 : memref<128xi32, #tpu.memory_space<vmem>>) target_semaphore(%arg29 : memref<!tpu.dma_semaphore, #tpu.memory_space<semaphore_mem>>)
        %mul3A_116 = arith.constant 128 : i32
        %mul3A_117 = arith.muli %add3A_110, %mul3A_116 : i32
        %mul3A_118 = arith.constant 32 : i32
        %mul3A_119 = arith.muli %mul3A_117, %mul3A_118 : i32
        %dma_start3A_120 = tpu.memref_slice %arg3[%mul3A_119] : memref<25600000xf32, #tpu.memory_space<hbm>> -> memref<4096xf32, #tpu.memory_space<hbm>>
        %dma_start3A_121 = tpu.memref_slice %arg3[%mul3A_119] : memref<25600000xf32, #tpu.memory_space<hbm>> -> memref<4096xf32, #tpu.memory_space<hbm>>
        tpu.enqueue_dma source(%dma_start3A_121 : memref<4096xf32, #tpu.memory_space<hbm>>) target(%arg21 : memref<4096xf32, #tpu.memory_space<vmem>>) target_semaphore(%arg29 : memref<!tpu.dma_semaphore, #tpu.memory_space<semaphore_mem>>)
      } else {
      }
      %and3A_29 = arith.constant true
      %and3A_30 = arith.constant true
      %and3A_31 = arith.andi %and3A_29, %and3A_30 : i1
      %add3A_32 = arith.constant 0 : i32
      %add3A_33 = arith.addi %mul3A_2, %add3A_32 : i32
      %lt3A_34 = arith.constant 6250 : i32
      %lt3A_35 = arith.cmpi slt, %add3A_33, %lt3A_34 : i32
      %and3A_36 = arith.andi %and3A_31, %lt3A_35 : i1
      %convert_element_type3A_37 = arith.extui %and3A_36 : i1 to i32
      %cond3A_38 = arith.constant 0 : i32
      %cond3A_39 = arith.cmpi ne, %convert_element_type3A_37, %cond3A_38 : i32
      scf.if %cond3A_39 {
        %add3A_109 = arith.constant 0 : i32
        %add3A_110 = arith.addi %mul3A_2, %add3A_109 : i32
        %mul3A_111 = arith.constant 128 : i32
        %mul3A_112 = arith.muli %add3A_110, %mul3A_111 : i32
        %dma_wait3A = tpu.memref_slice %arg6[%mul3A_112] : memref<800000xi32, #tpu.memory_space<hbm>> -> memref<128xi32, #tpu.memory_space<hbm>>
        %dma_wait3A_113 = tpu.memref_slice %arg6[%mul3A_112] : memref<800000xi32, #tpu.memory_space<hbm>> -> memref<128xi32, #tpu.memory_space<hbm>>
        tpu.wait_dma2 semaphore(%arg28 : memref<!tpu.dma_semaphore, #tpu.memory_space<semaphore_mem>>) src(%dma_wait3A_113 : memref<128xi32, #tpu.memory_space<hbm>>) dst(%arg14 : memref<128xi32, #tpu.memory_space<vmem>>)
        %dma_wait3A_114 = tpu.memref_slice %arg7[%mul3A_112] : memref<800000xi32, #tpu.memory_space<hbm>> -> memref<128xi32, #tpu.memory_space<hbm>>
        %dma_wait3A_115 = tpu.memref_slice %arg7[%mul3A_112] : memref<800000xi32, #tpu.memory_space<hbm>> -> memref<128xi32, #tpu.memory_space<hbm>>
        tpu.wait_dma2 semaphore(%arg28 : memref<!tpu.dma_semaphore, #tpu.memory_space<semaphore_mem>>) src(%dma_wait3A_115 : memref<128xi32, #tpu.memory_space<hbm>>) dst(%arg16 : memref<128xi32, #tpu.memory_space<vmem>>)
        %dma_wait3A_116 = arith.constant 0 : i32
        %dma_wait3A_117 = tpu.memref_slice %arg3[%dma_wait3A_116] : memref<25600000xf32, #tpu.memory_space<hbm>> -> memref<4096xf32, #tpu.memory_space<hbm>>
        %dma_wait3A_118 = arith.constant 0 : i32
        %dma_wait3A_119 = tpu.memref_slice %arg3[%dma_wait3A_118] : memref<25600000xf32, #tpu.memory_space<hbm>> -> memref<4096xf32, #tpu.memory_space<hbm>>
        tpu.wait_dma2 semaphore(%arg28 : memref<!tpu.dma_semaphore, #tpu.memory_space<semaphore_mem>>) src(%dma_wait3A_119 : memref<4096xf32, #tpu.memory_space<hbm>>) dst(%arg20 : memref<4096xf32, #tpu.memory_space<vmem>>)
      } else {
      }
      %and3A_40 = arith.constant true
      %and3A_41 = arith.constant true
      %and3A_42 = arith.andi %and3A_40, %and3A_41 : i1
      %add3A_43 = arith.constant 0 : i32
      %add3A_44 = arith.addi %mul3A_2, %add3A_43 : i32
      %lt3A_45 = arith.constant 6250 : i32
      %lt3A_46 = arith.cmpi slt, %add3A_44, %lt3A_45 : i32
      %and3A_47 = arith.andi %and3A_42, %lt3A_46 : i1
      %convert_element_type3A_48 = arith.extui %and3A_47 : i1 to i32
      %cond3A_49 = arith.constant 0 : i32
      %cond3A_50 = arith.cmpi ne, %convert_element_type3A_48, %cond3A_49 : i32
      scf.if %cond3A_50 {
        %dma_start3A = arith.constant 0 : i32
        %dma_start3A_109 = arith.constant 0 : i32
        %dma_start3A_110 = tpu.memref_slice %arg5[%dma_start3A, %dma_start3A_109] : memref<50048x32xf32, #tpu.memory_space<hbm>> -> memref<50048x32xf32, #tpu.memory_space<hbm>>
        tpu.enqueue_indirect_dma source(%dma_start3A_110 : memref<50048x32xf32, #tpu.memory_space<hbm>>) target(%arg22 : memref<128x32xf32, #tpu.memory_space<vmem>>) offsets(%arg14 : memref<128xi32, #tpu.memory_space<vmem>>) semaphore(%arg30 : memref<!tpu.dma_semaphore, #tpu.memory_space<semaphore_mem>>)
      } else {
      }
      %scan3A = arith.constant 0 : i32
      %scan3A_51 = arith.constant 0 : i32
      %scan3A_52 = arith.constant 98 : i32
      %scan3A_53 = arith.addi %scan3A_51, %scan3A_52 : i32
      %scan3A_54 = arith.constant 1 : i32
      scf.for %scan3A_109 = %scan3A_51 to %scan3A_53 step %scan3A_54  : i32 {
        %mul3A_110 = arith.constant 4 : i32
        %mul3A_111 = arith.muli %scan3A_109, %mul3A_110 : i32
        %add3A_112 = arith.constant 0 : i32
        %add3A_113 = arith.addi %mul3A_111, %add3A_112 : i32
        %add3A_114 = arith.constant 1 : i32
        %add3A_115 = arith.addi %add3A_113, %add3A_114 : i32
        %ge3A = arith.constant 0 : i32
        %ge3A_116 = arith.cmpi sge, %add3A_115, %ge3A : i32
        %lt3A_117 = arith.constant 391 : i32
        %lt3A_118 = arith.cmpi slt, %add3A_115, %lt3A_117 : i32
        %and3A_119 = arith.andi %ge3A_116, %lt3A_118 : i1
        %add3A_120 = arith.addi %mul3A_2, %add3A_115 : i32
        %lt3A_121 = arith.constant 6250 : i32
        %lt3A_122 = arith.cmpi slt, %add3A_120, %lt3A_121 : i32
        %and3A_123 = arith.andi %and3A_119, %lt3A_122 : i1
        %convert_element_type3A_124 = arith.extui %and3A_123 : i1 to i32
        %cond3A_125 = arith.constant 0 : i32
        %cond3A_126 = arith.cmpi ne, %convert_element_type3A_124, %cond3A_125 : i32
        scf.if %cond3A_126 {
          %add3A_396 = arith.addi %mul3A_2, %add3A_115 : i32
          %mul3A_397 = arith.constant 128 : i32
          %mul3A_398 = arith.muli %add3A_396, %mul3A_397 : i32
          %dma_wait3A = tpu.memref_slice %arg6[%mul3A_398] : memref<800000xi32, #tpu.memory_space<hbm>> -> memref<128xi32, #tpu.memory_space<hbm>>
          %dma_wait3A_399 = tpu.memref_slice %arg6[%mul3A_398] : memref<800000xi32, #tpu.memory_space<hbm>> -> memref<128xi32, #tpu.memory_space<hbm>>
          tpu.wait_dma2 semaphore(%arg29 : memref<!tpu.dma_semaphore, #tpu.memory_space<semaphore_mem>>) src(%dma_wait3A_399 : memref<128xi32, #tpu.memory_space<hbm>>) dst(%arg15 : memref<128xi32, #tpu.memory_space<vmem>>)
          %dma_wait3A_400 = tpu.memref_slice %arg7[%mul3A_398] : memref<800000xi32, #tpu.memory_space<hbm>> -> memref<128xi32, #tpu.memory_space<hbm>>
          %dma_wait3A_401 = tpu.memref_slice %arg7[%mul3A_398] : memref<800000xi32, #tpu.memory_space<hbm>> -> memref<128xi32, #tpu.memory_space<hbm>>
          tpu.wait_dma2 semaphore(%arg29 : memref<!tpu.dma_semaphore, #tpu.memory_space<semaphore_mem>>) src(%dma_wait3A_401 : memref<128xi32, #tpu.memory_space<hbm>>) dst(%arg17 : memref<128xi32, #tpu.memory_space<vmem>>)
          %dma_wait3A_402 = arith.constant 0 : i32
          %dma_wait3A_403 = tpu.memref_slice %arg3[%dma_wait3A_402] : memref<25600000xf32, #tpu.memory_space<hbm>> -> memref<4096xf32, #tpu.memory_space<hbm>>
          %dma_wait3A_404 = arith.constant 0 : i32
          %dma_wait3A_405 = tpu.memref_slice %arg3[%dma_wait3A_404] : memref<25600000xf32, #tpu.memory_space<hbm>> -> memref<4096xf32, #tpu.memory_space<hbm>>
          tpu.wait_dma2 semaphore(%arg29 : memref<!tpu.dma_semaphore, #tpu.memory_space<semaphore_mem>>) src(%dma_wait3A_405 : memref<4096xf32, #tpu.memory_space<hbm>>) dst(%arg21 : memref<4096xf32, #tpu.memory_space<vmem>>)
        } else {
        }
        %add3A_127 = arith.constant 1 : i32
        %add3A_128 = arith.addi %add3A_113, %add3A_127 : i32
        %ge3A_129 = arith.constant 0 : i32
        %ge3A_130 = arith.cmpi sge, %add3A_128, %ge3A_129 : i32
        %lt3A_131 = arith.constant 391 : i32
        %lt3A_132 = arith.cmpi slt, %add3A_128, %lt3A_131 : i32
        %and3A_133 = arith.andi %ge3A_130, %lt3A_132 : i1
        %add3A_134 = arith.addi %mul3A_2, %add3A_128 : i32
        %lt3A_135 = arith.constant 6250 : i32
        %lt3A_136 = arith.cmpi slt, %add3A_134, %lt3A_135 : i32
        %and3A_137 = arith.andi %and3A_133, %lt3A_136 : i1
        %convert_element_type3A_138 = arith.extui %and3A_137 : i1 to i32
        %cond3A_139 = arith.constant 0 : i32
        %cond3A_140 = arith.cmpi ne, %convert_element_type3A_138, %cond3A_139 : i32
        scf.if %cond3A_140 {
          %dma_start3A = arith.constant 0 : i32
          %dma_start3A_396 = arith.constant 0 : i32
          %dma_start3A_397 = tpu.memref_slice %arg5[%dma_start3A, %dma_start3A_396] : memref<50048x32xf32, #tpu.memory_space<hbm>> -> memref<50048x32xf32, #tpu.memory_space<hbm>>
          tpu.enqueue_indirect_dma source(%dma_start3A_397 : memref<50048x32xf32, #tpu.memory_space<hbm>>) target(%arg23 : memref<128x32xf32, #tpu.memory_space<vmem>>) offsets(%arg15 : memref<128xi32, #tpu.memory_space<vmem>>) semaphore(%arg31 : memref<!tpu.dma_semaphore, #tpu.memory_space<semaphore_mem>>)
        } else {
        }
        %sub3A = arith.constant 2 : i32
        %sub3A_141 = arith.subi %add3A_113, %sub3A : i32
        %ge3A_142 = arith.constant 0 : i32
        %ge3A_143 = arith.cmpi sge, %sub3A_141, %ge3A_142 : i32
        %lt3A_144 = arith.constant 391 : i32
        %lt3A_145 = arith.cmpi slt, %sub3A_141, %lt3A_144 : i32
        %and3A_146 = arith.andi %ge3A_143, %lt3A_145 : i1
        %add3A_147 = arith.addi %mul3A_2, %sub3A_141 : i32
        %lt3A_148 = arith.constant 6250 : i32
        %lt3A_149 = arith.cmpi slt, %add3A_147, %lt3A_148 : i32
        %and3A_150 = arith.andi %and3A_146, %lt3A_149 : i1
        %convert_element_type3A_151 = arith.extui %and3A_150 : i1 to i32
        %cond3A_152 = arith.constant 0 : i32
        %cond3A_153 = arith.cmpi ne, %convert_element_type3A_151, %cond3A_152 : i32
        scf.if %cond3A_153 {
          %dma_wait3A = arith.constant 0 : i32
          %dma_wait3A_396 = arith.constant 0 : i32
          %dma_wait3A_397 = tpu.memref_slice %arg27[%dma_wait3A, %dma_wait3A_396] : memref<50048x32xf32, #tpu.memory_space<vmem_shared>> -> memref<50048x32xf32, #tpu.memory_space<vmem_shared>>
          tpu.wait_indirect_dma semaphore(%arg32 : memref<!tpu.dma_semaphore, #tpu.memory_space<semaphore_mem>>) src(%arg24 : memref<128x32xf32, #tpu.memory_space<vmem>>) dst(%dma_wait3A_397 : memref<50048x32xf32, #tpu.memory_space<vmem_shared>>)
        } else {
        }
        %ge3A_154 = arith.constant 0 : i32
        %ge3A_155 = arith.cmpi sge, %add3A_113, %ge3A_154 : i32
        %lt3A_156 = arith.constant 391 : i32
        %lt3A_157 = arith.cmpi slt, %add3A_113, %lt3A_156 : i32
        %and3A_158 = arith.andi %ge3A_155, %lt3A_157 : i1
        %add3A_159 = arith.addi %mul3A_2, %add3A_113 : i32
        %lt3A_160 = arith.constant 6250 : i32
        %lt3A_161 = arith.cmpi slt, %add3A_159, %lt3A_160 : i32
        %and3A_162 = arith.andi %and3A_158, %lt3A_161 : i1
        %convert_element_type3A_163 = arith.extui %and3A_162 : i1 to i32
        %cond3A_164 = arith.constant 0 : i32
        %cond3A_165 = arith.cmpi ne, %convert_element_type3A_163, %cond3A_164 : i32
        scf.if %cond3A_165 {
          %dma_wait3A = arith.constant 0 : i32
          %dma_wait3A_396 = arith.constant 0 : i32
          %dma_wait3A_397 = tpu.memref_slice %arg5[%dma_wait3A, %dma_wait3A_396] : memref<50048x32xf32, #tpu.memory_space<hbm>> -> memref<50048x32xf32, #tpu.memory_space<hbm>>
          tpu.wait_indirect_dma semaphore(%arg30 : memref<!tpu.dma_semaphore, #tpu.memory_space<semaphore_mem>>) src(%dma_wait3A_397 : memref<50048x32xf32, #tpu.memory_space<hbm>>) dst(%arg22 : memref<128x32xf32, #tpu.memory_space<vmem>>)
          %scan3A_398 = arith.constant 0 : i32
          %scan3A_399 = arith.constant 0 : i32
          %scan3A_400 = arith.constant 32 : i32
          %scan3A_401 = arith.addi %scan3A_399, %scan3A_400 : i32
          %scan3A_402 = arith.constant 1 : i32
          scf.for %scan3A_406 = %scan3A_399 to %scan3A_401 step %scan3A_402  : i32 {
            %mul3A_407 = arith.constant 4 : i32
            %mul3A_408 = arith.muli %scan3A_406, %mul3A_407 : i32
            %add3A_409 = arith.constant 0 : i32
            %add3A_410 = arith.addi %mul3A_408, %add3A_409 : i32
            %mul3A_411 = arith.constant 128 : i32
            %mul3A_412 = arith.muli %scan3A_406, %mul3A_411 : i32
            %add3A_413 = arith.constant 0 : i32
            %add3A_414 = arith.addi %mul3A_412, %add3A_413 : i32
            %add3A_415 = arith.constant 0 : i32
            %add3A_416 = arith.addi %add3A_414, %add3A_415 : i32
            %get3A = arith.index_cast %add3A_416 : i32 to index
            %get3A_417 = tpu.vector_load %arg20[%get3A] {strides = array<i32>} : memref<4096xf32, #tpu.memory_space<vmem>>, vector<16xf32>,
            %get3A_418 = vector.shape_cast %get3A_417 : vector<16xf32> to vector<16xf32>
            %get3A_419 = arith.index_cast %add3A_410 : i32 to index
            %get3A_420 = arith.constant 0 : index
            %get3A_421 = tpu.vector_load %arg22[%get3A_419, %get3A_420] {strides = array<i32>} : memref<128x32xf32, #tpu.memory_space<vmem>>, vector<1x16xf32>,
            %get3A_422 = vector.shape_cast %get3A_421 : vector<1x16xf32> to vector<16xf32>
            %add3A_423 = arith.addf %get3A_418, %get3A_422 : vector<16xf32>
            %max3A = arith.constant 0.000000e+00 : f32
            %max3A_424 = vector.broadcast %max3A : f32 to vector<16xf32>
            %max3A_425 = arith.maximumf %add3A_423, %max3A_424 : vector<16xf32>
            %swap3A = arith.index_cast %add3A_410 : i32 to index
            %swap3A_426 = arith.constant 0 : index
            %swap3A_427 = tpu.vector_load %arg24[%swap3A, %swap3A_426] {strides = array<i32>} : memref<128x32xf32, #tpu.memory_space<vmem>>, vector<1x16xf32>,
            %swap3A_428 = vector.shape_cast %swap3A_427 : vector<1x16xf32> to vector<16xf32>
            %swap3A_429 = vector.shape_cast %max3A_425 : vector<16xf32> to vector<1x16xf32>
            tpu.vector_store %arg24[%swap3A, %swap3A_426], %swap3A_429 {strides = array<i32>} : memref<128x32xf32, #tpu.memory_space<vmem>>, vector<1x16xf32>,
            %mul3A_430 = arith.constant 128 : i32
            %mul3A_431 = arith.muli %scan3A_406, %mul3A_430 : i32
            %add3A_432 = arith.constant 0 : i32
            %add3A_433 = arith.addi %mul3A_431, %add3A_432 : i32
            %add3A_434 = arith.constant 16 : i32
            %add3A_435 = arith.addi %add3A_433, %add3A_434 : i32
            %get3A_436 = arith.index_cast %add3A_435 : i32 to index
            %get3A_437 = tpu.vector_load %arg20[%get3A_436] {strides = array<i32>} : memref<4096xf32, #tpu.memory_space<vmem>>, vector<16xf32>,
            %get3A_438 = vector.shape_cast %get3A_437 : vector<16xf32> to vector<16xf32>
            %get3A_439 = arith.index_cast %add3A_410 : i32 to index
            %get3A_440 = arith.constant 16 : index
            %get3A_441 = tpu.vector_load %arg22[%get3A_439, %get3A_440] {strides = array<i32>} : memref<128x32xf32, #tpu.memory_space<vmem>>, vector<1x16xf32>,
            %get3A_442 = vector.shape_cast %get3A_441 : vector<1x16xf32> to vector<16xf32>
            %add3A_443 = arith.addf %get3A_438, %get3A_442 : vector<16xf32>
            %max3A_444 = arith.constant 0.000000e+00 : f32
            %max3A_445 = vector.broadcast %max3A_444 : f32 to vector<16xf32>
            %max3A_446 = arith.maximumf %add3A_443, %max3A_445 : vector<16xf32>
            %swap3A_447 = arith.index_cast %add3A_410 : i32 to index
            %swap3A_448 = arith.constant 16 : index
            %swap3A_449 = tpu.vector_load %arg24[%swap3A_447, %swap3A_448] {strides = array<i32>} : memref<128x32xf32, #tpu.memory_space<vmem>>, vector<1x16xf32>,
            %swap3A_450 = vector.shape_cast %swap3A_449 : vector<1x16xf32> to vector<16xf32>
            %swap3A_451 = vector.shape_cast %max3A_446 : vector<16xf32> to vector<1x16xf32>
            tpu.vector_store %arg24[%swap3A_447, %swap3A_448], %swap3A_451 {strides = array<i32>} : memref<128x32xf32, #tpu.memory_space<vmem>>, vector<1x16xf32>,
            %mul3A_452 = arith.constant 4 : i32
            %mul3A_453 = arith.muli %scan3A_406, %mul3A_452 : i32
            %add3A_454 = arith.constant 1 : i32
            %add3A_455 = arith.addi %mul3A_453, %add3A_454 : i32
            %mul3A_456 = arith.constant 128 : i32
            %mul3A_457 = arith.muli %scan3A_406, %mul3A_456 : i32
            %add3A_458 = arith.constant 32 : i32
            %add3A_459 = arith.addi %mul3A_457, %add3A_458 : i32
            %add3A_460 = arith.constant 0 : i32
            %add3A_461 = arith.addi %add3A_459, %add3A_460 : i32
            %get3A_462 = arith.index_cast %add3A_461 : i32 to index
            %get3A_463 = tpu.vector_load %arg20[%get3A_462] {strides = array<i32>} : memref<4096xf32, #tpu.memory_space<vmem>>, vector<16xf32>,
            %get3A_464 = vector.shape_cast %get3A_463 : vector<16xf32> to vector<16xf32>
            %get3A_465 = arith.index_cast %add3A_455 : i32 to index
            %get3A_466 = arith.constant 0 : index
            %get3A_467 = tpu.vector_load %arg22[%get3A_465, %get3A_466] {strides = array<i32>} : memref<128x32xf32, #tpu.memory_space<vmem>>, vector<1x16xf32>,
            %get3A_468 = vector.shape_cast %get3A_467 : vector<1x16xf32> to vector<16xf32>
            %add3A_469 = arith.addf %get3A_464, %get3A_468 : vector<16xf32>
            %max3A_470 = arith.constant 0.000000e+00 : f32
            %max3A_471 = vector.broadcast %max3A_470 : f32 to vector<16xf32>
            %max3A_472 = arith.maximumf %add3A_469, %max3A_471 : vector<16xf32>
            %swap3A_473 = arith.index_cast %add3A_455 : i32 to index
            %swap3A_474 = arith.constant 0 : index
            %swap3A_475 = tpu.vector_load %arg24[%swap3A_473, %swap3A_474] {strides = array<i32>} : memref<128x32xf32, #tpu.memory_space<vmem>>, vector<1x16xf32>,
            %swap3A_476 = vector.shape_cast %swap3A_475 : vector<1x16xf32> to vector<16xf32>
            %swap3A_477 = vector.shape_cast %max3A_472 : vector<16xf32> to vector<1x16xf32>
            tpu.vector_store %arg24[%swap3A_473, %swap3A_474], %swap3A_477 {strides = array<i32>} : memref<128x32xf32, #tpu.memory_space<vmem>>, vector<1x16xf32>,
            %mul3A_478 = arith.constant 128 : i32
            %mul3A_479 = arith.muli %scan3A_406, %mul3A_478 : i32
            %add3A_480 = arith.constant 32 : i32
            %add3A_481 = arith.addi %mul3A_479, %add3A_480 : i32
            %add3A_482 = arith.constant 16 : i32
            %add3A_483 = arith.addi %add3A_481, %add3A_482 : i32
            %get3A_484 = arith.index_cast %add3A_483 : i32 to index
            %get3A_485 = tpu.vector_load %arg20[%get3A_484] {strides = array<i32>} : memref<4096xf32, #tpu.memory_space<vmem>>, vector<16xf32>,
            %get3A_486 = vector.shape_cast %get3A_485 : vector<16xf32> to vector<16xf32>
            %get3A_487 = arith.index_cast %add3A_455 : i32 to index
            %get3A_488 = arith.constant 16 : index
            %get3A_489 = tpu.vector_load %arg22[%get3A_487, %get3A_488] {strides = array<i32>} : memref<128x32xf32, #tpu.memory_space<vmem>>, vector<1x16xf32>,
            %get3A_490 = vector.shape_cast %get3A_489 : vector<1x16xf32> to vector<16xf32>
            %add3A_491 = arith.addf %get3A_486, %get3A_490 : vector<16xf32>
            %max3A_492 = arith.constant 0.000000e+00 : f32
            %max3A_493 = vector.broadcast %max3A_492 : f32 to vector<16xf32>
            %max3A_494 = arith.maximumf %add3A_491, %max3A_493 : vector<16xf32>
            %swap3A_495 = arith.index_cast %add3A_455 : i32 to index
            %swap3A_496 = arith.constant 16 : index
            %swap3A_497 = tpu.vector_load %arg24[%swap3A_495, %swap3A_496] {strides = array<i32>} : memref<128x32xf32, #tpu.memory_space<vmem>>, vector<1x16xf32>,
            %swap3A_498 = vector.shape_cast %swap3A_497 : vector<1x16xf32> to vector<16xf32>
            %swap3A_499 = vector.shape_cast %max3A_494 : vector<16xf32> to vector<1x16xf32>
            tpu.vector_store %arg24[%swap3A_495, %swap3A_496], %swap3A_499 {strides = array<i32>} : memref<128x32xf32, #tpu.memory_space<vmem>>, vector<1x16xf32>,
            %mul3A_500 = arith.constant 4 : i32
            %mul3A_501 = arith.muli %scan3A_406, %mul3A_500 : i32
            %add3A_502 = arith.constant 2 : i32
            %add3A_503 = arith.addi %mul3A_501, %add3A_502 : i32
            %mul3A_504 = arith.constant 128 : i32
            %mul3A_505 = arith.muli %scan3A_406, %mul3A_504 : i32
            %add3A_506 = arith.constant 64 : i32
            %add3A_507 = arith.addi %mul3A_505, %add3A_506 : i32
            %add3A_508 = arith.constant 0 : i32
            %add3A_509 = arith.addi %add3A_507, %add3A_508 : i32
            %get3A_510 = arith.index_cast %add3A_509 : i32 to index
            %get3A_511 = tpu.vector_load %arg20[%get3A_510] {strides = array<i32>} : memref<4096xf32, #tpu.memory_space<vmem>>, vector<16xf32>,
            %get3A_512 = vector.shape_cast %get3A_511 : vector<16xf32> to vector<16xf32>
            %get3A_513 = arith.index_cast %add3A_503 : i32 to index
            %get3A_514 = arith.constant 0 : index
            %get3A_515 = tpu.vector_load %arg22[%get3A_513, %get3A_514] {strides = array<i32>} : memref<128x32xf32, #tpu.memory_space<vmem>>, vector<1x16xf32>,
            %get3A_516 = vector.shape_cast %get3A_515 : vector<1x16xf32> to vector<16xf32>
            %add3A_517 = arith.addf %get3A_512, %get3A_516 : vector<16xf32>
            %max3A_518 = arith.constant 0.000000e+00 : f32
            %max3A_519 = vector.broadcast %max3A_518 : f32 to vector<16xf32>
            %max3A_520 = arith.maximumf %add3A_517, %max3A_519 : vector<16xf32>
            %swap3A_521 = arith.index_cast %add3A_503 : i32 to index
            %swap3A_522 = arith.constant 0 : index
            %swap3A_523 = tpu.vector_load %arg24[%swap3A_521, %swap3A_522] {strides = array<i32>} : memref<128x32xf32, #tpu.memory_space<vmem>>, vector<1x16xf32>,
            %swap3A_524 = vector.shape_cast %swap3A_523 : vector<1x16xf32> to vector<16xf32>
            %swap3A_525 = vector.shape_cast %max3A_520 : vector<16xf32> to vector<1x16xf32>
            tpu.vector_store %arg24[%swap3A_521, %swap3A_522], %swap3A_525 {strides = array<i32>} : memref<128x32xf32, #tpu.memory_space<vmem>>, vector<1x16xf32>,
            %mul3A_526 = arith.constant 128 : i32
            %mul3A_527 = arith.muli %scan3A_406, %mul3A_526 : i32
            %add3A_528 = arith.constant 64 : i32
            %add3A_529 = arith.addi %mul3A_527, %add3A_528 : i32
            %add3A_530 = arith.constant 16 : i32
            %add3A_531 = arith.addi %add3A_529, %add3A_530 : i32
            %get3A_532 = arith.index_cast %add3A_531 : i32 to index
            %get3A_533 = tpu.vector_load %arg20[%get3A_532] {strides = array<i32>} : memref<4096xf32, #tpu.memory_space<vmem>>, vector<16xf32>,
            %get3A_534 = vector.shape_cast %get3A_533 : vector<16xf32> to vector<16xf32>
            %get3A_535 = arith.index_cast %add3A_503 : i32 to index
            %get3A_536 = arith.constant 16 : index
            %get3A_537 = tpu.vector_load %arg22[%get3A_535, %get3A_536] {strides = array<i32>} : memref<128x32xf32, #tpu.memory_space<vmem>>, vector<1x16xf32>,
            %get3A_538 = vector.shape_cast %get3A_537 : vector<1x16xf32> to vector<16xf32>
            %add3A_539 = arith.addf %get3A_534, %get3A_538 : vector<16xf32>
            %max3A_540 = arith.constant 0.000000e+00 : f32
            %max3A_541 = vector.broadcast %max3A_540 : f32 to vector<16xf32>
            %max3A_542 = arith.maximumf %add3A_539, %max3A_541 : vector<16xf32>
            %swap3A_543 = arith.index_cast %add3A_503 : i32 to index
            %swap3A_544 = arith.constant 16 : index
            %swap3A_545 = tpu.vector_load %arg24[%swap3A_543, %swap3A_544] {strides = array<i32>} : memref<128x32xf32, #tpu.memory_space<vmem>>, vector<1x16xf32>,
            %swap3A_546 = vector.shape_cast %swap3A_545 : vector<1x16xf32> to vector<16xf32>
            %swap3A_547 = vector.shape_cast %max3A_542 : vector<16xf32> to vector<1x16xf32>
            tpu.vector_store %arg24[%swap3A_543, %swap3A_544], %swap3A_547 {strides = array<i32>} : memref<128x32xf32, #tpu.memory_space<vmem>>, vector<1x16xf32>,
            %mul3A_548 = arith.constant 4 : i32
            %mul3A_549 = arith.muli %scan3A_406, %mul3A_548 : i32
            %add3A_550 = arith.constant 3 : i32
            %add3A_551 = arith.addi %mul3A_549, %add3A_550 : i32
            %mul3A_552 = arith.constant 128 : i32
            %mul3A_553 = arith.muli %scan3A_406, %mul3A_552 : i32
            %add3A_554 = arith.constant 96 : i32
            %add3A_555 = arith.addi %mul3A_553, %add3A_554 : i32
            %add3A_556 = arith.constant 0 : i32
            %add3A_557 = arith.addi %add3A_555, %add3A_556 : i32
            %get3A_558 = arith.index_cast %add3A_557 : i32 to index
            %get3A_559 = tpu.vector_load %arg20[%get3A_558] {strides = array<i32>} : memref<4096xf32, #tpu.memory_space<vmem>>, vector<16xf32>,
            %get3A_560 = vector.shape_cast %get3A_559 : vector<16xf32> to vector<16xf32>
            %get3A_561 = arith.index_cast %add3A_551 : i32 to index
            %get3A_562 = arith.constant 0 : index
            %get3A_563 = tpu.vector_load %arg22[%get3A_561, %get3A_562] {strides = array<i32>} : memref<128x32xf32, #tpu.memory_space<vmem>>, vector<1x16xf32>,
            %get3A_564 = vector.shape_cast %get3A_563 : vector<1x16xf32> to vector<16xf32>
            %add3A_565 = arith.addf %get3A_560, %get3A_564 : vector<16xf32>
            %max3A_566 = arith.constant 0.000000e+00 : f32
            %max3A_567 = vector.broadcast %max3A_566 : f32 to vector<16xf32>
            %max3A_568 = arith.maximumf %add3A_565, %max3A_567 : vector<16xf32>
            %swap3A_569 = arith.index_cast %add3A_551 : i32 to index
            %swap3A_570 = arith.constant 0 : index
            %swap3A_571 = tpu.vector_load %arg24[%swap3A_569, %swap3A_570] {strides = array<i32>} : memref<128x32xf32, #tpu.memory_space<vmem>>, vector<1x16xf32>,
            %swap3A_572 = vector.shape_cast %swap3A_571 : vector<1x16xf32> to vector<16xf32>
            %swap3A_573 = vector.shape_cast %max3A_568 : vector<16xf32> to vector<1x16xf32>
            tpu.vector_store %arg24[%swap3A_569, %swap3A_570], %swap3A_573 {strides = array<i32>} : memref<128x32xf32, #tpu.memory_space<vmem>>, vector<1x16xf32>,
            %mul3A_574 = arith.constant 128 : i32
            %mul3A_575 = arith.muli %scan3A_406, %mul3A_574 : i32
            %add3A_576 = arith.constant 96 : i32
            %add3A_577 = arith.addi %mul3A_575, %add3A_576 : i32
            %add3A_578 = arith.constant 16 : i32
            %add3A_579 = arith.addi %add3A_577, %add3A_578 : i32
            %get3A_580 = arith.index_cast %add3A_579 : i32 to index
            %get3A_581 = tpu.vector_load %arg20[%get3A_580] {strides = array<i32>} : memref<4096xf32, #tpu.memory_space<vmem>>, vector<16xf32>,
            %get3A_582 = vector.shape_cast %get3A_581 : vector<16xf32> to vector<16xf32>
            %get3A_583 = arith.index_cast %add3A_551 : i32 to index
            %get3A_584 = arith.constant 16 : index
            %get3A_585 = tpu.vector_load %arg22[%get3A_583, %get3A_584] {strides = array<i32>} : memref<128x32xf32, #tpu.memory_space<vmem>>, vector<1x16xf32>,
            %get3A_586 = vector.shape_cast %get3A_585 : vector<1x16xf32> to vector<16xf32>
            %add3A_587 = arith.addf %get3A_582, %get3A_586 : vector<16xf32>
            %max3A_588 = arith.constant 0.000000e+00 : f32
            %max3A_589 = vector.broadcast %max3A_588 : f32 to vector<16xf32>
            %max3A_590 = arith.maximumf %add3A_587, %max3A_589 : vector<16xf32>
            %swap3A_591 = arith.index_cast %add3A_551 : i32 to index
            %swap3A_592 = arith.constant 16 : index
            %swap3A_593 = tpu.vector_load %arg24[%swap3A_591, %swap3A_592] {strides = array<i32>} : memref<128x32xf32, #tpu.memory_space<vmem>>, vector<1x16xf32>,
            %swap3A_594 = vector.shape_cast %swap3A_593 : vector<1x16xf32> to vector<16xf32>
            %swap3A_595 = vector.shape_cast %max3A_590 : vector<16xf32> to vector<1x16xf32>
            tpu.vector_store %arg24[%swap3A_591, %swap3A_592], %swap3A_595 {strides = array<i32>} : memref<128x32xf32, #tpu.memory_space<vmem>>, vector<1x16xf32>,
          }
          %scan3A_403 = arith.constant 32 : i32
          %dma_start3A = arith.constant 0 : i32
          %dma_start3A_404 = arith.constant 0 : i32
          %dma_start3A_405 = tpu.memref_slice %arg27[%dma_start3A, %dma_start3A_404] : memref<50048x32xf32, #tpu.memory_space<vmem_shared>> -> memref<50048x32xf32, #tpu.memory_space<vmem_shared>>
          tpu.enqueue_indirect_dma source(%arg24 : memref<128x32xf32, #tpu.memory_space<vmem>>) target(%dma_start3A_405 : memref<50048x32xf32, #tpu.memory_space<vmem_shared>>) offsets(%arg16 : memref<128xi32, #tpu.memory_space<vmem>>) semaphore(%arg32 : memref<!tpu.dma_semaphore, #tpu.memory_space<semaphore_mem>>) {add = true}
        } else {
        }
        %add3A_166 = arith.constant 2 : i32
        %add3A_167 = arith.addi %add3A_113, %add3A_166 : i32
        %ge3A_168 = arith.constant 0 : i32
        %ge3A_169 = arith.cmpi sge, %add3A_167, %ge3A_168 : i32
        %lt3A_170 = arith.constant 391 : i32
        %lt3A_171 = arith.cmpi slt, %add3A_167, %lt3A_170 : i32
        %and3A_172 = arith.andi %ge3A_169, %lt3A_171 : i1
        %add3A_173 = arith.addi %mul3A_2, %add3A_167 : i32
        %lt3A_174 = arith.constant 6250 : i32
        %lt3A_175 = arith.cmpi slt, %add3A_173, %lt3A_174 : i32
        %and3A_176 = arith.andi %and3A_172, %lt3A_175 : i1
        %convert_element_type3A_177 = arith.extui %and3A_176 : i1 to i32
        %cond3A_178 = arith.constant 0 : i32
        %cond3A_179 = arith.cmpi ne, %convert_element_type3A_177, %cond3A_178 : i32
        scf.if %cond3A_179 {
          %add3A_396 = arith.addi %mul3A_2, %add3A_167 : i32
          %mul3A_397 = arith.constant 128 : i32
          %mul3A_398 = arith.muli %add3A_396, %mul3A_397 : i32
          %dma_start3A = tpu.memref_slice %arg6[%mul3A_398] : memref<800000xi32, #tpu.memory_space<hbm>> -> memref<128xi32, #tpu.memory_space<hbm>>
          %dma_start3A_399 = tpu.memref_slice %arg6[%mul3A_398] : memref<800000xi32, #tpu.memory_space<hbm>> -> memref<128xi32, #tpu.memory_space<hbm>>
          tpu.enqueue_dma source(%dma_start3A_399 : memref<128xi32, #tpu.memory_space<hbm>>) target(%arg14 : memref<128xi32, #tpu.memory_space<vmem>>) target_semaphore(%arg28 : memref<!tpu.dma_semaphore, #tpu.memory_space<semaphore_mem>>)
          %dma_start3A_400 = tpu.memref_slice %arg7[%mul3A_398] : memref<800000xi32, #tpu.memory_space<hbm>> -> memref<128xi32, #tpu.memory_space<hbm>>
          %dma_start3A_401 = tpu.memref_slice %arg7[%mul3A_398] : memref<800000xi32, #tpu.memory_space<hbm>> -> memref<128xi32, #tpu.memory_space<hbm>>
          tpu.enqueue_dma source(%dma_start3A_401 : memref<128xi32, #tpu.memory_space<hbm>>) target(%arg18 : memref<128xi32, #tpu.memory_space<vmem>>) target_semaphore(%arg28 : memref<!tpu.dma_semaphore, #tpu.memory_space<semaphore_mem>>)
          %mul3A_402 = arith.constant 128 : i32
          %mul3A_403 = arith.muli %add3A_396, %mul3A_402 : i32
          %mul3A_404 = arith.constant 32 : i32
          %mul3A_405 = arith.muli %mul3A_403, %mul3A_404 : i32
          %dma_start3A_406 = tpu.memref_slice %arg3[%mul3A_405] : memref<25600000xf32, #tpu.memory_space<hbm>> -> memref<4096xf32, #tpu.memory_space<hbm>>
          %dma_start3A_407 = tpu.memref_slice %arg3[%mul3A_405] : memref<25600000xf32, #tpu.memory_space<hbm>> -> memref<4096xf32, #tpu.memory_space<hbm>>
          tpu.enqueue_dma source(%dma_start3A_407 : memref<4096xf32, #tpu.memory_space<hbm>>) target(%arg20 : memref<4096xf32, #tpu.memory_space<vmem>>) target_semaphore(%arg28 : memref<!tpu.dma_semaphore, #tpu.memory_space<semaphore_mem>>)
        } else {
        }
        %mul3A_180 = arith.constant 4 : i32
        %mul3A_181 = arith.muli %scan3A_109, %mul3A_180 : i32
        %add3A_182 = arith.constant 1 : i32
        %add3A_183 = arith.addi %mul3A_181, %add3A_182 : i32
        %add3A_184 = arith.constant 1 : i32
        %add3A_185 = arith.addi %add3A_183, %add3A_184 : i32
        %ge3A_186 = arith.constant 0 : i32
        %ge3A_187 = arith.cmpi sge, %add3A_185, %ge3A_186 : i32
        %lt3A_188 = arith.constant 391 : i32
        %lt3A_189 = arith.cmpi slt, %add3A_185, %lt3A_188 : i32
        %and3A_190 = arith.andi %ge3A_187, %lt3A_189 : i1
        %add3A_191 = arith.addi %mul3A_2, %add3A_185 : i32
        %lt3A_192 = arith.constant 6250 : i32
        %lt3A_193 = arith.cmpi slt, %add3A_191, %lt3A_192 : i32
        %and3A_194 = arith.andi %and3A_190, %lt3A_193 : i1
        %convert_element_type3A_195 = arith.extui %and3A_194 : i1 to i32
        %cond3A_196 = arith.constant 0 : i32
        %cond3A_197 = arith.cmpi ne, %convert_element_type3A_195, %cond3A_196 : i32
        scf.if %cond3A_197 {
          %add3A_396 = arith.addi %mul3A_2, %add3A_185 : i32
          %mul3A_397 = arith.constant 128 : i32
          %mul3A_398 = arith.muli %add3A_396, %mul3A_397 : i32
          %dma_wait3A = tpu.memref_slice %arg6[%mul3A_398] : memref<800000xi32, #tpu.memory_space<hbm>> -> memref<128xi32, #tpu.memory_space<hbm>>
          %dma_wait3A_399 = tpu.memref_slice %arg6[%mul3A_398] : memref<800000xi32, #tpu.memory_space<hbm>> -> memref<128xi32, #tpu.memory_space<hbm>>
          tpu.wait_dma2 semaphore(%arg28 : memref<!tpu.dma_semaphore, #tpu.memory_space<semaphore_mem>>) src(%dma_wait3A_399 : memref<128xi32, #tpu.memory_space<hbm>>) dst(%arg14 : memref<128xi32, #tpu.memory_space<vmem>>)
          %dma_wait3A_400 = tpu.memref_slice %arg7[%mul3A_398] : memref<800000xi32, #tpu.memory_space<hbm>> -> memref<128xi32, #tpu.memory_space<hbm>>
          %dma_wait3A_401 = tpu.memref_slice %arg7[%mul3A_398] : memref<800000xi32, #tpu.memory_space<hbm>> -> memref<128xi32, #tpu.memory_space<hbm>>
          tpu.wait_dma2 semaphore(%arg28 : memref<!tpu.dma_semaphore, #tpu.memory_space<semaphore_mem>>) src(%dma_wait3A_401 : memref<128xi32, #tpu.memory_space<hbm>>) dst(%arg18 : memref<128xi32, #tpu.memory_space<vmem>>)
          %dma_wait3A_402 = arith.constant 0 : i32
          %dma_wait3A_403 = tpu.memref_slice %arg3[%dma_wait3A_402] : memref<25600000xf32, #tpu.memory_space<hbm>> -> memref<4096xf32, #tpu.memory_space<hbm>>
          %dma_wait3A_404 = arith.constant 0 : i32
          %dma_wait3A_405 = tpu.memref_slice %arg3[%dma_wait3A_404] : memref<25600000xf32, #tpu.memory_space<hbm>> -> memref<4096xf32, #tpu.memory_space<hbm>>
          tpu.wait_dma2 semaphore(%arg28 : memref<!tpu.dma_semaphore, #tpu.memory_space<semaphore_mem>>) src(%dma_wait3A_405 : memref<4096xf32, #tpu.memory_space<hbm>>) dst(%arg20 : memref<4096xf32, #tpu.memory_space<vmem>>)
        } else {
        }
        %add3A_198 = arith.constant 1 : i32
        %add3A_199 = arith.addi %add3A_183, %add3A_198 : i32
        %ge3A_200 = arith.constant 0 : i32
        %ge3A_201 = arith.cmpi sge, %add3A_199, %ge3A_200 : i32
        %lt3A_202 = arith.constant 391 : i32
        %lt3A_203 = arith.cmpi slt, %add3A_199, %lt3A_202 : i32
        %and3A_204 = arith.andi %ge3A_201, %lt3A_203 : i1
        %add3A_205 = arith.addi %mul3A_2, %add3A_199 : i32
        %lt3A_206 = arith.constant 6250 : i32
        %lt3A_207 = arith.cmpi slt, %add3A_205, %lt3A_206 : i32
        %and3A_208 = arith.andi %and3A_204, %lt3A_207 : i1
        %convert_element_type3A_209 = arith.extui %and3A_208 : i1 to i32
        %cond3A_210 = arith.constant 0 : i32
        %cond3A_211 = arith.cmpi ne, %convert_element_type3A_209, %cond3A_210 : i32
        scf.if %cond3A_211 {
          %dma_start3A = arith.constant 0 : i32
          %dma_start3A_396 = arith.constant 0 : i32
          %dma_start3A_397 = tpu.memref_slice %arg5[%dma_start3A, %dma_start3A_396] : memref<50048x32xf32, #tpu.memory_space<hbm>> -> memref<50048x32xf32, #tpu.memory_space<hbm>>
          tpu.enqueue_indirect_dma source(%dma_start3A_397 : memref<50048x32xf32, #tpu.memory_space<hbm>>) target(%arg22 : memref<128x32xf32, #tpu.memory_space<vmem>>) offsets(%arg14 : memref<128xi32, #tpu.memory_space<vmem>>) semaphore(%arg30 : memref<!tpu.dma_semaphore, #tpu.memory_space<semaphore_mem>>)
        } else {
        }
        %sub3A_212 = arith.constant 2 : i32
        %sub3A_213 = arith.subi %add3A_183, %sub3A_212 : i32
        %ge3A_214 = arith.constant 0 : i32
        %ge3A_215 = arith.cmpi sge, %sub3A_213, %ge3A_214 : i32
        %lt3A_216 = arith.constant 391 : i32
        %lt3A_217 = arith.cmpi slt, %sub3A_213, %lt3A_216 : i32
        %and3A_218 = arith.andi %ge3A_215, %lt3A_217 : i1
        %add3A_219 = arith.addi %mul3A_2, %sub3A_213 : i32
        %lt3A_220 = arith.constant 6250 : i32
        %lt3A_221 = arith.cmpi slt, %add3A_219, %lt3A_220 : i32
        %and3A_222 = arith.andi %and3A_218, %lt3A_221 : i1
        %convert_element_type3A_223 = arith.extui %and3A_222 : i1 to i32
        %cond3A_224 = arith.constant 0 : i32
        %cond3A_225 = arith.cmpi ne, %convert_element_type3A_223, %cond3A_224 : i32
        scf.if %cond3A_225 {
          %dma_wait3A = arith.constant 0 : i32
          %dma_wait3A_396 = arith.constant 0 : i32
          %dma_wait3A_397 = tpu.memref_slice %arg27[%dma_wait3A, %dma_wait3A_396] : memref<50048x32xf32, #tpu.memory_space<vmem_shared>> -> memref<50048x32xf32, #tpu.memory_space<vmem_shared>>
          tpu.wait_indirect_dma semaphore(%arg33 : memref<!tpu.dma_semaphore, #tpu.memory_space<semaphore_mem>>) src(%arg25 : memref<128x32xf32, #tpu.memory_space<vmem>>) dst(%dma_wait3A_397 : memref<50048x32xf32, #tpu.memory_space<vmem_shared>>)
        } else {
        }
        %ge3A_226 = arith.constant 0 : i32
        %ge3A_227 = arith.cmpi sge, %add3A_183, %ge3A_226 : i32
        %lt3A_228 = arith.constant 391 : i32
        %lt3A_229 = arith.cmpi slt, %add3A_183, %lt3A_228 : i32
        %and3A_230 = arith.andi %ge3A_227, %lt3A_229 : i1
        %add3A_231 = arith.addi %mul3A_2, %add3A_183 : i32
        %lt3A_232 = arith.constant 6250 : i32
        %lt3A_233 = arith.cmpi slt, %add3A_231, %lt3A_232 : i32
        %and3A_234 = arith.andi %and3A_230, %lt3A_233 : i1
        %convert_element_type3A_235 = arith.extui %and3A_234 : i1 to i32
        %cond3A_236 = arith.constant 0 : i32
        %cond3A_237 = arith.cmpi ne, %convert_element_type3A_235, %cond3A_236 : i32
        scf.if %cond3A_237 {
          %dma_wait3A = arith.constant 0 : i32
          %dma_wait3A_396 = arith.constant 0 : i32
          %dma_wait3A_397 = tpu.memref_slice %arg5[%dma_wait3A, %dma_wait3A_396] : memref<50048x32xf32, #tpu.memory_space<hbm>> -> memref<50048x32xf32, #tpu.memory_space<hbm>>
          tpu.wait_indirect_dma semaphore(%arg31 : memref<!tpu.dma_semaphore, #tpu.memory_space<semaphore_mem>>) src(%dma_wait3A_397 : memref<50048x32xf32, #tpu.memory_space<hbm>>) dst(%arg23 : memref<128x32xf32, #tpu.memory_space<vmem>>)
          %scan3A_398 = arith.constant 0 : i32
          %scan3A_399 = arith.constant 0 : i32
          %scan3A_400 = arith.constant 32 : i32
          %scan3A_401 = arith.addi %scan3A_399, %scan3A_400 : i32
          %scan3A_402 = arith.constant 1 : i32
          scf.for %scan3A_406 = %scan3A_399 to %scan3A_401 step %scan3A_402  : i32 {
            %mul3A_407 = arith.constant 4 : i32
            %mul3A_408 = arith.muli %scan3A_406, %mul3A_407 : i32
            %add3A_409 = arith.constant 0 : i32
            %add3A_410 = arith.addi %mul3A_408, %add3A_409 : i32
            %mul3A_411 = arith.constant 128 : i32
            %mul3A_412 = arith.muli %scan3A_406, %mul3A_411 : i32
            %add3A_413 = arith.constant 0 : i32
            %add3A_414 = arith.addi %mul3A_412, %add3A_413 : i32
            %add3A_415 = arith.constant 0 : i32
            %add3A_416 = arith.addi %add3A_414, %add3A_415 : i32
            %get3A = arith.index_cast %add3A_416 : i32 to index
            %get3A_417 = tpu.vector_load %arg21[%get3A] {strides = array<i32>} : memref<4096xf32, #tpu.memory_space<vmem>>, vector<16xf32>,
            %get3A_418 = vector.shape_cast %get3A_417 : vector<16xf32> to vector<16xf32>
            %get3A_419 = arith.index_cast %add3A_410 : i32 to index
            %get3A_420 = arith.constant 0 : index
            %get3A_421 = tpu.vector_load %arg23[%get3A_419, %get3A_420] {strides = array<i32>} : memref<128x32xf32, #tpu.memory_space<vmem>>, vector<1x16xf32>,
            %get3A_422 = vector.shape_cast %get3A_421 : vector<1x16xf32> to vector<16xf32>
            %add3A_423 = arith.addf %get3A_418, %get3A_422 : vector<16xf32>
            %max3A = arith.constant 0.000000e+00 : f32
            %max3A_424 = vector.broadcast %max3A : f32 to vector<16xf32>
            %max3A_425 = arith.maximumf %add3A_423, %max3A_424 : vector<16xf32>
            %swap3A = arith.index_cast %add3A_410 : i32 to index
            %swap3A_426 = arith.constant 0 : index
            %swap3A_427 = tpu.vector_load %arg25[%swap3A, %swap3A_426] {strides = array<i32>} : memref<128x32xf32, #tpu.memory_space<vmem>>, vector<1x16xf32>,
            %swap3A_428 = vector.shape_cast %swap3A_427 : vector<1x16xf32> to vector<16xf32>
            %swap3A_429 = vector.shape_cast %max3A_425 : vector<16xf32> to vector<1x16xf32>
            tpu.vector_store %arg25[%swap3A, %swap3A_426], %swap3A_429 {strides = array<i32>} : memref<128x32xf32, #tpu.memory_space<vmem>>, vector<1x16xf32>,
            %mul3A_430 = arith.constant 128 : i32
            %mul3A_431 = arith.muli %scan3A_406, %mul3A_430 : i32
            %add3A_432 = arith.constant 0 : i32
            %add3A_433 = arith.addi %mul3A_431, %add3A_432 : i32
            %add3A_434 = arith.constant 16 : i32
            %add3A_435 = arith.addi %add3A_433, %add3A_434 : i32
            %get3A_436 = arith.index_cast %add3A_435 : i32 to index
            %get3A_437 = tpu.vector_load %arg21[%get3A_436] {strides = array<i32>} : memref<4096xf32, #tpu.memory_space<vmem>>, vector<16xf32>,
            %get3A_438 = vector.shape_cast %get3A_437 : vector<16xf32> to vector<16xf32>
            %get3A_439 = arith.index_cast %add3A_410 : i32 to index
            %get3A_440 = arith.constant 16 : index
            %get3A_441 = tpu.vector_load %arg23[%get3A_439, %get3A_440] {strides = array<i32>} : memref<128x32xf32, #tpu.memory_space<vmem>>, vector<1x16xf32>,
            %get3A_442 = vector.shape_cast %get3A_441 : vector<1x16xf32> to vector<16xf32>
            %add3A_443 = arith.addf %get3A_438, %get3A_442 : vector<16xf32>
            %max3A_444 = arith.constant 0.000000e+00 : f32
            %max3A_445 = vector.broadcast %max3A_444 : f32 to vector<16xf32>
            %max3A_446 = arith.maximumf %add3A_443, %max3A_445 : vector<16xf32>
            %swap3A_447 = arith.index_cast %add3A_410 : i32 to index
            %swap3A_448 = arith.constant 16 : index
            %swap3A_449 = tpu.vector_load %arg25[%swap3A_447, %swap3A_448] {strides = array<i32>} : memref<128x32xf32, #tpu.memory_space<vmem>>, vector<1x16xf32>,
            %swap3A_450 = vector.shape_cast %swap3A_449 : vector<1x16xf32> to vector<16xf32>
            %swap3A_451 = vector.shape_cast %max3A_446 : vector<16xf32> to vector<1x16xf32>
            tpu.vector_store %arg25[%swap3A_447, %swap3A_448], %swap3A_451 {strides = array<i32>} : memref<128x32xf32, #tpu.memory_space<vmem>>, vector<1x16xf32>,
            %mul3A_452 = arith.constant 4 : i32
            %mul3A_453 = arith.muli %scan3A_406, %mul3A_452 : i32
            %add3A_454 = arith.constant 1 : i32
            %add3A_455 = arith.addi %mul3A_453, %add3A_454 : i32
            %mul3A_456 = arith.constant 128 : i32
            %mul3A_457 = arith.muli %scan3A_406, %mul3A_456 : i32
            %add3A_458 = arith.constant 32 : i32
            %add3A_459 = arith.addi %mul3A_457, %add3A_458 : i32
            %add3A_460 = arith.constant 0 : i32
            %add3A_461 = arith.addi %add3A_459, %add3A_460 : i32
            %get3A_462 = arith.index_cast %add3A_461 : i32 to index
            %get3A_463 = tpu.vector_load %arg21[%get3A_462] {strides = array<i32>} : memref<4096xf32, #tpu.memory_space<vmem>>, vector<16xf32>,
            %get3A_464 = vector.shape_cast %get3A_463 : vector<16xf32> to vector<16xf32>
            %get3A_465 = arith.index_cast %add3A_455 : i32 to index
            %get3A_466 = arith.constant 0 : index
            %get3A_467 = tpu.vector_load %arg23[%get3A_465, %get3A_466] {strides = array<i32>} : memref<128x32xf32, #tpu.memory_space<vmem>>, vector<1x16xf32>,
            %get3A_468 = vector.shape_cast %get3A_467 : vector<1x16xf32> to vector<16xf32>
            %add3A_469 = arith.addf %get3A_464, %get3A_468 : vector<16xf32>
            %max3A_470 = arith.constant 0.000000e+00 : f32
            %max3A_471 = vector.broadcast %max3A_470 : f32 to vector<16xf32>
            %max3A_472 = arith.maximumf %add3A_469, %max3A_471 : vector<16xf32>
            %swap3A_473 = arith.index_cast %add3A_455 : i32 to index
            %swap3A_474 = arith.constant 0 : index
            %swap3A_475 = tpu.vector_load %arg25[%swap3A_473, %swap3A_474] {strides = array<i32>} : memref<128x32xf32, #tpu.memory_space<vmem>>, vector<1x16xf32>,
            %swap3A_476 = vector.shape_cast %swap3A_475 : vector<1x16xf32> to vector<16xf32>
            %swap3A_477 = vector.shape_cast %max3A_472 : vector<16xf32> to vector<1x16xf32>
            tpu.vector_store %arg25[%swap3A_473, %swap3A_474], %swap3A_477 {strides = array<i32>} : memref<128x32xf32, #tpu.memory_space<vmem>>, vector<1x16xf32>,
            %mul3A_478 = arith.constant 128 : i32
            %mul3A_479 = arith.muli %scan3A_406, %mul3A_478 : i32
            %add3A_480 = arith.constant 32 : i32
            %add3A_481 = arith.addi %mul3A_479, %add3A_480 : i32
            %add3A_482 = arith.constant 16 : i32
            %add3A_483 = arith.addi %add3A_481, %add3A_482 : i32
            %get3A_484 = arith.index_cast %add3A_483 : i32 to index
            %get3A_485 = tpu.vector_load %arg21[%get3A_484] {strides = array<i32>} : memref<4096xf32, #tpu.memory_space<vmem>>, vector<16xf32>,
            %get3A_486 = vector.shape_cast %get3A_485 : vector<16xf32> to vector<16xf32>
            %get3A_487 = arith.index_cast %add3A_455 : i32 to index
            %get3A_488 = arith.constant 16 : index
            %get3A_489 = tpu.vector_load %arg23[%get3A_487, %get3A_488] {strides = array<i32>} : memref<128x32xf32, #tpu.memory_space<vmem>>, vector<1x16xf32>,
            %get3A_490 = vector.shape_cast %get3A_489 : vector<1x16xf32> to vector<16xf32>
            %add3A_491 = arith.addf %get3A_486, %get3A_490 : vector<16xf32>
            %max3A_492 = arith.constant 0.000000e+00 : f32
            %max3A_493 = vector.broadcast %max3A_492 : f32 to vector<16xf32>
            %max3A_494 = arith.maximumf %add3A_491, %max3A_493 : vector<16xf32>
            %swap3A_495 = arith.index_cast %add3A_455 : i32 to index
            %swap3A_496 = arith.constant 16 : index
            %swap3A_497 = tpu.vector_load %arg25[%swap3A_495, %swap3A_496] {strides = array<i32>} : memref<128x32xf32, #tpu.memory_space<vmem>>, vector<1x16xf32>,
            %swap3A_498 = vector.shape_cast %swap3A_497 : vector<1x16xf32> to vector<16xf32>
            %swap3A_499 = vector.shape_cast %max3A_494 : vector<16xf32> to vector<1x16xf32>
            tpu.vector_store %arg25[%swap3A_495, %swap3A_496], %swap3A_499 {strides = array<i32>} : memref<128x32xf32, #tpu.memory_space<vmem>>, vector<1x16xf32>,
            %mul3A_500 = arith.constant 4 : i32
            %mul3A_501 = arith.muli %scan3A_406, %mul3A_500 : i32
            %add3A_502 = arith.constant 2 : i32
            %add3A_503 = arith.addi %mul3A_501, %add3A_502 : i32
            %mul3A_504 = arith.constant 128 : i32
            %mul3A_505 = arith.muli %scan3A_406, %mul3A_504 : i32
            %add3A_506 = arith.constant 64 : i32
            %add3A_507 = arith.addi %mul3A_505, %add3A_506 : i32
            %add3A_508 = arith.constant 0 : i32
            %add3A_509 = arith.addi %add3A_507, %add3A_508 : i32
            %get3A_510 = arith.index_cast %add3A_509 : i32 to index
            %get3A_511 = tpu.vector_load %arg21[%get3A_510] {strides = array<i32>} : memref<4096xf32, #tpu.memory_space<vmem>>, vector<16xf32>,
            %get3A_512 = vector.shape_cast %get3A_511 : vector<16xf32> to vector<16xf32>
            %get3A_513 = arith.index_cast %add3A_503 : i32 to index
            %get3A_514 = arith.constant 0 : index
            %get3A_515 = tpu.vector_load %arg23[%get3A_513, %get3A_514] {strides = array<i32>} : memref<128x32xf32, #tpu.memory_space<vmem>>, vector<1x16xf32>,
            %get3A_516 = vector.shape_cast %get3A_515 : vector<1x16xf32> to vector<16xf32>
            %add3A_517 = arith.addf %get3A_512, %get3A_516 : vector<16xf32>
            %max3A_518 = arith.constant 0.000000e+00 : f32
            %max3A_519 = vector.broadcast %max3A_518 : f32 to vector<16xf32>
            %max3A_520 = arith.maximumf %add3A_517, %max3A_519 : vector<16xf32>
            %swap3A_521 = arith.index_cast %add3A_503 : i32 to index
            %swap3A_522 = arith.constant 0 : index
            %swap3A_523 = tpu.vector_load %arg25[%swap3A_521, %swap3A_522] {strides = array<i32>} : memref<128x32xf32, #tpu.memory_space<vmem>>, vector<1x16xf32>,
            %swap3A_524 = vector.shape_cast %swap3A_523 : vector<1x16xf32> to vector<16xf32>
            %swap3A_525 = vector.shape_cast %max3A_520 : vector<16xf32> to vector<1x16xf32>
            tpu.vector_store %arg25[%swap3A_521, %swap3A_522], %swap3A_525 {strides = array<i32>} : memref<128x32xf32, #tpu.memory_space<vmem>>, vector<1x16xf32>,
            %mul3A_526 = arith.constant 128 : i32
            %mul3A_527 = arith.muli %scan3A_406, %mul3A_526 : i32
            %add3A_528 = arith.constant 64 : i32
            %add3A_529 = arith.addi %mul3A_527, %add3A_528 : i32
            %add3A_530 = arith.constant 16 : i32
            %add3A_531 = arith.addi %add3A_529, %add3A_530 : i32
            %get3A_532 = arith.index_cast %add3A_531 : i32 to index
            %get3A_533 = tpu.vector_load %arg21[%get3A_532] {strides = array<i32>} : memref<4096xf32, #tpu.memory_space<vmem>>, vector<16xf32>,
            %get3A_534 = vector.shape_cast %get3A_533 : vector<16xf32> to vector<16xf32>
            %get3A_535 = arith.index_cast %add3A_503 : i32 to index
            %get3A_536 = arith.constant 16 : index
            %get3A_537 = tpu.vector_load %arg23[%get3A_535, %get3A_536] {strides = array<i32>} : memref<128x32xf32, #tpu.memory_space<vmem>>, vector<1x16xf32>,
            %get3A_538 = vector.shape_cast %get3A_537 : vector<1x16xf32> to vector<16xf32>
            %add3A_539 = arith.addf %get3A_534, %get3A_538 : vector<16xf32>
            %max3A_540 = arith.constant 0.000000e+00 : f32
            %max3A_541 = vector.broadcast %max3A_540 : f32 to vector<16xf32>
            %max3A_542 = arith.maximumf %add3A_539, %max3A_541 : vector<16xf32>
            %swap3A_543 = arith.index_cast %add3A_503 : i32 to index
            %swap3A_544 = arith.constant 16 : index
            %swap3A_545 = tpu.vector_load %arg25[%swap3A_543, %swap3A_544] {strides = array<i32>} : memref<128x32xf32, #tpu.memory_space<vmem>>, vector<1x16xf32>,
            %swap3A_546 = vector.shape_cast %swap3A_545 : vector<1x16xf32> to vector<16xf32>
            %swap3A_547 = vector.shape_cast %max3A_542 : vector<16xf32> to vector<1x16xf32>
            tpu.vector_store %arg25[%swap3A_543, %swap3A_544], %swap3A_547 {strides = array<i32>} : memref<128x32xf32, #tpu.memory_space<vmem>>, vector<1x16xf32>,
            %mul3A_548 = arith.constant 4 : i32
            %mul3A_549 = arith.muli %scan3A_406, %mul3A_548 : i32
            %add3A_550 = arith.constant 3 : i32
            %add3A_551 = arith.addi %mul3A_549, %add3A_550 : i32
            %mul3A_552 = arith.constant 128 : i32
            %mul3A_553 = arith.muli %scan3A_406, %mul3A_552 : i32
            %add3A_554 = arith.constant 96 : i32
            %add3A_555 = arith.addi %mul3A_553, %add3A_554 : i32
            %add3A_556 = arith.constant 0 : i32
            %add3A_557 = arith.addi %add3A_555, %add3A_556 : i32
            %get3A_558 = arith.index_cast %add3A_557 : i32 to index
            %get3A_559 = tpu.vector_load %arg21[%get3A_558] {strides = array<i32>} : memref<4096xf32, #tpu.memory_space<vmem>>, vector<16xf32>,
            %get3A_560 = vector.shape_cast %get3A_559 : vector<16xf32> to vector<16xf32>
            %get3A_561 = arith.index_cast %add3A_551 : i32 to index
            %get3A_562 = arith.constant 0 : index
            %get3A_563 = tpu.vector_load %arg23[%get3A_561, %get3A_562] {strides = array<i32>} : memref<128x32xf32, #tpu.memory_space<vmem>>, vector<1x16xf32>,
            %get3A_564 = vector.shape_cast %get3A_563 : vector<1x16xf32> to vector<16xf32>
            %add3A_565 = arith.addf %get3A_560, %get3A_564 : vector<16xf32>
            %max3A_566 = arith.constant 0.000000e+00 : f32
            %max3A_567 = vector.broadcast %max3A_566 : f32 to vector<16xf32>
            %max3A_568 = arith.maximumf %add3A_565, %max3A_567 : vector<16xf32>
            %swap3A_569 = arith.index_cast %add3A_551 : i32 to index
            %swap3A_570 = arith.constant 0 : index
            %swap3A_571 = tpu.vector_load %arg25[%swap3A_569, %swap3A_570] {strides = array<i32>} : memref<128x32xf32, #tpu.memory_space<vmem>>, vector<1x16xf32>,
            %swap3A_572 = vector.shape_cast %swap3A_571 : vector<1x16xf32> to vector<16xf32>
            %swap3A_573 = vector.shape_cast %max3A_568 : vector<16xf32> to vector<1x16xf32>
            tpu.vector_store %arg25[%swap3A_569, %swap3A_570], %swap3A_573 {strides = array<i32>} : memref<128x32xf32, #tpu.memory_space<vmem>>, vector<1x16xf32>,
            %mul3A_574 = arith.constant 128 : i32
            %mul3A_575 = arith.muli %scan3A_406, %mul3A_574 : i32
            %add3A_576 = arith.constant 96 : i32
            %add3A_577 = arith.addi %mul3A_575, %add3A_576 : i32
            %add3A_578 = arith.constant 16 : i32
            %add3A_579 = arith.addi %add3A_577, %add3A_578 : i32
            %get3A_580 = arith.index_cast %add3A_579 : i32 to index
            %get3A_581 = tpu.vector_load %arg21[%get3A_580] {strides = array<i32>} : memref<4096xf32, #tpu.memory_space<vmem>>, vector<16xf32>,
            %get3A_582 = vector.shape_cast %get3A_581 : vector<16xf32> to vector<16xf32>
            %get3A_583 = arith.index_cast %add3A_551 : i32 to index
            %get3A_584 = arith.constant 16 : index
            %get3A_585 = tpu.vector_load %arg23[%get3A_583, %get3A_584] {strides = array<i32>} : memref<128x32xf32, #tpu.memory_space<vmem>>, vector<1x16xf32>,
            %get3A_586 = vector.shape_cast %get3A_585 : vector<1x16xf32> to vector<16xf32>
            %add3A_587 = arith.addf %get3A_582, %get3A_586 : vector<16xf32>
            %max3A_588 = arith.constant 0.000000e+00 : f32
            %max3A_589 = vector.broadcast %max3A_588 : f32 to vector<16xf32>
            %max3A_590 = arith.maximumf %add3A_587, %max3A_589 : vector<16xf32>
            %swap3A_591 = arith.index_cast %add3A_551 : i32 to index
            %swap3A_592 = arith.constant 16 : index
            %swap3A_593 = tpu.vector_load %arg25[%swap3A_591, %swap3A_592] {strides = array<i32>} : memref<128x32xf32, #tpu.memory_space<vmem>>, vector<1x16xf32>,
            %swap3A_594 = vector.shape_cast %swap3A_593 : vector<1x16xf32> to vector<16xf32>
            %swap3A_595 = vector.shape_cast %max3A_590 : vector<16xf32> to vector<1x16xf32>
            tpu.vector_store %arg25[%swap3A_591, %swap3A_592], %swap3A_595 {strides = array<i32>} : memref<128x32xf32, #tpu.memory_space<vmem>>, vector<1x16xf32>,
          }
          %scan3A_403 = arith.constant 32 : i32
          %dma_start3A = arith.constant 0 : i32
          %dma_start3A_404 = arith.constant 0 : i32
          %dma_start3A_405 = tpu.memref_slice %arg27[%dma_start3A, %dma_start3A_404] : memref<50048x32xf32, #tpu.memory_space<vmem_shared>> -> memref<50048x32xf32, #tpu.memory_space<vmem_shared>>
          tpu.enqueue_indirect_dma source(%arg25 : memref<128x32xf32, #tpu.memory_space<vmem>>) target(%dma_start3A_405 : memref<50048x32xf32, #tpu.memory_space<vmem_shared>>) offsets(%arg17 : memref<128xi32, #tpu.memory_space<vmem>>) semaphore(%arg33 : memref<!tpu.dma_semaphore, #tpu.memory_space<semaphore_mem>>) {add = true}
        } else {
        }
        %add3A_238 = arith.constant 2 : i32
        %add3A_239 = arith.addi %add3A_183, %add3A_238 : i32
        %ge3A_240 = arith.constant 0 : i32
        %ge3A_241 = arith.cmpi sge, %add3A_239, %ge3A_240 : i32
        %lt3A_242 = arith.constant 391 : i32
        %lt3A_243 = arith.cmpi slt, %add3A_239, %lt3A_242 : i32
        %and3A_244 = arith.andi %ge3A_241, %lt3A_243 : i1
        %add3A_245 = arith.addi %mul3A_2, %add3A_239 : i32
        %lt3A_246 = arith.constant 6250 : i32
        %lt3A_247 = arith.cmpi slt, %add3A_245, %lt3A_246 : i32
        %and3A_248 = arith.andi %and3A_244, %lt3A_247 : i1
        %convert_element_type3A_249 = arith.extui %and3A_248 : i1 to i32
        %cond3A_250 = arith.constant 0 : i32
        %cond3A_251 = arith.cmpi ne, %convert_element_type3A_249, %cond3A_250 : i32
        scf.if %cond3A_251 {
          %add3A_396 = arith.addi %mul3A_2, %add3A_239 : i32
          %mul3A_397 = arith.constant 128 : i32
          %mul3A_398 = arith.muli %add3A_396, %mul3A_397 : i32
          %dma_start3A = tpu.memref_slice %arg6[%mul3A_398] : memref<800000xi32, #tpu.memory_space<hbm>> -> memref<128xi32, #tpu.memory_space<hbm>>
          %dma_start3A_399 = tpu.memref_slice %arg6[%mul3A_398] : memref<800000xi32, #tpu.memory_space<hbm>> -> memref<128xi32, #tpu.memory_space<hbm>>
          tpu.enqueue_dma source(%dma_start3A_399 : memref<128xi32, #tpu.memory_space<hbm>>) target(%arg15 : memref<128xi32, #tpu.memory_space<vmem>>) target_semaphore(%arg29 : memref<!tpu.dma_semaphore, #tpu.memory_space<semaphore_mem>>)
          %dma_start3A_400 = tpu.memref_slice %arg7[%mul3A_398] : memref<800000xi32, #tpu.memory_space<hbm>> -> memref<128xi32, #tpu.memory_space<hbm>>
          %dma_start3A_401 = tpu.memref_slice %arg7[%mul3A_398] : memref<800000xi32, #tpu.memory_space<hbm>> -> memref<128xi32, #tpu.memory_space<hbm>>
          tpu.enqueue_dma source(%dma_start3A_401 : memref<128xi32, #tpu.memory_space<hbm>>) target(%arg19 : memref<128xi32, #tpu.memory_space<vmem>>) target_semaphore(%arg29 : memref<!tpu.dma_semaphore, #tpu.memory_space<semaphore_mem>>)
          %mul3A_402 = arith.constant 128 : i32
          %mul3A_403 = arith.muli %add3A_396, %mul3A_402 : i32
          %mul3A_404 = arith.constant 32 : i32
          %mul3A_405 = arith.muli %mul3A_403, %mul3A_404 : i32
          %dma_start3A_406 = tpu.memref_slice %arg3[%mul3A_405] : memref<25600000xf32, #tpu.memory_space<hbm>> -> memref<4096xf32, #tpu.memory_space<hbm>>
          %dma_start3A_407 = tpu.memref_slice %arg3[%mul3A_405] : memref<25600000xf32, #tpu.memory_space<hbm>> -> memref<4096xf32, #tpu.memory_space<hbm>>
          tpu.enqueue_dma source(%dma_start3A_407 : memref<4096xf32, #tpu.memory_space<hbm>>) target(%arg21 : memref<4096xf32, #tpu.memory_space<vmem>>) target_semaphore(%arg29 : memref<!tpu.dma_semaphore, #tpu.memory_space<semaphore_mem>>)
        } else {
        }
        %mul3A_252 = arith.constant 4 : i32
        %mul3A_253 = arith.muli %scan3A_109, %mul3A_252 : i32
        %add3A_254 = arith.constant 2 : i32
        %add3A_255 = arith.addi %mul3A_253, %add3A_254 : i32
        %add3A_256 = arith.constant 1 : i32
        %add3A_257 = arith.addi %add3A_255, %add3A_256 : i32
        %ge3A_258 = arith.constant 0 : i32
        %ge3A_259 = arith.cmpi sge, %add3A_257, %ge3A_258 : i32
        %lt3A_260 = arith.constant 391 : i32
        %lt3A_261 = arith.cmpi slt, %add3A_257, %lt3A_260 : i32
        %and3A_262 = arith.andi %ge3A_259, %lt3A_261 : i1
        %add3A_263 = arith.addi %mul3A_2, %add3A_257 : i32
        %lt3A_264 = arith.constant 6250 : i32
        %lt3A_265 = arith.cmpi slt, %add3A_263, %lt3A_264 : i32
        %and3A_266 = arith.andi %and3A_262, %lt3A_265 : i1
        %convert_element_type3A_267 = arith.extui %and3A_266 : i1 to i32
        %cond3A_268 = arith.constant 0 : i32
        %cond3A_269 = arith.cmpi ne, %convert_element_type3A_267, %cond3A_268 : i32
        scf.if %cond3A_269 {
          %add3A_396 = arith.addi %mul3A_2, %add3A_257 : i32
          %mul3A_397 = arith.constant 128 : i32
          %mul3A_398 = arith.muli %add3A_396, %mul3A_397 : i32
          %dma_wait3A = tpu.memref_slice %arg6[%mul3A_398] : memref<800000xi32, #tpu.memory_space<hbm>> -> memref<128xi32, #tpu.memory_space<hbm>>
          %dma_wait3A_399 = tpu.memref_slice %arg6[%mul3A_398] : memref<800000xi32, #tpu.memory_space<hbm>> -> memref<128xi32, #tpu.memory_space<hbm>>
          tpu.wait_dma2 semaphore(%arg29 : memref<!tpu.dma_semaphore, #tpu.memory_space<semaphore_mem>>) src(%dma_wait3A_399 : memref<128xi32, #tpu.memory_space<hbm>>) dst(%arg15 : memref<128xi32, #tpu.memory_space<vmem>>)
          %dma_wait3A_400 = tpu.memref_slice %arg7[%mul3A_398] : memref<800000xi32, #tpu.memory_space<hbm>> -> memref<128xi32, #tpu.memory_space<hbm>>
          %dma_wait3A_401 = tpu.memref_slice %arg7[%mul3A_398] : memref<800000xi32, #tpu.memory_space<hbm>> -> memref<128xi32, #tpu.memory_space<hbm>>
          tpu.wait_dma2 semaphore(%arg29 : memref<!tpu.dma_semaphore, #tpu.memory_space<semaphore_mem>>) src(%dma_wait3A_401 : memref<128xi32, #tpu.memory_space<hbm>>) dst(%arg19 : memref<128xi32, #tpu.memory_space<vmem>>)
          %dma_wait3A_402 = arith.constant 0 : i32
          %dma_wait3A_403 = tpu.memref_slice %arg3[%dma_wait3A_402] : memref<25600000xf32, #tpu.memory_space<hbm>> -> memref<4096xf32, #tpu.memory_space<hbm>>
          %dma_wait3A_404 = arith.constant 0 : i32
          %dma_wait3A_405 = tpu.memref_slice %arg3[%dma_wait3A_404] : memref<25600000xf32, #tpu.memory_space<hbm>> -> memref<4096xf32, #tpu.memory_space<hbm>>
          tpu.wait_dma2 semaphore(%arg29 : memref<!tpu.dma_semaphore, #tpu.memory_space<semaphore_mem>>) src(%dma_wait3A_405 : memref<4096xf32, #tpu.memory_space<hbm>>) dst(%arg21 : memref<4096xf32, #tpu.memory_space<vmem>>)
        } else {
        }
        %add3A_270 = arith.constant 1 : i32
        %add3A_271 = arith.addi %add3A_255, %add3A_270 : i32
        %ge3A_272 = arith.constant 0 : i32
        %ge3A_273 = arith.cmpi sge, %add3A_271, %ge3A_272 : i32
        %lt3A_274 = arith.constant 391 : i32
        %lt3A_275 = arith.cmpi slt, %add3A_271, %lt3A_274 : i32
        %and3A_276 = arith.andi %ge3A_273, %lt3A_275 : i1
        %add3A_277 = arith.addi %mul3A_2, %add3A_271 : i32
        %lt3A_278 = arith.constant 6250 : i32
        %lt3A_279 = arith.cmpi slt, %add3A_277, %lt3A_278 : i32
        %and3A_280 = arith.andi %and3A_276, %lt3A_279 : i1
        %convert_element_type3A_281 = arith.extui %and3A_280 : i1 to i32
        %cond3A_282 = arith.constant 0 : i32
        %cond3A_283 = arith.cmpi ne, %convert_element_type3A_281, %cond3A_282 : i32
        scf.if %cond3A_283 {
          %dma_start3A = arith.constant 0 : i32
          %dma_start3A_396 = arith.constant 0 : i32
          %dma_start3A_397 = tpu.memref_slice %arg5[%dma_start3A, %dma_start3A_396] : memref<50048x32xf32, #tpu.memory_space<hbm>> -> memref<50048x32xf32, #tpu.memory_space<hbm>>
          tpu.enqueue_indirect_dma source(%dma_start3A_397 : memref<50048x32xf32, #tpu.memory_space<hbm>>) target(%arg23 : memref<128x32xf32, #tpu.memory_space<vmem>>) offsets(%arg15 : memref<128xi32, #tpu.memory_space<vmem>>) semaphore(%arg31 : memref<!tpu.dma_semaphore, #tpu.memory_space<semaphore_mem>>)
        } else {
        }
        %sub3A_284 = arith.constant 2 : i32
        %sub3A_285 = arith.subi %add3A_255, %sub3A_284 : i32
        %ge3A_286 = arith.constant 0 : i32
        %ge3A_287 = arith.cmpi sge, %sub3A_285, %ge3A_286 : i32
        %lt3A_288 = arith.constant 391 : i32
        %lt3A_289 = arith.cmpi slt, %sub3A_285, %lt3A_288 : i32
        %and3A_290 = arith.andi %ge3A_287, %lt3A_289 : i1
        %add3A_291 = arith.addi %mul3A_2, %sub3A_285 : i32
        %lt3A_292 = arith.constant 6250 : i32
        %lt3A_293 = arith.cmpi slt, %add3A_291, %lt3A_292 : i32
        %and3A_294 = arith.andi %and3A_290, %lt3A_293 : i1
        %convert_element_type3A_295 = arith.extui %and3A_294 : i1 to i32
        %cond3A_296 = arith.constant 0 : i32
        %cond3A_297 = arith.cmpi ne, %convert_element_type3A_295, %cond3A_296 : i32
        scf.if %cond3A_297 {
          %dma_wait3A = arith.constant 0 : i32
          %dma_wait3A_396 = arith.constant 0 : i32
          %dma_wait3A_397 = tpu.memref_slice %arg27[%dma_wait3A, %dma_wait3A_396] : memref<50048x32xf32, #tpu.memory_space<vmem_shared>> -> memref<50048x32xf32, #tpu.memory_space<vmem_shared>>
          tpu.wait_indirect_dma semaphore(%arg32 : memref<!tpu.dma_semaphore, #tpu.memory_space<semaphore_mem>>) src(%arg24 : memref<128x32xf32, #tpu.memory_space<vmem>>) dst(%dma_wait3A_397 : memref<50048x32xf32, #tpu.memory_space<vmem_shared>>)
        } else {
        }
        %ge3A_298 = arith.constant 0 : i32
        %ge3A_299 = arith.cmpi sge, %add3A_255, %ge3A_298 : i32
        %lt3A_300 = arith.constant 391 : i32
        %lt3A_301 = arith.cmpi slt, %add3A_255, %lt3A_300 : i32
        %and3A_302 = arith.andi %ge3A_299, %lt3A_301 : i1
        %add3A_303 = arith.addi %mul3A_2, %add3A_255 : i32
        %lt3A_304 = arith.constant 6250 : i32
        %lt3A_305 = arith.cmpi slt, %add3A_303, %lt3A_304 : i32
        %and3A_306 = arith.andi %and3A_302, %lt3A_305 : i1
        %convert_element_type3A_307 = arith.extui %and3A_306 : i1 to i32
        %cond3A_308 = arith.constant 0 : i32
        %cond3A_309 = arith.cmpi ne, %convert_element_type3A_307, %cond3A_308 : i32
        scf.if %cond3A_309 {
          %dma_wait3A = arith.constant 0 : i32
          %dma_wait3A_396 = arith.constant 0 : i32
          %dma_wait3A_397 = tpu.memref_slice %arg5[%dma_wait3A, %dma_wait3A_396] : memref<50048x32xf32, #tpu.memory_space<hbm>> -> memref<50048x32xf32, #tpu.memory_space<hbm>>
          tpu.wait_indirect_dma semaphore(%arg30 : memref<!tpu.dma_semaphore, #tpu.memory_space<semaphore_mem>>) src(%dma_wait3A_397 : memref<50048x32xf32, #tpu.memory_space<hbm>>) dst(%arg22 : memref<128x32xf32, #tpu.memory_space<vmem>>)
          %scan3A_398 = arith.constant 0 : i32
          %scan3A_399 = arith.constant 0 : i32
          %scan3A_400 = arith.constant 32 : i32
          %scan3A_401 = arith.addi %scan3A_399, %scan3A_400 : i32
          %scan3A_402 = arith.constant 1 : i32
          scf.for %scan3A_406 = %scan3A_399 to %scan3A_401 step %scan3A_402  : i32 {
            %mul3A_407 = arith.constant 4 : i32
            %mul3A_408 = arith.muli %scan3A_406, %mul3A_407 : i32
            %add3A_409 = arith.constant 0 : i32
            %add3A_410 = arith.addi %mul3A_408, %add3A_409 : i32
            %mul3A_411 = arith.constant 128 : i32
            %mul3A_412 = arith.muli %scan3A_406, %mul3A_411 : i32
            %add3A_413 = arith.constant 0 : i32
            %add3A_414 = arith.addi %mul3A_412, %add3A_413 : i32
            %add3A_415 = arith.constant 0 : i32
            %add3A_416 = arith.addi %add3A_414, %add3A_415 : i32
            %get3A = arith.index_cast %add3A_416 : i32 to index
            %get3A_417 = tpu.vector_load %arg20[%get3A] {strides = array<i32>} : memref<4096xf32, #tpu.memory_space<vmem>>, vector<16xf32>,
            %get3A_418 = vector.shape_cast %get3A_417 : vector<16xf32> to vector<16xf32>
            %get3A_419 = arith.index_cast %add3A_410 : i32 to index
            %get3A_420 = arith.constant 0 : index
            %get3A_421 = tpu.vector_load %arg22[%get3A_419, %get3A_420] {strides = array<i32>} : memref<128x32xf32, #tpu.memory_space<vmem>>, vector<1x16xf32>,
            %get3A_422 = vector.shape_cast %get3A_421 : vector<1x16xf32> to vector<16xf32>
            %add3A_423 = arith.addf %get3A_418, %get3A_422 : vector<16xf32>
            %max3A = arith.constant 0.000000e+00 : f32
            %max3A_424 = vector.broadcast %max3A : f32 to vector<16xf32>
            %max3A_425 = arith.maximumf %add3A_423, %max3A_424 : vector<16xf32>
            %swap3A = arith.index_cast %add3A_410 : i32 to index
            %swap3A_426 = arith.constant 0 : index
            %swap3A_427 = tpu.vector_load %arg24[%swap3A, %swap3A_426] {strides = array<i32>} : memref<128x32xf32, #tpu.memory_space<vmem>>, vector<1x16xf32>,
            %swap3A_428 = vector.shape_cast %swap3A_427 : vector<1x16xf32> to vector<16xf32>
            %swap3A_429 = vector.shape_cast %max3A_425 : vector<16xf32> to vector<1x16xf32>
            tpu.vector_store %arg24[%swap3A, %swap3A_426], %swap3A_429 {strides = array<i32>} : memref<128x32xf32, #tpu.memory_space<vmem>>, vector<1x16xf32>,
            %mul3A_430 = arith.constant 128 : i32
            %mul3A_431 = arith.muli %scan3A_406, %mul3A_430 : i32
            %add3A_432 = arith.constant 0 : i32
            %add3A_433 = arith.addi %mul3A_431, %add3A_432 : i32
            %add3A_434 = arith.constant 16 : i32
            %add3A_435 = arith.addi %add3A_433, %add3A_434 : i32
            %get3A_436 = arith.index_cast %add3A_435 : i32 to index
            %get3A_437 = tpu.vector_load %arg20[%get3A_436] {strides = array<i32>} : memref<4096xf32, #tpu.memory_space<vmem>>, vector<16xf32>,
            %get3A_438 = vector.shape_cast %get3A_437 : vector<16xf32> to vector<16xf32>
            %get3A_439 = arith.index_cast %add3A_410 : i32 to index
            %get3A_440 = arith.constant 16 : index
            %get3A_441 = tpu.vector_load %arg22[%get3A_439, %get3A_440] {strides = array<i32>} : memref<128x32xf32, #tpu.memory_space<vmem>>, vector<1x16xf32>,
            %get3A_442 = vector.shape_cast %get3A_441 : vector<1x16xf32> to vector<16xf32>
            %add3A_443 = arith.addf %get3A_438, %get3A_442 : vector<16xf32>
            %max3A_444 = arith.constant 0.000000e+00 : f32
            %max3A_445 = vector.broadcast %max3A_444 : f32 to vector<16xf32>
            %max3A_446 = arith.maximumf %add3A_443, %max3A_445 : vector<16xf32>
            %swap3A_447 = arith.index_cast %add3A_410 : i32 to index
            %swap3A_448 = arith.constant 16 : index
            %swap3A_449 = tpu.vector_load %arg24[%swap3A_447, %swap3A_448] {strides = array<i32>} : memref<128x32xf32, #tpu.memory_space<vmem>>, vector<1x16xf32>,
            %swap3A_450 = vector.shape_cast %swap3A_449 : vector<1x16xf32> to vector<16xf32>
            %swap3A_451 = vector.shape_cast %max3A_446 : vector<16xf32> to vector<1x16xf32>
            tpu.vector_store %arg24[%swap3A_447, %swap3A_448], %swap3A_451 {strides = array<i32>} : memref<128x32xf32, #tpu.memory_space<vmem>>, vector<1x16xf32>,
            %mul3A_452 = arith.constant 4 : i32
            %mul3A_453 = arith.muli %scan3A_406, %mul3A_452 : i32
            %add3A_454 = arith.constant 1 : i32
            %add3A_455 = arith.addi %mul3A_453, %add3A_454 : i32
            %mul3A_456 = arith.constant 128 : i32
            %mul3A_457 = arith.muli %scan3A_406, %mul3A_456 : i32
            %add3A_458 = arith.constant 32 : i32
            %add3A_459 = arith.addi %mul3A_457, %add3A_458 : i32
            %add3A_460 = arith.constant 0 : i32
            %add3A_461 = arith.addi %add3A_459, %add3A_460 : i32
            %get3A_462 = arith.index_cast %add3A_461 : i32 to index
            %get3A_463 = tpu.vector_load %arg20[%get3A_462] {strides = array<i32>} : memref<4096xf32, #tpu.memory_space<vmem>>, vector<16xf32>,
            %get3A_464 = vector.shape_cast %get3A_463 : vector<16xf32> to vector<16xf32>
            %get3A_465 = arith.index_cast %add3A_455 : i32 to index
            %get3A_466 = arith.constant 0 : index
            %get3A_467 = tpu.vector_load %arg22[%get3A_465, %get3A_466] {strides = array<i32>} : memref<128x32xf32, #tpu.memory_space<vmem>>, vector<1x16xf32>,
            %get3A_468 = vector.shape_cast %get3A_467 : vector<1x16xf32> to vector<16xf32>
            %add3A_469 = arith.addf %get3A_464, %get3A_468 : vector<16xf32>
            %max3A_470 = arith.constant 0.000000e+00 : f32
            %max3A_471 = vector.broadcast %max3A_470 : f32 to vector<16xf32>
            %max3A_472 = arith.maximumf %add3A_469, %max3A_471 : vector<16xf32>
            %swap3A_473 = arith.index_cast %add3A_455 : i32 to index
            %swap3A_474 = arith.constant 0 : index
            %swap3A_475 = tpu.vector_load %arg24[%swap3A_473, %swap3A_474] {strides = array<i32>} : memref<128x32xf32, #tpu.memory_space<vmem>>, vector<1x16xf32>,
            %swap3A_476 = vector.shape_cast %swap3A_475 : vector<1x16xf32> to vector<16xf32>
            %swap3A_477 = vector.shape_cast %max3A_472 : vector<16xf32> to vector<1x16xf32>
            tpu.vector_store %arg24[%swap3A_473, %swap3A_474], %swap3A_477 {strides = array<i32>} : memref<128x32xf32, #tpu.memory_space<vmem>>, vector<1x16xf32>,
            %mul3A_478 = arith.constant 128 : i32
            %mul3A_479 = arith.muli %scan3A_406, %mul3A_478 : i32
            %add3A_480 = arith.constant 32 : i32
            %add3A_481 = arith.addi %mul3A_479, %add3A_480 : i32
            %add3A_482 = arith.constant 16 : i32
            %add3A_483 = arith.addi %add3A_481, %add3A_482 : i32
            %get3A_484 = arith.index_cast %add3A_483 : i32 to index
            %get3A_485 = tpu.vector_load %arg20[%get3A_484] {strides = array<i32>} : memref<4096xf32, #tpu.memory_space<vmem>>, vector<16xf32>,
            %get3A_486 = vector.shape_cast %get3A_485 : vector<16xf32> to vector<16xf32>
            %get3A_487 = arith.index_cast %add3A_455 : i32 to index
            %get3A_488 = arith.constant 16 : index
            %get3A_489 = tpu.vector_load %arg22[%get3A_487, %get3A_488] {strides = array<i32>} : memref<128x32xf32, #tpu.memory_space<vmem>>, vector<1x16xf32>,
            %get3A_490 = vector.shape_cast %get3A_489 : vector<1x16xf32> to vector<16xf32>
            %add3A_491 = arith.addf %get3A_486, %get3A_490 : vector<16xf32>
            %max3A_492 = arith.constant 0.000000e+00 : f32
            %max3A_493 = vector.broadcast %max3A_492 : f32 to vector<16xf32>
            %max3A_494 = arith.maximumf %add3A_491, %max3A_493 : vector<16xf32>
            %swap3A_495 = arith.index_cast %add3A_455 : i32 to index
            %swap3A_496 = arith.constant 16 : index
            %swap3A_497 = tpu.vector_load %arg24[%swap3A_495, %swap3A_496] {strides = array<i32>} : memref<128x32xf32, #tpu.memory_space<vmem>>, vector<1x16xf32>,
            %swap3A_498 = vector.shape_cast %swap3A_497 : vector<1x16xf32> to vector<16xf32>
            %swap3A_499 = vector.shape_cast %max3A_494 : vector<16xf32> to vector<1x16xf32>
            tpu.vector_store %arg24[%swap3A_495, %swap3A_496], %swap3A_499 {strides = array<i32>} : memref<128x32xf32, #tpu.memory_space<vmem>>, vector<1x16xf32>,
            %mul3A_500 = arith.constant 4 : i32
            %mul3A_501 = arith.muli %scan3A_406, %mul3A_500 : i32
            %add3A_502 = arith.constant 2 : i32
            %add3A_503 = arith.addi %mul3A_501, %add3A_502 : i32
            %mul3A_504 = arith.constant 128 : i32
            %mul3A_505 = arith.muli %scan3A_406, %mul3A_504 : i32
            %add3A_506 = arith.constant 64 : i32
            %add3A_507 = arith.addi %mul3A_505, %add3A_506 : i32
            %add3A_508 = arith.constant 0 : i32
            %add3A_509 = arith.addi %add3A_507, %add3A_508 : i32
            %get3A_510 = arith.index_cast %add3A_509 : i32 to index
            %get3A_511 = tpu.vector_load %arg20[%get3A_510] {strides = array<i32>} : memref<4096xf32, #tpu.memory_space<vmem>>, vector<16xf32>,
            %get3A_512 = vector.shape_cast %get3A_511 : vector<16xf32> to vector<16xf32>
            %get3A_513 = arith.index_cast %add3A_503 : i32 to index
            %get3A_514 = arith.constant 0 : index
            %get3A_515 = tpu.vector_load %arg22[%get3A_513, %get3A_514] {strides = array<i32>} : memref<128x32xf32, #tpu.memory_space<vmem>>, vector<1x16xf32>,
            %get3A_516 = vector.shape_cast %get3A_515 : vector<1x16xf32> to vector<16xf32>
            %add3A_517 = arith.addf %get3A_512, %get3A_516 : vector<16xf32>
            %max3A_518 = arith.constant 0.000000e+00 : f32
            %max3A_519 = vector.broadcast %max3A_518 : f32 to vector<16xf32>
            %max3A_520 = arith.maximumf %add3A_517, %max3A_519 : vector<16xf32>
            %swap3A_521 = arith.index_cast %add3A_503 : i32 to index
            %swap3A_522 = arith.constant 0 : index
            %swap3A_523 = tpu.vector_load %arg24[%swap3A_521, %swap3A_522] {strides = array<i32>} : memref<128x32xf32, #tpu.memory_space<vmem>>, vector<1x16xf32>,
            %swap3A_524 = vector.shape_cast %swap3A_523 : vector<1x16xf32> to vector<16xf32>
            %swap3A_525 = vector.shape_cast %max3A_520 : vector<16xf32> to vector<1x16xf32>
            tpu.vector_store %arg24[%swap3A_521, %swap3A_522], %swap3A_525 {strides = array<i32>} : memref<128x32xf32, #tpu.memory_space<vmem>>, vector<1x16xf32>,
            %mul3A_526 = arith.constant 128 : i32
            %mul3A_527 = arith.muli %scan3A_406, %mul3A_526 : i32
            %add3A_528 = arith.constant 64 : i32
            %add3A_529 = arith.addi %mul3A_527, %add3A_528 : i32
            %add3A_530 = arith.constant 16 : i32
            %add3A_531 = arith.addi %add3A_529, %add3A_530 : i32
            %get3A_532 = arith.index_cast %add3A_531 : i32 to index
            %get3A_533 = tpu.vector_load %arg20[%get3A_532] {strides = array<i32>} : memref<4096xf32, #tpu.memory_space<vmem>>, vector<16xf32>,
            %get3A_534 = vector.shape_cast %get3A_533 : vector<16xf32> to vector<16xf32>
            %get3A_535 = arith.index_cast %add3A_503 : i32 to index
            %get3A_536 = arith.constant 16 : index
            %get3A_537 = tpu.vector_load %arg22[%get3A_535, %get3A_536] {strides = array<i32>} : memref<128x32xf32, #tpu.memory_space<vmem>>, vector<1x16xf32>,
            %get3A_538 = vector.shape_cast %get3A_537 : vector<1x16xf32> to vector<16xf32>
            %add3A_539 = arith.addf %get3A_534, %get3A_538 : vector<16xf32>
            %max3A_540 = arith.constant 0.000000e+00 : f32
            %max3A_541 = vector.broadcast %max3A_540 : f32 to vector<16xf32>
            %max3A_542 = arith.maximumf %add3A_539, %max3A_541 : vector<16xf32>
            %swap3A_543 = arith.index_cast %add3A_503 : i32 to index
            %swap3A_544 = arith.constant 16 : index
            %swap3A_545 = tpu.vector_load %arg24[%swap3A_543, %swap3A_544] {strides = array<i32>} : memref<128x32xf32, #tpu.memory_space<vmem>>, vector<1x16xf32>,
            %swap3A_546 = vector.shape_cast %swap3A_545 : vector<1x16xf32> to vector<16xf32>
            %swap3A_547 = vector.shape_cast %max3A_542 : vector<16xf32> to vector<1x16xf32>
            tpu.vector_store %arg24[%swap3A_543, %swap3A_544], %swap3A_547 {strides = array<i32>} : memref<128x32xf32, #tpu.memory_space<vmem>>, vector<1x16xf32>,
            %mul3A_548 = arith.constant 4 : i32
            %mul3A_549 = arith.muli %scan3A_406, %mul3A_548 : i32
            %add3A_550 = arith.constant 3 : i32
            %add3A_551 = arith.addi %mul3A_549, %add3A_550 : i32
            %mul3A_552 = arith.constant 128 : i32
            %mul3A_553 = arith.muli %scan3A_406, %mul3A_552 : i32
            %add3A_554 = arith.constant 96 : i32
            %add3A_555 = arith.addi %mul3A_553, %add3A_554 : i32
            %add3A_556 = arith.constant 0 : i32
            %add3A_557 = arith.addi %add3A_555, %add3A_556 : i32
            %get3A_558 = arith.index_cast %add3A_557 : i32 to index
            %get3A_559 = tpu.vector_load %arg20[%get3A_558] {strides = array<i32>} : memref<4096xf32, #tpu.memory_space<vmem>>, vector<16xf32>,
            %get3A_560 = vector.shape_cast %get3A_559 : vector<16xf32> to vector<16xf32>
            %get3A_561 = arith.index_cast %add3A_551 : i32 to index
            %get3A_562 = arith.constant 0 : index
            %get3A_563 = tpu.vector_load %arg22[%get3A_561, %get3A_562] {strides = array<i32>} : memref<128x32xf32, #tpu.memory_space<vmem>>, vector<1x16xf32>,
            %get3A_564 = vector.shape_cast %get3A_563 : vector<1x16xf32> to vector<16xf32>
            %add3A_565 = arith.addf %get3A_560, %get3A_564 : vector<16xf32>
            %max3A_566 = arith.constant 0.000000e+00 : f32
            %max3A_567 = vector.broadcast %max3A_566 : f32 to vector<16xf32>
            %max3A_568 = arith.maximumf %add3A_565, %max3A_567 : vector<16xf32>
            %swap3A_569 = arith.index_cast %add3A_551 : i32 to index
            %swap3A_570 = arith.constant 0 : index
            %swap3A_571 = tpu.vector_load %arg24[%swap3A_569, %swap3A_570] {strides = array<i32>} : memref<128x32xf32, #tpu.memory_space<vmem>>, vector<1x16xf32>,
            %swap3A_572 = vector.shape_cast %swap3A_571 : vector<1x16xf32> to vector<16xf32>
            %swap3A_573 = vector.shape_cast %max3A_568 : vector<16xf32> to vector<1x16xf32>
            tpu.vector_store %arg24[%swap3A_569, %swap3A_570], %swap3A_573 {strides = array<i32>} : memref<128x32xf32, #tpu.memory_space<vmem>>, vector<1x16xf32>,
            %mul3A_574 = arith.constant 128 : i32
            %mul3A_575 = arith.muli %scan3A_406, %mul3A_574 : i32
            %add3A_576 = arith.constant 96 : i32
            %add3A_577 = arith.addi %mul3A_575, %add3A_576 : i32
            %add3A_578 = arith.constant 16 : i32
            %add3A_579 = arith.addi %add3A_577, %add3A_578 : i32
            %get3A_580 = arith.index_cast %add3A_579 : i32 to index
            %get3A_581 = tpu.vector_load %arg20[%get3A_580] {strides = array<i32>} : memref<4096xf32, #tpu.memory_space<vmem>>, vector<16xf32>,
            %get3A_582 = vector.shape_cast %get3A_581 : vector<16xf32> to vector<16xf32>
            %get3A_583 = arith.index_cast %add3A_551 : i32 to index
            %get3A_584 = arith.constant 16 : index
            %get3A_585 = tpu.vector_load %arg22[%get3A_583, %get3A_584] {strides = array<i32>} : memref<128x32xf32, #tpu.memory_space<vmem>>, vector<1x16xf32>,
            %get3A_586 = vector.shape_cast %get3A_585 : vector<1x16xf32> to vector<16xf32>
            %add3A_587 = arith.addf %get3A_582, %get3A_586 : vector<16xf32>
            %max3A_588 = arith.constant 0.000000e+00 : f32
            %max3A_589 = vector.broadcast %max3A_588 : f32 to vector<16xf32>
            %max3A_590 = arith.maximumf %add3A_587, %max3A_589 : vector<16xf32>
            %swap3A_591 = arith.index_cast %add3A_551 : i32 to index
            %swap3A_592 = arith.constant 16 : index
            %swap3A_593 = tpu.vector_load %arg24[%swap3A_591, %swap3A_592] {strides = array<i32>} : memref<128x32xf32, #tpu.memory_space<vmem>>, vector<1x16xf32>,
            %swap3A_594 = vector.shape_cast %swap3A_593 : vector<1x16xf32> to vector<16xf32>
            %swap3A_595 = vector.shape_cast %max3A_590 : vector<16xf32> to vector<1x16xf32>
            tpu.vector_store %arg24[%swap3A_591, %swap3A_592], %swap3A_595 {strides = array<i32>} : memref<128x32xf32, #tpu.memory_space<vmem>>, vector<1x16xf32>,
          }
          %scan3A_403 = arith.constant 32 : i32
          %dma_start3A = arith.constant 0 : i32
          %dma_start3A_404 = arith.constant 0 : i32
          %dma_start3A_405 = tpu.memref_slice %arg27[%dma_start3A, %dma_start3A_404] : memref<50048x32xf32, #tpu.memory_space<vmem_shared>> -> memref<50048x32xf32, #tpu.memory_space<vmem_shared>>
          tpu.enqueue_indirect_dma source(%arg24 : memref<128x32xf32, #tpu.memory_space<vmem>>) target(%dma_start3A_405 : memref<50048x32xf32, #tpu.memory_space<vmem_shared>>) offsets(%arg18 : memref<128xi32, #tpu.memory_space<vmem>>) semaphore(%arg32 : memref<!tpu.dma_semaphore, #tpu.memory_space<semaphore_mem>>) {add = true}
        } else {
        }
        %add3A_310 = arith.constant 2 : i32
        %add3A_311 = arith.addi %add3A_255, %add3A_310 : i32
        %ge3A_312 = arith.constant 0 : i32
        %ge3A_313 = arith.cmpi sge, %add3A_311, %ge3A_312 : i32
        %lt3A_314 = arith.constant 391 : i32
        %lt3A_315 = arith.cmpi slt, %add3A_311, %lt3A_314 : i32
        %and3A_316 = arith.andi %ge3A_313, %lt3A_315 : i1
        %add3A_317 = arith.addi %mul3A_2, %add3A_311 : i32
        %lt3A_318 = arith.constant 6250 : i32
        %lt3A_319 = arith.cmpi slt, %add3A_317, %lt3A_318 : i32
        %and3A_320 = arith.andi %and3A_316, %lt3A_319 : i1
        %convert_element_type3A_321 = arith.extui %and3A_320 : i1 to i32
        %cond3A_322 = arith.constant 0 : i32
        %cond3A_323 = arith.cmpi ne, %convert_element_type3A_321, %cond3A_322 : i32
        scf.if %cond3A_323 {
          %add3A_396 = arith.addi %mul3A_2, %add3A_311 : i32
          %mul3A_397 = arith.constant 128 : i32
          %mul3A_398 = arith.muli %add3A_396, %mul3A_397 : i32
          %dma_start3A = tpu.memref_slice %arg6[%mul3A_398] : memref<800000xi32, #tpu.memory_space<hbm>> -> memref<128xi32, #tpu.memory_space<hbm>>
          %dma_start3A_399 = tpu.memref_slice %arg6[%mul3A_398] : memref<800000xi32, #tpu.memory_space<hbm>> -> memref<128xi32, #tpu.memory_space<hbm>>
          tpu.enqueue_dma source(%dma_start3A_399 : memref<128xi32, #tpu.memory_space<hbm>>) target(%arg14 : memref<128xi32, #tpu.memory_space<vmem>>) target_semaphore(%arg28 : memref<!tpu.dma_semaphore, #tpu.memory_space<semaphore_mem>>)
          %dma_start3A_400 = tpu.memref_slice %arg7[%mul3A_398] : memref<800000xi32, #tpu.memory_space<hbm>> -> memref<128xi32, #tpu.memory_space<hbm>>
          %dma_start3A_401 = tpu.memref_slice %arg7[%mul3A_398] : memref<800000xi32, #tpu.memory_space<hbm>> -> memref<128xi32, #tpu.memory_space<hbm>>
          tpu.enqueue_dma source(%dma_start3A_401 : memref<128xi32, #tpu.memory_space<hbm>>) target(%arg16 : memref<128xi32, #tpu.memory_space<vmem>>) target_semaphore(%arg28 : memref<!tpu.dma_semaphore, #tpu.memory_space<semaphore_mem>>)
          %mul3A_402 = arith.constant 128 : i32
          %mul3A_403 = arith.muli %add3A_396, %mul3A_402 : i32
          %mul3A_404 = arith.constant 32 : i32
          %mul3A_405 = arith.muli %mul3A_403, %mul3A_404 : i32
          %dma_start3A_406 = tpu.memref_slice %arg3[%mul3A_405] : memref<25600000xf32, #tpu.memory_space<hbm>> -> memref<4096xf32, #tpu.memory_space<hbm>>
          %dma_start3A_407 = tpu.memref_slice %arg3[%mul3A_405] : memref<25600000xf32, #tpu.memory_space<hbm>> -> memref<4096xf32, #tpu.memory_space<hbm>>
          tpu.enqueue_dma source(%dma_start3A_407 : memref<4096xf32, #tpu.memory_space<hbm>>) target(%arg20 : memref<4096xf32, #tpu.memory_space<vmem>>) target_semaphore(%arg28 : memref<!tpu.dma_semaphore, #tpu.memory_space<semaphore_mem>>)
        } else {
        }
        %mul3A_324 = arith.constant 4 : i32
        %mul3A_325 = arith.muli %scan3A_109, %mul3A_324 : i32
        %add3A_326 = arith.constant 3 : i32
        %add3A_327 = arith.addi %mul3A_325, %add3A_326 : i32
        %add3A_328 = arith.constant 1 : i32
        %add3A_329 = arith.addi %add3A_327, %add3A_328 : i32
        %ge3A_330 = arith.constant 0 : i32
        %ge3A_331 = arith.cmpi sge, %add3A_329, %ge3A_330 : i32
        %lt3A_332 = arith.constant 391 : i32
        %lt3A_333 = arith.cmpi slt, %add3A_329, %lt3A_332 : i32
        %and3A_334 = arith.andi %ge3A_331, %lt3A_333 : i1
        %add3A_335 = arith.addi %mul3A_2, %add3A_329 : i32
        %lt3A_336 = arith.constant 6250 : i32
        %lt3A_337 = arith.cmpi slt, %add3A_335, %lt3A_336 : i32
        %and3A_338 = arith.andi %and3A_334, %lt3A_337 : i1
        %convert_element_type3A_339 = arith.extui %and3A_338 : i1 to i32
        %cond3A_340 = arith.constant 0 : i32
        %cond3A_341 = arith.cmpi ne, %convert_element_type3A_339, %cond3A_340 : i32
        scf.if %cond3A_341 {
          %add3A_396 = arith.addi %mul3A_2, %add3A_329 : i32
          %mul3A_397 = arith.constant 128 : i32
          %mul3A_398 = arith.muli %add3A_396, %mul3A_397 : i32
          %dma_wait3A = tpu.memref_slice %arg6[%mul3A_398] : memref<800000xi32, #tpu.memory_space<hbm>> -> memref<128xi32, #tpu.memory_space<hbm>>
          %dma_wait3A_399 = tpu.memref_slice %arg6[%mul3A_398] : memref<800000xi32, #tpu.memory_space<hbm>> -> memref<128xi32, #tpu.memory_space<hbm>>
          tpu.wait_dma2 semaphore(%arg28 : memref<!tpu.dma_semaphore, #tpu.memory_space<semaphore_mem>>) src(%dma_wait3A_399 : memref<128xi32, #tpu.memory_space<hbm>>) dst(%arg14 : memref<128xi32, #tpu.memory_space<vmem>>)
          %dma_wait3A_400 = tpu.memref_slice %arg7[%mul3A_398] : memref<800000xi32, #tpu.memory_space<hbm>> -> memref<128xi32, #tpu.memory_space<hbm>>
          %dma_wait3A_401 = tpu.memref_slice %arg7[%mul3A_398] : memref<800000xi32, #tpu.memory_space<hbm>> -> memref<128xi32, #tpu.memory_space<hbm>>
          tpu.wait_dma2 semaphore(%arg28 : memref<!tpu.dma_semaphore, #tpu.memory_space<semaphore_mem>>) src(%dma_wait3A_401 : memref<128xi32, #tpu.memory_space<hbm>>) dst(%arg16 : memref<128xi32, #tpu.memory_space<vmem>>)
          %dma_wait3A_402 = arith.constant 0 : i32
          %dma_wait3A_403 = tpu.memref_slice %arg3[%dma_wait3A_402] : memref<25600000xf32, #tpu.memory_space<hbm>> -> memref<4096xf32, #tpu.memory_space<hbm>>
          %dma_wait3A_404 = arith.constant 0 : i32
          %dma_wait3A_405 = tpu.memref_slice %arg3[%dma_wait3A_404] : memref<25600000xf32, #tpu.memory_space<hbm>> -> memref<4096xf32, #tpu.memory_space<hbm>>
          tpu.wait_dma2 semaphore(%arg28 : memref<!tpu.dma_semaphore, #tpu.memory_space<semaphore_mem>>) src(%dma_wait3A_405 : memref<4096xf32, #tpu.memory_space<hbm>>) dst(%arg20 : memref<4096xf32, #tpu.memory_space<vmem>>)
        } else {
        }
        %add3A_342 = arith.constant 1 : i32
        %add3A_343 = arith.addi %add3A_327, %add3A_342 : i32
        %ge3A_344 = arith.constant 0 : i32
        %ge3A_345 = arith.cmpi sge, %add3A_343, %ge3A_344 : i32
        %lt3A_346 = arith.constant 391 : i32
        %lt3A_347 = arith.cmpi slt, %add3A_343, %lt3A_346 : i32
        %and3A_348 = arith.andi %ge3A_345, %lt3A_347 : i1
        %add3A_349 = arith.addi %mul3A_2, %add3A_343 : i32
        %lt3A_350 = arith.constant 6250 : i32
        %lt3A_351 = arith.cmpi slt, %add3A_349, %lt3A_350 : i32
        %and3A_352 = arith.andi %and3A_348, %lt3A_351 : i1
        %convert_element_type3A_353 = arith.extui %and3A_352 : i1 to i32
        %cond3A_354 = arith.constant 0 : i32
        %cond3A_355 = arith.cmpi ne, %convert_element_type3A_353, %cond3A_354 : i32
        scf.if %cond3A_355 {
          %dma_start3A = arith.constant 0 : i32
          %dma_start3A_396 = arith.constant 0 : i32
          %dma_start3A_397 = tpu.memref_slice %arg5[%dma_start3A, %dma_start3A_396] : memref<50048x32xf32, #tpu.memory_space<hbm>> -> memref<50048x32xf32, #tpu.memory_space<hbm>>
          tpu.enqueue_indirect_dma source(%dma_start3A_397 : memref<50048x32xf32, #tpu.memory_space<hbm>>) target(%arg22 : memref<128x32xf32, #tpu.memory_space<vmem>>) offsets(%arg14 : memref<128xi32, #tpu.memory_space<vmem>>) semaphore(%arg30 : memref<!tpu.dma_semaphore, #tpu.memory_space<semaphore_mem>>)
        } else {
        }
        %sub3A_356 = arith.constant 2 : i32
        %sub3A_357 = arith.subi %add3A_327, %sub3A_356 : i32
        %ge3A_358 = arith.constant 0 : i32
        %ge3A_359 = arith.cmpi sge, %sub3A_357, %ge3A_358 : i32
        %lt3A_360 = arith.constant 391 : i32
        %lt3A_361 = arith.cmpi slt, %sub3A_357, %lt3A_360 : i32
        %and3A_362 = arith.andi %ge3A_359, %lt3A_361 : i1
        %add3A_363 = arith.addi %mul3A_2, %sub3A_357 : i32
        %lt3A_364 = arith.constant 6250 : i32
        %lt3A_365 = arith.cmpi slt, %add3A_363, %lt3A_364 : i32
        %and3A_366 = arith.andi %and3A_362, %lt3A_365 : i1
        %convert_element_type3A_367 = arith.extui %and3A_366 : i1 to i32
        %cond3A_368 = arith.constant 0 : i32
        %cond3A_369 = arith.cmpi ne, %convert_element_type3A_367, %cond3A_368 : i32
        scf.if %cond3A_369 {
          %dma_wait3A = arith.constant 0 : i32
          %dma_wait3A_396 = arith.constant 0 : i32
          %dma_wait3A_397 = tpu.memref_slice %arg27[%dma_wait3A, %dma_wait3A_396] : memref<50048x32xf32, #tpu.memory_space<vmem_shared>> -> memref<50048x32xf32, #tpu.memory_space<vmem_shared>>
          tpu.wait_indirect_dma semaphore(%arg33 : memref<!tpu.dma_semaphore, #tpu.memory_space<semaphore_mem>>) src(%arg25 : memref<128x32xf32, #tpu.memory_space<vmem>>) dst(%dma_wait3A_397 : memref<50048x32xf32, #tpu.memory_space<vmem_shared>>)
        } else {
        }
        %ge3A_370 = arith.constant 0 : i32
        %ge3A_371 = arith.cmpi sge, %add3A_327, %ge3A_370 : i32
        %lt3A_372 = arith.constant 391 : i32
        %lt3A_373 = arith.cmpi slt, %add3A_327, %lt3A_372 : i32
        %and3A_374 = arith.andi %ge3A_371, %lt3A_373 : i1
        %add3A_375 = arith.addi %mul3A_2, %add3A_327 : i32
        %lt3A_376 = arith.constant 6250 : i32
        %lt3A_377 = arith.cmpi slt, %add3A_375, %lt3A_376 : i32
        %and3A_378 = arith.andi %and3A_374, %lt3A_377 : i1
        %convert_element_type3A_379 = arith.extui %and3A_378 : i1 to i32
        %cond3A_380 = arith.constant 0 : i32
        %cond3A_381 = arith.cmpi ne, %convert_element_type3A_379, %cond3A_380 : i32
        scf.if %cond3A_381 {
          %dma_wait3A = arith.constant 0 : i32
          %dma_wait3A_396 = arith.constant 0 : i32
          %dma_wait3A_397 = tpu.memref_slice %arg5[%dma_wait3A, %dma_wait3A_396] : memref<50048x32xf32, #tpu.memory_space<hbm>> -> memref<50048x32xf32, #tpu.memory_space<hbm>>
          tpu.wait_indirect_dma semaphore(%arg31 : memref<!tpu.dma_semaphore, #tpu.memory_space<semaphore_mem>>) src(%dma_wait3A_397 : memref<50048x32xf32, #tpu.memory_space<hbm>>) dst(%arg23 : memref<128x32xf32, #tpu.memory_space<vmem>>)
          %scan3A_398 = arith.constant 0 : i32
          %scan3A_399 = arith.constant 0 : i32
          %scan3A_400 = arith.constant 32 : i32
          %scan3A_401 = arith.addi %scan3A_399, %scan3A_400 : i32
          %scan3A_402 = arith.constant 1 : i32
          scf.for %scan3A_406 = %scan3A_399 to %scan3A_401 step %scan3A_402  : i32 {
            %mul3A_407 = arith.constant 4 : i32
            %mul3A_408 = arith.muli %scan3A_406, %mul3A_407 : i32
            %add3A_409 = arith.constant 0 : i32
            %add3A_410 = arith.addi %mul3A_408, %add3A_409 : i32
            %mul3A_411 = arith.constant 128 : i32
            %mul3A_412 = arith.muli %scan3A_406, %mul3A_411 : i32
            %add3A_413 = arith.constant 0 : i32
            %add3A_414 = arith.addi %mul3A_412, %add3A_413 : i32
            %add3A_415 = arith.constant 0 : i32
            %add3A_416 = arith.addi %add3A_414, %add3A_415 : i32
            %get3A = arith.index_cast %add3A_416 : i32 to index
            %get3A_417 = tpu.vector_load %arg21[%get3A] {strides = array<i32>} : memref<4096xf32, #tpu.memory_space<vmem>>, vector<16xf32>,
            %get3A_418 = vector.shape_cast %get3A_417 : vector<16xf32> to vector<16xf32>
            %get3A_419 = arith.index_cast %add3A_410 : i32 to index
            %get3A_420 = arith.constant 0 : index
            %get3A_421 = tpu.vector_load %arg23[%get3A_419, %get3A_420] {strides = array<i32>} : memref<128x32xf32, #tpu.memory_space<vmem>>, vector<1x16xf32>,
            %get3A_422 = vector.shape_cast %get3A_421 : vector<1x16xf32> to vector<16xf32>
            %add3A_423 = arith.addf %get3A_418, %get3A_422 : vector<16xf32>
            %max3A = arith.constant 0.000000e+00 : f32
            %max3A_424 = vector.broadcast %max3A : f32 to vector<16xf32>
            %max3A_425 = arith.maximumf %add3A_423, %max3A_424 : vector<16xf32>
            %swap3A = arith.index_cast %add3A_410 : i32 to index
            %swap3A_426 = arith.constant 0 : index
            %swap3A_427 = tpu.vector_load %arg25[%swap3A, %swap3A_426] {strides = array<i32>} : memref<128x32xf32, #tpu.memory_space<vmem>>, vector<1x16xf32>,
            %swap3A_428 = vector.shape_cast %swap3A_427 : vector<1x16xf32> to vector<16xf32>
            %swap3A_429 = vector.shape_cast %max3A_425 : vector<16xf32> to vector<1x16xf32>
            tpu.vector_store %arg25[%swap3A, %swap3A_426], %swap3A_429 {strides = array<i32>} : memref<128x32xf32, #tpu.memory_space<vmem>>, vector<1x16xf32>,
            %mul3A_430 = arith.constant 128 : i32
            %mul3A_431 = arith.muli %scan3A_406, %mul3A_430 : i32
            %add3A_432 = arith.constant 0 : i32
            %add3A_433 = arith.addi %mul3A_431, %add3A_432 : i32
            %add3A_434 = arith.constant 16 : i32
            %add3A_435 = arith.addi %add3A_433, %add3A_434 : i32
            %get3A_436 = arith.index_cast %add3A_435 : i32 to index
            %get3A_437 = tpu.vector_load %arg21[%get3A_436] {strides = array<i32>} : memref<4096xf32, #tpu.memory_space<vmem>>, vector<16xf32>,
            %get3A_438 = vector.shape_cast %get3A_437 : vector<16xf32> to vector<16xf32>
            %get3A_439 = arith.index_cast %add3A_410 : i32 to index
            %get3A_440 = arith.constant 16 : index
            %get3A_441 = tpu.vector_load %arg23[%get3A_439, %get3A_440] {strides = array<i32>} : memref<128x32xf32, #tpu.memory_space<vmem>>, vector<1x16xf32>,
            %get3A_442 = vector.shape_cast %get3A_441 : vector<1x16xf32> to vector<16xf32>
            %add3A_443 = arith.addf %get3A_438, %get3A_442 : vector<16xf32>
            %max3A_444 = arith.constant 0.000000e+00 : f32
            %max3A_445 = vector.broadcast %max3A_444 : f32 to vector<16xf32>
            %max3A_446 = arith.maximumf %add3A_443, %max3A_445 : vector<16xf32>
            %swap3A_447 = arith.index_cast %add3A_410 : i32 to index
            %swap3A_448 = arith.constant 16 : index
            %swap3A_449 = tpu.vector_load %arg25[%swap3A_447, %swap3A_448] {strides = array<i32>} : memref<128x32xf32, #tpu.memory_space<vmem>>, vector<1x16xf32>,
            %swap3A_450 = vector.shape_cast %swap3A_449 : vector<1x16xf32> to vector<16xf32>
            %swap3A_451 = vector.shape_cast %max3A_446 : vector<16xf32> to vector<1x16xf32>
            tpu.vector_store %arg25[%swap3A_447, %swap3A_448], %swap3A_451 {strides = array<i32>} : memref<128x32xf32, #tpu.memory_space<vmem>>, vector<1x16xf32>,
            %mul3A_452 = arith.constant 4 : i32
            %mul3A_453 = arith.muli %scan3A_406, %mul3A_452 : i32
            %add3A_454 = arith.constant 1 : i32
            %add3A_455 = arith.addi %mul3A_453, %add3A_454 : i32
            %mul3A_456 = arith.constant 128 : i32
            %mul3A_457 = arith.muli %scan3A_406, %mul3A_456 : i32
            %add3A_458 = arith.constant 32 : i32
            %add3A_459 = arith.addi %mul3A_457, %add3A_458 : i32
            %add3A_460 = arith.constant 0 : i32
            %add3A_461 = arith.addi %add3A_459, %add3A_460 : i32
            %get3A_462 = arith.index_cast %add3A_461 : i32 to index
            %get3A_463 = tpu.vector_load %arg21[%get3A_462] {strides = array<i32>} : memref<4096xf32, #tpu.memory_space<vmem>>, vector<16xf32>,
            %get3A_464 = vector.shape_cast %get3A_463 : vector<16xf32> to vector<16xf32>
            %get3A_465 = arith.index_cast %add3A_455 : i32 to index
            %get3A_466 = arith.constant 0 : index
            %get3A_467 = tpu.vector_load %arg23[%get3A_465, %get3A_466] {strides = array<i32>} : memref<128x32xf32, #tpu.memory_space<vmem>>, vector<1x16xf32>,
            %get3A_468 = vector.shape_cast %get3A_467 : vector<1x16xf32> to vector<16xf32>
            %add3A_469 = arith.addf %get3A_464, %get3A_468 : vector<16xf32>
            %max3A_470 = arith.constant 0.000000e+00 : f32
            %max3A_471 = vector.broadcast %max3A_470 : f32 to vector<16xf32>
            %max3A_472 = arith.maximumf %add3A_469, %max3A_471 : vector<16xf32>
            %swap3A_473 = arith.index_cast %add3A_455 : i32 to index
            %swap3A_474 = arith.constant 0 : index
            %swap3A_475 = tpu.vector_load %arg25[%swap3A_473, %swap3A_474] {strides = array<i32>} : memref<128x32xf32, #tpu.memory_space<vmem>>, vector<1x16xf32>,
            %swap3A_476 = vector.shape_cast %swap3A_475 : vector<1x16xf32> to vector<16xf32>
            %swap3A_477 = vector.shape_cast %max3A_472 : vector<16xf32> to vector<1x16xf32>
            tpu.vector_store %arg25[%swap3A_473, %swap3A_474], %swap3A_477 {strides = array<i32>} : memref<128x32xf32, #tpu.memory_space<vmem>>, vector<1x16xf32>,
            %mul3A_478 = arith.constant 128 : i32
            %mul3A_479 = arith.muli %scan3A_406, %mul3A_478 : i32
            %add3A_480 = arith.constant 32 : i32
            %add3A_481 = arith.addi %mul3A_479, %add3A_480 : i32
            %add3A_482 = arith.constant 16 : i32
            %add3A_483 = arith.addi %add3A_481, %add3A_482 : i32
            %get3A_484 = arith.index_cast %add3A_483 : i32 to index
            %get3A_485 = tpu.vector_load %arg21[%get3A_484] {strides = array<i32>} : memref<4096xf32, #tpu.memory_space<vmem>>, vector<16xf32>,
            %get3A_486 = vector.shape_cast %get3A_485 : vector<16xf32> to vector<16xf32>
            %get3A_487 = arith.index_cast %add3A_455 : i32 to index
            %get3A_488 = arith.constant 16 : index
            %get3A_489 = tpu.vector_load %arg23[%get3A_487, %get3A_488] {strides = array<i32>} : memref<128x32xf32, #tpu.memory_space<vmem>>, vector<1x16xf32>,
            %get3A_490 = vector.shape_cast %get3A_489 : vector<1x16xf32> to vector<16xf32>
            %add3A_491 = arith.addf %get3A_486, %get3A_490 : vector<16xf32>
            %max3A_492 = arith.constant 0.000000e+00 : f32
            %max3A_493 = vector.broadcast %max3A_492 : f32 to vector<16xf32>
            %max3A_494 = arith.maximumf %add3A_491, %max3A_493 : vector<16xf32>
            %swap3A_495 = arith.index_cast %add3A_455 : i32 to index
            %swap3A_496 = arith.constant 16 : index
            %swap3A_497 = tpu.vector_load %arg25[%swap3A_495, %swap3A_496] {strides = array<i32>} : memref<128x32xf32, #tpu.memory_space<vmem>>, vector<1x16xf32>,
            %swap3A_498 = vector.shape_cast %swap3A_497 : vector<1x16xf32> to vector<16xf32>
            %swap3A_499 = vector.shape_cast %max3A_494 : vector<16xf32> to vector<1x16xf32>
            tpu.vector_store %arg25[%swap3A_495, %swap3A_496], %swap3A_499 {strides = array<i32>} : memref<128x32xf32, #tpu.memory_space<vmem>>, vector<1x16xf32>,
            %mul3A_500 = arith.constant 4 : i32
            %mul3A_501 = arith.muli %scan3A_406, %mul3A_500 : i32
            %add3A_502 = arith.constant 2 : i32
            %add3A_503 = arith.addi %mul3A_501, %add3A_502 : i32
            %mul3A_504 = arith.constant 128 : i32
            %mul3A_505 = arith.muli %scan3A_406, %mul3A_504 : i32
            %add3A_506 = arith.constant 64 : i32
            %add3A_507 = arith.addi %mul3A_505, %add3A_506 : i32
            %add3A_508 = arith.constant 0 : i32
            %add3A_509 = arith.addi %add3A_507, %add3A_508 : i32
            %get3A_510 = arith.index_cast %add3A_509 : i32 to index
            %get3A_511 = tpu.vector_load %arg21[%get3A_510] {strides = array<i32>} : memref<4096xf32, #tpu.memory_space<vmem>>, vector<16xf32>,
            %get3A_512 = vector.shape_cast %get3A_511 : vector<16xf32> to vector<16xf32>
            %get3A_513 = arith.index_cast %add3A_503 : i32 to index
            %get3A_514 = arith.constant 0 : index
            %get3A_515 = tpu.vector_load %arg23[%get3A_513, %get3A_514] {strides = array<i32>} : memref<128x32xf32, #tpu.memory_space<vmem>>, vector<1x16xf32>,
            %get3A_516 = vector.shape_cast %get3A_515 : vector<1x16xf32> to vector<16xf32>
            %add3A_517 = arith.addf %get3A_512, %get3A_516 : vector<16xf32>
            %max3A_518 = arith.constant 0.000000e+00 : f32
            %max3A_519 = vector.broadcast %max3A_518 : f32 to vector<16xf32>
            %max3A_520 = arith.maximumf %add3A_517, %max3A_519 : vector<16xf32>
            %swap3A_521 = arith.index_cast %add3A_503 : i32 to index
            %swap3A_522 = arith.constant 0 : index
            %swap3A_523 = tpu.vector_load %arg25[%swap3A_521, %swap3A_522] {strides = array<i32>} : memref<128x32xf32, #tpu.memory_space<vmem>>, vector<1x16xf32>,
            %swap3A_524 = vector.shape_cast %swap3A_523 : vector<1x16xf32> to vector<16xf32>
            %swap3A_525 = vector.shape_cast %max3A_520 : vector<16xf32> to vector<1x16xf32>
            tpu.vector_store %arg25[%swap3A_521, %swap3A_522], %swap3A_525 {strides = array<i32>} : memref<128x32xf32, #tpu.memory_space<vmem>>, vector<1x16xf32>,
            %mul3A_526 = arith.constant 128 : i32
            %mul3A_527 = arith.muli %scan3A_406, %mul3A_526 : i32
            %add3A_528 = arith.constant 64 : i32
            %add3A_529 = arith.addi %mul3A_527, %add3A_528 : i32
            %add3A_530 = arith.constant 16 : i32
            %add3A_531 = arith.addi %add3A_529, %add3A_530 : i32
            %get3A_532 = arith.index_cast %add3A_531 : i32 to index
            %get3A_533 = tpu.vector_load %arg21[%get3A_532] {strides = array<i32>} : memref<4096xf32, #tpu.memory_space<vmem>>, vector<16xf32>,
            %get3A_534 = vector.shape_cast %get3A_533 : vector<16xf32> to vector<16xf32>
            %get3A_535 = arith.index_cast %add3A_503 : i32 to index
            %get3A_536 = arith.constant 16 : index
            %get3A_537 = tpu.vector_load %arg23[%get3A_535, %get3A_536] {strides = array<i32>} : memref<128x32xf32, #tpu.memory_space<vmem>>, vector<1x16xf32>,
            %get3A_538 = vector.shape_cast %get3A_537 : vector<1x16xf32> to vector<16xf32>
            %add3A_539 = arith.addf %get3A_534, %get3A_538 : vector<16xf32>
            %max3A_540 = arith.constant 0.000000e+00 : f32
            %max3A_541 = vector.broadcast %max3A_540 : f32 to vector<16xf32>
            %max3A_542 = arith.maximumf %add3A_539, %max3A_541 : vector<16xf32>
            %swap3A_543 = arith.index_cast %add3A_503 : i32 to index
            %swap3A_544 = arith.constant 16 : index
            %swap3A_545 = tpu.vector_load %arg25[%swap3A_543, %swap3A_544] {strides = array<i32>} : memref<128x32xf32, #tpu.memory_space<vmem>>, vector<1x16xf32>,
            %swap3A_546 = vector.shape_cast %swap3A_545 : vector<1x16xf32> to vector<16xf32>
            %swap3A_547 = vector.shape_cast %max3A_542 : vector<16xf32> to vector<1x16xf32>
            tpu.vector_store %arg25[%swap3A_543, %swap3A_544], %swap3A_547 {strides = array<i32>} : memref<128x32xf32, #tpu.memory_space<vmem>>, vector<1x16xf32>,
            %mul3A_548 = arith.constant 4 : i32
            %mul3A_549 = arith.muli %scan3A_406, %mul3A_548 : i32
            %add3A_550 = arith.constant 3 : i32
            %add3A_551 = arith.addi %mul3A_549, %add3A_550 : i32
            %mul3A_552 = arith.constant 128 : i32
            %mul3A_553 = arith.muli %scan3A_406, %mul3A_552 : i32
            %add3A_554 = arith.constant 96 : i32
            %add3A_555 = arith.addi %mul3A_553, %add3A_554 : i32
            %add3A_556 = arith.constant 0 : i32
            %add3A_557 = arith.addi %add3A_555, %add3A_556 : i32
            %get3A_558 = arith.index_cast %add3A_557 : i32 to index
            %get3A_559 = tpu.vector_load %arg21[%get3A_558] {strides = array<i32>} : memref<4096xf32, #tpu.memory_space<vmem>>, vector<16xf32>,
            %get3A_560 = vector.shape_cast %get3A_559 : vector<16xf32> to vector<16xf32>
            %get3A_561 = arith.index_cast %add3A_551 : i32 to index
            %get3A_562 = arith.constant 0 : index
            %get3A_563 = tpu.vector_load %arg23[%get3A_561, %get3A_562] {strides = array<i32>} : memref<128x32xf32, #tpu.memory_space<vmem>>, vector<1x16xf32>,
            %get3A_564 = vector.shape_cast %get3A_563 : vector<1x16xf32> to vector<16xf32>
            %add3A_565 = arith.addf %get3A_560, %get3A_564 : vector<16xf32>
            %max3A_566 = arith.constant 0.000000e+00 : f32
            %max3A_567 = vector.broadcast %max3A_566 : f32 to vector<16xf32>
            %max3A_568 = arith.maximumf %add3A_565, %max3A_567 : vector<16xf32>
            %swap3A_569 = arith.index_cast %add3A_551 : i32 to index
            %swap3A_570 = arith.constant 0 : index
            %swap3A_571 = tpu.vector_load %arg25[%swap3A_569, %swap3A_570] {strides = array<i32>} : memref<128x32xf32, #tpu.memory_space<vmem>>, vector<1x16xf32>,
            %swap3A_572 = vector.shape_cast %swap3A_571 : vector<1x16xf32> to vector<16xf32>
            %swap3A_573 = vector.shape_cast %max3A_568 : vector<16xf32> to vector<1x16xf32>
            tpu.vector_store %arg25[%swap3A_569, %swap3A_570], %swap3A_573 {strides = array<i32>} : memref<128x32xf32, #tpu.memory_space<vmem>>, vector<1x16xf32>,
            %mul3A_574 = arith.constant 128 : i32
            %mul3A_575 = arith.muli %scan3A_406, %mul3A_574 : i32
            %add3A_576 = arith.constant 96 : i32
            %add3A_577 = arith.addi %mul3A_575, %add3A_576 : i32
            %add3A_578 = arith.constant 16 : i32
            %add3A_579 = arith.addi %add3A_577, %add3A_578 : i32
            %get3A_580 = arith.index_cast %add3A_579 : i32 to index
            %get3A_581 = tpu.vector_load %arg21[%get3A_580] {strides = array<i32>} : memref<4096xf32, #tpu.memory_space<vmem>>, vector<16xf32>,
            %get3A_582 = vector.shape_cast %get3A_581 : vector<16xf32> to vector<16xf32>
            %get3A_583 = arith.index_cast %add3A_551 : i32 to index
            %get3A_584 = arith.constant 16 : index
            %get3A_585 = tpu.vector_load %arg23[%get3A_583, %get3A_584] {strides = array<i32>} : memref<128x32xf32, #tpu.memory_space<vmem>>, vector<1x16xf32>,
            %get3A_586 = vector.shape_cast %get3A_585 : vector<1x16xf32> to vector<16xf32>
            %add3A_587 = arith.addf %get3A_582, %get3A_586 : vector<16xf32>
            %max3A_588 = arith.constant 0.000000e+00 : f32
            %max3A_589 = vector.broadcast %max3A_588 : f32 to vector<16xf32>
            %max3A_590 = arith.maximumf %add3A_587, %max3A_589 : vector<16xf32>
            %swap3A_591 = arith.index_cast %add3A_551 : i32 to index
            %swap3A_592 = arith.constant 16 : index
            %swap3A_593 = tpu.vector_load %arg25[%swap3A_591, %swap3A_592] {strides = array<i32>} : memref<128x32xf32, #tpu.memory_space<vmem>>, vector<1x16xf32>,
            %swap3A_594 = vector.shape_cast %swap3A_593 : vector<1x16xf32> to vector<16xf32>
            %swap3A_595 = vector.shape_cast %max3A_590 : vector<16xf32> to vector<1x16xf32>
            tpu.vector_store %arg25[%swap3A_591, %swap3A_592], %swap3A_595 {strides = array<i32>} : memref<128x32xf32, #tpu.memory_space<vmem>>, vector<1x16xf32>,
          }
          %scan3A_403 = arith.constant 32 : i32
          %dma_start3A = arith.constant 0 : i32
          %dma_start3A_404 = arith.constant 0 : i32
          %dma_start3A_405 = tpu.memref_slice %arg27[%dma_start3A, %dma_start3A_404] : memref<50048x32xf32, #tpu.memory_space<vmem_shared>> -> memref<50048x32xf32, #tpu.memory_space<vmem_shared>>
          tpu.enqueue_indirect_dma source(%arg25 : memref<128x32xf32, #tpu.memory_space<vmem>>) target(%dma_start3A_405 : memref<50048x32xf32, #tpu.memory_space<vmem_shared>>) offsets(%arg19 : memref<128xi32, #tpu.memory_space<vmem>>) semaphore(%arg33 : memref<!tpu.dma_semaphore, #tpu.memory_space<semaphore_mem>>) {add = true}
        } else {
        }
        %add3A_382 = arith.constant 2 : i32
        %add3A_383 = arith.addi %add3A_327, %add3A_382 : i32
        %ge3A_384 = arith.constant 0 : i32
        %ge3A_385 = arith.cmpi sge, %add3A_383, %ge3A_384 : i32
        %lt3A_386 = arith.constant 391 : i32
        %lt3A_387 = arith.cmpi slt, %add3A_383, %lt3A_386 : i32
        %and3A_388 = arith.andi %ge3A_385, %lt3A_387 : i1
        %add3A_389 = arith.addi %mul3A_2, %add3A_383 : i32
        %lt3A_390 = arith.constant 6250 : i32
        %lt3A_391 = arith.cmpi slt, %add3A_389, %lt3A_390 : i32
        %and3A_392 = arith.andi %and3A_388, %lt3A_391 : i1
        %convert_element_type3A_393 = arith.extui %and3A_392 : i1 to i32
        %cond3A_394 = arith.constant 0 : i32
        %cond3A_395 = arith.cmpi ne, %convert_element_type3A_393, %cond3A_394 : i32
        scf.if %cond3A_395 {
          %add3A_396 = arith.addi %mul3A_2, %add3A_383 : i32
          %mul3A_397 = arith.constant 128 : i32
          %mul3A_398 = arith.muli %add3A_396, %mul3A_397 : i32
          %dma_start3A = tpu.memref_slice %arg6[%mul3A_398] : memref<800000xi32, #tpu.memory_space<hbm>> -> memref<128xi32, #tpu.memory_space<hbm>>
          %dma_start3A_399 = tpu.memref_slice %arg6[%mul3A_398] : memref<800000xi32, #tpu.memory_space<hbm>> -> memref<128xi32, #tpu.memory_space<hbm>>
          tpu.enqueue_dma source(%dma_start3A_399 : memref<128xi32, #tpu.memory_space<hbm>>) target(%arg15 : memref<128xi32, #tpu.memory_space<vmem>>) target_semaphore(%arg29 : memref<!tpu.dma_semaphore, #tpu.memory_space<semaphore_mem>>)
          %dma_start3A_400 = tpu.memref_slice %arg7[%mul3A_398] : memref<800000xi32, #tpu.memory_space<hbm>> -> memref<128xi32, #tpu.memory_space<hbm>>
          %dma_start3A_401 = tpu.memref_slice %arg7[%mul3A_398] : memref<800000xi32, #tpu.memory_space<hbm>> -> memref<128xi32, #tpu.memory_space<hbm>>
          tpu.enqueue_dma source(%dma_start3A_401 : memref<128xi32, #tpu.memory_space<hbm>>) target(%arg17 : memref<128xi32, #tpu.memory_space<vmem>>) target_semaphore(%arg29 : memref<!tpu.dma_semaphore, #tpu.memory_space<semaphore_mem>>)
          %mul3A_402 = arith.constant 128 : i32
          %mul3A_403 = arith.muli %add3A_396, %mul3A_402 : i32
          %mul3A_404 = arith.constant 32 : i32
          %mul3A_405 = arith.muli %mul3A_403, %mul3A_404 : i32
          %dma_start3A_406 = tpu.memref_slice %arg3[%mul3A_405] : memref<25600000xf32, #tpu.memory_space<hbm>> -> memref<4096xf32, #tpu.memory_space<hbm>>
          %dma_start3A_407 = tpu.memref_slice %arg3[%mul3A_405] : memref<25600000xf32, #tpu.memory_space<hbm>> -> memref<4096xf32, #tpu.memory_space<hbm>>
          tpu.enqueue_dma source(%dma_start3A_407 : memref<4096xf32, #tpu.memory_space<hbm>>) target(%arg21 : memref<4096xf32, #tpu.memory_space<vmem>>) target_semaphore(%arg29 : memref<!tpu.dma_semaphore, #tpu.memory_space<semaphore_mem>>)
        } else {
        }
      }
      %scan3A_55 = arith.constant 98 : i32
      %and3A_56 = arith.constant true
      %and3A_57 = arith.constant true
      %and3A_58 = arith.andi %and3A_56, %and3A_57 : i1
      %add3A_59 = arith.constant 390 : i32
      %add3A_60 = arith.addi %mul3A_2, %add3A_59 : i32
      %lt3A_61 = arith.constant 6250 : i32
      %lt3A_62 = arith.cmpi slt, %add3A_60, %lt3A_61 : i32
      %and3A_63 = arith.andi %and3A_58, %lt3A_62 : i1
      %convert_element_type3A_64 = arith.extui %and3A_63 : i1 to i32
      %cond3A_65 = arith.constant 0 : i32
      %cond3A_66 = arith.cmpi ne, %convert_element_type3A_64, %cond3A_65 : i32
      scf.if %cond3A_66 {
        %dma_wait3A = arith.constant 0 : i32
        %dma_wait3A_109 = arith.constant 0 : i32
        %dma_wait3A_110 = tpu.memref_slice %arg27[%dma_wait3A, %dma_wait3A_109] : memref<50048x32xf32, #tpu.memory_space<vmem_shared>> -> memref<50048x32xf32, #tpu.memory_space<vmem_shared>>
        tpu.wait_indirect_dma semaphore(%arg32 : memref<!tpu.dma_semaphore, #tpu.memory_space<semaphore_mem>>) src(%arg24 : memref<128x32xf32, #tpu.memory_space<vmem>>) dst(%dma_wait3A_110 : memref<50048x32xf32, #tpu.memory_space<vmem_shared>>)
      } else {
      }
      %and3A_67 = arith.constant true
      %and3A_68 = arith.constant false
      %and3A_69 = arith.andi %and3A_67, %and3A_68 : i1
      %add3A_70 = arith.constant 391 : i32
      %add3A_71 = arith.addi %mul3A_2, %add3A_70 : i32
      %lt3A_72 = arith.constant 6250 : i32
      %lt3A_73 = arith.cmpi slt, %add3A_71, %lt3A_72 : i32
      %and3A_74 = arith.andi %and3A_69, %lt3A_73 : i1
      %convert_element_type3A_75 = arith.extui %and3A_74 : i1 to i32
      %cond3A_76 = arith.constant 0 : i32
      %cond3A_77 = arith.cmpi ne, %convert_element_type3A_75, %cond3A_76 : i32
      scf.if %cond3A_77 {
        %dma_wait3A = arith.constant 0 : i32
        %dma_wait3A_109 = arith.constant 0 : i32
        %dma_wait3A_110 = tpu.memref_slice %arg27[%dma_wait3A, %dma_wait3A_109] : memref<50048x32xf32, #tpu.memory_space<vmem_shared>> -> memref<50048x32xf32, #tpu.memory_space<vmem_shared>>
        tpu.wait_indirect_dma semaphore(%arg33 : memref<!tpu.dma_semaphore, #tpu.memory_space<semaphore_mem>>) src(%arg25 : memref<128x32xf32, #tpu.memory_space<vmem>>) dst(%dma_wait3A_110 : memref<50048x32xf32, #tpu.memory_space<vmem_shared>>)
      } else {
      }
      %barrier3A_78 = arith.constant 0 : index
      tpu.barrier barrier_id(%barrier3A_78)
      "tpu.region"() ({
        %run_scoped3A = tpu.sem_alloc : memref<!tpu.dma_semaphore, #tpu.memory_space<semaphore_mem>>
        %dma_start3A = arith.constant 0 : i32
        %dma_start3A_109 = tpu.memref_slice %arg11[%mul3A_0, %dma_start3A] : memref<50048x32xf32, #tpu.memory_space<hbm>> -> memref<3128x32xf32, #tpu.memory_space<hbm>>
        %dma_start3A_110 = arith.constant 0 : i32
        %dma_start3A_111 = tpu.memref_slice %arg27[%mul3A_0, %dma_start3A_110] : memref<50048x32xf32, #tpu.memory_space<vmem_shared>> -> memref<3128x32xf32, #tpu.memory_space<vmem_shared>>
        tpu.enqueue_dma source(%dma_start3A_111 : memref<3128x32xf32, #tpu.memory_space<vmem_shared>>) target(%dma_start3A_109 : memref<3128x32xf32, #tpu.memory_space<hbm>>) target_semaphore(%run_scoped3A : memref<!tpu.dma_semaphore, #tpu.memory_space<semaphore_mem>>)
        %dma_wait3A = arith.constant 0 : i32
        %dma_wait3A_112 = tpu.memref_slice %arg11[%mul3A_0, %dma_wait3A] : memref<50048x32xf32, #tpu.memory_space<hbm>> -> memref<3128x32xf32, #tpu.memory_space<hbm>>
        %dma_wait3A_113 = arith.constant 0 : i32
        %dma_wait3A_114 = tpu.memref_slice %arg27[%mul3A_0, %dma_wait3A_113] : memref<50048x32xf32, #tpu.memory_space<vmem_shared>> -> memref<3128x32xf32, #tpu.memory_space<vmem_shared>>
        tpu.wait_dma2 semaphore(%run_scoped3A : memref<!tpu.dma_semaphore, #tpu.memory_space<semaphore_mem>>) src(%dma_wait3A_114 : memref<3128x32xf32, #tpu.memory_space<vmem_shared>>) dst(%dma_wait3A_112 : memref<3128x32xf32, #tpu.memory_space<hbm>>)
        tpu.yield
      }) : () -> ()
      "tpu.region"() ({
        %run_scoped3A = tpu.sem_alloc : memref<!tpu.dma_semaphore, #tpu.memory_space<semaphore_mem>>
        %dma_start3A = arith.constant 0 : i32
        %dma_start3A_109 = tpu.memref_slice %arg27[%mul3A_0, %dma_start3A] : memref<50048x32xf32, #tpu.memory_space<vmem_shared>> -> memref<3128x32xf32, #tpu.memory_space<vmem_shared>>
        %dma_start3A_110 = arith.constant 0 : i32
        %dma_start3A_111 = tpu.memref_slice %arg8[%mul3A_0, %dma_start3A_110] : memref<50048x32xf32, #tpu.memory_space<hbm>> -> memref<3128x32xf32, #tpu.memory_space<hbm>>
        tpu.enqueue_dma source(%dma_start3A_111 : memref<3128x32xf32, #tpu.memory_space<hbm>>) target(%dma_start3A_109 : memref<3128x32xf32, #tpu.memory_space<vmem_shared>>) target_semaphore(%run_scoped3A : memref<!tpu.dma_semaphore, #tpu.memory_space<semaphore_mem>>)
        %dma_wait3A = arith.constant 0 : i32
        %dma_wait3A_112 = tpu.memref_slice %arg27[%mul3A_0, %dma_wait3A] : memref<50048x32xf32, #tpu.memory_space<vmem_shared>> -> memref<3128x32xf32, #tpu.memory_space<vmem_shared>>
        %dma_wait3A_113 = arith.constant 0 : i32
        %dma_wait3A_114 = tpu.memref_slice %arg8[%mul3A_0, %dma_wait3A_113] : memref<50048x32xf32, #tpu.memory_space<hbm>> -> memref<3128x32xf32, #tpu.memory_space<hbm>>
        tpu.wait_dma2 semaphore(%run_scoped3A : memref<!tpu.dma_semaphore, #tpu.memory_space<semaphore_mem>>) src(%dma_wait3A_114 : memref<3128x32xf32, #tpu.memory_space<hbm>>) dst(%dma_wait3A_112 : memref<3128x32xf32, #tpu.memory_space<vmem_shared>>)
        tpu.yield
      }) : () -> ()
      "tpu.region"() ({
        %run_scoped3A = tpu.sem_alloc : memref<!tpu.dma_semaphore, #tpu.memory_space<semaphore_mem>>
        tpu.enqueue_dma source(%arg9 : memref<128x32xf32, #tpu.memory_space<hbm>>) target(%arg26 : memref<128x32xf32, #tpu.memory_space<vmem>>) target_semaphore(%run_scoped3A : memref<!tpu.dma_semaphore, #tpu.memory_space<semaphore_mem>>)
        tpu.wait_dma2 semaphore(%run_scoped3A : memref<!tpu.dma_semaphore, #tpu.memory_space<semaphore_mem>>) src(%arg9 : memref<128x32xf32, #tpu.memory_space<hbm>>) dst(%arg26 : memref<128x32xf32, #tpu.memory_space<vmem>>)
        tpu.yield
      }) : () -> ()
      %barrier3A_79 = arith.constant 0 : index
      tpu.barrier barrier_id(%barrier3A_79)
      %mul3A_80 = arith.constant 196 : i32
      %mul3A_81 = arith.muli %arg1, %mul3A_80 : i32
      %add3A_82 = arith.constant 3125 : i32
      %add3A_83 = arith.addi %add3A_82, %mul3A_81 : i32
      %add3A_84 = arith.constant 0 : i32
      %add3A_85 = arith.addi %add3A_83, %add3A_84 : i32
      %lt3A_86 = arith.constant 6250 : i32
      %lt3A_87 = arith.cmpi slt, %add3A_85, %lt3A_86 : i32
      %and3A_88 = arith.constant true
      %and3A_89 = arith.andi %and3A_88, %lt3A_87 : i1
      %convert_element_type3A_90 = arith.extui %and3A_89 : i1 to i32
      %cond3A_91 = arith.constant 0 : i32
      %cond3A_92 = arith.cmpi ne, %convert_element_type3A_90, %cond3A_91 : i32
      scf.if %cond3A_92 {
        %add3A_109 = arith.constant 0 : i32
        %add3A_110 = arith.addi %add3A_83, %add3A_109 : i32
        %mul3A_111 = arith.constant 128 : i32
        %mul3A_112 = arith.muli %add3A_110, %mul3A_111 : i32
        %dma_start3A = tpu.memref_slice %arg7[%mul3A_112] : memref<800000xi32, #tpu.memory_space<hbm>> -> memref<128xi32, #tpu.memory_space<hbm>>
        %dma_start3A_113 = tpu.memref_slice %arg7[%mul3A_112] : memref<800000xi32, #tpu.memory_space<hbm>> -> memref<128xi32, #tpu.memory_space<hbm>>
        tpu.enqueue_dma source(%dma_start3A_113 : memref<128xi32, #tpu.memory_space<hbm>>) target(%arg16 : memref<128xi32, #tpu.memory_space<vmem>>) target_semaphore(%arg28 : memref<!tpu.dma_semaphore, #tpu.memory_space<semaphore_mem>>)
      } else {
      }
      %add3A_93 = arith.constant 1 : i32
      %add3A_94 = arith.addi %add3A_83, %add3A_93 : i32
      %lt3A_95 = arith.constant 6250 : i32
      %lt3A_96 = arith.cmpi slt, %add3A_94, %lt3A_95 : i32
      %and3A_97 = arith.constant true
      %and3A_98 = arith.andi %and3A_97, %lt3A_96 : i1
      %convert_element_type3A_99 = arith.extui %and3A_98 : i1 to i32
      %cond3A_100 = arith.constant 0 : i32
      %cond3A_101 = arith.cmpi ne, %convert_element_type3A_99, %cond3A_100 : i32
      scf.if %cond3A_101 {
        %add3A_109 = arith.constant 1 : i32
        %add3A_110 = arith.addi %add3A_83, %add3A_109 : i32
        %mul3A_111 = arith.constant 128 : i32
        %mul3A_112 = arith.muli %add3A_110, %mul3A_111 : i32
        %dma_start3A = tpu.memref_slice %arg7[%mul3A_112] : memref<800000xi32, #tpu.memory_space<hbm>> -> memref<128xi32, #tpu.memory_space<hbm>>
        %dma_start3A_113 = tpu.memref_slice %arg7[%mul3A_112] : memref<800000xi32, #tpu.memory_space<hbm>> -> memref<128xi32, #tpu.memory_space<hbm>>
        tpu.enqueue_dma source(%dma_start3A_113 : memref<128xi32, #tpu.memory_space<hbm>>) target(%arg17 : memref<128xi32, #tpu.memory_space<vmem>>) target_semaphore(%arg29 : memref<!tpu.dma_semaphore, #tpu.memory_space<semaphore_mem>>)
      } else {
      }
      %scan3A_102 = arith.constant 0 : i32
      %scan3A_103 = arith.constant 0 : i32
      %scan3A_104 = arith.constant 98 : i32
      %scan3A_105 = arith.addi %scan3A_103, %scan3A_104 : i32
      %scan3A_106 = arith.constant 1 : i32
      scf.for %scan3A_109 = %scan3A_103 to %scan3A_105 step %scan3A_106  : i32 {
        %mul3A_110 = arith.constant 2 : i32
        %mul3A_111 = arith.muli %scan3A_109, %mul3A_110 : i32
        %add3A_112 = arith.constant 0 : i32
        %add3A_113 = arith.addi %mul3A_111, %add3A_112 : i32
        %lt3A_114 = arith.constant 196 : i32
        %lt3A_115 = arith.cmpi slt, %add3A_113, %lt3A_114 : i32
        %add3A_116 = arith.addi %add3A_83, %add3A_113 : i32
        %lt3A_117 = arith.constant 6250 : i32
        %lt3A_118 = arith.cmpi slt, %add3A_116, %lt3A_117 : i32
        %and3A_119 = arith.andi %lt3A_115, %lt3A_118 : i1
        %convert_element_type3A_120 = arith.extui %and3A_119 : i1 to i32
        %cond3A_121 = arith.constant 0 : i32
        %cond3A_122 = arith.cmpi ne, %convert_element_type3A_120, %cond3A_121 : i32
        scf.if %cond3A_122 {
          %add3A_158 = arith.addi %add3A_83, %add3A_113 : i32
          %mul3A_159 = arith.constant 128 : i32
          %mul3A_160 = arith.muli %add3A_158, %mul3A_159 : i32
          %dma_wait3A = tpu.memref_slice %arg7[%mul3A_160] : memref<800000xi32, #tpu.memory_space<hbm>> -> memref<128xi32, #tpu.memory_space<hbm>>
          %dma_wait3A_161 = tpu.memref_slice %arg7[%mul3A_160] : memref<800000xi32, #tpu.memory_space<hbm>> -> memref<128xi32, #tpu.memory_space<hbm>>
          tpu.wait_dma2 semaphore(%arg28 : memref<!tpu.dma_semaphore, #tpu.memory_space<semaphore_mem>>) src(%dma_wait3A_161 : memref<128xi32, #tpu.memory_space<hbm>>) dst(%arg16 : memref<128xi32, #tpu.memory_space<vmem>>)
          "tpu.region"() ({
            %run_scoped3A = tpu.sem_alloc : memref<!tpu.dma_semaphore, #tpu.memory_space<semaphore_mem>>
            %dma_start3A = arith.constant 0 : i32
            %dma_start3A_162 = arith.constant 0 : i32
            %dma_start3A_163 = tpu.memref_slice %arg27[%dma_start3A, %dma_start3A_162] : memref<50048x32xf32, #tpu.memory_space<vmem_shared>> -> memref<50048x32xf32, #tpu.memory_space<vmem_shared>>
            tpu.enqueue_indirect_dma source(%arg26 : memref<128x32xf32, #tpu.memory_space<vmem>>) target(%dma_start3A_163 : memref<50048x32xf32, #tpu.memory_space<vmem_shared>>) offsets(%arg16 : memref<128xi32, #tpu.memory_space<vmem>>) semaphore(%run_scoped3A : memref<!tpu.dma_semaphore, #tpu.memory_space<semaphore_mem>>) {add = true}
            %dma_wait3A_164 = arith.constant 0 : i32
            %dma_wait3A_165 = arith.constant 0 : i32
            %dma_wait3A_166 = tpu.memref_slice %arg27[%dma_wait3A_164, %dma_wait3A_165] : memref<50048x32xf32, #tpu.memory_space<vmem_shared>> -> memref<50048x32xf32, #tpu.memory_space<vmem_shared>>
            tpu.wait_indirect_dma semaphore(%run_scoped3A : memref<!tpu.dma_semaphore, #tpu.memory_space<semaphore_mem>>) src(%arg26 : memref<128x32xf32, #tpu.memory_space<vmem>>) dst(%dma_wait3A_166 : memref<50048x32xf32, #tpu.memory_space<vmem_shared>>)
            tpu.yield
          }) : () -> ()
        } else {
        }
        %add3A_123 = arith.constant 2 : i32
        %add3A_124 = arith.addi %add3A_113, %add3A_123 : i32
        %lt3A_125 = arith.constant 196 : i32
        %lt3A_126 = arith.cmpi slt, %add3A_124, %lt3A_125 : i32
        %add3A_127 = arith.addi %add3A_83, %add3A_124 : i32
        %lt3A_128 = arith.constant 6250 : i32
        %lt3A_129 = arith.cmpi slt, %add3A_127, %lt3A_128 : i32
        %and3A_130 = arith.andi %lt3A_126, %lt3A_129 : i1
        %convert_element_type3A_131 = arith.extui %and3A_130 : i1 to i32
        %cond3A_132 = arith.constant 0 : i32
        %cond3A_133 = arith.cmpi ne, %convert_element_type3A_131, %cond3A_132 : i32
        scf.if %cond3A_133 {
          %add3A_158 = arith.addi %add3A_83, %add3A_124 : i32
          %mul3A_159 = arith.constant 128 : i32
          %mul3A_160 = arith.muli %add3A_158, %mul3A_159 : i32
          %dma_start3A = tpu.memref_slice %arg7[%mul3A_160] : memref<800000xi32, #tpu.memory_space<hbm>> -> memref<128xi32, #tpu.memory_space<hbm>>
          %dma_start3A_161 = tpu.memref_slice %arg7[%mul3A_160] : memref<800000xi32, #tpu.memory_space<hbm>> -> memref<128xi32, #tpu.memory_space<hbm>>
          tpu.enqueue_dma source(%dma_start3A_161 : memref<128xi32, #tpu.memory_space<hbm>>) target(%arg16 : memref<128xi32, #tpu.memory_space<vmem>>) target_semaphore(%arg28 : memref<!tpu.dma_semaphore, #tpu.memory_space<semaphore_mem>>)
        } else {
        }
        %mul3A_134 = arith.constant 2 : i32
        %mul3A_135 = arith.muli %scan3A_109, %mul3A_134 : i32
        %add3A_136 = arith.constant 1 : i32
        %add3A_137 = arith.addi %mul3A_135, %add3A_136 : i32
        %lt3A_138 = arith.constant 196 : i32
        %lt3A_139 = arith.cmpi slt, %add3A_137, %lt3A_138 : i32
        %add3A_140 = arith.addi %add3A_83, %add3A_137 : i32
        %lt3A_141 = arith.constant 6250 : i32
        %lt3A_142 = arith.cmpi slt, %add3A_140, %lt3A_141 : i32
        %and3A_143 = arith.andi %lt3A_139, %lt3A_142 : i1
        %convert_element_type3A_144 = arith.extui %and3A_143 : i1 to i32
        %cond3A_145 = arith.constant 0 : i32
        %cond3A_146 = arith.cmpi ne, %convert_element_type3A_144, %cond3A_145 : i32
        scf.if %cond3A_146 {
          %add3A_158 = arith.addi %add3A_83, %add3A_137 : i32
          %mul3A_159 = arith.constant 128 : i32
          %mul3A_160 = arith.muli %add3A_158, %mul3A_159 : i32
          %dma_wait3A = tpu.memref_slice %arg7[%mul3A_160] : memref<800000xi32, #tpu.memory_space<hbm>> -> memref<128xi32, #tpu.memory_space<hbm>>
          %dma_wait3A_161 = tpu.memref_slice %arg7[%mul3A_160] : memref<800000xi32, #tpu.memory_space<hbm>> -> memref<128xi32, #tpu.memory_space<hbm>>
          tpu.wait_dma2 semaphore(%arg29 : memref<!tpu.dma_semaphore, #tpu.memory_space<semaphore_mem>>) src(%dma_wait3A_161 : memref<128xi32, #tpu.memory_space<hbm>>) dst(%arg17 : memref<128xi32, #tpu.memory_space<vmem>>)
          "tpu.region"() ({
            %run_scoped3A = tpu.sem_alloc : memref<!tpu.dma_semaphore, #tpu.memory_space<semaphore_mem>>
            %dma_start3A = arith.constant 0 : i32
            %dma_start3A_162 = arith.constant 0 : i32
            %dma_start3A_163 = tpu.memref_slice %arg27[%dma_start3A, %dma_start3A_162] : memref<50048x32xf32, #tpu.memory_space<vmem_shared>> -> memref<50048x32xf32, #tpu.memory_space<vmem_shared>>
            tpu.enqueue_indirect_dma source(%arg26 : memref<128x32xf32, #tpu.memory_space<vmem>>) target(%dma_start3A_163 : memref<50048x32xf32, #tpu.memory_space<vmem_shared>>) offsets(%arg17 : memref<128xi32, #tpu.memory_space<vmem>>) semaphore(%run_scoped3A : memref<!tpu.dma_semaphore, #tpu.memory_space<semaphore_mem>>) {add = true}
            %dma_wait3A_164 = arith.constant 0 : i32
            %dma_wait3A_165 = arith.constant 0 : i32
            %dma_wait3A_166 = tpu.memref_slice %arg27[%dma_wait3A_164, %dma_wait3A_165] : memref<50048x32xf32, #tpu.memory_space<vmem_shared>> -> memref<50048x32xf32, #tpu.memory_space<vmem_shared>>
            tpu.wait_indirect_dma semaphore(%run_scoped3A : memref<!tpu.dma_semaphore, #tpu.memory_space<semaphore_mem>>) src(%arg26 : memref<128x32xf32, #tpu.memory_space<vmem>>) dst(%dma_wait3A_166 : memref<50048x32xf32, #tpu.memory_space<vmem_shared>>)
            tpu.yield
          }) : () -> ()
        } else {
        }
        %add3A_147 = arith.constant 2 : i32
        %add3A_148 = arith.addi %add3A_137, %add3A_147 : i32
        %lt3A_149 = arith.constant 196 : i32
        %lt3A_150 = arith.cmpi slt, %add3A_148, %lt3A_149 : i32
        %add3A_151 = arith.addi %add3A_83, %add3A_148 : i32
        %lt3A_152 = arith.constant 6250 : i32
        %lt3A_153 = arith.cmpi slt, %add3A_151, %lt3A_152 : i32
        %and3A_154 = arith.andi %lt3A_150, %lt3A_153 : i1
        %convert_element_type3A_155 = arith.extui %and3A_154 : i1 to i32
        %cond3A_156 = arith.constant 0 : i32
        %cond3A_157 = arith.cmpi ne, %convert_element_type3A_155, %cond3A_156 : i32
        scf.if %cond3A_157 {
          %add3A_158 = arith.addi %add3A_83, %add3A_148 : i32
          %mul3A_159 = arith.constant 128 : i32
          %mul3A_160 = arith.muli %add3A_158, %mul3A_159 : i32
          %dma_start3A = tpu.memref_slice %arg7[%mul3A_160] : memref<800000xi32, #tpu.memory_space<hbm>> -> memref<128xi32, #tpu.memory_space<hbm>>
          %dma_start3A_161 = tpu.memref_slice %arg7[%mul3A_160] : memref<800000xi32, #tpu.memory_space<hbm>> -> memref<128xi32, #tpu.memory_space<hbm>>
          tpu.enqueue_dma source(%dma_start3A_161 : memref<128xi32, #tpu.memory_space<hbm>>) target(%arg17 : memref<128xi32, #tpu.memory_space<vmem>>) target_semaphore(%arg29 : memref<!tpu.dma_semaphore, #tpu.memory_space<semaphore_mem>>)
        } else {
        }
      }
      %scan3A_107 = arith.constant 98 : i32
      %barrier3A_108 = arith.constant 0 : index
      tpu.barrier barrier_id(%barrier3A_108)
      "tpu.region"() ({
        %run_scoped3A = tpu.sem_alloc : memref<!tpu.dma_semaphore, #tpu.memory_space<semaphore_mem>>
        %dma_start3A = arith.constant 0 : i32
        %dma_start3A_109 = tpu.memref_slice %arg13[%mul3A_0, %dma_start3A] : memref<50048x32xf32, #tpu.memory_space<hbm>> -> memref<3128x32xf32, #tpu.memory_space<hbm>>
        %dma_start3A_110 = arith.constant 0 : i32
        %dma_start3A_111 = tpu.memref_slice %arg27[%mul3A_0, %dma_start3A_110] : memref<50048x32xf32, #tpu.memory_space<vmem_shared>> -> memref<3128x32xf32, #tpu.memory_space<vmem_shared>>
        tpu.enqueue_dma source(%dma_start3A_111 : memref<3128x32xf32, #tpu.memory_space<vmem_shared>>) target(%dma_start3A_109 : memref<3128x32xf32, #tpu.memory_space<hbm>>) target_semaphore(%run_scoped3A : memref<!tpu.dma_semaphore, #tpu.memory_space<semaphore_mem>>)
        %dma_wait3A = arith.constant 0 : i32
        %dma_wait3A_112 = tpu.memref_slice %arg13[%mul3A_0, %dma_wait3A] : memref<50048x32xf32, #tpu.memory_space<hbm>> -> memref<3128x32xf32, #tpu.memory_space<hbm>>
        %dma_wait3A_113 = arith.constant 0 : i32
        %dma_wait3A_114 = tpu.memref_slice %arg27[%mul3A_0, %dma_wait3A_113] : memref<50048x32xf32, #tpu.memory_space<vmem_shared>> -> memref<3128x32xf32, #tpu.memory_space<vmem_shared>>
        tpu.wait_dma2 semaphore(%run_scoped3A : memref<!tpu.dma_semaphore, #tpu.memory_space<semaphore_mem>>) src(%dma_wait3A_114 : memref<3128x32xf32, #tpu.memory_space<vmem_shared>>) dst(%dma_wait3A_112 : memref<3128x32xf32, #tpu.memory_space<hbm>>)
        tpu.yield
      }) : () -> ()
    } else {
    }
    return
  }
}

module attributes {stable_mosaic.version = 14 : i64} {
  func.func @_node_enc_body(%arg0: i32, %arg1: memref<1000x83xf32, #tpu.memory_space<vmem>>, %arg2: memref<83x8xf32, #tpu.memory_space<vmem>>, %arg3: memref<1x8xf32, #tpu.memory_space<vmem>>, %arg4: memref<8x16xf32, #tpu.memory_space<vmem>>, %arg5: memref<1x16xf32, #tpu.memory_space<vmem>>, %arg6: memref<16x64xf32, #tpu.memory_space<vmem>>, %arg7: memref<1000x16xf32, #tpu.memory_space<vmem>>, %arg8: memref<1000x32xf32, #tpu.memory_space<vmem>>, %arg9: memref<1000x32xf32, #tpu.memory_space<vmem>>) attributes {dimension_semantics = [#tpu.dimension_semantics<arbitrary>], iteration_bounds = array<i64: 50>, scalar_prefetch = 0 : i64, scratch_operands = 0 : i64, tpu.core_type = #tpu.core_type<tc>, window_params = [{transform_indices = @transform_0, window_bounds = array<i64: 1000, 83>}, {pipeline_mode = #tpu.pipeline_mode<synchronous>, transform_indices = @transform_1, window_bounds = array<i64: 83, 8>}, {pipeline_mode = #tpu.pipeline_mode<synchronous>, transform_indices = @transform_2, window_bounds = array<i64: 1, 8>}, {pipeline_mode = #tpu.pipeline_mode<synchronous>, transform_indices = @transform_3, window_bounds = array<i64: 8, 16>}, {pipeline_mode = #tpu.pipeline_mode<synchronous>, transform_indices = @transform_4, window_bounds = array<i64: 1, 16>}, {pipeline_mode = #tpu.pipeline_mode<synchronous>, transform_indices = @transform_5, window_bounds = array<i64: 16, 64>}, {transform_indices = @transform_6, window_bounds = array<i64: 1000, 16>}, {transform_indices = @transform_7, window_bounds = array<i64: 1000, 32>}, {transform_indices = @transform_8, window_bounds = array<i64: 1000, 32>}]} {
    %get3A = arith.constant 0 : index
    %get3A_0 = arith.constant 0 : index
    %get3A_1 = vector.load %arg1[%get3A, %get3A_0] : memref<1000x83xf32, #tpu.memory_space<vmem>>, vector<1000x83xf32>
    %get3A_2 = arith.constant 0 : index
    %get3A_3 = arith.constant 0 : index
    %get3A_4 = vector.load %arg2[%get3A_2, %get3A_3] : memref<83x8xf32, #tpu.memory_space<vmem>>, vector<83x8xf32>
    %dot_general3A = arith.constant dense<0.000000e+00> : vector<1000x8xf32>
    %dot_general3A_5 = tpu.matmul %get3A_1, %get3A_4, %dot_general3A {dimension_numbers = #tpu.dot_dimension_numbers<[1], [0], [0], [1], [0, 0, 1, 1], [], []>, transpose_lhs_hint = false} : vector<1000x83xf32>, vector<83x8xf32>, vector<1000x8xf32> -> vector<1000x8xf32>
    %get3A_6 = arith.constant 0 : index
    %get3A_7 = arith.constant 0 : index
    %get3A_8 = vector.load %arg3[%get3A_6, %get3A_7] : memref<1x8xf32, #tpu.memory_space<vmem>>, vector<1x8xf32>
    %add3A = vector.broadcast %get3A_8 : vector<1x8xf32> to vector<1000x8xf32>
    %add3A_9 = arith.addf %dot_general3A_5, %add3A : vector<1000x8xf32>
    %max3A = arith.constant 0.000000e+00 : f32
    %max3A_10 = vector.broadcast %max3A : f32 to vector<1000x8xf32>
    %max3A_11 = arith.maximumf %add3A_9, %max3A_10 : vector<1000x8xf32>
    %get3A_12 = arith.constant 0 : index
    %get3A_13 = arith.constant 0 : index
    %get3A_14 = vector.load %arg4[%get3A_12, %get3A_13] : memref<8x16xf32, #tpu.memory_space<vmem>>, vector<8x16xf32>
    %dot_general3A_15 = arith.constant dense<0.000000e+00> : vector<1000x16xf32>
    %dot_general3A_16 = tpu.matmul %max3A_11, %get3A_14, %dot_general3A_15 {dimension_numbers = #tpu.dot_dimension_numbers<[1], [0], [0], [1], [0, 0, 1, 1], [], []>, transpose_lhs_hint = false} : vector<1000x8xf32>, vector<8x16xf32>, vector<1000x16xf32> -> vector<1000x16xf32>
    %get3A_17 = arith.constant 0 : index
    %get3A_18 = arith.constant 0 : index
    %get3A_19 = vector.load %arg5[%get3A_17, %get3A_18] : memref<1x16xf32, #tpu.memory_space<vmem>>, vector<1x16xf32>
    %add3A_20 = vector.broadcast %get3A_19 : vector<1x16xf32> to vector<1000x16xf32>
    %add3A_21 = arith.addf %dot_general3A_16, %add3A_20 : vector<1000x16xf32>
    %max3A_22 = arith.constant 0.000000e+00 : f32
    %max3A_23 = vector.broadcast %max3A_22 : f32 to vector<1000x16xf32>
    %max3A_24 = arith.maximumf %add3A_21, %max3A_23 : vector<1000x16xf32>
    %get3A_25 = arith.constant 0 : index
    %get3A_26 = arith.constant 0 : index
    %get3A_27 = vector.load %arg6[%get3A_25, %get3A_26] : memref<16x64xf32, #tpu.memory_space<vmem>>, vector<16x64xf32>
    %dot_general3A_28 = arith.constant dense<0.000000e+00> : vector<1000x64xf32>
    %dot_general3A_29 = tpu.matmul %max3A_24, %get3A_27, %dot_general3A_28 {dimension_numbers = #tpu.dot_dimension_numbers<[1], [0], [0], [1], [0, 0, 1, 1], [], []>, transpose_lhs_hint = false} : vector<1000x16xf32>, vector<16x64xf32>, vector<1000x64xf32> -> vector<1000x64xf32>
    %swap3A = arith.constant 0 : index
    %swap3A_30 = arith.constant 0 : index
    %swap3A_31 = vector.load %arg7[%swap3A, %swap3A_30] : memref<1000x16xf32, #tpu.memory_space<vmem>>, vector<1000x16xf32>
    tpu.vector_store %arg7[%swap3A, %swap3A_30], %max3A_24 {strides = array<i32>} : memref<1000x16xf32, #tpu.memory_space<vmem>>, vector<1000x16xf32>,
    %slice3A = vector.extract_strided_slice %dot_general3A_29 {offsets = [0, 0], sizes = [1000, 32], strides = [1, 1]} : vector<1000x64xf32> to vector<1000x32xf32>
    %swap3A_32 = arith.constant 0 : index
    %swap3A_33 = arith.constant 0 : index
    %swap3A_34 = vector.load %arg8[%swap3A_32, %swap3A_33] : memref<1000x32xf32, #tpu.memory_space<vmem>>, vector<1000x32xf32>
    tpu.vector_store %arg8[%swap3A_32, %swap3A_33], %slice3A {strides = array<i32>} : memref<1000x32xf32, #tpu.memory_space<vmem>>, vector<1000x32xf32>,
    %slice3A_35 = vector.extract_strided_slice %dot_general3A_29 {offsets = [0, 32], sizes = [1000, 32], strides = [1, 1]} : vector<1000x64xf32> to vector<1000x32xf32>
    %swap3A_36 = arith.constant 0 : index
    %swap3A_37 = arith.constant 0 : index
    %swap3A_38 = vector.load %arg9[%swap3A_36, %swap3A_37] : memref<1000x32xf32, #tpu.memory_space<vmem>>, vector<1000x32xf32>
    tpu.vector_store %arg9[%swap3A_36, %swap3A_37], %slice3A_35 {strides = array<i32>} : memref<1000x32xf32, #tpu.memory_space<vmem>>, vector<1000x32xf32>,
    return
  }
  func.func @transform_0(%arg0: i32) -> (i32, i32) {
    %c0_i32 = arith.constant 0 : i32
    %c0_i32_0 = arith.constant 0 : i32
    return %arg0, %c0_i32 : i32, i32
  }
  func.func @transform_1(%arg0: i32) -> (i32, i32) {
    %c0_i32 = arith.constant 0 : i32
    %c0_i32_0 = arith.constant 0 : i32
    %c0_i32_1 = arith.constant 0 : i32
    return %c0_i32, %c0_i32_0 : i32, i32
  }
  func.func @transform_2(%arg0: i32) -> (i32, i32) {
    %c0_i32 = arith.constant 0 : i32
    %c0_i32_0 = arith.constant 0 : i32
    %c0_i32_1 = arith.constant 0 : i32
    return %c0_i32, %c0_i32_0 : i32, i32
  }
  func.func @transform_3(%arg0: i32) -> (i32, i32) {
    %c0_i32 = arith.constant 0 : i32
    %c0_i32_0 = arith.constant 0 : i32
    %c0_i32_1 = arith.constant 0 : i32
    return %c0_i32, %c0_i32_0 : i32, i32
  }
  func.func @transform_4(%arg0: i32) -> (i32, i32) {
    %c0_i32 = arith.constant 0 : i32
    %c0_i32_0 = arith.constant 0 : i32
    %c0_i32_1 = arith.constant 0 : i32
    return %c0_i32, %c0_i32_0 : i32, i32
  }
  func.func @transform_5(%arg0: i32) -> (i32, i32) {
    %c0_i32 = arith.constant 0 : i32
    %c0_i32_0 = arith.constant 0 : i32
    %c0_i32_1 = arith.constant 0 : i32
    return %c0_i32, %c0_i32_0 : i32, i32
  }
  func.func @transform_6(%arg0: i32) -> (i32, i32) {
    %c0_i32 = arith.constant 0 : i32
    %c0_i32_0 = arith.constant 0 : i32
    return %arg0, %c0_i32 : i32, i32
  }
  func.func @transform_7(%arg0: i32) -> (i32, i32) {
    %c0_i32 = arith.constant 0 : i32
    %c0_i32_0 = arith.constant 0 : i32
    return %arg0, %c0_i32 : i32, i32
  }
  func.func @transform_8(%arg0: i32) -> (i32, i32) {
    %c0_i32 = arith.constant 0 : i32
    %c0_i32_0 = arith.constant 0 : i32
    return %arg0, %c0_i32 : i32, i32
  }
}

module attributes {stable_mosaic.version = 14 : i64} {
  func.func @_edge_enc_body(%arg0: i32, %arg1: memref<1600x4xf32, #tpu.memory_space<vmem>>, %arg2: memref<1600x4xf32, #tpu.memory_space<vmem>>, %arg3: memref<4x16xf32, #tpu.memory_space<vmem>>, %arg4: memref<4x16xf32, #tpu.memory_space<vmem>>, %arg5: memref<1x16xf32, #tpu.memory_space<vmem>>, %arg6: memref<16x32xf32, #tpu.memory_space<vmem>>, %arg7: memref<1x32xf32, #tpu.memory_space<vmem>>, %arg8: memref<32x128xf32, #tpu.memory_space<vmem>>, %arg9: memref<32x128xf32, #tpu.memory_space<vmem>>, %arg10: memref<16x128xf32, #tpu.memory_space<vmem>>, %arg11: memref<16x128xf32, #tpu.memory_space<vmem>>, %arg12: memref<1x128xf32, #tpu.memory_space<vmem>>, %arg13: memref<1x128xf32, #tpu.memory_space<vmem>>, %arg14: memref<1x16xf32, #tpu.memory_space<vmem>>, %arg15: memref<1600x128xf32, #tpu.memory_space<vmem>>, %arg16: memref<1600x128xf32, #tpu.memory_space<vmem>>) attributes {dimension_semantics = [#tpu.dimension_semantics<arbitrary>], iteration_bounds = array<i64: 125>, scalar_prefetch = 0 : i64, scratch_operands = 0 : i64, tpu.core_type = #tpu.core_type<tc>, window_params = [{transform_indices = @transform_0, window_bounds = array<i64: 1600, 4>}, {transform_indices = @transform_1, window_bounds = array<i64: 1600, 4>}, {pipeline_mode = #tpu.pipeline_mode<synchronous>, transform_indices = @transform_2, window_bounds = array<i64: 4, 16>}, {pipeline_mode = #tpu.pipeline_mode<synchronous>, transform_indices = @transform_3, window_bounds = array<i64: 4, 16>}, {pipeline_mode = #tpu.pipeline_mode<synchronous>, transform_indices = @transform_4, window_bounds = array<i64: 1, 16>}, {pipeline_mode = #tpu.pipeline_mode<synchronous>, transform_indices = @transform_5, window_bounds = array<i64: 16, 32>}, {pipeline_mode = #tpu.pipeline_mode<synchronous>, transform_indices = @transform_6, window_bounds = array<i64: 1, 32>}, {pipeline_mode = #tpu.pipeline_mode<synchronous>, transform_indices = @transform_7, window_bounds = array<i64: 32, 128>}, {pipeline_mode = #tpu.pipeline_mode<synchronous>, transform_indices = @transform_8, window_bounds = array<i64: 32, 128>}, {pipeline_mode = #tpu.pipeline_mode<synchronous>, transform_indices = @transform_9, window_bounds = array<i64: 16, 128>}, {pipeline_mode = #tpu.pipeline_mode<synchronous>, transform_indices = @transform_10, window_bounds = array<i64: 16, 128>}, {pipeline_mode = #tpu.pipeline_mode<synchronous>, transform_indices = @transform_11, window_bounds = array<i64: 1, 128>}, {pipeline_mode = #tpu.pipeline_mode<synchronous>, transform_indices = @transform_12, window_bounds = array<i64: 1, 128>}, {pipeline_mode = #tpu.pipeline_mode<synchronous>, transform_indices = @transform_13, window_bounds = array<i64: 1, 16>}, {transform_indices = @transform_14, window_bounds = array<i64: 1600, 128>}, {transform_indices = @transform_15, window_bounds = array<i64: 1600, 128>}]} {
    %get3A = arith.constant 0 : index
    %get3A_0 = arith.constant 0 : index
    %get3A_1 = vector.load %arg14[%get3A, %get3A_0] : memref<1x16xf32, #tpu.memory_space<vmem>>, vector<1x16xf32>
    %max3A = arith.constant 0.000000e+00 : f32
    %max3A_2 = vector.broadcast %max3A : f32 to vector<1x16xf32>
    %max3A_3 = arith.maximumf %get3A_1, %max3A_2 : vector<1x16xf32>
    %get3A_4 = arith.constant 0 : index
    %get3A_5 = arith.constant 0 : index
    %get3A_6 = vector.load %arg1[%get3A_4, %get3A_5] : memref<1600x4xf32, #tpu.memory_space<vmem>>, vector<1600x4xf32>
    %get3A_7 = arith.constant 0 : index
    %get3A_8 = arith.constant 0 : index
    %get3A_9 = vector.load %arg3[%get3A_7, %get3A_8] : memref<4x16xf32, #tpu.memory_space<vmem>>, vector<4x16xf32>
    %dot_general3A = arith.constant dense<0.000000e+00> : vector<1600x16xf32>
    %dot_general3A_10 = tpu.matmul %get3A_6, %get3A_9, %dot_general3A {dimension_numbers = #tpu.dot_dimension_numbers<[1], [0], [0], [1], [0, 0, 1, 1], [], []>, transpose_lhs_hint = false} : vector<1600x4xf32>, vector<4x16xf32>, vector<1600x16xf32> -> vector<1600x16xf32>
    %get3A_11 = arith.constant 0 : index
    %get3A_12 = arith.constant 0 : index
    %get3A_13 = vector.load %arg2[%get3A_11, %get3A_12] : memref<1600x4xf32, #tpu.memory_space<vmem>>, vector<1600x4xf32>
    %get3A_14 = arith.constant 0 : index
    %get3A_15 = arith.constant 0 : index
    %get3A_16 = vector.load %arg4[%get3A_14, %get3A_15] : memref<4x16xf32, #tpu.memory_space<vmem>>, vector<4x16xf32>
    %dot_general3A_17 = arith.constant dense<0.000000e+00> : vector<1600x16xf32>
    %dot_general3A_18 = tpu.matmul %get3A_13, %get3A_16, %dot_general3A_17 {dimension_numbers = #tpu.dot_dimension_numbers<[1], [0], [0], [1], [0, 0, 1, 1], [], []>, transpose_lhs_hint = false} : vector<1600x4xf32>, vector<4x16xf32>, vector<1600x16xf32> -> vector<1600x16xf32>
    %add3A = arith.addf %dot_general3A_10, %dot_general3A_18 : vector<1600x16xf32>
    %get3A_19 = arith.constant 0 : index
    %get3A_20 = arith.constant 0 : index
    %get3A_21 = vector.load %arg5[%get3A_19, %get3A_20] : memref<1x16xf32, #tpu.memory_space<vmem>>, vector<1x16xf32>
    %add3A_22 = vector.broadcast %get3A_21 : vector<1x16xf32> to vector<1600x16xf32>
    %add3A_23 = arith.addf %add3A, %add3A_22 : vector<1600x16xf32>
    %max3A_24 = arith.constant 0.000000e+00 : f32
    %max3A_25 = vector.broadcast %max3A_24 : f32 to vector<1600x16xf32>
    %max3A_26 = arith.maximumf %add3A_23, %max3A_25 : vector<1600x16xf32>
    %get3A_27 = arith.constant 0 : index
    %get3A_28 = arith.constant 0 : index
    %get3A_29 = vector.load %arg6[%get3A_27, %get3A_28] : memref<16x32xf32, #tpu.memory_space<vmem>>, vector<16x32xf32>
    %dot_general3A_30 = arith.constant dense<0.000000e+00> : vector<1600x32xf32>
    %dot_general3A_31 = tpu.matmul %max3A_26, %get3A_29, %dot_general3A_30 {dimension_numbers = #tpu.dot_dimension_numbers<[1], [0], [0], [1], [0, 0, 1, 1], [], []>, transpose_lhs_hint = false} : vector<1600x16xf32>, vector<16x32xf32>, vector<1600x32xf32> -> vector<1600x32xf32>
    %get3A_32 = arith.constant 0 : index
    %get3A_33 = arith.constant 0 : index
    %get3A_34 = vector.load %arg7[%get3A_32, %get3A_33] : memref<1x32xf32, #tpu.memory_space<vmem>>, vector<1x32xf32>
    %add3A_35 = vector.broadcast %get3A_34 : vector<1x32xf32> to vector<1600x32xf32>
    %add3A_36 = arith.addf %dot_general3A_31, %add3A_35 : vector<1600x32xf32>
    %max3A_37 = arith.constant 0.000000e+00 : f32
    %max3A_38 = vector.broadcast %max3A_37 : f32 to vector<1600x32xf32>
    %max3A_39 = arith.maximumf %add3A_36, %max3A_38 : vector<1600x32xf32>
    %get3A_40 = arith.constant 0 : index
    %get3A_41 = arith.constant 0 : index
    %get3A_42 = vector.load %arg10[%get3A_40, %get3A_41] : memref<16x128xf32, #tpu.memory_space<vmem>>, vector<16x128xf32>
    %dot_general3A_43 = arith.constant dense<0.000000e+00> : vector<1x128xf32>
    %dot_general3A_44 = tpu.matmul %max3A_3, %get3A_42, %dot_general3A_43 {dimension_numbers = #tpu.dot_dimension_numbers<[1], [0], [0], [1], [0, 0, 1, 1], [], []>, transpose_lhs_hint = false} : vector<1x16xf32>, vector<16x128xf32>, vector<1x128xf32> -> vector<1x128xf32>
    %get3A_45 = arith.constant 0 : index
    %get3A_46 = arith.constant 0 : index
    %get3A_47 = vector.load %arg12[%get3A_45, %get3A_46] : memref<1x128xf32, #tpu.memory_space<vmem>>, vector<1x128xf32>
    %add3A_48 = arith.addf %dot_general3A_44, %get3A_47 : vector<1x128xf32>
    %get3A_49 = arith.constant 0 : index
    %get3A_50 = arith.constant 0 : index
    %get3A_51 = vector.load %arg11[%get3A_49, %get3A_50] : memref<16x128xf32, #tpu.memory_space<vmem>>, vector<16x128xf32>
    %dot_general3A_52 = arith.constant dense<0.000000e+00> : vector<1x128xf32>
    %dot_general3A_53 = tpu.matmul %max3A_3, %get3A_51, %dot_general3A_52 {dimension_numbers = #tpu.dot_dimension_numbers<[1], [0], [0], [1], [0, 0, 1, 1], [], []>, transpose_lhs_hint = false} : vector<1x16xf32>, vector<16x128xf32>, vector<1x128xf32> -> vector<1x128xf32>
    %get3A_54 = arith.constant 0 : index
    %get3A_55 = arith.constant 0 : index
    %get3A_56 = vector.load %arg13[%get3A_54, %get3A_55] : memref<1x128xf32, #tpu.memory_space<vmem>>, vector<1x128xf32>
    %add3A_57 = arith.addf %dot_general3A_53, %get3A_56 : vector<1x128xf32>
    %get3A_58 = arith.constant 0 : index
    %get3A_59 = arith.constant 0 : index
    %get3A_60 = vector.load %arg8[%get3A_58, %get3A_59] : memref<32x128xf32, #tpu.memory_space<vmem>>, vector<32x128xf32>
    %dot_general3A_61 = arith.constant dense<0.000000e+00> : vector<1600x128xf32>
    %dot_general3A_62 = tpu.matmul %max3A_39, %get3A_60, %dot_general3A_61 {dimension_numbers = #tpu.dot_dimension_numbers<[1], [0], [0], [1], [0, 0, 1, 1], [], []>, transpose_lhs_hint = false} : vector<1600x32xf32>, vector<32x128xf32>, vector<1600x128xf32> -> vector<1600x128xf32>
    %add3A_63 = vector.broadcast %add3A_48 : vector<1x128xf32> to vector<1600x128xf32>
    %add3A_64 = arith.addf %dot_general3A_62, %add3A_63 : vector<1600x128xf32>
    %swap3A = arith.constant 0 : index
    %swap3A_65 = arith.constant 0 : index
    %swap3A_66 = vector.load %arg15[%swap3A, %swap3A_65] : memref<1600x128xf32, #tpu.memory_space<vmem>>, vector<1600x128xf32>
    tpu.vector_store %arg15[%swap3A, %swap3A_65], %add3A_64 {strides = array<i32>} : memref<1600x128xf32, #tpu.memory_space<vmem>>, vector<1600x128xf32>,
    %get3A_67 = arith.constant 0 : index
    %get3A_68 = arith.constant 0 : index
    %get3A_69 = vector.load %arg9[%get3A_67, %get3A_68] : memref<32x128xf32, #tpu.memory_space<vmem>>, vector<32x128xf32>
    %dot_general3A_70 = arith.constant dense<0.000000e+00> : vector<1600x128xf32>
    %dot_general3A_71 = tpu.matmul %max3A_39, %get3A_69, %dot_general3A_70 {dimension_numbers = #tpu.dot_dimension_numbers<[1], [0], [0], [1], [0, 0, 1, 1], [], []>, transpose_lhs_hint = false} : vector<1600x32xf32>, vector<32x128xf32>, vector<1600x128xf32> -> vector<1600x128xf32>
    %add3A_72 = vector.broadcast %add3A_57 : vector<1x128xf32> to vector<1600x128xf32>
    %add3A_73 = arith.addf %dot_general3A_71, %add3A_72 : vector<1600x128xf32>
    %swap3A_74 = arith.constant 0 : index
    %swap3A_75 = arith.constant 0 : index
    %swap3A_76 = vector.load %arg16[%swap3A_74, %swap3A_75] : memref<1600x128xf32, #tpu.memory_space<vmem>>, vector<1600x128xf32>
    tpu.vector_store %arg16[%swap3A_74, %swap3A_75], %add3A_73 {strides = array<i32>} : memref<1600x128xf32, #tpu.memory_space<vmem>>, vector<1600x128xf32>,
    return
  }
  func.func @transform_0(%arg0: i32) -> (i32, i32) {
    %c0_i32 = arith.constant 0 : i32
    %c0_i32_0 = arith.constant 0 : i32
    return %arg0, %c0_i32 : i32, i32
  }
  func.func @transform_1(%arg0: i32) -> (i32, i32) {
    %c0_i32 = arith.constant 0 : i32
    %c0_i32_0 = arith.constant 0 : i32
    return %arg0, %c0_i32 : i32, i32
  }
  func.func @transform_2(%arg0: i32) -> (i32, i32) {
    %c0_i32 = arith.constant 0 : i32
    %c0_i32_0 = arith.constant 0 : i32
    %c0_i32_1 = arith.constant 0 : i32
    return %c0_i32, %c0_i32_0 : i32, i32
  }
  func.func @transform_3(%arg0: i32) -> (i32, i32) {
    %c0_i32 = arith.constant 0 : i32
    %c0_i32_0 = arith.constant 0 : i32
    %c0_i32_1 = arith.constant 0 : i32
    return %c0_i32, %c0_i32_0 : i32, i32
  }
  func.func @transform_4(%arg0: i32) -> (i32, i32) {
    %c0_i32 = arith.constant 0 : i32
    %c0_i32_0 = arith.constant 0 : i32
    %c0_i32_1 = arith.constant 0 : i32
    return %c0_i32, %c0_i32_0 : i32, i32
  }
  func.func @transform_5(%arg0: i32) -> (i32, i32) {
    %c0_i32 = arith.constant 0 : i32
    %c0_i32_0 = arith.constant 0 : i32
    %c0_i32_1 = arith.constant 0 : i32
    return %c0_i32, %c0_i32_0 : i32, i32
  }
  func.func @transform_6(%arg0: i32) -> (i32, i32) {
    %c0_i32 = arith.constant 0 : i32
    %c0_i32_0 = arith.constant 0 : i32
    %c0_i32_1 = arith.constant 0 : i32
    return %c0_i32, %c0_i32_0 : i32, i32
  }
  func.func @transform_7(%arg0: i32) -> (i32, i32) {
    %c0_i32 = arith.constant 0 : i32
    %c0_i32_0 = arith.constant 0 : i32
    %c0_i32_1 = arith.constant 0 : i32
    return %c0_i32, %c0_i32_0 : i32, i32
  }
  func.func @transform_8(%arg0: i32) -> (i32, i32) {
    %c0_i32 = arith.constant 0 : i32
    %c0_i32_0 = arith.constant 0 : i32
    %c0_i32_1 = arith.constant 0 : i32
    return %c0_i32, %c0_i32_0 : i32, i32
  }
  func.func @transform_9(%arg0: i32) -> (i32, i32) {
    %c0_i32 = arith.constant 0 : i32
    %c0_i32_0 = arith.constant 0 : i32
    %c0_i32_1 = arith.constant 0 : i32
    return %c0_i32, %c0_i32_0 : i32, i32
  }
  func.func @transform_10(%arg0: i32) -> (i32, i32) {
    %c0_i32 = arith.constant 0 : i32
    %c0_i32_0 = arith.constant 0 : i32
    %c0_i32_1 = arith.constant 0 : i32
    return %c0_i32, %c0_i32_0 : i32, i32
  }
  func.func @transform_11(%arg0: i32) -> (i32, i32) {
    %c0_i32 = arith.constant 0 : i32
    %c0_i32_0 = arith.constant 0 : i32
    %c0_i32_1 = arith.constant 0 : i32
    return %c0_i32, %c0_i32_0 : i32, i32
  }
  func.func @transform_12(%arg0: i32) -> (i32, i32) {
    %c0_i32 = arith.constant 0 : i32
    %c0_i32_0 = arith.constant 0 : i32
    %c0_i32_1 = arith.constant 0 : i32
    return %c0_i32, %c0_i32_0 : i32, i32
  }
  func.func @transform_13(%arg0: i32) -> (i32, i32) {
    %c0_i32 = arith.constant 0 : i32
    %c0_i32_0 = arith.constant 0 : i32
    %c0_i32_1 = arith.constant 0 : i32
    return %c0_i32, %c0_i32_0 : i32, i32
  }
  func.func @transform_14(%arg0: i32) -> (i32, i32) {
    %c0_i32 = arith.constant 0 : i32
    %c0_i32_0 = arith.constant 0 : i32
    return %arg0, %c0_i32 : i32, i32
  }
  func.func @transform_15(%arg0: i32) -> (i32, i32) {
    %c0_i32 = arith.constant 0 : i32
    %c0_i32_0 = arith.constant 0 : i32
    return %arg0, %c0_i32 : i32, i32
  }
}

module attributes {stable_mosaic.version = 14 : i64} {
  func.func @_update_body(%arg0: i32, %arg1: memref<1000x32xf32, #tpu.memory_space<vmem>>, %arg2: memref<1000x32xf32, #tpu.memory_space<vmem>>, %arg3: memref<1000x32xf32, #tpu.memory_space<vmem>>, %arg4: memref<1000x32xf32, #tpu.memory_space<vmem>>, %arg5: memref<1000x16xf32, #tpu.memory_space<vmem>>, %arg6: memref<1x4xf32, #tpu.memory_space<vmem>>, %arg7: memref<16x128xf32, #tpu.memory_space<vmem>>, %arg8: memref<64x128xf32, #tpu.memory_space<vmem>>, %arg9: memref<4x128xf32, #tpu.memory_space<vmem>>, %arg10: memref<1x128xf32, #tpu.memory_space<vmem>>, %arg11: memref<64x32xf32, #tpu.memory_space<vmem>>, %arg12: memref<128x32xf32, #tpu.memory_space<vmem>>, %arg13: memref<4x32xf32, #tpu.memory_space<vmem>>, %arg14: memref<1x32xf32, #tpu.memory_space<vmem>>, %arg15: memref<128x1xf32, #tpu.memory_space<vmem>>, %arg16: memref<1x1xf32, #tpu.memory_space<vmem>>, %arg17: memref<32x1xf32, #tpu.memory_space<vmem>>, %arg18: memref<1x1xf32, #tpu.memory_space<vmem>>, %arg19: memref<1000x1xf32, #tpu.memory_space<vmem>>, %arg20: memref<1x1xf32, #tpu.memory_space<vmem>>, %arg21: memref<1x64xf32, #tpu.memory_space<vmem>>, %arg22: memref<1x128xf32, #tpu.memory_space<vmem>>) attributes {dimension_semantics = [#tpu.dimension_semantics<arbitrary>], iteration_bounds = array<i64: 50>, scalar_prefetch = 0 : i64, scratch_operands = 2 : i64, tpu.core_type = #tpu.core_type<tc>, window_params = [{transform_indices = @transform_0, window_bounds = array<i64: 1000, 32>}, {transform_indices = @transform_1, window_bounds = array<i64: 1000, 32>}, {transform_indices = @transform_2, window_bounds = array<i64: 1000, 32>}, {transform_indices = @transform_3, window_bounds = array<i64: 1000, 32>}, {transform_indices = @transform_4, window_bounds = array<i64: 1000, 16>}, {pipeline_mode = #tpu.pipeline_mode<synchronous>, transform_indices = @transform_5, window_bounds = array<i64: 1, 4>}, {pipeline_mode = #tpu.pipeline_mode<synchronous>, transform_indices = @transform_6, window_bounds = array<i64: 16, 128>}, {pipeline_mode = #tpu.pipeline_mode<synchronous>, transform_indices = @transform_7, window_bounds = array<i64: 64, 128>}, {pipeline_mode = #tpu.pipeline_mode<synchronous>, transform_indices = @transform_8, window_bounds = array<i64: 4, 128>}, {pipeline_mode = #tpu.pipeline_mode<synchronous>, transform_indices = @transform_9, window_bounds = array<i64: 1, 128>}, {pipeline_mode = #tpu.pipeline_mode<synchronous>, transform_indices = @transform_10, window_bounds = array<i64: 64, 32>}, {pipeline_mode = #tpu.pipeline_mode<synchronous>, transform_indices = @transform_11, window_bounds = array<i64: 128, 32>}, {pipeline_mode = #tpu.pipeline_mode<synchronous>, transform_indices = @transform_12, window_bounds = array<i64: 4, 32>}, {pipeline_mode = #tpu.pipeline_mode<synchronous>, transform_indices = @transform_13, window_bounds = array<i64: 1, 32>}, {pipeline_mode = #tpu.pipeline_mode<synchronous>, transform_indices = @transform_14, window_bounds = array<i64: 128, 1>}, {pipeline_mode = #tpu.pipeline_mode<synchronous>, transform_indices = @transform_15, window_bounds = array<i64: 1, 1>}, {pipeline_mode = #tpu.pipeline_mode<synchronous>, transform_indices = @transform_16, window_bounds = array<i64: 32, 1>}, {pipeline_mode = #tpu.pipeline_mode<synchronous>, transform_indices = @transform_17, window_bounds = array<i64: 1, 1>}, {transform_indices = @transform_18, window_bounds = array<i64: 1000, 1>}, {pipeline_mode = #tpu.pipeline_mode<synchronous>, transform_indices = @transform_19, window_bounds = array<i64: 1, 1>}]} {
    %eq3A = arith.constant 0 : i32
    %eq3A_0 = arith.cmpi eq, %arg0, %eq3A : i32
    %convert_element_type3A = arith.extui %eq3A_0 : i1 to i32
    %cond3A = arith.constant 0 : i32
    %cond3A_1 = arith.cmpi ne, %convert_element_type3A, %cond3A : i32
    scf.if %cond3A_1 {
      %broadcast_in_dim3A_92 = arith.constant 0.000000e+00 : f32
      %broadcast_in_dim3A_93 = vector.broadcast %broadcast_in_dim3A_92 : f32 to vector<1x64xf32>
      %swap3A_94 = arith.constant 0 : index
      %swap3A_95 = arith.constant 0 : index
      %swap3A_96 = vector.load %arg21[%swap3A_94, %swap3A_95] : memref<1x64xf32, #tpu.memory_space<vmem>>, vector<1x64xf32>
      tpu.vector_store %arg21[%swap3A_94, %swap3A_95], %broadcast_in_dim3A_93 {strides = array<i32>} : memref<1x64xf32, #tpu.memory_space<vmem>>, vector<1x64xf32>,
      %broadcast_in_dim3A_97 = arith.constant 0.000000e+00 : f32
      %broadcast_in_dim3A_98 = vector.broadcast %broadcast_in_dim3A_97 : f32 to vector<1x128xf32>
      %swap3A_99 = arith.constant 0 : index
      %swap3A_100 = arith.constant 0 : index
      %swap3A_101 = vector.load %arg22[%swap3A_99, %swap3A_100] : memref<1x128xf32, #tpu.memory_space<vmem>>, vector<1x128xf32>
      tpu.vector_store %arg22[%swap3A_99, %swap3A_100], %broadcast_in_dim3A_98 {strides = array<i32>} : memref<1x128xf32, #tpu.memory_space<vmem>>, vector<1x128xf32>,
    } else {
    }
    %get3A = arith.constant 0 : index
    %get3A_2 = arith.constant 0 : index
    %get3A_3 = vector.load %arg1[%get3A, %get3A_2] : memref<1000x32xf32, #tpu.memory_space<vmem>>, vector<1000x32xf32>
    %get3A_4 = arith.constant 0 : index
    %get3A_5 = arith.constant 0 : index
    %get3A_6 = vector.load %arg2[%get3A_4, %get3A_5] : memref<1000x32xf32, #tpu.memory_space<vmem>>, vector<1000x32xf32>
    %concatenate3A = tpu.concatenate %get3A_3, %get3A_6 in 1 : vector<1000x32xf32>, vector<1000x32xf32> -> vector<1000x64xf32>
    %get3A_7 = arith.constant 0 : index
    %get3A_8 = arith.constant 0 : index
    %get3A_9 = vector.load %arg3[%get3A_7, %get3A_8] : memref<1000x32xf32, #tpu.memory_space<vmem>>, vector<1000x1xf32>
    %get3A_10 = arith.constant 0 : index
    %get3A_11 = arith.constant 0 : index
    %get3A_12 = vector.load %arg4[%get3A_10, %get3A_11] : memref<1000x32xf32, #tpu.memory_space<vmem>>, vector<1000x1xf32>
    %add3A = arith.addf %get3A_9, %get3A_12 : vector<1000x1xf32>
    %max3A = arith.constant 1.000000e+00 : f32
    %max3A_13 = vector.broadcast %max3A : f32 to vector<1000x1xf32>
    %max3A_14 = arith.maximumf %add3A, %max3A_13 : vector<1000x1xf32>
    %div3A = vector.broadcast %max3A_14 : vector<1000x1xf32> to vector<1000x64xf32>
    %div3A_15 = arith.divf %concatenate3A, %div3A : vector<1000x64xf32>
    %get3A_16 = arith.constant 0 : index
    %get3A_17 = arith.constant 0 : index
    %get3A_18 = vector.load %arg6[%get3A_16, %get3A_17] : memref<1x4xf32, #tpu.memory_space<vmem>>, vector<1x4xf32>
    %max3A_19 = arith.constant 0.000000e+00 : f32
    %max3A_20 = vector.broadcast %max3A_19 : f32 to vector<1x4xf32>
    %max3A_21 = arith.maximumf %get3A_18, %max3A_20 : vector<1x4xf32>
    %get3A_22 = arith.constant 0 : index
    %get3A_23 = arith.constant 0 : index
    %get3A_24 = vector.load %arg9[%get3A_22, %get3A_23] : memref<4x128xf32, #tpu.memory_space<vmem>>, vector<4x128xf32>
    %dot_general3A = arith.constant dense<0.000000e+00> : vector<1x128xf32>
    %dot_general3A_25 = tpu.matmul %max3A_21, %get3A_24, %dot_general3A {dimension_numbers = #tpu.dot_dimension_numbers<[1], [0], [0], [1], [0, 0, 1, 1], [], []>, transpose_lhs_hint = false} : vector<1x4xf32>, vector<4x128xf32>, vector<1x128xf32> -> vector<1x128xf32>
    %get3A_26 = arith.constant 0 : index
    %get3A_27 = arith.constant 0 : index
    %get3A_28 = vector.load %arg10[%get3A_26, %get3A_27] : memref<1x128xf32, #tpu.memory_space<vmem>>, vector<1x128xf32>
    %add3A_29 = arith.addf %dot_general3A_25, %get3A_28 : vector<1x128xf32>
    %get3A_30 = arith.constant 0 : index
    %get3A_31 = arith.constant 0 : index
    %get3A_32 = vector.load %arg5[%get3A_30, %get3A_31] : memref<1000x16xf32, #tpu.memory_space<vmem>>, vector<1000x16xf32>
    %get3A_33 = arith.constant 0 : index
    %get3A_34 = arith.constant 0 : index
    %get3A_35 = vector.load %arg7[%get3A_33, %get3A_34] : memref<16x128xf32, #tpu.memory_space<vmem>>, vector<16x128xf32>
    %dot_general3A_36 = arith.constant dense<0.000000e+00> : vector<1000x128xf32>
    %dot_general3A_37 = tpu.matmul %get3A_32, %get3A_35, %dot_general3A_36 {dimension_numbers = #tpu.dot_dimension_numbers<[1], [0], [0], [1], [0, 0, 1, 1], [], []>, transpose_lhs_hint = false} : vector<1000x16xf32>, vector<16x128xf32>, vector<1000x128xf32> -> vector<1000x128xf32>
    %get3A_38 = arith.constant 0 : index
    %get3A_39 = arith.constant 0 : index
    %get3A_40 = vector.load %arg8[%get3A_38, %get3A_39] : memref<64x128xf32, #tpu.memory_space<vmem>>, vector<64x128xf32>
    %dot_general3A_41 = arith.constant dense<0.000000e+00> : vector<1000x128xf32>
    %dot_general3A_42 = tpu.matmul %div3A_15, %get3A_40, %dot_general3A_41 {dimension_numbers = #tpu.dot_dimension_numbers<[1], [0], [0], [1], [0, 0, 1, 1], [], []>, transpose_lhs_hint = false} : vector<1000x64xf32>, vector<64x128xf32>, vector<1000x128xf32> -> vector<1000x128xf32>
    %add3A_43 = arith.addf %dot_general3A_37, %dot_general3A_42 : vector<1000x128xf32>
    %add3A_44 = vector.broadcast %add3A_29 : vector<1x128xf32> to vector<1000x128xf32>
    %add3A_45 = arith.addf %add3A_43, %add3A_44 : vector<1000x128xf32>
    %max3A_46 = arith.constant 0.000000e+00 : f32
    %max3A_47 = vector.broadcast %max3A_46 : f32 to vector<1000x128xf32>
    %max3A_48 = arith.maximumf %add3A_45, %max3A_47 : vector<1000x128xf32>
    %get3A_49 = arith.constant 0 : index
    %get3A_50 = arith.constant 0 : index
    %get3A_51 = vector.load %arg15[%get3A_49, %get3A_50] : memref<128x1xf32, #tpu.memory_space<vmem>>, vector<128x1xf32>
    %dot_general3A_52 = arith.constant dense<0.000000e+00> : vector<1000x1xf32>
    %dot_general3A_53 = tpu.matmul %max3A_48, %get3A_51, %dot_general3A_52 {dimension_numbers = #tpu.dot_dimension_numbers<[1], [0], [0], [1], [0, 0, 1, 1], [], []>, transpose_lhs_hint = false} : vector<1000x128xf32>, vector<128x1xf32>, vector<1000x1xf32> -> vector<1000x1xf32>
    %get3A_54 = arith.constant 0 : index
    %get3A_55 = arith.constant 0 : index
    %get3A_56 = vector.load %arg16[%get3A_54, %get3A_55] : memref<1x1xf32, #tpu.memory_space<vmem>>, vector<1x1xf32>
    %add3A_57 = vector.broadcast %get3A_56 : vector<1x1xf32> to vector<1000x1xf32>
    %add3A_58 = arith.addf %dot_general3A_53, %add3A_57 : vector<1000x1xf32>
    %neg3A = arith.constant 0.000000e+00 : f32
    %neg3A_59 = vector.broadcast %neg3A : f32 to vector<1000x1xf32>
    %neg3A_60 = arith.subf %neg3A_59, %add3A_58 : vector<1000x1xf32>
    %exp3A = math.exp %neg3A_60 : vector<1000x1xf32>
    %add3A_61 = arith.constant 1.000000e+00 : f32
    %add3A_62 = vector.broadcast %add3A_61 : f32 to vector<1000x1xf32>
    %add3A_63 = arith.addf %add3A_62, %exp3A : vector<1000x1xf32>
    %div3A_64 = arith.constant 1.000000e+00 : f32
    %div3A_65 = vector.broadcast %div3A_64 : f32 to vector<1000x1xf32>
    %div3A_66 = arith.divf %div3A_65, %add3A_63 : vector<1000x1xf32>
    %swap3A = arith.constant 0 : index
    %swap3A_67 = arith.constant 0 : index
    %swap3A_68 = vector.load %arg19[%swap3A, %swap3A_67] : memref<1000x1xf32, #tpu.memory_space<vmem>>, vector<1000x1xf32>
    tpu.vector_store %arg19[%swap3A, %swap3A_67], %div3A_66 {strides = array<i32>} : memref<1000x1xf32, #tpu.memory_space<vmem>>, vector<1000x1xf32>,
    %get3A_69 = arith.constant 0 : index
    %get3A_70 = arith.constant 0 : index
    %get3A_71 = vector.load %arg21[%get3A_69, %get3A_70] : memref<1x64xf32, #tpu.memory_space<vmem>>, vector<1x64xf32>
    %reduce_sum3A = arith.constant dense<0.000000e+00> : vector<64xf32>
    %reduce_sum3A_72 = vector.multi_reduction <add>, %concatenate3A, %reduce_sum3A [0] : vector<1000x64xf32> to vector<64xf32>
    %broadcast_in_dim3A = vector.shape_cast %reduce_sum3A_72 : vector<64xf32> to vector<1x64xf32>
    %add3A_73 = arith.addf %get3A_71, %broadcast_in_dim3A : vector<1x64xf32>
    %swap3A_74 = arith.constant 0 : index
    %swap3A_75 = arith.constant 0 : index
    %swap3A_76 = vector.load %arg21[%swap3A_74, %swap3A_75] : memref<1x64xf32, #tpu.memory_space<vmem>>, vector<1x64xf32>
    tpu.vector_store %arg21[%swap3A_74, %swap3A_75], %add3A_73 {strides = array<i32>} : memref<1x64xf32, #tpu.memory_space<vmem>>, vector<1x64xf32>,
    %get3A_77 = arith.constant 0 : index
    %get3A_78 = arith.constant 0 : index
    %get3A_79 = vector.load %arg22[%get3A_77, %get3A_78] : memref<1x128xf32, #tpu.memory_space<vmem>>, vector<1x128xf32>
    %reduce_sum3A_80 = arith.constant dense<0.000000e+00> : vector<128xf32>
    %reduce_sum3A_81 = vector.multi_reduction <add>, %max3A_48, %reduce_sum3A_80 [0] : vector<1000x128xf32> to vector<128xf32>
    %broadcast_in_dim3A_82 = vector.shape_cast %reduce_sum3A_81 : vector<128xf32> to vector<1x128xf32>
    %add3A_83 = arith.addf %get3A_79, %broadcast_in_dim3A_82 : vector<1x128xf32>
    %swap3A_84 = arith.constant 0 : index
    %swap3A_85 = arith.constant 0 : index
    %swap3A_86 = vector.load %arg22[%swap3A_84, %swap3A_85] : memref<1x128xf32, #tpu.memory_space<vmem>>, vector<1x128xf32>
    tpu.vector_store %arg22[%swap3A_84, %swap3A_85], %add3A_83 {strides = array<i32>} : memref<1x128xf32, #tpu.memory_space<vmem>>, vector<1x128xf32>,
    %eq3A_87 = arith.constant 49 : i32
    %eq3A_88 = arith.cmpi eq, %arg0, %eq3A_87 : i32
    %convert_element_type3A_89 = arith.extui %eq3A_88 : i1 to i32
    %cond3A_90 = arith.constant 0 : i32
    %cond3A_91 = arith.cmpi ne, %convert_element_type3A_89, %cond3A_90 : i32
    scf.if %cond3A_91 {
      %get3A_92 = arith.constant 0 : index
      %get3A_93 = arith.constant 0 : index
      %get3A_94 = vector.load %arg21[%get3A_92, %get3A_93] : memref<1x64xf32, #tpu.memory_space<vmem>>, vector<1x64xf32>
      %mul3A = arith.constant 1.250000e-06 : f32
      %mul3A_95 = vector.broadcast %mul3A : f32 to vector<1x64xf32>
      %mul3A_96 = arith.mulf %get3A_94, %mul3A_95 : vector<1x64xf32>
      %get3A_97 = arith.constant 0 : index
      %get3A_98 = arith.constant 0 : index
      %get3A_99 = vector.load %arg22[%get3A_97, %get3A_98] : memref<1x128xf32, #tpu.memory_space<vmem>>, vector<1x128xf32>
      %mul3A_100 = arith.constant 2.000000e-05 : f32
      %mul3A_101 = vector.broadcast %mul3A_100 : f32 to vector<1x128xf32>
      %mul3A_102 = arith.mulf %get3A_99, %mul3A_101 : vector<1x128xf32>
      %get3A_103 = arith.constant 0 : index
      %get3A_104 = arith.constant 0 : index
      %get3A_105 = vector.load %arg11[%get3A_103, %get3A_104] : memref<64x32xf32, #tpu.memory_space<vmem>>, vector<64x32xf32>
      %dot_general3A_106 = arith.constant dense<0.000000e+00> : vector<1x32xf32>
      %dot_general3A_107 = tpu.matmul %mul3A_96, %get3A_105, %dot_general3A_106 {dimension_numbers = #tpu.dot_dimension_numbers<[1], [0], [0], [1], [0, 0, 1, 1], [], []>, transpose_lhs_hint = false} : vector<1x64xf32>, vector<64x32xf32>, vector<1x32xf32> -> vector<1x32xf32>
      %get3A_108 = arith.constant 0 : index
      %get3A_109 = arith.constant 0 : index
      %get3A_110 = vector.load %arg12[%get3A_108, %get3A_109] : memref<128x32xf32, #tpu.memory_space<vmem>>, vector<128x32xf32>
      %dot_general3A_111 = arith.constant dense<0.000000e+00> : vector<1x32xf32>
      %dot_general3A_112 = tpu.matmul %mul3A_102, %get3A_110, %dot_general3A_111 {dimension_numbers = #tpu.dot_dimension_numbers<[1], [0], [0], [1], [0, 0, 1, 1], [], []>, transpose_lhs_hint = false} : vector<1x128xf32>, vector<128x32xf32>, vector<1x32xf32> -> vector<1x32xf32>
      %add3A_113 = arith.addf %dot_general3A_107, %dot_general3A_112 : vector<1x32xf32>
      %get3A_114 = arith.constant 0 : index
      %get3A_115 = arith.constant 0 : index
      %get3A_116 = vector.load %arg13[%get3A_114, %get3A_115] : memref<4x32xf32, #tpu.memory_space<vmem>>, vector<4x32xf32>
      %dot_general3A_117 = arith.constant dense<0.000000e+00> : vector<1x32xf32>
      %dot_general3A_118 = tpu.matmul %max3A_21, %get3A_116, %dot_general3A_117 {dimension_numbers = #tpu.dot_dimension_numbers<[1], [0], [0], [1], [0, 0, 1, 1], [], []>, transpose_lhs_hint = false} : vector<1x4xf32>, vector<4x32xf32>, vector<1x32xf32> -> vector<1x32xf32>
      %add3A_119 = arith.addf %add3A_113, %dot_general3A_118 : vector<1x32xf32>
      %get3A_120 = arith.constant 0 : index
      %get3A_121 = arith.constant 0 : index
      %get3A_122 = vector.load %arg14[%get3A_120, %get3A_121] : memref<1x32xf32, #tpu.memory_space<vmem>>, vector<1x32xf32>
      %add3A_123 = arith.addf %add3A_119, %get3A_122 : vector<1x32xf32>
      %max3A_124 = arith.constant 0.000000e+00 : f32
      %max3A_125 = vector.broadcast %max3A_124 : f32 to vector<1x32xf32>
      %max3A_126 = arith.maximumf %add3A_123, %max3A_125 : vector<1x32xf32>
      %get3A_127 = arith.constant 0 : index
      %get3A_128 = arith.constant 0 : index
      %get3A_129 = vector.load %arg17[%get3A_127, %get3A_128] : memref<32x1xf32, #tpu.memory_space<vmem>>, vector<32x1xf32>
      %dot_general3A_130 = arith.constant dense<0.000000e+00> : vector<1x1xf32>
      %dot_general3A_131 = tpu.matmul %max3A_126, %get3A_129, %dot_general3A_130 {dimension_numbers = #tpu.dot_dimension_numbers<[1], [0], [0], [1], [0, 0, 1, 1], [], []>, transpose_lhs_hint = false} : vector<1x32xf32>, vector<32x1xf32>, vector<1x1xf32> -> vector<1x1xf32>
      %get3A_132 = arith.constant 0 : index
      %get3A_133 = arith.constant 0 : index
      %get3A_134 = vector.load %arg18[%get3A_132, %get3A_133] : memref<1x1xf32, #tpu.memory_space<vmem>>, vector<1x1xf32>
      %add3A_135 = arith.addf %dot_general3A_131, %get3A_134 : vector<1x1xf32>
      %neg3A_136 = arith.constant 0.000000e+00 : f32
      %neg3A_137 = vector.broadcast %neg3A_136 : f32 to vector<1x1xf32>
      %neg3A_138 = arith.subf %neg3A_137, %add3A_135 : vector<1x1xf32>
      %exp3A_139 = math.exp %neg3A_138 : vector<1x1xf32>
      %add3A_140 = arith.constant 1.000000e+00 : f32
      %add3A_141 = vector.broadcast %add3A_140 : f32 to vector<1x1xf32>
      %add3A_142 = arith.addf %add3A_141, %exp3A_139 : vector<1x1xf32>
      %div3A_143 = arith.constant 1.000000e+00 : f32
      %div3A_144 = vector.broadcast %div3A_143 : f32 to vector<1x1xf32>
      %div3A_145 = arith.divf %div3A_144, %add3A_142 : vector<1x1xf32>
      %swap3A_146 = arith.constant 0 : index
      %swap3A_147 = arith.constant 0 : index
      %swap3A_148 = vector.load %arg20[%swap3A_146, %swap3A_147] : memref<1x1xf32, #tpu.memory_space<vmem>>, vector<1x1xf32>
      tpu.vector_store %arg20[%swap3A_146, %swap3A_147], %div3A_145 {strides = array<i32>} : memref<1x1xf32, #tpu.memory_space<vmem>>, vector<1x1xf32>,
    } else {
    }
    return
  }
  func.func @transform_0(%arg0: i32) -> (i32, i32) {
    %c0_i32 = arith.constant 0 : i32
    %c0_i32_0 = arith.constant 0 : i32
    return %arg0, %c0_i32 : i32, i32
  }
  func.func @transform_1(%arg0: i32) -> (i32, i32) {
    %c0_i32 = arith.constant 0 : i32
    %c0_i32_0 = arith.constant 0 : i32
    return %arg0, %c0_i32 : i32, i32
  }
  func.func @transform_2(%arg0: i32) -> (i32, i32) {
    %c0_i32 = arith.constant 0 : i32
    %c0_i32_0 = arith.constant 0 : i32
    return %arg0, %c0_i32 : i32, i32
  }
  func.func @transform_3(%arg0: i32) -> (i32, i32) {
    %c0_i32 = arith.constant 0 : i32
    %c0_i32_0 = arith.constant 0 : i32
    return %arg0, %c0_i32 : i32, i32
  }
  func.func @transform_4(%arg0: i32) -> (i32, i32) {
    %c0_i32 = arith.constant 0 : i32
    %c0_i32_0 = arith.constant 0 : i32
    return %arg0, %c0_i32 : i32, i32
  }
  func.func @transform_5(%arg0: i32) -> (i32, i32) {
    %c0_i32 = arith.constant 0 : i32
    %c0_i32_0 = arith.constant 0 : i32
    %c0_i32_1 = arith.constant 0 : i32
    return %c0_i32, %c0_i32_0 : i32, i32
  }
  func.func @transform_6(%arg0: i32) -> (i32, i32) {
    %c0_i32 = arith.constant 0 : i32
    %c0_i32_0 = arith.constant 0 : i32
    %c0_i32_1 = arith.constant 0 : i32
    return %c0_i32, %c0_i32_0 : i32, i32
  }
  func.func @transform_7(%arg0: i32) -> (i32, i32) {
    %c0_i32 = arith.constant 0 : i32
    %c0_i32_0 = arith.constant 0 : i32
    %c0_i32_1 = arith.constant 0 : i32
    return %c0_i32, %c0_i32_0 : i32, i32
  }
  func.func @transform_8(%arg0: i32) -> (i32, i32) {
    %c0_i32 = arith.constant 0 : i32
    %c0_i32_0 = arith.constant 0 : i32
    %c0_i32_1 = arith.constant 0 : i32
    return %c0_i32, %c0_i32_0 : i32, i32
  }
  func.func @transform_9(%arg0: i32) -> (i32, i32) {
    %c0_i32 = arith.constant 0 : i32
    %c0_i32_0 = arith.constant 0 : i32
    %c0_i32_1 = arith.constant 0 : i32
    return %c0_i32, %c0_i32_0 : i32, i32
  }
  func.func @transform_10(%arg0: i32) -> (i32, i32) {
    %c0_i32 = arith.constant 0 : i32
    %c0_i32_0 = arith.constant 0 : i32
    %c0_i32_1 = arith.constant 0 : i32
    return %c0_i32, %c0_i32_0 : i32, i32
  }
  func.func @transform_11(%arg0: i32) -> (i32, i32) {
    %c0_i32 = arith.constant 0 : i32
    %c0_i32_0 = arith.constant 0 : i32
    %c0_i32_1 = arith.constant 0 : i32
    return %c0_i32, %c0_i32_0 : i32, i32
  }
  func.func @transform_12(%arg0: i32) -> (i32, i32) {
    %c0_i32 = arith.constant 0 : i32
    %c0_i32_0 = arith.constant 0 : i32
    %c0_i32_1 = arith.constant 0 : i32
    return %c0_i32, %c0_i32_0 : i32, i32
  }
  func.func @transform_13(%arg0: i32) -> (i32, i32) {
    %c0_i32 = arith.constant 0 : i32
    %c0_i32_0 = arith.constant 0 : i32
    %c0_i32_1 = arith.constant 0 : i32
    return %c0_i32, %c0_i32_0 : i32, i32
  }
  func.func @transform_14(%arg0: i32) -> (i32, i32) {
    %c0_i32 = arith.constant 0 : i32
    %c0_i32_0 = arith.constant 0 : i32
    %c0_i32_1 = arith.constant 0 : i32
    return %c0_i32, %c0_i32_0 : i32, i32
  }
  func.func @transform_15(%arg0: i32) -> (i32, i32) {
    %c0_i32 = arith.constant 0 : i32
    %c0_i32_0 = arith.constant 0 : i32
    %c0_i32_1 = arith.constant 0 : i32
    return %c0_i32, %c0_i32_0 : i32, i32
  }
  func.func @transform_16(%arg0: i32) -> (i32, i32) {
    %c0_i32 = arith.constant 0 : i32
    %c0_i32_0 = arith.constant 0 : i32
    %c0_i32_1 = arith.constant 0 : i32
    return %c0_i32, %c0_i32_0 : i32, i32
  }
  func.func @transform_17(%arg0: i32) -> (i32, i32) {
    %c0_i32 = arith.constant 0 : i32
    %c0_i32_0 = arith.constant 0 : i32
    %c0_i32_1 = arith.constant 0 : i32
    return %c0_i32, %c0_i32_0 : i32, i32
  }
  func.func @transform_18(%arg0: i32) -> (i32, i32) {
    %c0_i32 = arith.constant 0 : i32
    %c0_i32_0 = arith.constant 0 : i32
    return %arg0, %c0_i32 : i32, i32
  }
  func.func @transform_19(%arg0: i32) -> (i32, i32) {
    %c0_i32 = arith.constant 0 : i32
    %c0_i32_0 = arith.constant 0 : i32
    %c0_i32_1 = arith.constant 0 : i32
    return %c0_i32, %c0_i32_0 : i32, i32
  }
}

</mosaic_0001>

<sc_bundles>
// kernel: kernel.6.cloned.1.call-start
scs
__scs_entry_jumppad:
0x0: {  	(pc) =	sbr.rel $0x88, $3  }
0x1: {  	(tag) =	ssettag $0x0;
	lr =	simm.s32 $0x1  }
0x2: {  	[smem:$0x3F84] =	sst lr;
	_ =	strace $0xD0000000  }
0x3: {  	_ = 	snop  }
0x4: {  	_ = 	snop  }
0x5: {  	_ = 	snop  }
0x6: {  	_ = 	snop  }
0x7: {  	_ = 	snop  }
__scs_overlays_trampoline_lowered:
0x8: {  	[smem:$0x3F93] =	sst s0  }
0x9: {  	[smem:$0x3F94] =	sst s1  }
0xa: {  	[smem:$0x3F95] =	sst s2  }
0xb: {  	[smem:$0x3F96] =	sst s3  }
0xc: {  	[smem:$0x3F97] =	sst s4  }
0xd: {  	[smem:$0x3F98] =	sst s5  }
0xe: {  	[smem:$0x3F99] =	sst s6  }
0xf: {  	[smem:$0x3F9A] =	sst s7  }
0x10: {  	[smem:$0x3F9B] =	sst s8  }
0x11: {  	[smem:$0x3F9C] =	sst s9;
	s0 =	simm.s32 @!p0 $0x0  }
0x12: {  	s1 =	sld [smem:$0x3F82];
	s0 =	simm.s32 @p0 $0x1  }
0x13: {  	[smem:$0x3F9D] =	sst s0;
	s0 =	simm.s32 @!p1 $0x0  }
0x14: {  	s2 =	sld [smem:$0x3F81];
	s0 =	simm.s32 @p1 $0x1  }
0x15: {  	[smem:$0x3F9E] =	sst s0;
	s0 =	simm.s32 @!p2 $0x0  }
0x16: {  	s3 =	sld [smem:$0x3FDB];
	s0 =	simm.s32 @p2 $0x1  }
0x17: {  	s4 =	simm.s32 $0x1BF5;
	[smem:$0x3FA0] =	sst s0  }
0x18: {  	s0 =	sld [smem:$0x3F83];
	_ =	swait.ge [sflag:s4], $0x0  }
0x19: {  	s7 =	sld [smem:$0x3F84]  }
0x1a: {  	s8 =	sadd.s32 $0xFFFFE003, lr  }
0x1b: {  	s9 =	sadd.s32 $0xFFFFFEF7, lr;
	s5 =	simm.s32 $0xFFFFFFFF;
	p2 =	slt.u32 s8, $0xFFFFF086  }
0x1c: {  	p1 =	slt.u32 s9, $0xF7A;
	s5 =	simm.s32 @!p2 $0x0  }
0x1d: {  	s5 =	simm.s32 @p1 $0x1;
	p0 =	seq.s32 s7, s2  }
0x1e: {  	s7 =	smul.u32 @!p0 $0xF7A, s2;
	p2 =	seq.s32 @!p0 s5, $0x0  }
0x1f: {  	s9 =	smul.u32 $0xF7A, s1;
	s8 =	simm.s32 @!p0 $0x1BF5;
	p2 =	por !p2, p0  }
0x20: {  	[sflag:s8] =	ssyncset.s32 @!p0 $0xFFFFF086;
	s6 =	sadd.s32 @!p0 s3, s7;
	s7 =	simm.s32 @!p0 $0x108  }
0x21: {  	s3 =	sadd.s32 s3, s9;
	s6 =	sadd.s32 @!p0 $0x88, s6;
	s7 =	simm.s32 @p2 $0x1082  }
0x22: {  	[simem:s7], [sflag:s8] =	dma.local @!p0 [hbm:s6], $0xF7A  }
0x23: {  	s9 =	sor.u32 $0xD0000000, s2;
	s6 =	simm.s32 $0x108;
	_ =	swait.ge @!p0 [sflag:s8], $0x0  }
0x24: {  	s3 =	sadd.s32 $0x88, s3;
	s6 =	simm.s32 @!p1 $0x1082;
	[sflag:s4] =	ssyncset.s32 $0xFFFFF086  }
0x25: {  	[simem:s6], [sflag:s4] =	dma.local [hbm:s3], $0xF7A  }
0x26: {  	[smem:$0x3F84] =	sst s1;
	(tag) =	ssettag s2;
	_ =	strace s9  }
0x27: {  	s1 =	sld [smem:$0x3F94]  }
0x28: {  	s2 =	sld [smem:$0x3F95]  }
0x29: {  	s4 =	sld [smem:$0x3F97]  }
0x2a: {  	p0 =	seq.s32 s5, $0x0;
	s5 =	sld [smem:$0x3F98]  }
0x2b: {  	s6 =	sld [smem:$0x3F99]  }
0x2c: {  	s7 =	sld [smem:$0x3F9A]  }
0x2d: {  	s3 =	simm.s32 $0x108;
	s8 =	sld [smem:$0x3F9B]  }
0x2e: {  	s3 =	simm.s32 @!p0 $0x1082;
	s9 =	sld [smem:$0x3F9C]  }
0x2f: {  	lr =	sadd.s32 s0, s3;
	s0 =	sld [smem:$0x3F93]  }
0x30: {  	s3 =	sld [smem:$0x3F96]  }
0x31: {  	[smem:$0x3F9F] =	sst s10  }
0x32: {  	s10 =	sld [smem:$0x3F9D];
	_ =	sdelay $0x3  }
0x33: {  	p0 =	seq.s32 s10, $0x1;
	s10 =	sld [smem:$0x3F9F];
	_ =	sdelay $0x3  }
0x34: {  	[smem:$0x3F9F] =	sst s10  }
0x35: {  	s10 =	sld [smem:$0x3F9E];
	_ =	sdelay $0x3  }
0x36: {  	p1 =	seq.s32 s10, $0x1;
	s10 =	sld [smem:$0x3F9F];
	_ =	sdelay $0x3  }
0x37: {  	[smem:$0x3F9F] =	sst s10  }
0x38: {  	s10 =	sld [smem:$0x3FA0]  }
0x39: {  	_ = 	snop;
	(pc) =	sbr.ind lr, $3  }
0x3a: {  	_ = 	snop  }
0x3b: {  	_ = 	snop  }
0x3c: {  	p2 =	seq.s32 s10, $0x1;
	s10 =	sld [smem:$0x3F9F]  }
0x3d: {  	_ =	shalt  }
0x3e: {  	_ =	shalt  }
0x3f: {  	_ =	shalt  }
0x40: {  	_ =	shalt  }
0x41: {  	_ =	shalt  }
0x42: {  	_ =	shalt  }
0x43: {  	_ =	shalt  }
0x44: {  	_ =	shalt  }
0x45: {  	_ =	shalt  }
0x46: {  	_ =	shalt  }
0x47: {  	_ =	shalt  }
0x48: {  	_ =	shalt  }
0x49: {  	_ =	shalt  }
0x4a: {  	_ =	shalt  }
0x4b: {  	_ =	shalt  }
0x4c: {  	_ =	shalt  }
0x4d: {  	_ =	shalt  }
0x4e: {  	_ =	shalt  }
0x4f: {  	_ =	shalt  }
0x50: {  	_ =	shalt  }
0x51: {  	_ =	shalt  }
0x52: {  	_ =	shalt  }
0x53: {  	_ =	shalt  }
0x54: {  	_ =	shalt  }
0x55: {  	_ =	shalt  }
0x56: {  	_ =	shalt  }
0x57: {  	_ =	shalt  }
0x58: {  	_ =	shalt  }
0x59: {  	_ =	shalt  }
0x5a: {  	_ =	shalt  }
0x5b: {  	_ =	shalt  }
0x5c: {  	_ =	shalt  }
0x5d: {  	_ =	shalt  }
0x5e: {  	_ =	shalt  }
0x5f: {  	_ =	shalt  }
0x60: {  	_ =	shalt  }
0x61: {  	_ =	shalt  }
0x62: {  	_ =	shalt  }
0x63: {  	_ =	shalt  }
0x64: {  	_ =	shalt  }
0x65: {  	_ =	shalt  }
0x66: {  	_ =	shalt  }
0x67: {  	_ =	shalt  }
0x68: {  	_ =	shalt  }
0x69: {  	_ =	shalt  }
0x6a: {  	_ =	shalt  }
0x6b: {  	_ =	shalt  }
0x6c: {  	_ =	shalt  }
0x6d: {  	_ =	shalt  }
0x6e: {  	_ =	shalt  }
0x6f: {  	_ =	shalt  }
0x70: {  	_ =	shalt  }
0x71: {  	_ =	shalt  }
0x72: {  	_ =	shalt  }
0x73: {  	_ =	shalt  }
0x74: {  	_ =	shalt  }
0x75: {  	_ =	shalt  }
0x76: {  	_ =	shalt  }
0x77: {  	_ =	shalt  }
0x78: {  	_ =	shalt  }
0x79: {  	_ =	shalt  }
0x7a: {  	_ =	shalt  }
0x7b: {  	_ =	shalt  }
0x7c: {  	_ =	shalt  }
0x7d: {  	_ =	shalt  }
0x7e: {  	_ =	shalt  }
0x7f: {  	_ =	shalt  }
0x80: {  	_ =	shalt  }
0x81: {  	_ =	shalt  }
0x82: {  	_ =	shalt  }
0x83: {  	_ =	shalt  }
0x84: {  	_ =	shalt  }
0x85: {  	_ =	shalt  }
0x86: {  	_ =	shalt  }
0x87: {  	_ =	shalt  }
.Lfunc_end0:
.L_simem_size_0:
called_computation_lowered:
.L_overlay_start_0:
0x88: {  	s2 =	sld [smem:$0x3FD9]  }
0x89: {  	s3 =	sld [smem:$0x3FFE];
	_ =	sdelay $0x1  }
0x8a: {  	s1 =	srdreg.scid  }
0x8b: {  	s0 =	sand.u32 $0x1, s1  }
0x8c: {  	s14 =	sshll.u32 s0, $0xA;
	s2 =	sadd.s32 s3, s2  }
0x8d: {  	s2 =	sadd.s32 s2, s14  }
0x8e: {  	[smem:$0x3FAB] =	sst s2  }
0x8f: {  	_ = 	snop  }
0x90: {  	s2 =	sld [smem:$0x3FD0];
	_ =	sdelay $0x1  }
0x91: {  	s15 =	sld [smem:$0x3FC7]  }
0x92: {  	s5 =	simm.s32 $0xA;
	s6 =	simm.s32 $0x10;
	s4 =	sld [smem:$0x3FC6]  }
0x93: {  	[smem:s6], [sflag:s5] =	dma.local [hbm:s2], $0x1  }
0x94: {  	_ =	swait.eq [sflag:s5], $0x1  }
0x95: {  	[sflag:s5] =	ssyncset.done $0x0  }
0x96: {  	[sflag:s5] =	ssyncadd.s32 $0xFFFFFFFF  }
0x97: {  	s16 =	sld [smem:$0x10];
	(tm) =	ssettm $0x1  }
0x98: {  	s17 =	sld [smem:$0x3FFB];
	_ =	sdelay $0x3  }
0x99: {  	_ =	strace s17  }
0x9a: {  	s5 =	sld [smem:$0x3FFC];
	_ =	sdelay $0x3  }
0x9b: {  	_ =	strace s5  }
0x9c: {  	s5 =	sld [smem:$0x3FFD];
	_ =	sdelay $0x3  }
0x9d: {  	_ =	strace s5  }
0x9e: {  	_ =	strace $0x8FFFFFFF  }
0x9f: {  	s18 =	sld [smem:$0x3FDB];
	_ =	sdelay $0x1  }
0xa0: {  	s19 =	simm.s32 $_scs_section_size  }
0xa1: {  	s7 =	simm.s32 $_size__tile_overlayer_lowered;
	s8 =	simm.s32 $_tile_overlayer_lowered  }
0xa2: {  	s22 =	simm.s32 $0x1BFF;
	s21 =	sshll.u32 s8, $0x1;
	s5 =	sadd.s32 s19, s18  }
0xa3: {  	s9 =	simm.s32 $0x0;
	s20 =	sshll.u32 s7, $0x1;
	s7 =	sadd.s32 s21, s5  }
0xa4: {  	[timem:s9], [sflag:s22] =	dma.local [hbm:s7], s20  }
0xa5: {  	_ =	swait.ge [sflag:s22], s20  }
0xa6: {  	s6 =	ssub.s32 $0x0, s20;
	[sflag:s22] =	ssyncset.done $0x0  }
0xa7: {  	[sflag:s22] =	ssyncadd.s32 s6;
	_ =	sdelay $0x1  }
0xa8: {  	s23 =	simm.s32 $0x1B8B  }
0xa9: {  	_ =	swait.ge [sflag:s23], $0x1  }
0xaa: {  	[sflag:s23] =	ssyncset.done $0x0  }
0xab: {  	s25 =	simm.s32 $0x1B8E;
	s24 =	sld [smem:$0x3FFE];
	[sflag:s23] =	ssyncadd.s32 $0xFFFFFFFF  }
0xac: {  	s26 =	simm.s32 $execute0_lowered;
	[smem:$0x3FD2] =	sst s25  }
0xad: {  	s7 =	sshll.u32 s26, $0x1;
	_ =	strace $0x80000046;
	[dreg:$0x1] =	wrdreg $0xFFFFFFFF  }
0xae: {  	s28 =	simm.s32 $_size_execute0_lowered;
	s5 =	sadd.s32 s5, s7;
	[dreg:$0x0] =	wrdreg $0x0  }
0xaf: {  	s7 =	sshll.u32 s28, $0x1;
	[dreg:$0x2] =	wrdreg s5  }
0xb0: {  	[dreg:$0x3] =	wrdreg s7  }
0xb1: {  	[dreg:$0x4] =	wrdreg $0xC0  }
0xb2: {  	_ =	task [dreg:s9], $0x5FFFF  }
0xb3: {  	[dreg:$0x1] =	wrdreg $0xFFFFFFFF  }
0xb4: {  	[dreg:$0x0] =	wrdreg $0x60  }
0xb5: {  	[dreg:$0x2] =	wrdreg s24  }
0xb6: {  	[dreg:$0x3] =	wrdreg s15  }
0xb7: {  	[dreg:$0x4] =	wrdreg s4  }
0xb8: {  	[dreg:$0x5] =	wrdreg s16  }
0xb9: {  	[dreg:$0x6] =	wrdreg $0x73000  }
0xba: {  	[dreg:$0x7] =	wrdreg $0x9  }
0xbb: {  	_ =	task.clear_ibuf [dreg:s9], $0x8FFFF;
	_ =	strace $0x90000046  }
0xbc: {  	s29 =	simm.s32 $0x9;
	_ =	strace $0x80000048  }
0xbd: {  	_ =	swait.ge [sflag:s29], $0x1  }
0xbe: {  	[sflag:s29] =	ssyncadd.s32 $0xFFFFFFFF  }
0xbf: {  	_ =	strace $0x90000048  }
0xc0: {  	_ =	sfence  }
0xc1: {  	s30 =	sld [smem:$0x0];
	_ =	sdelay $0x2  }
0xc2: {  	s31 =	sshll.u32 s1, $0xD;
	s1 =	sshrl.u32 s1, $0x2  }
0xc3: {  	s3 =	sand.u32 $0x4000, s31;
	s1 =	sadd.s32 s1, s30  }
0xc4: {  	s0 =	sor.u32 s3, s0;
	s1 =	sshll.u32 s1, $0x11  }
0xc5: {  	s0 =	sor.u32 s1, s0  }
0xc6: {  	s0 =	sadd.s32 $0x8F2B, s0  }
0xc7: {  	[sflag:s0] =	ssyncadd.remote.s32 $0x1  }
0xc8: {  	_ =	sfence.sel $0xFFFF  }
0xc9: {  	[dreg:$0x0] =	wrdreg $0xFFFFFFFF;
	(pc) =	sbr.abs _section_cstart, $3  }
0xca: {  	[dreg:$0x1] =	wrdreg $0xFFFFFFFF  }
0xcb: {  	_ =	task.clear_ibuf [dreg:s9], $0x2FFFF;
	_ =	strace $0x9FFFFFFF  }
0xcc: {  	(tm) =	ssettm $0x7FFFFFFF  }
0xcd: {  	_ =	shalt  }
tec
execute0_lowered:
.L_overlay_start_1:
0x0: {  	(tag) =	ssettag $0x1  }
0x1: {  	s0 =	rddreg [dreg:$0x0]  }
0x2: {  	s1 =	rddreg [dreg:$0x1]  }
0x3: {  	s2 =	rddreg [dreg:$0x2]  }
0x4: {  	s4 =	rddreg [dreg:$0x4];
	s3 =	simm.s32 $0x0;
	s14 =	stileid.u32  }
0x5: {  	s5 =	srdreg.scid;
	s7 =	sadd.s32 $0x92D800, s0;
	s16 =	smul.u32 $0x18700, s14  }
0x6: {  	s29 =	simm.s32 $0x100;
	s8 =	sadd.s32 $0xC3AC00, s0;
	s11 =	smul.u32 $0x187, s14  }
0x7: {  	s30 =	simm.s32 $0x3;
	s9 =	sadd.s32 $0x650A00, s0;
	s13 =	smul.u32 $0x1870, s14  }
0x8: {  	[smem:$0x7FF] =	sst s3;
	s10 =	sadd.s32 $0x61FC00, s0;
	s18 =	smul.u32 $0x30E00, s14  }
0x9: {  	s5 =	sand.u32 $0x1, s5;
	s24 =	smul.u32 $0xC40, s14;
	p1 =	seq.s32 s14, $0xF  }
0xa: {  	_ =	strace $0x80000047;
	s12 =	ssub.s32 $0x2, s5;
	s3 =	sadd.s32 s16, s4  }
0xb: {  	p0 =	seq.s32 s5, $0x1;
	s19 =	sadd.s32 s1, s13;
	[dreg:$0x6] =	wrdreg s3  }
0xc: {  	s6 =	sshrl.u32 s16, $0x3;
	s20 =	sadd.s32 s2, s13;
	[dreg:$0x7] =	wrdreg s19  }
0xd: {  	s17 =	sshrl.u32 s12, $0x1;
	s21 =	sadd.s32 s7, s18;
	[dreg:$0x8] =	wrdreg s20  }
0xe: {  	s16 =	sadd.s32 $0x1, s11;
	s26 =	sadd.s32 s8, s18;
	[dreg:$0x9] =	wrdreg s21  }
0xf: {  	s13 =	sadd.s32 s2, s24;
	s5 =	ssub.s32 $0x186A, s11;
	[dreg:$0xe] =	wrdreg s26  }
0x10: {  	s22 =	sshll.u32 s16, $0x4;
	s24 =	sadd.s32 $0xC360, s13;
	[dreg:$0xd] =	wrdreg s13  }
0x11: {  	s0 =	sadd.s32 s6, s0;
	s15 =	sadd.s32 s1, s22;
	[dreg:$0x19] =	wrdreg s24  }
0x12: {  	s23 =	sshll.u32 s16, $0x9;
	s3 =	sadd.s32 s2, s22;
	[dreg:$0xa] =	wrdreg s15  }
0x13: {  	s6 =	ssub.s32 s12, s17;
	s25 =	sadd.s32 s7, s23;
	[dreg:$0xb] =	wrdreg s3  }
0x14: {  	s17 =	smul.u32 $0xC4, s14;
	s18 =	sadd.s32 $0x745000, s0;
	[dreg:$0xc] =	wrdreg s25  }
0x15: {  	s21 =	sshll.u32 s14, $0x6;
	s19 =	sadd.s32 $0x6E3400, s0;
	[dreg:$0x12] =	wrdreg s18  }
0x16: {  	s12 =	simm.s32 $0x5300;
	s20 =	sadd.s32 $0x714200, s0;
	[dreg:$0x13] =	wrdreg s19  }
0x17: {  	s26 =	sadd.s32 $0x681800, s0;
	s0 =	sadd.s32 $0x6B2600, s0;
	[dreg:$0x14] =	wrdreg s20  }
0x18: {  	s14 =	simm.s32 $0x0;
	s22 =	smax.u32 s6, $0x1;
	[dreg:$0x15] =	wrdreg s0  }
0x19: {  	s28 =	sor.u32 $0x1C07, s21;
	s21 =	simm.s32 $0x4300;
	[dreg:$0x16] =	wrdreg s22  }
0x1a: {  	s6 =	simm.s32 $0x4;
	s31 =	sshll.u32 s17, $0x4;
	[dreg:$0x10] =	wrdreg s26  }
0x1b: {  	s15 =	sadd.s32 s8, s23;
	s23 =	sadd.s32 $0x10, s13;
	[dreg:$0x17] =	wrdreg s28  }
.Ltmp0:
0x1c: {  	s25 =	sadd.s32 $0x30, s13;
	[dreg:$0xf] =	wrdreg s15;
	(pc) =	sbr.rel .LBB2_1-.Ltmp0, $4  }
0x1d: {  	s20 =	simm.s32 $0x80;
	s22 =	simm.s32 $0x180;
	[dreg:$0x18] =	wrdreg s23  }
0x1e: {  	s3 =	sadd.s32 s2, s31;
	[dreg:$0x1a] =	wrdreg s25;
	s31 =	sadd.s32 $0xC380, s13  }
0x1f: {  	s15 =	sadd.s32 $0x5, s11;
	s3 =	sadd.s32 $0xC350, s3;
	[dreg:$0x1b] =	wrdreg s31  }
0x20: {  	s13 =	simm.s32 $0x7;
	[dreg:$0x11] =	wrdreg s3;
	s3 =	sadd.s32 $0x4, s11  }
.LBB2_44:
0x21: {  	s14 =	simm.s32 $0x1  }
0x22: {  	_ =	swait.ge [sflag:s14], $0x80  }
0x23: {  	[sflag:s14] =	ssyncset.done $0x0  }
0x24: {  	s28 =	simm.s32 $0x6300;
	s18 =	simm.s32 $0x100;
	[sflag:s14] =	ssyncadd.s32 $0xFFFFFF80  }
0x25: {  	[spmem:s4] =	stream.indirect.scatter.add.f32 [tilespmem:s28], [sflag:$0x7], $0x20, s18, s20, $0xb8;
	[tilespmem:$0x1FA00] =	vst v63  }
0x26: {  	_ =	swait.ge [sflag:s13], $0x1000  }
0x27: {  	[sflag:s13] =	ssyncset.done $0x0  }
0x28: {  	s31 =	simm.s32 $0x2;
	[sflag:s13] =	ssyncadd.s32 $0xFFFFF000  }
0x29: {  	_ =	swait.ge [sflag:s31], $0x80  }
0x2a: {  	[sflag:s31] =	ssyncset.done $0x0  }
0x2b: {  	[sflag:s31] =	ssyncadd.s32 $0xFFFFFF80  }
0x2c: {  	[spmem:s4] =	stream.indirect.scatter.add.f32 [tilespmem:s28], [sflag:$0x7], $0x20, s22, s20, $0xb8;
	[tilespmem:$0x1FA00] =	vst v63  }
0x2d: {  	_ =	swait.ge [sflag:s13], $0x1000  }
0x2e: {  	[sflag:s13] =	ssyncset.done $0x0  }
0x2f: {  	[sflag:s13] =	ssyncadd.s32 $0xFFFFF000  }
.LBB2_45:
0x30: {  	[bflag:$0x0] =	sbarrier.arrive $0xFFFF  }
0x31: {  	s28 =	rddreg [dreg:$0x17]  }
0x32: {  	s14 =	rddreg [dreg:$0x1d]  }
0x33: {  	[hbm:s0], [sflag:s28] =	dma.local [spmem:s14], $0x30E0  }
0x34: {  	_ =	swait.ge [sflag:s13], $0x30E0  }
0x35: {  	s14 =	sadd.s32 $0x1, s29;
	s31 =	rddreg [dreg:$0x16]  }
0x36: {  	p2 =	sne.s32 s14, s31  }
.Ltmp1:
0x37: {  	_ = 	snop;
	(pc) =	sbr.rel @!p2 .LBB2_46-.Ltmp1, $3  }
0x38: {  	_ =	sdelay $0x1  }
0x39: {  	[sflag:s13] =	ssyncset.done $0x0  }
0x3a: {  	s29 =	simm.s32 $0x100;
	s26 =	rddreg [dreg:$0x10];
	[sflag:s13] =	ssyncadd.s32 $0xFFFFCF20  }
.LBB2_1:
0x3b: {  	s0 =	rddreg [dreg:$0x6]  }
0x3c: {  	s0 =	sshrl.u32 s0, $0x3  }
0x3d: {  	[dreg:$0x1d] =	wrdreg s0  }
0x3e: {  	[spmem:s0], [sflag:s28] =	dma.local [hbm:s26], $0x30E0  }
0x3f: {  	_ =	swait.ge [sflag:s13], $0x30E0  }
0x40: {  	[sflag:s13] =	ssyncset.done $0x0  }
0x41: {  	[sflag:s13] =	ssyncadd.s32 $0xFFFFCF20  }
.Ltmp2:
0x42: {  	[bflag:$0x0] =	sbarrier.arrive $0xFFFF;
	(pc) =	sbr.rel @!p0 .LBB2_2-.Ltmp2, $4  }
0x43: {  	s24 =	simm.s32 $0x0;
	s25 =	rddreg [dreg:$0x7]  }
0x44: {  	[tilespmem:s24], [sflag:$0x1] =	stream.linear.gather [hbm4b:s25+s24], $0x80, $0x38;
	[tilespmem:$0x1FA00] =	vst v63  }
0x45: {  	s31 =	rddreg [dreg:$0x8]  }
0x46: {  	[tilespmem:s29], [sflag:$0x1] =	stream.linear.gather [hbm4b:s31+s24], $0x80, $0x38;
	[tilespmem:$0x1FA00] =	vst v63  }
0x47: {  	[dreg:$0x1c] =	wrdreg s14  }
0x48: {  	s31 =	simm.s32 $0x0;
	s0 =	rddreg [dreg:$0xe];
	s13 =	simm.s32 $0x300  }
0x49: {  	[tilespmem:s13], [sflag:$0x1] =	stream.linear.gather [hbm4b:s0+s31], $0x1000, $0x38;
	[tilespmem:$0x1FA00] =	vst v63  }
0x4a: {  	s14 =	rddreg [dreg:$0xa]  }
0x4b: {  	[tilespmem:s20], [sflag:$0x2] =	stream.linear.gather [hbm4b:s14+s31], $0x80, $0x38;
	[tilespmem:$0x1FA00] =	vst v63  }
0x4c: {  	s18 =	rddreg [dreg:$0xb]  }
0x4d: {  	[tilespmem:s22], [sflag:$0x2] =	stream.linear.gather [hbm4b:s18+s31], $0x80, $0x38;
	[tilespmem:$0x1FA00] =	vst v63  }
0x4e: {  	s19 =	rddreg [dreg:$0xf];
	s23 =	simm.s32 $0x1300;
	s24 =	simm.s32 $0x1  }
0x4f: {  	[tilespmem:s23], [sflag:$0x2] =	stream.linear.gather [hbm4b:s19+s31], $0x1000, $0x38;
	[tilespmem:$0x1FA00] =	vst v63  }
0x50: {  	_ =	swait.ge [sflag:s24], $0x80  }
0x51: {  	[sflag:s24] =	ssyncset.done $0x0  }
0x52: {  	[sflag:s24] =	ssyncadd.s32 $0xFFFFFF80  }
0x53: {  	_ =	swait.ge [sflag:s24], $0x80  }
0x54: {  	[sflag:s24] =	ssyncset.done $0x0  }
.Ltmp3:
0x55: {  	[sflag:s24] =	ssyncadd.s32 $0xFFFFFF80;
	(pc) =	sbr.rel .LBB2_24-.Ltmp3, $4  }
0x56: {  	_ =	swait.ge [sflag:s24], $0x1000  }
0x57: {  	[sflag:s24] =	ssyncset.done $0x0  }
0x58: {  	s25 =	simm.s32 $0x2300;
	[sflag:s24] =	ssyncadd.s32 $0xFFFFF000  }
0x59: {  	[tilespmem:s25], [sflag:$0x3] =	stream.indirect.gather [hbm4b:s10+s20], $0x20, s31, s20, $0xb8;
	[tilespmem:$0x1FA00] =	vst v63  }
.LBB2_40:
0x5a: {  	s0 =	sadd.s32 s23, s15  }
0x5b: {  	p2 =	sgt.u32 @!p3 s0, $0x1869  }
0x5c: {  	p2 =	por p2, p3  }
0x5d: {  	s13 =	sshll.u32 @!p2 s0, $0x4  }
0x5e: {  	s18 =	simm.s32 @!p2 $0x0;
	s19 =	simm.s32 @!p2 $0x80;
	s14 =	sadd.s32 @!p2 s1, s13  }
0x5f: {  	[tilespmem:s19], [sflag:$0x2] =	stream.linear.gather @!p2 [hbm4b:s14+s18], $0x80, $0x38;
	[tilespmem:$0x1FA00] =	vst v63  }
0x60: {  	s0 =	sshll.u32 @!p2 s0, $0x9;
	s13 =	sadd.s32 @!p2 s2, s13;
	s14 =	simm.s32 @!p2 $0x180  }
0x61: {  	[tilespmem:s14], [sflag:$0x2] =	stream.linear.gather @!p2 [hbm4b:s13+s18], $0x80, $0x38;
	[tilespmem:$0x1FA00] =	vst v63  }
0x62: {  	s31 =	sadd.s32 $0x1, s31;
	s0 =	sadd.s32 @!p2 s8, s0;
	s13 =	simm.s32 @!p2 $0x1300  }
0x63: {  	[tilespmem:s13], [sflag:$0x2] =	stream.linear.gather @!p2 [hbm4b:s0+s18], $0x1000, $0x38;
	[tilespmem:$0x1FA00] =	vst v63  }
0x64: {  	p2 =	sne.s32 s31, $0x62  }
.Ltmp4:
0x65: {  	_ = 	snop;
	(pc) =	sbr.rel @!p2 .LBB2_41-.Ltmp4, $1  }
0x66: {  	_ =	sdelay $0x3  }
.LBB2_24:
0x67: {  	s23 =	sshll.u32 s31, $0x2  }
0x68: {  	s0 =	sadd.s32 s23, s16  }
0x69: {  	p2 =	sgt.u32 s0, $0x1869  }
0x6a: {  	s0 =	simm.s32 @!p2 $0x2  }
0x6b: {  	_ =	swait.ge @!p2 [sflag:s0], $0x80  }
0x6c: {  	[sflag:s0] =	ssyncset.done @!p2 $0x0  }
0x6d: {  	[sflag:s0] =	ssyncadd.s32 @!p2 $0xFFFFFF80  }
0x6e: {  	_ =	swait.ge @!p2 [sflag:s0], $0x80  }
0x6f: {  	[sflag:s0] =	ssyncset.done @!p2 $0x0  }
0x70: {  	[sflag:s0] =	ssyncadd.s32 @!p2 $0xFFFFFF80  }
0x71: {  	_ =	swait.ge @!p2 [sflag:s0], $0x1000  }
0x72: {  	[sflag:s0] =	ssyncset.done @!p2 $0x0  }
0x73: {  	s13 =	simm.s32 @!p2 $0x3300;
	[sflag:s0] =	ssyncadd.s32 @!p2 $0xFFFFF000;
	s0 =	simm.s32 @!p2 $0x80  }
0x74: {  	[tilespmem:s13], [sflag:$0x4] =	stream.indirect.gather @!p2 [hbm4b:s10+s0], $0x20, s0, s0, $0xb8;
	[tilespmem:$0x1FA00] =	vst v63  }
0x75: {  	s0 =	sadd.s32 $0xFFFFFFFE, s23  }
0x76: {  	p3 =	sgt.u32 s0, $0x186  }
0x77: {  	s25 =	sadd.s32 s11, s23;
	p4 =	sge.s32 @!p3 s0, s5  }
0x78: {  	p4 =	por p4, p3;
	p3 =	sgt.u32 s25, $0x1869  }
.Ltmp5:
0x79: {  	_ = 	snop;
	(pc) =	sbr.rel @p3 .LBB2_28-.Ltmp5, $4  }
0x7a: {  	s0 =	simm.s32 @!p4 $0x5  }
0x7b: {  	_ =	swait.ge @!p4 [sflag:s0], $0x1000  }
0x7c: {  	[sflag:s0] =	ssyncset.done @!p4 $0x0  }
0x7d: {  	[sflag:s0] =	ssyncadd.s32 @!p4 $0xFFFFF000  }
0x7e: {  	_ =	swait.ge [sflag:s30], $0x1000  }
0x7f: {  	[sflag:s30] =	ssyncset.done $0x0  }
0x80: {  	s25 =	simm.s32 $0x0;
	[sflag:s30] =	ssyncadd.s32 $0xFFFFF000  }
0x81: {  	v0 =	vld [tilespmem:s25+$0x370]  }
0x82: {  	v1 =	vld [tilespmem:s25+$0x2370]  }
0x83: {  	v2 =	vld [tilespmem:s25+$0x300]  }
0x84: {  	v3 =	vld [tilespmem:s25+$0x2300]  }
0x85: {  	v4 =	vld [tilespmem:s25+$0x310]  }
0x86: {  	v5 =	vld [tilespmem:s25+$0x2310]  }
0x87: {  	v6 =	vld [tilespmem:s25+$0x320]  }
0x88: {  	v0 =	vadd.f32 v1, v0;
	v1 =	vld [tilespmem:s25+$0x2320]  }
0x89: {  	v7 =	vld [tilespmem:s25+$0x330]  }
0x8a: {  	v8 =	vld [tilespmem:s25+$0x2330];
	v2 =	vadd.f32 v3, v2  }
0x8b: {  	v9 =	vld [tilespmem:s25+$0x340];
	v0 =	vmax.f32 v0, $0.0e+00  }
0x8c: {  	[tilespmem:s25+$0x4370] =	vst v0;
	v0 =	vmax.f32 v2, $0.0e+00;
	v2 =	vadd.f32 v5, v4;
	v5 =	vld [tilespmem:s25+$0x2340]  }
0x8d: {  	v3 =	vld [tilespmem:s25+$0x2350];
	v1 =	vadd.f32 v1, v6  }
0x8e: {  	[tilespmem:s25+$0x4300] =	vst v0;
	v0 =	vld [tilespmem:s25+$0x350];
	v2 =	vmax.f32 v2, $0.0e+00  }
0x8f: {  	v4 =	vld [tilespmem:s25+$0x2360];
	v6 =	vadd.f32 v8, v7;
	[tilespmem:s25+$0x4310] =	vst v2;
	v2 =	vmax.f32 v1, $0.0e+00  }
0x90: {  	s24 =	simm.s32 $0x80;
	v1 =	vld [tilespmem:s25+$0x360];
	[tilespmem:s25+$0x4320] =	vst v2  }
0x91: {  	s0 =	simm.s32 $0x400;
	v6 =	vmax.f32 v6, $0.0e+00;
	v5 =	vadd.f32 v5, v9;
	v2 =	vld [tilespmem:s24+$0x370]  }
.LBB2_26:
0x92: {  	p4 =	sne.s32 s0, $0x3E00;
	v7 =	vld [tilespmem:s24+$0x2370];
	[tilespmem:s25+$0x4330] =	vst v6  }
0x93: {  	v6 =	vld [tilespmem:s24+$0x300];
	v5 =	vmax.f32 v5, $0.0e+00;
	v0 =	vadd.f32 v3, v0  }
0x94: {  	v3 =	vld [tilespmem:s24+$0x2300];
	[tilespmem:s25+$0x4340] =	vst v5  }
0x95: {  	v5 =	vld [tilespmem:s24+$0x310];
	v0 =	vmax.f32 v0, $0.0e+00;
	v1 =	vadd.f32 v4, v1  }
0x96: {  	v4 =	vld [tilespmem:s24+$0x2310];
	[tilespmem:s25+$0x4350] =	vst v0  }
0x97: {  	v0 =	vld [tilespmem:s24+$0x320];
	v2 =	vadd.f32 v7, v2;
	v1 =	vmax.f32 v1, $0.0e+00  }
0x98: {  	v7 =	vld [tilespmem:s24+$0x2320];
	[tilespmem:s25+$0x4360] =	vst v1;
	s25 =	smov.u32 s24  }
0x99: {  	v1 =	vadd.f32 v3, v6;
	v6 =	vld [tilespmem:s25+$0x330];
	v2 =	vmax.f32 v2, $0.0e+00  }
0x9a: {  	v8 =	vld [tilespmem:s25+$0x2330];
	[tilespmem:s25+$0x4370] =	vst v2  }
0x9b: {  	v1 =	vmax.f32 v1, $0.0e+00;
	v2 =	vadd.f32 v4, v5;
	v5 =	vld [tilespmem:s25+$0x340]  }
0x9c: {  	[tilespmem:s25+$0x4300] =	vst v1;
	v9 =	vld [tilespmem:s25+$0x2340]  }
.Ltmp6:
0x9d: {  	v1 =	vmax.f32 v2, $0.0e+00;
	v2 =	vadd.f32 v7, v0;
	v0 =	vld [tilespmem:s25+$0x350];
	(pc) =	sbr.rel @p4 .LBB2_26-.Ltmp6, $4  }
0x9e: {  	[tilespmem:s25+$0x4310] =	vst v1;
	v3 =	vld [tilespmem:s25+$0x2350]  }
0x9f: {  	v2 =	vmax.f32 v2, $0.0e+00;
	v6 =	vadd.f32 v8, v6;
	v1 =	vld [tilespmem:s25+$0x360]  }
0xa0: {  	s24 =	sshra.s32 s0, $0x2;
	[tilespmem:s25+$0x4320] =	vst v2;
	v4 =	vld [tilespmem:s25+$0x2360]  }
0xa1: {  	s0 =	sadd.s32 $0x200, s0;
	v2 =	vld [tilespmem:s24+$0x370];
	v6 =	vmax.f32 v6, $0.0e+00;
	v5 =	vadd.f32 v9, v5  }
0xa2: {  	v7 =	vld [tilespmem:s24+$0x2370];
	[tilespmem:s25+$0x4330] =	vst v6  }
0xa3: {  	v6 =	vld [tilespmem:s24+$0x300];
	v5 =	vmax.f32 v5, $0.0e+00;
	v0 =	vadd.f32 v3, v0  }
0xa4: {  	v8 =	vld [tilespmem:s24+$0x2300];
	[tilespmem:s25+$0x4340] =	vst v5  }
0xa5: {  	v52 =	vld [tilespmem:s24+$0x310];
	v0 =	vmax.f32 v0, $0.0e+00;
	v1 =	vadd.f32 v4, v1  }
0xa6: {  	v5 =	vld [tilespmem:s24+$0x2310];
	[tilespmem:s25+$0x4350] =	vst v0  }
0xa7: {  	v0 =	vld [tilespmem:s24+$0x320];
	v1 =	vmax.f32 v1, $0.0e+00  }
0xa8: {  	v53 =	vld [tilespmem:s24+$0x2320];
	[tilespmem:s25+$0x4360] =	vst v1  }
0xa9: {  	v1 =	vld [tilespmem:s24+$0x330]  }
0xaa: {  	v54 =	vld [tilespmem:s24+$0x2330]  }
0xab: {  	v56 =	vld [tilespmem:s24+$0x340]  }
0xac: {  	v57 =	vld [tilespmem:s24+$0x2340]  }
0xad: {  	v58 =	vld [tilespmem:s24+$0x350]  }
0xae: {  	v2 =	vadd.f32 v7, v2;
	v59 =	vld [tilespmem:s24+$0x2350]  }
0xaf: {  	v6 =	vadd.f32 v8, v6;
	v60 =	vld [tilespmem:s24+$0x360]  }
0xb0: {  	v2 =	vmax.f32 v2, $0.0e+00;
	v61 =	vld [tilespmem:s24+$0x2360];
	v3 =	vadd.f32 v5, v52  }
0xb1: {  	[tilespmem:s24+$0x4370] =	vst v2;
	v55 =	vmax.f32 v6, $0.0e+00;
	v0 =	vadd.f32 v53, v0  }
0xb2: {  	[tilespmem:s24+$0x4300] =	vst v55;
	v3 =	vmax.f32 v3, $0.0e+00;
	v1 =	vadd.f32 v54, v1  }
0xb3: {  	[tilespmem:s24+$0x4310] =	vst v3;
	v0 =	vmax.f32 v0, $0.0e+00;
	v2 =	vadd.f32 v57, v56  }
0xb4: {  	v3 =	vadd.f32 v59, v58;
	[tilespmem:s24+$0x4320] =	vst v0;
	v1 =	vmax.f32 v1, $0.0e+00  }
0xb5: {  	v0 =	vadd.f32 v61, v60;
	v62 =	vmax.f32 v2, $0.0e+00;
	[tilespmem:s24+$0x4330] =	vst v1  }
0xb6: {  	v63 =	vmax.f32 v3, $0.0e+00;
	[tilespmem:s24+$0x4340] =	vst v62  }
0xb7: {  	[tilespmem:s24+$0x4350] =	vst v63;
	v0 =	vmax.f32 v0, $0.0e+00  }
0xb8: {  	[tilespmem:s24+$0x4360] =	vst v0  }
0xb9: {  	[spmem:s4] =	stream.indirect.scatter.add.f32 [tilespmem:s21], [sflag:$0x5], $0x20, s29, s20, $0xb8;
	[tilespmem:$0x1FA00] =	vst v63  }
.LBB2_28:
0xba: {  	s0 =	sadd.s32 s23, s11  }
0xbb: {  	s0 =	sadd.s32 $0x2, s0  }
0xbc: {  	p4 =	sgt.u32 s0, $0x1869  }
0xbd: {  	s13 =	sshll.u32 @!p4 s0, $0x4  }
0xbe: {  	s18 =	simm.s32 @!p4 $0x0;
	s14 =	sadd.s32 @!p4 s1, s13  }
0xbf: {  	[tilespmem:s18], [sflag:$0x1] =	stream.linear.gather @!p4 [hbm4b:s14+s18], $0x80, $0x38;
	[tilespmem:$0x1FA00] =	vst v63  }
0xc0: {  	s0 =	sshll.u32 @!p4 s0, $0x9;
	s13 =	sadd.s32 @!p4 s2, s13;
	s14 =	simm.s32 @!p4 $0x200  }
0xc1: {  	[tilespmem:s14], [sflag:$0x1] =	stream.linear.gather @!p4 [hbm4b:s13+s18], $0x80, $0x38;
	[tilespmem:$0x1FA00] =	vst v63  }
0xc2: {  	s0 =	sadd.s32 @!p4 s8, s0;
	s13 =	simm.s32 @!p4 $0x300  }
0xc3: {  	[tilespmem:s13], [sflag:$0x1] =	stream.linear.gather @!p4 [hbm4b:s0+s18], $0x1000, $0x38;
	[tilespmem:$0x1FA00] =	vst v63  }
0xc4: {  	s0 =	simm.s32 @!p4 $0x1  }
0xc5: {  	_ =	swait.ge @!p4 [sflag:s0], $0x80  }
0xc6: {  	[sflag:s0] =	ssyncset.done @!p4 $0x0  }
0xc7: {  	[sflag:s0] =	ssyncadd.s32 @!p4 $0xFFFFFF80  }
0xc8: {  	_ =	swait.ge @!p4 [sflag:s0], $0x80  }
0xc9: {  	[sflag:s0] =	ssyncset.done @!p4 $0x0  }
0xca: {  	s25 =	sadd.s32 $0xFFFFFFFF, s23;
	[sflag:s0] =	ssyncadd.s32 @!p4 $0xFFFFFF80  }
0xcb: {  	p5 =	sgt.u32 s25, $0x186;
	_ =	swait.ge @!p4 [sflag:s0], $0x1000  }
0xcc: {  	p6 =	sgt.u32 @!p5 s23, s5;
	[sflag:s0] =	ssyncset.done @!p4 $0x0  }
0xcd: {  	s13 =	simm.s32 @!p4 $0x2300;
	[sflag:s0] =	ssyncadd.s32 @!p4 $0xFFFFF000;
	s0 =	simm.s32 @!p4 $0x80  }
0xce: {  	[tilespmem:s13], [sflag:$0x3] =	stream.indirect.gather @!p4 [hbm4b:s10+s0], $0x20, s18, s0, $0xb8;
	[tilespmem:$0x1FA00] =	vst v63  }
.Ltmp7:
0xcf: {  	p5 =	por p6, p5;
	(pc) =	sbr.rel @p2 .LBB2_32-.Ltmp7, $4  }
0xd0: {  	s0 =	simm.s32 @!p5 $0x6  }
0xd1: {  	_ =	swait.ge @!p5 [sflag:s0], $0x1000  }
0xd2: {  	[sflag:s0] =	ssyncset.done @!p5 $0x0  }
0xd3: {  	[sflag:s0] =	ssyncadd.s32 @!p5 $0xFFFFF000  }
0xd4: {  	_ =	swait.ge [sflag:s6], $0x1000  }
0xd5: {  	[sflag:s6] =	ssyncset.done $0x0  }
0xd6: {  	s25 =	simm.s32 $0x0;
	[sflag:s6] =	ssyncadd.s32 $0xFFFFF000  }
0xd7: {  	v0 =	vld [tilespmem:s25+$0x1370]  }
0xd8: {  	v1 =	vld [tilespmem:s25+$0x3370]  }
0xd9: {  	v2 =	vld [tilespmem:s25+$0x1300]  }
0xda: {  	v3 =	vld [tilespmem:s25+$0x3300]  }
0xdb: {  	v4 =	vld [tilespmem:s25+$0x1310]  }
0xdc: {  	v5 =	vld [tilespmem:s25+$0x3310]  }
0xdd: {  	v6 =	vld [tilespmem:s25+$0x1320]  }
0xde: {  	v0 =	vadd.f32 v1, v0;
	v1 =	vld [tilespmem:s25+$0x3320]  }
0xdf: {  	v7 =	vld [tilespmem:s25+$0x1330]  }
0xe0: {  	v8 =	vld [tilespmem:s25+$0x3330];
	v2 =	vadd.f32 v3, v2  }
0xe1: {  	v9 =	vld [tilespmem:s25+$0x1340];
	v0 =	vmax.f32 v0, $0.0e+00  }
0xe2: {  	[tilespmem:s25+$0x5370] =	vst v0;
	v0 =	vmax.f32 v2, $0.0e+00;
	v2 =	vadd.f32 v5, v4;
	v5 =	vld [tilespmem:s25+$0x3340]  }
0xe3: {  	v3 =	vld [tilespmem:s25+$0x3350];
	v1 =	vadd.f32 v1, v6  }
0xe4: {  	[tilespmem:s25+$0x5300] =	vst v0;
	v0 =	vld [tilespmem:s25+$0x1350];
	v2 =	vmax.f32 v2, $0.0e+00  }
0xe5: {  	v4 =	vld [tilespmem:s25+$0x3360];
	v6 =	vadd.f32 v8, v7;
	[tilespmem:s25+$0x5310] =	vst v2;
	v2 =	vmax.f32 v1, $0.0e+00  }
0xe6: {  	s24 =	simm.s32 $0x80;
	v1 =	vld [tilespmem:s25+$0x1360];
	[tilespmem:s25+$0x5320] =	vst v2  }
0xe7: {  	s0 =	simm.s32 $0x400;
	v6 =	vmax.f32 v6, $0.0e+00;
	v5 =	vadd.f32 v5, v9;
	v2 =	vld [tilespmem:s24+$0x1370]  }
.LBB2_30:
0xe8: {  	p5 =	sne.s32 s0, $0x3E00;
	v7 =	vld [tilespmem:s24+$0x3370];
	[tilespmem:s25+$0x5330] =	vst v6  }
0xe9: {  	v6 =	vld [tilespmem:s24+$0x1300];
	v5 =	vmax.f32 v5, $0.0e+00;
	v0 =	vadd.f32 v3, v0  }
0xea: {  	v3 =	vld [tilespmem:s24+$0x3300];
	[tilespmem:s25+$0x5340] =	vst v5  }
0xeb: {  	v5 =	vld [tilespmem:s24+$0x1310];
	v0 =	vmax.f32 v0, $0.0e+00;
	v1 =	vadd.f32 v4, v1  }
0xec: {  	v4 =	vld [tilespmem:s24+$0x3310];
	[tilespmem:s25+$0x5350] =	vst v0  }
0xed: {  	v0 =	vld [tilespmem:s24+$0x1320];
	v2 =	vadd.f32 v7, v2;
	v1 =	vmax.f32 v1, $0.0e+00  }
0xee: {  	v7 =	vld [tilespmem:s24+$0x3320];
	[tilespmem:s25+$0x5360] =	vst v1;
	s25 =	smov.u32 s24  }
0xef: {  	v1 =	vadd.f32 v3, v6;
	v6 =	vld [tilespmem:s25+$0x1330];
	v2 =	vmax.f32 v2, $0.0e+00  }
0xf0: {  	v8 =	vld [tilespmem:s25+$0x3330];
	[tilespmem:s25+$0x5370] =	vst v2  }
0xf1: {  	v1 =	vmax.f32 v1, $0.0e+00;
	v2 =	vadd.f32 v4, v5;
	v5 =	vld [tilespmem:s25+$0x1340]  }
0xf2: {  	[tilespmem:s25+$0x5300] =	vst v1;
	v9 =	vld [tilespmem:s25+$0x3340]  }
.Ltmp8:
0xf3: {  	v1 =	vmax.f32 v2, $0.0e+00;
	v2 =	vadd.f32 v7, v0;
	v0 =	vld [tilespmem:s25+$0x1350];
	(pc) =	sbr.rel @p5 .LBB2_30-.Ltmp8, $4  }
0xf4: {  	[tilespmem:s25+$0x5310] =	vst v1;
	v3 =	vld [tilespmem:s25+$0x3350]  }
0xf5: {  	v2 =	vmax.f32 v2, $0.0e+00;
	v6 =	vadd.f32 v8, v6;
	v1 =	vld [tilespmem:s25+$0x1360]  }
0xf6: {  	s24 =	sshra.s32 s0, $0x2;
	[tilespmem:s25+$0x5320] =	vst v2;
	v4 =	vld [tilespmem:s25+$0x3360]  }
0xf7: {  	s0 =	sadd.s32 $0x200, s0;
	v2 =	vld [tilespmem:s24+$0x1370];
	v6 =	vmax.f32 v6, $0.0e+00;
	v5 =	vadd.f32 v9, v5  }
0xf8: {  	v7 =	vld [tilespmem:s24+$0x3370];
	[tilespmem:s25+$0x5330] =	vst v6  }
0xf9: {  	v6 =	vld [tilespmem:s24+$0x1300];
	v5 =	vmax.f32 v5, $0.0e+00;
	v0 =	vadd.f32 v3, v0  }
0xfa: {  	v8 =	vld [tilespmem:s24+$0x3300];
	[tilespmem:s25+$0x5340] =	vst v5  }
0xfb: {  	v52 =	vld [tilespmem:s24+$0x1310];
	v0 =	vmax.f32 v0, $0.0e+00;
	v1 =	vadd.f32 v4, v1  }
0xfc: {  	v5 =	vld [tilespmem:s24+$0x3310];
	[tilespmem:s25+$0x5350] =	vst v0  }
0xfd: {  	v0 =	vld [tilespmem:s24+$0x1320];
	v1 =	vmax.f32 v1, $0.0e+00  }
0xfe: {  	v53 =	vld [tilespmem:s24+$0x3320];
	[tilespmem:s25+$0x5360] =	vst v1  }
0xff: {  	v1 =	vld [tilespmem:s24+$0x1330]  }
0x100: {  	v54 =	vld [tilespmem:s24+$0x3330]  }
0x101: {  	v56 =	vld [tilespmem:s24+$0x1340]  }
0x102: {  	v57 =	vld [tilespmem:s24+$0x3340]  }
0x103: {  	v58 =	vld [tilespmem:s24+$0x1350]  }
0x104: {  	v2 =	vadd.f32 v7, v2;
	v59 =	vld [tilespmem:s24+$0x3350]  }
0x105: {  	v6 =	vadd.f32 v8, v6;
	v60 =	vld [tilespmem:s24+$0x1360]  }
0x106: {  	v2 =	vmax.f32 v2, $0.0e+00;
	v61 =	vld [tilespmem:s24+$0x3360];
	v3 =	vadd.f32 v5, v52  }
0x107: {  	[tilespmem:s24+$0x5370] =	vst v2;
	v55 =	vmax.f32 v6, $0.0e+00;
	v0 =	vadd.f32 v53, v0  }
0x108: {  	[tilespmem:s24+$0x5300] =	vst v55;
	v3 =	vmax.f32 v3, $0.0e+00;
	v1 =	vadd.f32 v54, v1  }
0x109: {  	[tilespmem:s24+$0x5310] =	vst v3;
	v0 =	vmax.f32 v0, $0.0e+00;
	v2 =	vadd.f32 v57, v56  }
0x10a: {  	v3 =	vadd.f32 v59, v58;
	[tilespmem:s24+$0x5320] =	vst v0;
	v1 =	vmax.f32 v1, $0.0e+00  }
0x10b: {  	v0 =	vadd.f32 v61, v60;
	v62 =	vmax.f32 v2, $0.0e+00;
	[tilespmem:s24+$0x5330] =	vst v1  }
0x10c: {  	v63 =	vmax.f32 v3, $0.0e+00;
	[tilespmem:s24+$0x5340] =	vst v62  }
0x10d: {  	[tilespmem:s24+$0x5350] =	vst v63;
	v0 =	vmax.f32 v0, $0.0e+00  }
0x10e: {  	[tilespmem:s24+$0x5360] =	vst v0  }
0x10f: {  	[spmem:s4] =	stream.indirect.scatter.add.f32 [tilespmem:s12], [sflag:$0x6], $0x20, s22, s20, $0xb8;
	[tilespmem:$0x1FA00] =	vst v63  }
.LBB2_32:
0x110: {  	s0 =	sor.u32 $0x3, s23  }
0x111: {  	s13 =	sadd.s32 s11, s0  }
0x112: {  	p5 =	slt.u32 s0, $0x187;
	p6 =	slt.u32 s13, $0x186A  }
0x113: {  	p5 =	por !p5, !p6  }
0x114: {  	p5 =	por !p5, !p5  }
0x115: {  	s0 =	sshll.u32 @p5 s13, $0x4  }
0x116: {  	s18 =	simm.s32 @p5 $0x0;
	s19 =	simm.s32 @p5 $0x80;
	s14 =	sadd.s32 @p5 s1, s0  }
0x117: {  	[tilespmem:s19], [sflag:$0x2] =	stream.linear.gather @p5 [hbm4b:s14+s18], $0x80, $0x38;
	[tilespmem:$0x1FA00] =	vst v63  }
0x118: {  	s0 =	sadd.s32 @p5 s2, s0;
	s14 =	simm.s32 @p5 $0x280  }
0x119: {  	[tilespmem:s14], [sflag:$0x2] =	stream.linear.gather @p5 [hbm4b:s0+s18], $0x80, $0x38;
	[tilespmem:$0x1FA00] =	vst v63  }
0x11a: {  	s0 =	sshll.u32 @p5 s13, $0x9  }
0x11b: {  	s13 =	simm.s32 @p5 $0x1300;
	s0 =	sadd.s32 @p5 s8, s0  }
0x11c: {  	[tilespmem:s13], [sflag:$0x2] =	stream.linear.gather @p5 [hbm4b:s0+s18], $0x1000, $0x38;
	[tilespmem:$0x1FA00] =	vst v63  }
0x11d: {  	s0 =	simm.s32 @p5 $0x2  }
0x11e: {  	_ =	swait.ge @p5 [sflag:s0], $0x80  }
0x11f: {  	[sflag:s0] =	ssyncset.done @p5 $0x0  }
0x120: {  	[sflag:s0] =	ssyncadd.s32 @p5 $0xFFFFFF80  }
0x121: {  	_ =	swait.ge @p5 [sflag:s0], $0x80  }
0x122: {  	[sflag:s0] =	ssyncset.done @p5 $0x0  }
0x123: {  	[sflag:s0] =	ssyncadd.s32 @p5 $0xFFFFFF80  }
0x124: {  	_ =	swait.ge @p5 [sflag:s0], $0x1000  }
0x125: {  	[sflag:s0] =	ssyncset.done @p5 $0x0  }
0x126: {  	[sflag:s0] =	ssyncadd.s32 @p5 $0xFFFFF000;
	s0 =	simm.s32 @p5 $0x3300  }
0x127: {  	[tilespmem:s0], [sflag:$0x4] =	stream.indirect.gather @p5 [hbm4b:s10+s19], $0x20, s19, s19, $0xb8;
	[tilespmem:$0x1FA00] =	vst v63  }
.Ltmp9:
0x128: {  	_ = 	snop;
	(pc) =	sbr.rel @p4 .LBB2_36-.Ltmp9, $4  }
0x129: {  	s0 =	simm.s32 @!p3 $0x5  }
0x12a: {  	_ =	swait.ge @!p3 [sflag:s0], $0x1000  }
0x12b: {  	[sflag:s0] =	ssyncset.done @!p3 $0x0  }
0x12c: {  	[sflag:s0] =	ssyncadd.s32 @!p3 $0xFFFFF000  }
0x12d: {  	_ =	swait.ge [sflag:s30], $0x1000  }
0x12e: {  	[sflag:s30] =	ssyncset.done $0x0  }
0x12f: {  	s25 =	simm.s32 $0x0;
	[sflag:s30] =	ssyncadd.s32 $0xFFFFF000  }
0x130: {  	v0 =	vld [tilespmem:s25+$0x370]  }
0x131: {  	v1 =	vld [tilespmem:s25+$0x2370]  }
0x132: {  	v2 =	vld [tilespmem:s25+$0x300]  }
0x133: {  	v3 =	vld [tilespmem:s25+$0x2300]  }
0x134: {  	v4 =	vld [tilespmem:s25+$0x310]  }
0x135: {  	v5 =	vld [tilespmem:s25+$0x2310]  }
0x136: {  	v6 =	vld [tilespmem:s25+$0x320]  }
0x137: {  	v0 =	vadd.f32 v1, v0;
	v1 =	vld [tilespmem:s25+$0x2320]  }
0x138: {  	v7 =	vld [tilespmem:s25+$0x330]  }
0x139: {  	v8 =	vld [tilespmem:s25+$0x2330];
	v2 =	vadd.f32 v3, v2  }
0x13a: {  	v9 =	vld [tilespmem:s25+$0x340];
	v0 =	vmax.f32 v0, $0.0e+00  }
0x13b: {  	[tilespmem:s25+$0x4370] =	vst v0;
	v0 =	vmax.f32 v2, $0.0e+00;
	v2 =	vadd.f32 v5, v4;
	v5 =	vld [tilespmem:s25+$0x2340]  }
0x13c: {  	v3 =	vld [tilespmem:s25+$0x2350];
	v1 =	vadd.f32 v1, v6  }
0x13d: {  	[tilespmem:s25+$0x4300] =	vst v0;
	v0 =	vld [tilespmem:s25+$0x350];
	v2 =	vmax.f32 v2, $0.0e+00  }
0x13e: {  	v4 =	vld [tilespmem:s25+$0x2360];
	v6 =	vadd.f32 v8, v7;
	[tilespmem:s25+$0x4310] =	vst v2;
	v2 =	vmax.f32 v1, $0.0e+00  }
0x13f: {  	s24 =	simm.s32 $0x80;
	v1 =	vld [tilespmem:s25+$0x360];
	[tilespmem:s25+$0x4320] =	vst v2  }
0x140: {  	s0 =	simm.s32 $0x400;
	v6 =	vmax.f32 v6, $0.0e+00;
	v5 =	vadd.f32 v5, v9;
	v2 =	vld [tilespmem:s24+$0x370]  }
.LBB2_34:
0x141: {  	p3 =	sne.s32 s0, $0x3E00;
	v7 =	vld [tilespmem:s24+$0x2370];
	[tilespmem:s25+$0x4330] =	vst v6  }
0x142: {  	v6 =	vld [tilespmem:s24+$0x300];
	v5 =	vmax.f32 v5, $0.0e+00;
	v0 =	vadd.f32 v3, v0  }
0x143: {  	v3 =	vld [tilespmem:s24+$0x2300];
	[tilespmem:s25+$0x4340] =	vst v5  }
0x144: {  	v5 =	vld [tilespmem:s24+$0x310];
	v0 =	vmax.f32 v0, $0.0e+00;
	v1 =	vadd.f32 v4, v1  }
0x145: {  	v4 =	vld [tilespmem:s24+$0x2310];
	[tilespmem:s25+$0x4350] =	vst v0  }
0x146: {  	v0 =	vld [tilespmem:s24+$0x320];
	v2 =	vadd.f32 v7, v2;
	v1 =	vmax.f32 v1, $0.0e+00  }
0x147: {  	v7 =	vld [tilespmem:s24+$0x2320];
	[tilespmem:s25+$0x4360] =	vst v1;
	s25 =	smov.u32 s24  }
0x148: {  	v1 =	vadd.f32 v3, v6;
	v6 =	vld [tilespmem:s25+$0x330];
	v2 =	vmax.f32 v2, $0.0e+00  }
0x149: {  	v8 =	vld [tilespmem:s25+$0x2330];
	[tilespmem:s25+$0x4370] =	vst v2  }
0x14a: {  	v1 =	vmax.f32 v1, $0.0e+00;
	v2 =	vadd.f32 v4, v5;
	v5 =	vld [tilespmem:s25+$0x340]  }
0x14b: {  	[tilespmem:s25+$0x4300] =	vst v1;
	v9 =	vld [tilespmem:s25+$0x2340]  }
.Ltmp10:
0x14c: {  	v1 =	vmax.f32 v2, $0.0e+00;
	v2 =	vadd.f32 v7, v0;
	v0 =	vld [tilespmem:s25+$0x350];
	(pc) =	sbr.rel @p3 .LBB2_34-.Ltmp10, $4  }
0x14d: {  	[tilespmem:s25+$0x4310] =	vst v1;
	v3 =	vld [tilespmem:s25+$0x2350]  }
0x14e: {  	v2 =	vmax.f32 v2, $0.0e+00;
	v6 =	vadd.f32 v8, v6;
	v1 =	vld [tilespmem:s25+$0x360]  }
0x14f: {  	s24 =	sshra.s32 s0, $0x2;
	[tilespmem:s25+$0x4320] =	vst v2;
	v4 =	vld [tilespmem:s25+$0x2360]  }
0x150: {  	s0 =	sadd.s32 $0x200, s0;
	v2 =	vld [tilespmem:s24+$0x370];
	v6 =	vmax.f32 v6, $0.0e+00;
	v5 =	vadd.f32 v9, v5  }
0x151: {  	v7 =	vld [tilespmem:s24+$0x2370];
	[tilespmem:s25+$0x4330] =	vst v6  }
0x152: {  	v6 =	vld [tilespmem:s24+$0x300];
	v5 =	vmax.f32 v5, $0.0e+00;
	v0 =	vadd.f32 v3, v0  }
0x153: {  	v8 =	vld [tilespmem:s24+$0x2300];
	[tilespmem:s25+$0x4340] =	vst v5  }
0x154: {  	v52 =	vld [tilespmem:s24+$0x310];
	v0 =	vmax.f32 v0, $0.0e+00;
	v1 =	vadd.f32 v4, v1  }
0x155: {  	v5 =	vld [tilespmem:s24+$0x2310];
	[tilespmem:s25+$0x4350] =	vst v0  }
0x156: {  	v0 =	vld [tilespmem:s24+$0x320];
	v1 =	vmax.f32 v1, $0.0e+00  }
0x157: {  	v53 =	vld [tilespmem:s24+$0x2320];
	[tilespmem:s25+$0x4360] =	vst v1  }
0x158: {  	v1 =	vld [tilespmem:s24+$0x330]  }
0x159: {  	v54 =	vld [tilespmem:s24+$0x2330]  }
0x15a: {  	v56 =	vld [tilespmem:s24+$0x340]  }
0x15b: {  	v57 =	vld [tilespmem:s24+$0x2340]  }
0x15c: {  	v58 =	vld [tilespmem:s24+$0x350]  }
0x15d: {  	v2 =	vadd.f32 v7, v2;
	v59 =	vld [tilespmem:s24+$0x2350]  }
0x15e: {  	v6 =	vadd.f32 v8, v6;
	v60 =	vld [tilespmem:s24+$0x360]  }
0x15f: {  	v2 =	vmax.f32 v2, $0.0e+00;
	v61 =	vld [tilespmem:s24+$0x2360];
	v3 =	vadd.f32 v5, v52  }
0x160: {  	[tilespmem:s24+$0x4370] =	vst v2;
	v55 =	vmax.f32 v6, $0.0e+00;
	v0 =	vadd.f32 v53, v0  }
0x161: {  	[tilespmem:s24+$0x4300] =	vst v55;
	v3 =	vmax.f32 v3, $0.0e+00;
	v1 =	vadd.f32 v54, v1  }
0x162: {  	[tilespmem:s24+$0x4310] =	vst v3;
	v0 =	vmax.f32 v0, $0.0e+00;
	v2 =	vadd.f32 v57, v56  }
0x163: {  	v3 =	vadd.f32 v59, v58;
	[tilespmem:s24+$0x4320] =	vst v0;
	v1 =	vmax.f32 v1, $0.0e+00  }
0x164: {  	v0 =	vadd.f32 v61, v60;
	v62 =	vmax.f32 v2, $0.0e+00;
	[tilespmem:s24+$0x4330] =	vst v1  }
0x165: {  	v63 =	vmax.f32 v3, $0.0e+00;
	[tilespmem:s24+$0x4340] =	vst v62  }
0x166: {  	[tilespmem:s24+$0x4350] =	vst v63;
	v0 =	vmax.f32 v0, $0.0e+00  }
0x167: {  	s0 =	simm.s32 $0x200;
	[tilespmem:s24+$0x4360] =	vst v0  }
0x168: {  	[spmem:s4] =	stream.indirect.scatter.add.f32 [tilespmem:s21], [sflag:$0x5], $0x20, s0, s20, $0xb8;
	[tilespmem:$0x1FA00] =	vst v63  }
.LBB2_36:
0x169: {  	p3 =	seq.s32 s31, $0x61;
	s0 =	sadd.s32 s23, s3  }
0x16a: {  	p4 =	sgt.u32 @!p3 s0, $0x1869  }
0x16b: {  	p4 =	por p4, p3  }
0x16c: {  	s13 =	sshll.u32 @!p4 s0, $0x4  }
0x16d: {  	s18 =	simm.s32 @!p4 $0x0;
	s14 =	sadd.s32 @!p4 s1, s13  }
0x16e: {  	[tilespmem:s18], [sflag:$0x1] =	stream.linear.gather @!p4 [hbm4b:s14+s18], $0x80, $0x38;
	[tilespmem:$0x1FA00] =	vst v63  }
0x16f: {  	s0 =	sshll.u32 @!p4 s0, $0x9;
	s13 =	sadd.s32 @!p4 s2, s13;
	s14 =	simm.s32 @!p4 $0x100  }
0x170: {  	[tilespmem:s14], [sflag:$0x1] =	stream.linear.gather @!p4 [hbm4b:s13+s18], $0x80, $0x38;
	[tilespmem:$0x1FA00] =	vst v63  }
0x171: {  	s0 =	sadd.s32 @!p4 s8, s0;
	s13 =	simm.s32 @!p4 $0x300  }
0x172: {  	[tilespmem:s13], [sflag:$0x1] =	stream.linear.gather @!p4 [hbm4b:s0+s18], $0x1000, $0x38;
	[tilespmem:$0x1FA00] =	vst v63  }
0x173: {  	s0 =	simm.s32 @!p4 $0x1  }
0x174: {  	_ =	swait.ge @!p4 [sflag:s0], $0x80  }
0x175: {  	[sflag:s0] =	ssyncset.done @!p4 $0x0  }
0x176: {  	[sflag:s0] =	ssyncadd.s32 @!p4 $0xFFFFFF80  }
0x177: {  	_ =	swait.ge @!p4 [sflag:s0], $0x80  }
0x178: {  	[sflag:s0] =	ssyncset.done @!p4 $0x0  }
0x179: {  	[sflag:s0] =	ssyncadd.s32 @!p4 $0xFFFFFF80  }
0x17a: {  	_ =	swait.ge @!p4 [sflag:s0], $0x1000  }
0x17b: {  	[sflag:s0] =	ssyncset.done @!p4 $0x0  }
0x17c: {  	s13 =	simm.s32 @!p4 $0x2300;
	[sflag:s0] =	ssyncadd.s32 @!p4 $0xFFFFF000;
	s0 =	simm.s32 @!p4 $0x80  }
0x17d: {  	[tilespmem:s13], [sflag:$0x3] =	stream.indirect.gather @!p4 [hbm4b:s10+s0], $0x20, s18, s0, $0xb8;
	[tilespmem:$0x1FA00] =	vst v63  }
.Ltmp11:
0x17e: {  	_ = 	snop;
	(pc) =	sbr.rel @!p5 .LBB2_40-.Ltmp11, $4  }
0x17f: {  	s0 =	simm.s32 @!p2 $0x6  }
0x180: {  	_ =	swait.ge @!p2 [sflag:s0], $0x1000  }
0x181: {  	[sflag:s0] =	ssyncset.done @!p2 $0x0  }
0x182: {  	[sflag:s0] =	ssyncadd.s32 @!p2 $0xFFFFF000  }
0x183: {  	_ =	swait.ge [sflag:s6], $0x1000  }
0x184: {  	[sflag:s6] =	ssyncset.done $0x0  }
0x185: {  	s25 =	simm.s32 $0x0;
	[sflag:s6] =	ssyncadd.s32 $0xFFFFF000  }
0x186: {  	v0 =	vld [tilespmem:s25+$0x1370]  }
0x187: {  	v1 =	vld [tilespmem:s25+$0x3370]  }
0x188: {  	v2 =	vld [tilespmem:s25+$0x1300]  }
0x189: {  	v3 =	vld [tilespmem:s25+$0x3300]  }
0x18a: {  	v4 =	vld [tilespmem:s25+$0x1310]  }
0x18b: {  	v5 =	vld [tilespmem:s25+$0x3310]  }
0x18c: {  	v6 =	vld [tilespmem:s25+$0x1320]  }
0x18d: {  	v0 =	vadd.f32 v1, v0;
	v1 =	vld [tilespmem:s25+$0x3320]  }
0x18e: {  	v7 =	vld [tilespmem:s25+$0x1330]  }
0x18f: {  	v8 =	vld [tilespmem:s25+$0x3330];
	v2 =	vadd.f32 v3, v2  }
0x190: {  	v9 =	vld [tilespmem:s25+$0x1340];
	v0 =	vmax.f32 v0, $0.0e+00  }
0x191: {  	[tilespmem:s25+$0x5370] =	vst v0;
	v0 =	vmax.f32 v2, $0.0e+00;
	v2 =	vadd.f32 v5, v4;
	v5 =	vld [tilespmem:s25+$0x3340]  }
0x192: {  	v3 =	vld [tilespmem:s25+$0x3350];
	v1 =	vadd.f32 v1, v6  }
0x193: {  	[tilespmem:s25+$0x5300] =	vst v0;
	v0 =	vld [tilespmem:s25+$0x1350];
	v2 =	vmax.f32 v2, $0.0e+00  }
0x194: {  	v4 =	vld [tilespmem:s25+$0x3360];
	v6 =	vadd.f32 v8, v7;
	[tilespmem:s25+$0x5310] =	vst v2;
	v2 =	vmax.f32 v1, $0.0e+00  }
0x195: {  	s24 =	simm.s32 $0x80;
	v1 =	vld [tilespmem:s25+$0x1360];
	[tilespmem:s25+$0x5320] =	vst v2  }
0x196: {  	s0 =	simm.s32 $0x400;
	v6 =	vmax.f32 v6, $0.0e+00;
	v5 =	vadd.f32 v5, v9;
	v2 =	vld [tilespmem:s24+$0x1370]  }
.LBB2_38:
0x197: {  	p2 =	sne.s32 s0, $0x3E00;
	v7 =	vld [tilespmem:s24+$0x3370];
	[tilespmem:s25+$0x5330] =	vst v6  }
0x198: {  	v6 =	vld [tilespmem:s24+$0x1300];
	v5 =	vmax.f32 v5, $0.0e+00;
	v0 =	vadd.f32 v3, v0  }
0x199: {  	v3 =	vld [tilespmem:s24+$0x3300];
	[tilespmem:s25+$0x5340] =	vst v5  }
0x19a: {  	v5 =	vld [tilespmem:s24+$0x1310];
	v0 =	vmax.f32 v0, $0.0e+00;
	v1 =	vadd.f32 v4, v1  }
0x19b: {  	v4 =	vld [tilespmem:s24+$0x3310];
	[tilespmem:s25+$0x5350] =	vst v0  }
0x19c: {  	v0 =	vld [tilespmem:s24+$0x1320];
	v2 =	vadd.f32 v7, v2;
	v1 =	vmax.f32 v1, $0.0e+00  }
0x19d: {  	v7 =	vld [tilespmem:s24+$0x3320];
	[tilespmem:s25+$0x5360] =	vst v1;
	s25 =	smov.u32 s24  }
0x19e: {  	v1 =	vadd.f32 v3, v6;
	v6 =	vld [tilespmem:s25+$0x1330];
	v2 =	vmax.f32 v2, $0.0e+00  }
0x19f: {  	v8 =	vld [tilespmem:s25+$0x3330];
	[tilespmem:s25+$0x5370] =	vst v2  }
0x1a0: {  	v1 =	vmax.f32 v1, $0.0e+00;
	v2 =	vadd.f32 v4, v5;
	v5 =	vld [tilespmem:s25+$0x1340]  }
0x1a1: {  	[tilespmem:s25+$0x5300] =	vst v1;
	v9 =	vld [tilespmem:s25+$0x3340]  }
.Ltmp12:
0x1a2: {  	v1 =	vmax.f32 v2, $0.0e+00;
	v2 =	vadd.f32 v7, v0;
	v0 =	vld [tilespmem:s25+$0x1350];
	(pc) =	sbr.rel @p2 .LBB2_38-.Ltmp12, $4  }
0x1a3: {  	[tilespmem:s25+$0x5310] =	vst v1;
	v3 =	vld [tilespmem:s25+$0x3350]  }
0x1a4: {  	v2 =	vmax.f32 v2, $0.0e+00;
	v6 =	vadd.f32 v8, v6;
	v1 =	vld [tilespmem:s25+$0x1360]  }
0x1a5: {  	s24 =	sshra.s32 s0, $0x2;
	[tilespmem:s25+$0x5320] =	vst v2;
	v4 =	vld [tilespmem:s25+$0x3360]  }
0x1a6: {  	s0 =	sadd.s32 $0x200, s0;
	v2 =	vld [tilespmem:s24+$0x1370];
	v6 =	vmax.f32 v6, $0.0e+00;
	v5 =	vadd.f32 v9, v5  }
0x1a7: {  	v7 =	vld [tilespmem:s24+$0x3370];
	[tilespmem:s25+$0x5330] =	vst v6  }
0x1a8: {  	v6 =	vld [tilespmem:s24+$0x1300];
	v5 =	vmax.f32 v5, $0.0e+00;
	v0 =	vadd.f32 v3, v0  }
0x1a9: {  	v8 =	vld [tilespmem:s24+$0x3300];
	[tilespmem:s25+$0x5340] =	vst v5  }
0x1aa: {  	v52 =	vld [tilespmem:s24+$0x1310];
	v0 =	vmax.f32 v0, $0.0e+00;
	v1 =	vadd.f32 v4, v1  }
0x1ab: {  	v5 =	vld [tilespmem:s24+$0x3310];
	[tilespmem:s25+$0x5350] =	vst v0  }
0x1ac: {  	v0 =	vld [tilespmem:s24+$0x1320];
	v1 =	vmax.f32 v1, $0.0e+00  }
0x1ad: {  	v53 =	vld [tilespmem:s24+$0x3320];
	[tilespmem:s25+$0x5360] =	vst v1  }
0x1ae: {  	v1 =	vld [tilespmem:s24+$0x1330]  }
0x1af: {  	v54 =	vld [tilespmem:s24+$0x3330]  }
0x1b0: {  	v56 =	vld [tilespmem:s24+$0x1340]  }
0x1b1: {  	v57 =	vld [tilespmem:s24+$0x3340]  }
0x1b2: {  	v58 =	vld [tilespmem:s24+$0x1350]  }
0x1b3: {  	v2 =	vadd.f32 v7, v2;
	v59 =	vld [tilespmem:s24+$0x3350]  }
0x1b4: {  	v6 =	vadd.f32 v8, v6;
	v60 =	vld [tilespmem:s24+$0x1360]  }
0x1b5: {  	v2 =	vmax.f32 v2, $0.0e+00;
	v61 =	vld [tilespmem:s24+$0x3360];
	v3 =	vadd.f32 v5, v52  }
0x1b6: {  	[tilespmem:s24+$0x5370] =	vst v2;
	v55 =	vmax.f32 v6, $0.0e+00;
	v0 =	vadd.f32 v53, v0  }
0x1b7: {  	[tilespmem:s24+$0x5300] =	vst v55;
	v3 =	vmax.f32 v3, $0.0e+00;
	v1 =	vadd.f32 v54, v1  }
0x1b8: {  	[tilespmem:s24+$0x5310] =	vst v3;
	v0 =	vmax.f32 v0, $0.0e+00;
	v2 =	vadd.f32 v57, v56  }
0x1b9: {  	v3 =	vadd.f32 v59, v58;
	[tilespmem:s24+$0x5320] =	vst v0;
	v1 =	vmax.f32 v1, $0.0e+00  }
.Ltmp13:
0x1ba: {  	v0 =	vadd.f32 v61, v60;
	v62 =	vmax.f32 v2, $0.0e+00;
	[tilespmem:s24+$0x5330] =	vst v1;
	(pc) =	sbr.rel .LBB2_40-.Ltmp13, $4  }
0x1bb: {  	v63 =	vmax.f32 v3, $0.0e+00;
	[tilespmem:s24+$0x5340] =	vst v62  }
0x1bc: {  	[tilespmem:s24+$0x5350] =	vst v63;
	v0 =	vmax.f32 v0, $0.0e+00  }
0x1bd: {  	s0 =	simm.s32 $0x280;
	[tilespmem:s24+$0x5360] =	vst v0  }
0x1be: {  	[spmem:s4] =	stream.indirect.scatter.add.f32 [tilespmem:s12], [sflag:$0x6], $0x20, s0, s20, $0xb8;
	[tilespmem:$0x1FA00] =	vst v63  }
.LBB2_2:
0x1bf: {  	s31 =	simm.s32 $0x0;
	s0 =	rddreg [dreg:$0x9];
	s13 =	simm.s32 $0x300  }
0x1c0: {  	[tilespmem:s13], [sflag:$0x1] =	stream.linear.gather [hbm4b:s0+s31], $0x1000, $0x38;
	[tilespmem:$0x1FA00] =	vst v63  }
0x1c1: {  	s13 =	rddreg [dreg:$0xa]  }
0x1c2: {  	[tilespmem:s20], [sflag:$0x2] =	stream.linear.gather [hbm4b:s13+s31], $0x80, $0x38;
	[tilespmem:$0x1FA00] =	vst v63  }
0x1c3: {  	s18 =	rddreg [dreg:$0xb]  }
0x1c4: {  	[tilespmem:s22], [sflag:$0x2] =	stream.linear.gather [hbm4b:s18+s31], $0x80, $0x38;
	[tilespmem:$0x1FA00] =	vst v63  }
0x1c5: {  	s19 =	rddreg [dreg:$0xc];
	s23 =	simm.s32 $0x1300;
	s24 =	simm.s32 $0x1  }
0x1c6: {  	[tilespmem:s23], [sflag:$0x2] =	stream.linear.gather [hbm4b:s19+s31], $0x1000, $0x38;
	[tilespmem:$0x1FA00] =	vst v63  }
0x1c7: {  	_ =	swait.ge [sflag:s24], $0x80  }
0x1c8: {  	[sflag:s24] =	ssyncset.done $0x0  }
0x1c9: {  	[sflag:s24] =	ssyncadd.s32 $0xFFFFFF80  }
0x1ca: {  	_ =	swait.ge [sflag:s24], $0x80  }
0x1cb: {  	[sflag:s24] =	ssyncset.done $0x0  }
.Ltmp14:
0x1cc: {  	[sflag:s24] =	ssyncadd.s32 $0xFFFFFF80;
	(pc) =	sbr.rel .LBB2_3-.Ltmp14, $4  }
0x1cd: {  	_ =	swait.ge [sflag:s24], $0x1000  }
0x1ce: {  	[sflag:s24] =	ssyncset.done $0x0  }
0x1cf: {  	s25 =	simm.s32 $0x2300;
	[sflag:s24] =	ssyncadd.s32 $0xFFFFF000  }
0x1d0: {  	[tilespmem:s25], [sflag:$0x3] =	stream.indirect.gather [hbm4b:s9+s20], $0x20, s31, s20, $0xb8;
	[tilespmem:$0x1FA00] =	vst v63  }
.LBB2_18:
0x1d1: {  	v7 =	vld [tilespmem:s24+$0x3370];
	[tilespmem:s25+$0x5330] =	vst v6  }
0x1d2: {  	v5 =	vmax.f32 v5, $0.0e+00;
	v0 =	vadd.f32 v3, v0;
	v6 =	vld [tilespmem:s24+$0x1300]  }
0x1d3: {  	v8 =	vld [tilespmem:s24+$0x3300];
	[tilespmem:s25+$0x5340] =	vst v5  }
0x1d4: {  	v1 =	vadd.f32 v4, v1;
	v52 =	vld [tilespmem:s24+$0x1310];
	v0 =	vmax.f32 v0, $0.0e+00  }
0x1d5: {  	v5 =	vld [tilespmem:s24+$0x3310];
	[tilespmem:s25+$0x5350] =	vst v0  }
0x1d6: {  	v1 =	vmax.f32 v1, $0.0e+00;
	v0 =	vld [tilespmem:s24+$0x1320]  }
0x1d7: {  	v53 =	vld [tilespmem:s24+$0x3320];
	[tilespmem:s25+$0x5360] =	vst v1  }
0x1d8: {  	v1 =	vld [tilespmem:s24+$0x1330]  }
0x1d9: {  	v54 =	vld [tilespmem:s24+$0x3330]  }
0x1da: {  	v56 =	vld [tilespmem:s24+$0x1340]  }
0x1db: {  	v57 =	vld [tilespmem:s24+$0x3340]  }
0x1dc: {  	v58 =	vld [tilespmem:s24+$0x1350]  }
0x1dd: {  	v2 =	vadd.f32 v7, v2;
	v59 =	vld [tilespmem:s24+$0x3350]  }
0x1de: {  	v60 =	vld [tilespmem:s24+$0x1360];
	v6 =	vadd.f32 v8, v6  }
0x1df: {  	v61 =	vld [tilespmem:s24+$0x3360];
	v2 =	vmax.f32 v2, $0.0e+00;
	v3 =	vadd.f32 v5, v52  }
0x1e0: {  	[tilespmem:s24+$0x5370] =	vst v2;
	v55 =	vmax.f32 v6, $0.0e+00;
	v0 =	vadd.f32 v53, v0  }
0x1e1: {  	[tilespmem:s24+$0x5300] =	vst v55;
	v3 =	vmax.f32 v3, $0.0e+00;
	v1 =	vadd.f32 v54, v1  }
0x1e2: {  	[tilespmem:s24+$0x5310] =	vst v3;
	v2 =	vadd.f32 v57, v56;
	v0 =	vmax.f32 v0, $0.0e+00  }
0x1e3: {  	v3 =	vadd.f32 v59, v58;
	[tilespmem:s24+$0x5320] =	vst v0;
	v1 =	vmax.f32 v1, $0.0e+00  }
0x1e4: {  	v62 =	vmax.f32 v2, $0.0e+00;
	v0 =	vadd.f32 v61, v60;
	[tilespmem:s24+$0x5330] =	vst v1  }
0x1e5: {  	v63 =	vmax.f32 v3, $0.0e+00;
	[tilespmem:s24+$0x5340] =	vst v62  }
0x1e6: {  	[tilespmem:s24+$0x5350] =	vst v63;
	v0 =	vmax.f32 v0, $0.0e+00  }
0x1e7: {  	s0 =	simm.s32 $0x280;
	[tilespmem:s24+$0x5360] =	vst v0  }
0x1e8: {  	[spmem:s4] =	stream.indirect.scatter.add.f32 [tilespmem:s12], [sflag:$0x6], $0x20, s0, s20, $0xb8;
	[tilespmem:$0x1FA00] =	vst v63  }
.LBB2_19:
0x1e9: {  	s0 =	sadd.s32 s23, s15  }
0x1ea: {  	p2 =	sgt.u32 @!p3 s0, $0x1869  }
0x1eb: {  	p2 =	por p2, p3  }
0x1ec: {  	s18 =	sshll.u32 @!p2 s0, $0x4  }
0x1ed: {  	s23 =	simm.s32 @!p2 $0x0;
	s24 =	simm.s32 @!p2 $0x80;
	s19 =	sadd.s32 @!p2 s1, s18  }
0x1ee: {  	[tilespmem:s24], [sflag:$0x2] =	stream.linear.gather @!p2 [hbm4b:s19+s23], $0x80, $0x38;
	[tilespmem:$0x1FA00] =	vst v63  }
0x1ef: {  	s0 =	sshll.u32 @!p2 s0, $0x9;
	s18 =	sadd.s32 @!p2 s2, s18;
	s19 =	simm.s32 @!p2 $0x180  }
0x1f0: {  	[tilespmem:s19], [sflag:$0x2] =	stream.linear.gather @!p2 [hbm4b:s18+s23], $0x80, $0x38;
	[tilespmem:$0x1FA00] =	vst v63  }
0x1f1: {  	s31 =	sadd.s32 $0x1, s31;
	s0 =	sadd.s32 @!p2 s7, s0;
	s18 =	simm.s32 @!p2 $0x1300  }
0x1f2: {  	[tilespmem:s18], [sflag:$0x2] =	stream.linear.gather @!p2 [hbm4b:s0+s23], $0x1000, $0x38;
	[tilespmem:$0x1FA00] =	vst v63  }
0x1f3: {  	p2 =	sne.s32 s31, $0x62  }
.Ltmp15:
0x1f4: {  	_ = 	snop;
	(pc) =	sbr.rel @!p2 .LBB2_20-.Ltmp15, $1  }
0x1f5: {  	_ =	sdelay $0x3  }
.LBB2_3:
0x1f6: {  	s23 =	sshll.u32 s31, $0x2  }
0x1f7: {  	s0 =	sadd.s32 s23, s16  }
0x1f8: {  	p2 =	sgt.u32 s0, $0x1869  }
0x1f9: {  	s0 =	simm.s32 @!p2 $0x2  }
0x1fa: {  	_ =	swait.ge @!p2 [sflag:s0], $0x80  }
0x1fb: {  	[sflag:s0] =	ssyncset.done @!p2 $0x0  }
0x1fc: {  	[sflag:s0] =	ssyncadd.s32 @!p2 $0xFFFFFF80  }
0x1fd: {  	_ =	swait.ge @!p2 [sflag:s0], $0x80  }
0x1fe: {  	[sflag:s0] =	ssyncset.done @!p2 $0x0  }
0x1ff: {  	[sflag:s0] =	ssyncadd.s32 @!p2 $0xFFFFFF80  }
0x200: {  	_ =	swait.ge @!p2 [sflag:s0], $0x1000  }
0x201: {  	[sflag:s0] =	ssyncset.done @!p2 $0x0  }
0x202: {  	s18 =	simm.s32 @!p2 $0x3300;
	[sflag:s0] =	ssyncadd.s32 @!p2 $0xFFFFF000;
	s0 =	simm.s32 @!p2 $0x80  }
0x203: {  	[tilespmem:s18], [sflag:$0x4] =	stream.indirect.gather @!p2 [hbm4b:s9+s0], $0x20, s0, s0, $0xb8;
	[tilespmem:$0x1FA00] =	vst v63  }
0x204: {  	s0 =	sadd.s32 $0xFFFFFFFE, s23  }
0x205: {  	p3 =	sgt.u32 s0, $0x186  }
0x206: {  	s25 =	sadd.s32 s11, s23;
	p4 =	sge.s32 @!p3 s0, s5  }
0x207: {  	p4 =	por p4, p3;
	p3 =	sgt.u32 s25, $0x1869  }
.Ltmp16:
0x208: {  	_ = 	snop;
	(pc) =	sbr.rel @p3 .LBB2_7-.Ltmp16, $4  }
0x209: {  	s0 =	simm.s32 @!p4 $0x5  }
0x20a: {  	_ =	swait.ge @!p4 [sflag:s0], $0x1000  }
0x20b: {  	[sflag:s0] =	ssyncset.done @!p4 $0x0  }
0x20c: {  	[sflag:s0] =	ssyncadd.s32 @!p4 $0xFFFFF000  }
0x20d: {  	_ =	swait.ge [sflag:s30], $0x1000  }
0x20e: {  	[sflag:s30] =	ssyncset.done $0x0  }
0x20f: {  	s25 =	simm.s32 $0x0;
	[sflag:s30] =	ssyncadd.s32 $0xFFFFF000  }
0x210: {  	v0 =	vld [tilespmem:s25+$0x370]  }
0x211: {  	v1 =	vld [tilespmem:s25+$0x2370]  }
0x212: {  	v2 =	vld [tilespmem:s25+$0x300]  }
0x213: {  	v3 =	vld [tilespmem:s25+$0x2300]  }
0x214: {  	v4 =	vld [tilespmem:s25+$0x310]  }
0x215: {  	v5 =	vld [tilespmem:s25+$0x2310]  }
0x216: {  	v6 =	vld [tilespmem:s25+$0x320]  }
0x217: {  	v0 =	vadd.f32 v1, v0;
	v1 =	vld [tilespmem:s25+$0x2320]  }
0x218: {  	v7 =	vld [tilespmem:s25+$0x330]  }
0x219: {  	v8 =	vld [tilespmem:s25+$0x2330];
	v2 =	vadd.f32 v3, v2  }
0x21a: {  	v9 =	vld [tilespmem:s25+$0x340];
	v0 =	vmax.f32 v0, $0.0e+00  }
0x21b: {  	[tilespmem:s25+$0x4370] =	vst v0;
	v0 =	vmax.f32 v2, $0.0e+00;
	v2 =	vadd.f32 v5, v4;
	v5 =	vld [tilespmem:s25+$0x2340]  }
0x21c: {  	v3 =	vld [tilespmem:s25+$0x2350];
	v1 =	vadd.f32 v1, v6  }
0x21d: {  	[tilespmem:s25+$0x4300] =	vst v0;
	v0 =	vld [tilespmem:s25+$0x350];
	v2 =	vmax.f32 v2, $0.0e+00  }
0x21e: {  	v4 =	vld [tilespmem:s25+$0x2360];
	v6 =	vadd.f32 v8, v7;
	[tilespmem:s25+$0x4310] =	vst v2;
	v2 =	vmax.f32 v1, $0.0e+00  }
0x21f: {  	s24 =	simm.s32 $0x80;
	v1 =	vld [tilespmem:s25+$0x360];
	[tilespmem:s25+$0x4320] =	vst v2  }
0x220: {  	s0 =	simm.s32 $0x400;
	v6 =	vmax.f32 v6, $0.0e+00;
	v5 =	vadd.f32 v5, v9;
	v2 =	vld [tilespmem:s24+$0x370]  }
.LBB2_5:
0x221: {  	p4 =	sne.s32 s0, $0x3E00;
	v7 =	vld [tilespmem:s24+$0x2370];
	[tilespmem:s25+$0x4330] =	vst v6  }
0x222: {  	v6 =	vld [tilespmem:s24+$0x300];
	v5 =	vmax.f32 v5, $0.0e+00;
	v0 =	vadd.f32 v3, v0  }
0x223: {  	v3 =	vld [tilespmem:s24+$0x2300];
	[tilespmem:s25+$0x4340] =	vst v5  }
0x224: {  	v5 =	vld [tilespmem:s24+$0x310];
	v0 =	vmax.f32 v0, $0.0e+00;
	v1 =	vadd.f32 v4, v1  }
0x225: {  	v4 =	vld [tilespmem:s24+$0x2310];
	[tilespmem:s25+$0x4350] =	vst v0  }
0x226: {  	v0 =	vld [tilespmem:s24+$0x320];
	v2 =	vadd.f32 v7, v2;
	v1 =	vmax.f32 v1, $0.0e+00  }
0x227: {  	v7 =	vld [tilespmem:s24+$0x2320];
	[tilespmem:s25+$0x4360] =	vst v1;
	s25 =	smov.u32 s24  }
0x228: {  	v1 =	vadd.f32 v3, v6;
	v6 =	vld [tilespmem:s25+$0x330];
	v2 =	vmax.f32 v2, $0.0e+00  }
0x229: {  	v8 =	vld [tilespmem:s25+$0x2330];
	[tilespmem:s25+$0x4370] =	vst v2  }
0x22a: {  	v1 =	vmax.f32 v1, $0.0e+00;
	v2 =	vadd.f32 v4, v5;
	v5 =	vld [tilespmem:s25+$0x340]  }
0x22b: {  	[tilespmem:s25+$0x4300] =	vst v1;
	v9 =	vld [tilespmem:s25+$0x2340]  }
.Ltmp17:
0x22c: {  	v1 =	vmax.f32 v2, $0.0e+00;
	v2 =	vadd.f32 v7, v0;
	v0 =	vld [tilespmem:s25+$0x350];
	(pc) =	sbr.rel @p4 .LBB2_5-.Ltmp17, $4  }
0x22d: {  	[tilespmem:s25+$0x4310] =	vst v1;
	v3 =	vld [tilespmem:s25+$0x2350]  }
0x22e: {  	v2 =	vmax.f32 v2, $0.0e+00;
	v6 =	vadd.f32 v8, v6;
	v1 =	vld [tilespmem:s25+$0x360]  }
0x22f: {  	s24 =	sshra.s32 s0, $0x2;
	[tilespmem:s25+$0x4320] =	vst v2;
	v4 =	vld [tilespmem:s25+$0x2360]  }
0x230: {  	s0 =	sadd.s32 $0x200, s0;
	v2 =	vld [tilespmem:s24+$0x370];
	v6 =	vmax.f32 v6, $0.0e+00;
	v5 =	vadd.f32 v9, v5  }
0x231: {  	v7 =	vld [tilespmem:s24+$0x2370];
	[tilespmem:s25+$0x4330] =	vst v6  }
0x232: {  	v6 =	vld [tilespmem:s24+$0x300];
	v5 =	vmax.f32 v5, $0.0e+00;
	v0 =	vadd.f32 v3, v0  }
0x233: {  	v8 =	vld [tilespmem:s24+$0x2300];
	[tilespmem:s25+$0x4340] =	vst v5  }
0x234: {  	v52 =	vld [tilespmem:s24+$0x310];
	v0 =	vmax.f32 v0, $0.0e+00;
	v1 =	vadd.f32 v4, v1  }
0x235: {  	v5 =	vld [tilespmem:s24+$0x2310];
	[tilespmem:s25+$0x4350] =	vst v0  }
0x236: {  	v0 =	vld [tilespmem:s24+$0x320];
	v1 =	vmax.f32 v1, $0.0e+00  }
0x237: {  	v53 =	vld [tilespmem:s24+$0x2320];
	[tilespmem:s25+$0x4360] =	vst v1  }
0x238: {  	v1 =	vld [tilespmem:s24+$0x330]  }
0x239: {  	v54 =	vld [tilespmem:s24+$0x2330]  }
0x23a: {  	v56 =	vld [tilespmem:s24+$0x340]  }
0x23b: {  	v57 =	vld [tilespmem:s24+$0x2340]  }
0x23c: {  	v58 =	vld [tilespmem:s24+$0x350]  }
0x23d: {  	v2 =	vadd.f32 v7, v2;
	v59 =	vld [tilespmem:s24+$0x2350]  }
0x23e: {  	v6 =	vadd.f32 v8, v6;
	v60 =	vld [tilespmem:s24+$0x360]  }
0x23f: {  	v2 =	vmax.f32 v2, $0.0e+00;
	v61 =	vld [tilespmem:s24+$0x2360];
	v3 =	vadd.f32 v5, v52  }
0x240: {  	[tilespmem:s24+$0x4370] =	vst v2;
	v55 =	vmax.f32 v6, $0.0e+00;
	v0 =	vadd.f32 v53, v0  }
0x241: {  	[tilespmem:s24+$0x4300] =	vst v55;
	v3 =	vmax.f32 v3, $0.0e+00;
	v1 =	vadd.f32 v54, v1  }
0x242: {  	[tilespmem:s24+$0x4310] =	vst v3;
	v0 =	vmax.f32 v0, $0.0e+00;
	v2 =	vadd.f32 v57, v56  }
0x243: {  	v3 =	vadd.f32 v59, v58;
	[tilespmem:s24+$0x4320] =	vst v0;
	v1 =	vmax.f32 v1, $0.0e+00  }
0x244: {  	v0 =	vadd.f32 v61, v60;
	v62 =	vmax.f32 v2, $0.0e+00;
	[tilespmem:s24+$0x4330] =	vst v1  }
0x245: {  	v63 =	vmax.f32 v3, $0.0e+00;
	[tilespmem:s24+$0x4340] =	vst v62  }
0x246: {  	[tilespmem:s24+$0x4350] =	vst v63;
	v0 =	vmax.f32 v0, $0.0e+00  }
0x247: {  	[tilespmem:s24+$0x4360] =	vst v0  }
0x248: {  	[spmem:s4] =	stream.indirect.scatter.add.f32 [tilespmem:s21], [sflag:$0x5], $0x20, s29, s20, $0xb8;
	[tilespmem:$0x1FA00] =	vst v63  }
.LBB2_7:
0x249: {  	s0 =	sadd.s32 s23, s11  }
0x24a: {  	s0 =	sadd.s32 $0x2, s0  }
0x24b: {  	p4 =	sgt.u32 s0, $0x1869  }
0x24c: {  	s18 =	sshll.u32 @!p4 s0, $0x4  }
0x24d: {  	s24 =	simm.s32 @!p4 $0x0;
	s19 =	sadd.s32 @!p4 s1, s18  }
0x24e: {  	[tilespmem:s24], [sflag:$0x1] =	stream.linear.gather @!p4 [hbm4b:s19+s24], $0x80, $0x38;
	[tilespmem:$0x1FA00] =	vst v63  }
0x24f: {  	s0 =	sshll.u32 @!p4 s0, $0x9;
	s18 =	sadd.s32 @!p4 s2, s18;
	s19 =	simm.s32 @!p4 $0x200  }
0x250: {  	[tilespmem:s19], [sflag:$0x1] =	stream.linear.gather @!p4 [hbm4b:s18+s24], $0x80, $0x38;
	[tilespmem:$0x1FA00] =	vst v63  }
0x251: {  	s0 =	sadd.s32 @!p4 s7, s0;
	s18 =	simm.s32 @!p4 $0x300  }
0x252: {  	[tilespmem:s18], [sflag:$0x1] =	stream.linear.gather @!p4 [hbm4b:s0+s24], $0x1000, $0x38;
	[tilespmem:$0x1FA00] =	vst v63  }
0x253: {  	s0 =	simm.s32 @!p4 $0x1  }
0x254: {  	_ =	swait.ge @!p4 [sflag:s0], $0x80  }
0x255: {  	[sflag:s0] =	ssyncset.done @!p4 $0x0  }
0x256: {  	[sflag:s0] =	ssyncadd.s32 @!p4 $0xFFFFFF80  }
0x257: {  	_ =	swait.ge @!p4 [sflag:s0], $0x80  }
0x258: {  	[sflag:s0] =	ssyncset.done @!p4 $0x0  }
0x259: {  	s25 =	sadd.s32 $0xFFFFFFFF, s23;
	[sflag:s0] =	ssyncadd.s32 @!p4 $0xFFFFFF80  }
0x25a: {  	p5 =	sgt.u32 s25, $0x186;
	_ =	swait.ge @!p4 [sflag:s0], $0x1000  }
0x25b: {  	p6 =	sgt.u32 @!p5 s23, s5;
	[sflag:s0] =	ssyncset.done @!p4 $0x0  }
0x25c: {  	s18 =	simm.s32 @!p4 $0x2300;
	[sflag:s0] =	ssyncadd.s32 @!p4 $0xFFFFF000;
	s0 =	simm.s32 @!p4 $0x80  }
0x25d: {  	[tilespmem:s18], [sflag:$0x3] =	stream.indirect.gather @!p4 [hbm4b:s9+s0], $0x20, s24, s0, $0xb8;
	[tilespmem:$0x1FA00] =	vst v63  }
.Ltmp18:
0x25e: {  	p5 =	por p6, p5;
	(pc) =	sbr.rel @p2 .LBB2_11-.Ltmp18, $4  }
0x25f: {  	s0 =	simm.s32 @!p5 $0x6  }
0x260: {  	_ =	swait.ge @!p5 [sflag:s0], $0x1000  }
0x261: {  	[sflag:s0] =	ssyncset.done @!p5 $0x0  }
0x262: {  	[sflag:s0] =	ssyncadd.s32 @!p5 $0xFFFFF000  }
0x263: {  	_ =	swait.ge [sflag:s6], $0x1000  }
0x264: {  	[sflag:s6] =	ssyncset.done $0x0  }
0x265: {  	s25 =	simm.s32 $0x0;
	[sflag:s6] =	ssyncadd.s32 $0xFFFFF000  }
0x266: {  	v0 =	vld [tilespmem:s25+$0x1370]  }
0x267: {  	v1 =	vld [tilespmem:s25+$0x3370]  }
0x268: {  	v2 =	vld [tilespmem:s25+$0x1300]  }
0x269: {  	v3 =	vld [tilespmem:s25+$0x3300]  }
0x26a: {  	v4 =	vld [tilespmem:s25+$0x1310]  }
0x26b: {  	v5 =	vld [tilespmem:s25+$0x3310]  }
0x26c: {  	v6 =	vld [tilespmem:s25+$0x1320]  }
0x26d: {  	v0 =	vadd.f32 v1, v0;
	v1 =	vld [tilespmem:s25+$0x3320]  }
0x26e: {  	v7 =	vld [tilespmem:s25+$0x1330]  }
0x26f: {  	v8 =	vld [tilespmem:s25+$0x3330];
	v2 =	vadd.f32 v3, v2  }
0x270: {  	v9 =	vld [tilespmem:s25+$0x1340];
	v0 =	vmax.f32 v0, $0.0e+00  }
0x271: {  	[tilespmem:s25+$0x5370] =	vst v0;
	v0 =	vmax.f32 v2, $0.0e+00;
	v2 =	vadd.f32 v5, v4;
	v5 =	vld [tilespmem:s25+$0x3340]  }
0x272: {  	v3 =	vld [tilespmem:s25+$0x3350];
	v1 =	vadd.f32 v1, v6  }
0x273: {  	[tilespmem:s25+$0x5300] =	vst v0;
	v0 =	vld [tilespmem:s25+$0x1350];
	v2 =	vmax.f32 v2, $0.0e+00  }
0x274: {  	v4 =	vld [tilespmem:s25+$0x3360];
	v6 =	vadd.f32 v8, v7;
	[tilespmem:s25+$0x5310] =	vst v2;
	v2 =	vmax.f32 v1, $0.0e+00  }
0x275: {  	s24 =	simm.s32 $0x80;
	v1 =	vld [tilespmem:s25+$0x1360];
	[tilespmem:s25+$0x5320] =	vst v2  }
0x276: {  	s0 =	simm.s32 $0x400;
	v6 =	vmax.f32 v6, $0.0e+00;
	v5 =	vadd.f32 v5, v9;
	v2 =	vld [tilespmem:s24+$0x1370]  }
.LBB2_9:
0x277: {  	p5 =	sne.s32 s0, $0x3E00;
	v7 =	vld [tilespmem:s24+$0x3370];
	[tilespmem:s25+$0x5330] =	vst v6  }
0x278: {  	v6 =	vld [tilespmem:s24+$0x1300];
	v5 =	vmax.f32 v5, $0.0e+00;
	v0 =	vadd.f32 v3, v0  }
0x279: {  	v3 =	vld [tilespmem:s24+$0x3300];
	[tilespmem:s25+$0x5340] =	vst v5  }
0x27a: {  	v5 =	vld [tilespmem:s24+$0x1310];
	v0 =	vmax.f32 v0, $0.0e+00;
	v1 =	vadd.f32 v4, v1  }
0x27b: {  	v4 =	vld [tilespmem:s24+$0x3310];
	[tilespmem:s25+$0x5350] =	vst v0  }
0x27c: {  	v0 =	vld [tilespmem:s24+$0x1320];
	v2 =	vadd.f32 v7, v2;
	v1 =	vmax.f32 v1, $0.0e+00  }
0x27d: {  	v7 =	vld [tilespmem:s24+$0x3320];
	[tilespmem:s25+$0x5360] =	vst v1;
	s25 =	smov.u32 s24  }
0x27e: {  	v1 =	vadd.f32 v3, v6;
	v6 =	vld [tilespmem:s25+$0x1330];
	v2 =	vmax.f32 v2, $0.0e+00  }
0x27f: {  	v8 =	vld [tilespmem:s25+$0x3330];
	[tilespmem:s25+$0x5370] =	vst v2  }
0x280: {  	v1 =	vmax.f32 v1, $0.0e+00;
	v2 =	vadd.f32 v4, v5;
	v5 =	vld [tilespmem:s25+$0x1340]  }
0x281: {  	[tilespmem:s25+$0x5300] =	vst v1;
	v9 =	vld [tilespmem:s25+$0x3340]  }
.Ltmp19:
0x282: {  	v1 =	vmax.f32 v2, $0.0e+00;
	v2 =	vadd.f32 v7, v0;
	v0 =	vld [tilespmem:s25+$0x1350];
	(pc) =	sbr.rel @p5 .LBB2_9-.Ltmp19, $4  }
0x283: {  	[tilespmem:s25+$0x5310] =	vst v1;
	v3 =	vld [tilespmem:s25+$0x3350]  }
0x284: {  	v2 =	vmax.f32 v2, $0.0e+00;
	v6 =	vadd.f32 v8, v6;
	v1 =	vld [tilespmem:s25+$0x1360]  }
0x285: {  	s24 =	sshra.s32 s0, $0x2;
	[tilespmem:s25+$0x5320] =	vst v2;
	v4 =	vld [tilespmem:s25+$0x3360]  }
0x286: {  	s0 =	sadd.s32 $0x200, s0;
	v2 =	vld [tilespmem:s24+$0x1370];
	v6 =	vmax.f32 v6, $0.0e+00;
	v5 =	vadd.f32 v9, v5  }
0x287: {  	v7 =	vld [tilespmem:s24+$0x3370];
	[tilespmem:s25+$0x5330] =	vst v6  }
0x288: {  	v6 =	vld [tilespmem:s24+$0x1300];
	v5 =	vmax.f32 v5, $0.0e+00;
	v0 =	vadd.f32 v3, v0  }
0x289: {  	v8 =	vld [tilespmem:s24+$0x3300];
	[tilespmem:s25+$0x5340] =	vst v5  }
0x28a: {  	v52 =	vld [tilespmem:s24+$0x1310];
	v0 =	vmax.f32 v0, $0.0e+00;
	v1 =	vadd.f32 v4, v1  }
0x28b: {  	v5 =	vld [tilespmem:s24+$0x3310];
	[tilespmem:s25+$0x5350] =	vst v0  }
0x28c: {  	v0 =	vld [tilespmem:s24+$0x1320];
	v1 =	vmax.f32 v1, $0.0e+00  }
0x28d: {  	v53 =	vld [tilespmem:s24+$0x3320];
	[tilespmem:s25+$0x5360] =	vst v1  }
0x28e: {  	v1 =	vld [tilespmem:s24+$0x1330]  }
0x28f: {  	v54 =	vld [tilespmem:s24+$0x3330]  }
0x290: {  	v56 =	vld [tilespmem:s24+$0x1340]  }
0x291: {  	v57 =	vld [tilespmem:s24+$0x3340]  }
0x292: {  	v58 =	vld [tilespmem:s24+$0x1350]  }
0x293: {  	v2 =	vadd.f32 v7, v2;
	v59 =	vld [tilespmem:s24+$0x3350]  }
0x294: {  	v6 =	vadd.f32 v8, v6;
	v60 =	vld [tilespmem:s24+$0x1360]  }
0x295: {  	v2 =	vmax.f32 v2, $0.0e+00;
	v61 =	vld [tilespmem:s24+$0x3360];
	v3 =	vadd.f32 v5, v52  }
0x296: {  	[tilespmem:s24+$0x5370] =	vst v2;
	v55 =	vmax.f32 v6, $0.0e+00;
	v0 =	vadd.f32 v53, v0  }
0x297: {  	[tilespmem:s24+$0x5300] =	vst v55;
	v3 =	vmax.f32 v3, $0.0e+00;
	v1 =	vadd.f32 v54, v1  }
0x298: {  	[tilespmem:s24+$0x5310] =	vst v3;
	v0 =	vmax.f32 v0, $0.0e+00;
	v2 =	vadd.f32 v57, v56  }
0x299: {  	v3 =	vadd.f32 v59, v58;
	[tilespmem:s24+$0x5320] =	vst v0;
	v1 =	vmax.f32 v1, $0.0e+00  }
0x29a: {  	v0 =	vadd.f32 v61, v60;
	v62 =	vmax.f32 v2, $0.0e+00;
	[tilespmem:s24+$0x5330] =	vst v1  }
0x29b: {  	v63 =	vmax.f32 v3, $0.0e+00;
	[tilespmem:s24+$0x5340] =	vst v62  }
0x29c: {  	[tilespmem:s24+$0x5350] =	vst v63;
	v0 =	vmax.f32 v0, $0.0e+00  }
0x29d: {  	[tilespmem:s24+$0x5360] =	vst v0  }
0x29e: {  	[spmem:s4] =	stream.indirect.scatter.add.f32 [tilespmem:s12], [sflag:$0x6], $0x20, s22, s20, $0xb8;
	[tilespmem:$0x1FA00] =	vst v63  }
.LBB2_11:
0x29f: {  	s0 =	sor.u32 $0x3, s23  }
0x2a0: {  	s18 =	sadd.s32 s11, s0  }
0x2a1: {  	p5 =	slt.u32 s0, $0x187;
	p6 =	slt.u32 s18, $0x186A  }
0x2a2: {  	p5 =	por !p5, !p6  }
0x2a3: {  	p5 =	por !p5, !p5  }
0x2a4: {  	s0 =	sshll.u32 @p5 s18, $0x4  }
0x2a5: {  	s24 =	simm.s32 @p5 $0x0;
	s25 =	simm.s32 @p5 $0x80;
	s19 =	sadd.s32 @p5 s1, s0  }
0x2a6: {  	[tilespmem:s25], [sflag:$0x2] =	stream.linear.gather @p5 [hbm4b:s19+s24], $0x80, $0x38;
	[tilespmem:$0x1FA00] =	vst v63  }
0x2a7: {  	s0 =	sadd.s32 @p5 s2, s0;
	s19 =	simm.s32 @p5 $0x280  }
0x2a8: {  	[tilespmem:s19], [sflag:$0x2] =	stream.linear.gather @p5 [hbm4b:s0+s24], $0x80, $0x38;
	[tilespmem:$0x1FA00] =	vst v63  }
0x2a9: {  	s0 =	sshll.u32 @p5 s18, $0x9  }
0x2aa: {  	s18 =	simm.s32 @p5 $0x1300;
	s0 =	sadd.s32 @p5 s7, s0  }
0x2ab: {  	[tilespmem:s18], [sflag:$0x2] =	stream.linear.gather @p5 [hbm4b:s0+s24], $0x1000, $0x38;
	[tilespmem:$0x1FA00] =	vst v63  }
0x2ac: {  	s0 =	simm.s32 @p5 $0x2  }
0x2ad: {  	_ =	swait.ge @p5 [sflag:s0], $0x80  }
0x2ae: {  	[sflag:s0] =	ssyncset.done @p5 $0x0  }
0x2af: {  	[sflag:s0] =	ssyncadd.s32 @p5 $0xFFFFFF80  }
0x2b0: {  	_ =	swait.ge @p5 [sflag:s0], $0x80  }
0x2b1: {  	[sflag:s0] =	ssyncset.done @p5 $0x0  }
0x2b2: {  	[sflag:s0] =	ssyncadd.s32 @p5 $0xFFFFFF80  }
0x2b3: {  	_ =	swait.ge @p5 [sflag:s0], $0x1000  }
0x2b4: {  	[sflag:s0] =	ssyncset.done @p5 $0x0  }
0x2b5: {  	[sflag:s0] =	ssyncadd.s32 @p5 $0xFFFFF000;
	s0 =	simm.s32 @p5 $0x3300  }
0x2b6: {  	[tilespmem:s0], [sflag:$0x4] =	stream.indirect.gather @p5 [hbm4b:s9+s25], $0x20, s25, s25, $0xb8;
	[tilespmem:$0x1FA00] =	vst v63  }
.Ltmp20:
0x2b7: {  	_ = 	snop;
	(pc) =	sbr.rel @p4 .LBB2_15-.Ltmp20, $4  }
0x2b8: {  	s0 =	simm.s32 @!p3 $0x5  }
0x2b9: {  	_ =	swait.ge @!p3 [sflag:s0], $0x1000  }
0x2ba: {  	[sflag:s0] =	ssyncset.done @!p3 $0x0  }
0x2bb: {  	[sflag:s0] =	ssyncadd.s32 @!p3 $0xFFFFF000  }
0x2bc: {  	_ =	swait.ge [sflag:s30], $0x1000  }
0x2bd: {  	[sflag:s30] =	ssyncset.done $0x0  }
0x2be: {  	s25 =	simm.s32 $0x0;
	[sflag:s30] =	ssyncadd.s32 $0xFFFFF000  }
0x2bf: {  	v0 =	vld [tilespmem:s25+$0x370]  }
0x2c0: {  	v1 =	vld [tilespmem:s25+$0x2370]  }
0x2c1: {  	v2 =	vld [tilespmem:s25+$0x300]  }
0x2c2: {  	v3 =	vld [tilespmem:s25+$0x2300]  }
0x2c3: {  	v4 =	vld [tilespmem:s25+$0x310]  }
0x2c4: {  	v5 =	vld [tilespmem:s25+$0x2310]  }
0x2c5: {  	v6 =	vld [tilespmem:s25+$0x320]  }
0x2c6: {  	v0 =	vadd.f32 v1, v0;
	v1 =	vld [tilespmem:s25+$0x2320]  }
0x2c7: {  	v7 =	vld [tilespmem:s25+$0x330]  }
0x2c8: {  	v8 =	vld [tilespmem:s25+$0x2330];
	v2 =	vadd.f32 v3, v2  }
0x2c9: {  	v9 =	vld [tilespmem:s25+$0x340];
	v0 =	vmax.f32 v0, $0.0e+00  }
0x2ca: {  	[tilespmem:s25+$0x4370] =	vst v0;
	v0 =	vmax.f32 v2, $0.0e+00;
	v2 =	vadd.f32 v5, v4;
	v5 =	vld [tilespmem:s25+$0x2340]  }
0x2cb: {  	v3 =	vld [tilespmem:s25+$0x2350];
	v1 =	vadd.f32 v1, v6  }
0x2cc: {  	[tilespmem:s25+$0x4300] =	vst v0;
	v0 =	vld [tilespmem:s25+$0x350];
	v2 =	vmax.f32 v2, $0.0e+00  }
0x2cd: {  	v4 =	vld [tilespmem:s25+$0x2360];
	v6 =	vadd.f32 v8, v7;
	[tilespmem:s25+$0x4310] =	vst v2;
	v2 =	vmax.f32 v1, $0.0e+00  }
0x2ce: {  	s24 =	simm.s32 $0x80;
	v1 =	vld [tilespmem:s25+$0x360];
	[tilespmem:s25+$0x4320] =	vst v2  }
0x2cf: {  	s0 =	simm.s32 $0x400;
	v6 =	vmax.f32 v6, $0.0e+00;
	v5 =	vadd.f32 v5, v9;
	v2 =	vld [tilespmem:s24+$0x370]  }
.LBB2_13:
0x2d0: {  	p3 =	sne.s32 s0, $0x3E00;
	v7 =	vld [tilespmem:s24+$0x2370];
	[tilespmem:s25+$0x4330] =	vst v6  }
0x2d1: {  	v6 =	vld [tilespmem:s24+$0x300];
	v5 =	vmax.f32 v5, $0.0e+00;
	v0 =	vadd.f32 v3, v0  }
0x2d2: {  	v3 =	vld [tilespmem:s24+$0x2300];
	[tilespmem:s25+$0x4340] =	vst v5  }
0x2d3: {  	v5 =	vld [tilespmem:s24+$0x310];
	v0 =	vmax.f32 v0, $0.0e+00;
	v1 =	vadd.f32 v4, v1  }
0x2d4: {  	v4 =	vld [tilespmem:s24+$0x2310];
	[tilespmem:s25+$0x4350] =	vst v0  }
0x2d5: {  	v0 =	vld [tilespmem:s24+$0x320];
	v2 =	vadd.f32 v7, v2;
	v1 =	vmax.f32 v1, $0.0e+00  }
0x2d6: {  	v7 =	vld [tilespmem:s24+$0x2320];
	[tilespmem:s25+$0x4360] =	vst v1;
	s25 =	smov.u32 s24  }
0x2d7: {  	v1 =	vadd.f32 v3, v6;
	v6 =	vld [tilespmem:s25+$0x330];
	v2 =	vmax.f32 v2, $0.0e+00  }
0x2d8: {  	v8 =	vld [tilespmem:s25+$0x2330];
	[tilespmem:s25+$0x4370] =	vst v2  }
0x2d9: {  	v1 =	vmax.f32 v1, $0.0e+00;
	v2 =	vadd.f32 v4, v5;
	v5 =	vld [tilespmem:s25+$0x340]  }
0x2da: {  	[tilespmem:s25+$0x4300] =	vst v1;
	v9 =	vld [tilespmem:s25+$0x2340]  }
.Ltmp21:
0x2db: {  	v1 =	vmax.f32 v2, $0.0e+00;
	v2 =	vadd.f32 v7, v0;
	v0 =	vld [tilespmem:s25+$0x350];
	(pc) =	sbr.rel @p3 .LBB2_13-.Ltmp21, $4  }
0x2dc: {  	[tilespmem:s25+$0x4310] =	vst v1;
	v3 =	vld [tilespmem:s25+$0x2350]  }
0x2dd: {  	v2 =	vmax.f32 v2, $0.0e+00;
	v6 =	vadd.f32 v8, v6;
	v1 =	vld [tilespmem:s25+$0x360]  }
0x2de: {  	s24 =	sshra.s32 s0, $0x2;
	[tilespmem:s25+$0x4320] =	vst v2;
	v4 =	vld [tilespmem:s25+$0x2360]  }
0x2df: {  	s0 =	sadd.s32 $0x200, s0;
	v2 =	vld [tilespmem:s24+$0x370];
	v6 =	vmax.f32 v6, $0.0e+00;
	v5 =	vadd.f32 v9, v5  }
0x2e0: {  	v7 =	vld [tilespmem:s24+$0x2370];
	[tilespmem:s25+$0x4330] =	vst v6  }
0x2e1: {  	v6 =	vld [tilespmem:s24+$0x300];
	v5 =	vmax.f32 v5, $0.0e+00;
	v0 =	vadd.f32 v3, v0  }
0x2e2: {  	v8 =	vld [tilespmem:s24+$0x2300];
	[tilespmem:s25+$0x4340] =	vst v5  }
0x2e3: {  	v52 =	vld [tilespmem:s24+$0x310];
	v0 =	vmax.f32 v0, $0.0e+00;
	v1 =	vadd.f32 v4, v1  }
0x2e4: {  	v5 =	vld [tilespmem:s24+$0x2310];
	[tilespmem:s25+$0x4350] =	vst v0  }
0x2e5: {  	v0 =	vld [tilespmem:s24+$0x320];
	v1 =	vmax.f32 v1, $0.0e+00  }
0x2e6: {  	v53 =	vld [tilespmem:s24+$0x2320];
	[tilespmem:s25+$0x4360] =	vst v1  }
0x2e7: {  	v1 =	vld [tilespmem:s24+$0x330]  }
0x2e8: {  	v54 =	vld [tilespmem:s24+$0x2330]  }
0x2e9: {  	v56 =	vld [tilespmem:s24+$0x340]  }
0x2ea: {  	v57 =	vld [tilespmem:s24+$0x2340]  }
0x2eb: {  	v58 =	vld [tilespmem:s24+$0x350]  }
0x2ec: {  	v2 =	vadd.f32 v7, v2;
	v59 =	vld [tilespmem:s24+$0x2350]  }
0x2ed: {  	v6 =	vadd.f32 v8, v6;
	v60 =	vld [tilespmem:s24+$0x360]  }
0x2ee: {  	v2 =	vmax.f32 v2, $0.0e+00;
	v61 =	vld [tilespmem:s24+$0x2360];
	v3 =	vadd.f32 v5, v52  }
0x2ef: {  	[tilespmem:s24+$0x4370] =	vst v2;
	v55 =	vmax.f32 v6, $0.0e+00;
	v0 =	vadd.f32 v53, v0  }
0x2f0: {  	[tilespmem:s24+$0x4300] =	vst v55;
	v3 =	vmax.f32 v3, $0.0e+00;
	v1 =	vadd.f32 v54, v1  }
0x2f1: {  	[tilespmem:s24+$0x4310] =	vst v3;
	v0 =	vmax.f32 v0, $0.0e+00;
	v2 =	vadd.f32 v57, v56  }
0x2f2: {  	v3 =	vadd.f32 v59, v58;
	[tilespmem:s24+$0x4320] =	vst v0;
	v1 =	vmax.f32 v1, $0.0e+00  }
0x2f3: {  	v0 =	vadd.f32 v61, v60;
	v62 =	vmax.f32 v2, $0.0e+00;
	[tilespmem:s24+$0x4330] =	vst v1  }
0x2f4: {  	v63 =	vmax.f32 v3, $0.0e+00;
	[tilespmem:s24+$0x4340] =	vst v62  }
0x2f5: {  	[tilespmem:s24+$0x4350] =	vst v63;
	v0 =	vmax.f32 v0, $0.0e+00  }
0x2f6: {  	s0 =	simm.s32 $0x200;
	[tilespmem:s24+$0x4360] =	vst v0  }
0x2f7: {  	[spmem:s4] =	stream.indirect.scatter.add.f32 [tilespmem:s21], [sflag:$0x5], $0x20, s0, s20, $0xb8;
	[tilespmem:$0x1FA00] =	vst v63  }
.LBB2_15:
0x2f8: {  	p3 =	seq.s32 s31, $0x61;
	s0 =	sadd.s32 s23, s3  }
0x2f9: {  	p4 =	sgt.u32 @!p3 s0, $0x1869  }
0x2fa: {  	p4 =	por p4, p3  }
0x2fb: {  	s18 =	sshll.u32 @!p4 s0, $0x4  }
0x2fc: {  	s24 =	simm.s32 @!p4 $0x0;
	s19 =	sadd.s32 @!p4 s1, s18  }
0x2fd: {  	[tilespmem:s24], [sflag:$0x1] =	stream.linear.gather @!p4 [hbm4b:s19+s24], $0x80, $0x38;
	[tilespmem:$0x1FA00] =	vst v63  }
0x2fe: {  	s0 =	sshll.u32 @!p4 s0, $0x9;
	s18 =	sadd.s32 @!p4 s2, s18;
	s19 =	simm.s32 @!p4 $0x100  }
0x2ff: {  	[tilespmem:s19], [sflag:$0x1] =	stream.linear.gather @!p4 [hbm4b:s18+s24], $0x80, $0x38;
	[tilespmem:$0x1FA00] =	vst v63  }
0x300: {  	s0 =	sadd.s32 @!p4 s7, s0;
	s18 =	simm.s32 @!p4 $0x300  }
0x301: {  	[tilespmem:s18], [sflag:$0x1] =	stream.linear.gather @!p4 [hbm4b:s0+s24], $0x1000, $0x38;
	[tilespmem:$0x1FA00] =	vst v63  }
0x302: {  	s0 =	simm.s32 @!p4 $0x1  }
0x303: {  	_ =	swait.ge @!p4 [sflag:s0], $0x80  }
0x304: {  	[sflag:s0] =	ssyncset.done @!p4 $0x0  }
0x305: {  	[sflag:s0] =	ssyncadd.s32 @!p4 $0xFFFFFF80  }
0x306: {  	_ =	swait.ge @!p4 [sflag:s0], $0x80  }
0x307: {  	[sflag:s0] =	ssyncset.done @!p4 $0x0  }
0x308: {  	[sflag:s0] =	ssyncadd.s32 @!p4 $0xFFFFFF80  }
0x309: {  	_ =	swait.ge @!p4 [sflag:s0], $0x1000  }
0x30a: {  	[sflag:s0] =	ssyncset.done @!p4 $0x0  }
0x30b: {  	s18 =	simm.s32 @!p4 $0x2300;
	[sflag:s0] =	ssyncadd.s32 @!p4 $0xFFFFF000;
	s0 =	simm.s32 @!p4 $0x80  }
0x30c: {  	[tilespmem:s18], [sflag:$0x3] =	stream.indirect.gather @!p4 [hbm4b:s9+s0], $0x20, s24, s0, $0xb8;
	[tilespmem:$0x1FA00] =	vst v63  }
.Ltmp22:
0x30d: {  	_ = 	snop;
	(pc) =	sbr.rel @!p5 .LBB2_19-.Ltmp22, $4  }
0x30e: {  	s0 =	simm.s32 @!p2 $0x6  }
0x30f: {  	_ =	swait.ge @!p2 [sflag:s0], $0x1000  }
0x310: {  	[sflag:s0] =	ssyncset.done @!p2 $0x0  }
0x311: {  	[sflag:s0] =	ssyncadd.s32 @!p2 $0xFFFFF000  }
0x312: {  	_ =	swait.ge [sflag:s6], $0x1000  }
0x313: {  	[sflag:s6] =	ssyncset.done $0x0  }
0x314: {  	s25 =	simm.s32 $0x0;
	[sflag:s6] =	ssyncadd.s32 $0xFFFFF000  }
0x315: {  	v0 =	vld [tilespmem:s25+$0x1370]  }
0x316: {  	v1 =	vld [tilespmem:s25+$0x3370]  }
0x317: {  	v2 =	vld [tilespmem:s25+$0x1300]  }
0x318: {  	v3 =	vld [tilespmem:s25+$0x3300]  }
0x319: {  	v4 =	vld [tilespmem:s25+$0x1310]  }
0x31a: {  	v5 =	vld [tilespmem:s25+$0x3310]  }
0x31b: {  	v6 =	vld [tilespmem:s25+$0x1320]  }
0x31c: {  	v0 =	vadd.f32 v1, v0;
	v1 =	vld [tilespmem:s25+$0x3320]  }
0x31d: {  	v7 =	vld [tilespmem:s25+$0x1330]  }
0x31e: {  	v8 =	vld [tilespmem:s25+$0x3330];
	v2 =	vadd.f32 v3, v2  }
0x31f: {  	v9 =	vld [tilespmem:s25+$0x1340];
	v0 =	vmax.f32 v0, $0.0e+00  }
0x320: {  	[tilespmem:s25+$0x5370] =	vst v0;
	v0 =	vmax.f32 v2, $0.0e+00;
	v2 =	vadd.f32 v5, v4;
	v5 =	vld [tilespmem:s25+$0x3340]  }
0x321: {  	v3 =	vld [tilespmem:s25+$0x3350];
	v1 =	vadd.f32 v1, v6  }
0x322: {  	[tilespmem:s25+$0x5300] =	vst v0;
	v0 =	vld [tilespmem:s25+$0x1350];
	v2 =	vmax.f32 v2, $0.0e+00  }
0x323: {  	v4 =	vld [tilespmem:s25+$0x3360];
	v6 =	vadd.f32 v8, v7;
	[tilespmem:s25+$0x5310] =	vst v2;
	v2 =	vmax.f32 v1, $0.0e+00  }
0x324: {  	s24 =	simm.s32 $0x80;
	v1 =	vld [tilespmem:s25+$0x1360];
	[tilespmem:s25+$0x5320] =	vst v2  }
0x325: {  	s0 =	simm.s32 $0x400;
	v6 =	vmax.f32 v6, $0.0e+00;
	v5 =	vadd.f32 v5, v9;
	v2 =	vld [tilespmem:s24+$0x1370]  }
.LBB2_17:
0x326: {  	p2 =	sne.s32 s0, $0x3E00;
	v7 =	vld [tilespmem:s24+$0x3370];
	[tilespmem:s25+$0x5330] =	vst v6  }
0x327: {  	v5 =	vmax.f32 v5, $0.0e+00;
	v0 =	vadd.f32 v3, v0;
	v6 =	vld [tilespmem:s24+$0x1300]  }
0x328: {  	v3 =	vld [tilespmem:s24+$0x3300];
	[tilespmem:s25+$0x5340] =	vst v5  }
0x329: {  	v1 =	vadd.f32 v4, v1;
	v0 =	vmax.f32 v0, $0.0e+00;
	v5 =	vld [tilespmem:s24+$0x1310]  }
0x32a: {  	v4 =	vld [tilespmem:s24+$0x3310];
	[tilespmem:s25+$0x5350] =	vst v0  }
0x32b: {  	v1 =	vmax.f32 v1, $0.0e+00;
	v0 =	vld [tilespmem:s24+$0x1320];
	v2 =	vadd.f32 v7, v2  }
0x32c: {  	v7 =	vld [tilespmem:s24+$0x3320];
	[tilespmem:s25+$0x5360] =	vst v1;
	s25 =	smov.u32 s24  }
0x32d: {  	v1 =	vadd.f32 v3, v6;
	v6 =	vld [tilespmem:s25+$0x1330];
	v2 =	vmax.f32 v2, $0.0e+00  }
0x32e: {  	v8 =	vld [tilespmem:s25+$0x3330];
	[tilespmem:s25+$0x5370] =	vst v2  }
0x32f: {  	v1 =	vmax.f32 v1, $0.0e+00;
	v2 =	vadd.f32 v4, v5;
	v5 =	vld [tilespmem:s25+$0x1340]  }
0x330: {  	[tilespmem:s25+$0x5300] =	vst v1;
	v9 =	vld [tilespmem:s25+$0x3340]  }
.Ltmp23:
0x331: {  	v1 =	vmax.f32 v2, $0.0e+00;
	v2 =	vadd.f32 v7, v0;
	v0 =	vld [tilespmem:s25+$0x1350];
	(pc) =	sbr.rel @p2 .LBB2_17-.Ltmp23, $4  }
0x332: {  	[tilespmem:s25+$0x5310] =	vst v1;
	v3 =	vld [tilespmem:s25+$0x3350]  }
0x333: {  	v2 =	vmax.f32 v2, $0.0e+00;
	v6 =	vadd.f32 v8, v6;
	v1 =	vld [tilespmem:s25+$0x1360]  }
0x334: {  	s24 =	sshra.s32 s0, $0x2;
	[tilespmem:s25+$0x5320] =	vst v2;
	v4 =	vld [tilespmem:s25+$0x3360]  }
0x335: {  	s0 =	sadd.s32 $0x200, s0;
	v2 =	vld [tilespmem:s24+$0x1370];
	v6 =	vmax.f32 v6, $0.0e+00;
	v5 =	vadd.f32 v9, v5  }
.Ltmp24:
0x336: {  	_ = 	snop;
	(pc) =	sbr.rel .LBB2_18-.Ltmp24, $1  }
0x337: {  	_ =	sdelay $0x3  }
.LBB2_41:
0x338: {  	s0 =	simm.s32 @!p1 $0x5  }
0x339: {  	_ =	swait.ge @!p1 [sflag:s0], $0x1000  }
0x33a: {  	[sflag:s0] =	ssyncset.done @!p1 $0x0  }
0x33b: {  	[sflag:s0] =	ssyncadd.s32 @!p1 $0xFFFFF000  }
0x33c: {  	[bflag:$0x0] =	sbarrier.arrive $0xFFFF  }
0x33d: {  	s25 =	rddreg [dreg:$0x14]  }
0x33e: {  	s14 =	simm.s32 $0x7;
	s13 =	rddreg [dreg:$0x1d]  }
0x33f: {  	[hbm:s25], [sflag:s28] =	dma.local [spmem:s13], $0x30E0  }
0x340: {  	_ =	swait.ge [sflag:s14], $0x30E0  }
0x341: {  	[sflag:s14] =	ssyncset.done $0x0  }
0x342: {  	[sflag:s14] =	ssyncadd.s32 $0xFFFFCF20  }
0x343: {  	[spmem:s13], [sflag:s28] =	dma.local [hbm:s26], $0x30E0  }
0x344: {  	_ =	swait.ge [sflag:s14], $0x30E0  }
0x345: {  	[sflag:s14] =	ssyncset.done $0x0  }
0x346: {  	[sflag:s14] =	ssyncadd.s32 $0xFFFFCF20  }
0x347: {  	s18 =	simm.s32 $0x6300;
	s26 =	simm.s32 $0x0;
	s19 =	rddreg [dreg:$0x3]  }
0x348: {  	[tilespmem:s18], [sflag:$0x7] =	stream.linear.gather [hbm4b:s19+s26], $0x1000, $0x38;
	[tilespmem:$0x1FA00] =	vst v63  }
0x349: {  	_ =	swait.ge [sflag:s14], $0x1000  }
0x34a: {  	[sflag:s14] =	ssyncset.done $0x0  }
0x34b: {  	[sflag:s14] =	ssyncadd.s32 $0xFFFFF000  }
0x34c: {  	[bflag:$0x0] =	sbarrier.arrive $0xFFFF  }
0x34d: {  	s23 =	rddreg [dreg:$0x11]  }
0x34e: {  	[tilespmem:s29], [sflag:$0x1] =	stream.linear.gather [hbm4b:s23+s26], $0x80, $0x38;
	[tilespmem:$0x1FA00] =	vst v63  }
0x34f: {  	s25 =	sadd.s32 $0x0, s17;
	s24 =	rddreg [dreg:$0x19]  }
0x350: {  	[tilespmem:s22], [sflag:$0x2] =	stream.linear.gather [hbm4b:s24+s26], $0x80, $0x38;
	[tilespmem:$0x1FA00] =	vst v63  }
0x351: {  	s26 =	sadd.s32 $0xC35, s25  }
0x352: {  	s31 =	sadd.s32 $0x2, s17;
	s0 =	sadd.s32 $0xC36, s25;
	p3 =	sgt.u32 s26, $0x1869  }
0x353: {  	p2 =	sgt.u32 s0, $0x1869;
	s29 =	sadd.s32 $0xC37, s25;
	s13 =	simm.s32 @!p3 $0x1  }
0x354: {  	s14 =	sadd.s32 $0xC38, s25;
	p4 =	sgt.u32 s29, $0x1869;
	_ =	swait.ge @!p3 [sflag:s13], $0x80  }
0x355: {  	s18 =	simm.s32 @!p3 $0x6300;
	s19 =	simm.s32 @!p3 $0x7;
	[sflag:s13] =	ssyncset.done @!p3 $0x0  }
0x356: {  	s23 =	simm.s32 @!p3 $0x100;
	[sflag:s13] =	ssyncadd.s32 @!p3 $0xFFFFFF80;
	s13 =	simm.s32 @!p3 $0x80  }
0x357: {  	[spmem:s4] =	stream.indirect.scatter.add.f32 @!p3 [tilespmem:s18], [sflag:$0x7], $0x20, s23, s13, $0xb8;
	[tilespmem:$0x1FA00] =	vst v63  }
0x358: {  	p5 =	sgt.u32 s14, $0x1869;
	s13 =	simm.s32 @!p4 $0x0;
	_ =	swait.ge @!p3 [sflag:s19], $0x1000  }
0x359: {  	s18 =	simm.s32 @!p4 $0x100;
	[sflag:s19] =	ssyncset.done @!p3 $0x0;
	s26 =	rddreg [dreg:$0x1b]  }
0x35a: {  	[sflag:s19] =	ssyncadd.s32 @!p3 $0xFFFFF000;
	s0 =	sadd.s32 @!p4 $0xFFFFFFF0, s26;
	s19 =	simm.s32 @!p2 $0x2  }
0x35b: {  	[tilespmem:s18], [sflag:$0x1] =	stream.linear.gather @!p4 [hbm4b:s0+s13], $0x80, $0x38;
	[tilespmem:$0x1FA00] =	vst v63  }
0x35c: {  	s28 =	simm.s32 @!p5 $0x0;
	s24 =	simm.s32 $0x4;
	_ =	swait.ge @!p2 [sflag:s19], $0x80  }
0x35d: {  	s25 =	simm.s32 @!p2 $0x180;
	s0 =	simm.s32 @!p2 $0x6300;
	[sflag:s19] =	ssyncset.done @!p2 $0x0  }
0x35e: {  	s13 =	simm.s32 @!p2 $0x80;
	s18 =	simm.s32 @!p2 $0x7;
	[sflag:s19] =	ssyncadd.s32 @!p2 $0xFFFFFF80  }
0x35f: {  	[spmem:s4] =	stream.indirect.scatter.add.f32 @!p2 [tilespmem:s0], [sflag:$0x7], $0x20, s25, s13, $0xb8;
	[tilespmem:$0x1FA00] =	vst v63  }
0x360: {  	s23 =	sadd.s32 $0xC38, s31;
	s19 =	sadd.s32 $0xC35, s31;
	_ =	swait.ge @!p2 [sflag:s18], $0x1000  }
0x361: {  	s25 =	sadd.s32 $0x20, s26;
	s0 =	smov.u32 s26;
	[sflag:s18] =	ssyncset.done @!p2 $0x0  }
.LBB2_42:
0x362: {  	s13 =	sadd.s32 s24, s17;
	s24 =	sadd.s32 $0x2, s24;
	[sflag:s18] =	ssyncadd.s32 @!p2 $0xFFFFF000  }
0x363: {  	p4 =	sgt.u32 s19, $0x1869;
	s14 =	simm.s32 @!p5 $0x180;
	p3 =	sne.s32 s24, $0xC2  }
0x364: {  	[tilespmem:s14], [sflag:$0x2] =	stream.linear.gather @!p5 [hbm4b:s0+s28], $0x80, $0x38;
	[tilespmem:$0x1FA00] =	vst v63  }
0x365: {  	s19 =	smov.u32 s23;
	s23 =	sadd.s32 $0xC38, s13;
	s14 =	simm.s32 @!p4 $0x1  }
0x366: {  	s0 =	smov.u32 s25;
	_ =	swait.ge @!p4 [sflag:s14], $0x80  }
0x367: {  	s18 =	simm.s32 @!p4 $0x6300;
	s26 =	simm.s32 @!p4 $0x7;
	[sflag:s14] =	ssyncset.done @!p4 $0x0  }
0x368: {  	s28 =	simm.s32 @!p4 $0x100;
	[sflag:s14] =	ssyncadd.s32 @!p4 $0xFFFFFF80;
	s14 =	simm.s32 @!p4 $0x80  }
0x369: {  	[spmem:s4] =	stream.indirect.scatter.add.f32 @!p4 [tilespmem:s18], [sflag:$0x7], $0x20, s28, s14, $0xb8;
	[tilespmem:$0x1FA00] =	vst v63  }
0x36a: {  	s14 =	sadd.s32 $0xC37, s31;
	s18 =	sadd.s32 $0xC36, s31;
	_ =	swait.ge @!p4 [sflag:s26], $0x1000  }
0x36b: {  	p5 =	sgt.u32 s14, $0x1869;
	p2 =	sgt.u32 s18, $0x1869;
	[sflag:s26] =	ssyncset.done @!p4 $0x0  }
0x36c: {  	s14 =	sadd.s32 @!p5 $0xFFFFFFF0, s25;
	s18 =	simm.s32 @!p5 $0x0;
	[sflag:s26] =	ssyncadd.s32 @!p4 $0xFFFFF000  }
0x36d: {  	s31 =	smov.u32 s13;
	s28 =	simm.s32 @!p2 $0x2;
	s26 =	simm.s32 @!p5 $0x100  }
0x36e: {  	[tilespmem:s26], [sflag:$0x1] =	stream.linear.gather @!p5 [hbm4b:s14+s18], $0x80, $0x38;
	[tilespmem:$0x1FA00] =	vst v63  }
0x36f: {  	s13 =	simm.s32 @!p2 $0x6300;
	s14 =	simm.s32 @!p2 $0x80;
	_ =	swait.ge @!p2 [sflag:s28], $0x80  }
.Ltmp25:
0x370: {  	s26 =	simm.s32 @!p2 $0x180;
	[sflag:s28] =	ssyncset.done @!p2 $0x0;
	(pc) =	sbr.rel @p3 .LBB2_42-.Ltmp25, $4  }
0x371: {  	s18 =	simm.s32 @!p2 $0x7;
	[sflag:s28] =	ssyncadd.s32 @!p2 $0xFFFFFF80  }
0x372: {  	[spmem:s4] =	stream.indirect.scatter.add.f32 @!p2 [tilespmem:s13], [sflag:$0x7], $0x20, s26, s14, $0xb8;
	[tilespmem:$0x1FA00] =	vst v63  }
0x373: {  	s25 =	sadd.s32 $0x20, s25;
	p5 =	sgt.u32 s19, $0x1869;
	_ =	swait.ge @!p2 [sflag:s18], $0x1000  }
0x374: {  	s19 =	sadd.s32 $0xC35, s31;
	s28 =	simm.s32 @!p5 $0x0;
	[sflag:s18] =	ssyncset.done @!p2 $0x0  }
0x375: {  	[sflag:s18] =	ssyncadd.s32 @!p2 $0xFFFFF000;
	p3 =	sgt.u32 s19, $0x1869;
	s13 =	simm.s32 @!p5 $0x180  }
0x376: {  	[tilespmem:s13], [sflag:$0x2] =	stream.linear.gather @!p5 [hbm4b:s0+s28], $0x80, $0x38;
	[tilespmem:$0x1FA00] =	vst v63  }
0x377: {  	s0 =	simm.s32 @!p3 $0x1  }
0x378: {  	s13 =	simm.s32 @!p3 $0x6300;
	s14 =	simm.s32 @!p3 $0x7;
	_ =	swait.ge @!p3 [sflag:s0], $0x80  }
0x379: {  	s18 =	simm.s32 @!p3 $0x100;
	s28 =	sadd.s32 $0xC37, s31;
	[sflag:s0] =	ssyncset.done @!p3 $0x0  }
0x37a: {  	s31 =	sadd.s32 $0xC36, s31;
	[sflag:s0] =	ssyncadd.s32 @!p3 $0xFFFFFF80;
	s0 =	simm.s32 @!p3 $0x80  }
0x37b: {  	[spmem:s4] =	stream.indirect.scatter.add.f32 @!p3 [tilespmem:s13], [sflag:$0x7], $0x20, s18, s0, $0xb8;
	[tilespmem:$0x1FA00] =	vst v63  }
0x37c: {  	p4 =	sgt.u32 s28, $0x1869;
	p2 =	sgt.u32 s31, $0x1869;
	_ =	swait.ge @!p3 [sflag:s14], $0x1000  }
0x37d: {  	s0 =	sadd.s32 @!p4 $0xFFFFFFF0, s25;
	s13 =	simm.s32 @!p4 $0x0;
	[sflag:s14] =	ssyncset.done @!p3 $0x0  }
0x37e: {  	s18 =	simm.s32 @!p2 $0x2;
	[sflag:s14] =	ssyncadd.s32 @!p3 $0xFFFFF000;
	s14 =	simm.s32 @!p4 $0x100  }
0x37f: {  	[tilespmem:s14], [sflag:$0x1] =	stream.linear.gather @!p4 [hbm4b:s0+s13], $0x80, $0x38;
	[tilespmem:$0x1FA00] =	vst v63  }
0x380: {  	_ =	swait.ge @!p2 [sflag:s18], $0x80  }
0x381: {  	s0 =	simm.s32 @!p2 $0x6300;
	s13 =	simm.s32 @!p2 $0x80;
	[sflag:s18] =	ssyncset.done @!p2 $0x0  }
0x382: {  	s14 =	simm.s32 @!p2 $0x180;
	[sflag:s18] =	ssyncadd.s32 @!p2 $0xFFFFFF80;
	s18 =	simm.s32 @!p2 $0x7  }
0x383: {  	[spmem:s4] =	stream.indirect.scatter.add.f32 @!p2 [tilespmem:s0], [sflag:$0x7], $0x20, s14, s13, $0xb8;
	[tilespmem:$0x1FA00] =	vst v63  }
.Ltmp26:
0x384: {  	p3 =	sgt.u32 s23, $0x1869;
	_ =	swait.ge @!p2 [sflag:s18], $0x1000;
	(pc) =	sbr.rel @p1 .LBB2_45-.Ltmp26, $4  }
.Ltmp27:
0x385: {  	s0 =	simm.s32 @!p3 $0x0;
	[sflag:s18] =	ssyncset.done @!p2 $0x0;
	(pc) =	sbr.rel @!p1 .LBB2_44-.Ltmp27, $4  }
0x386: {  	s13 =	simm.s32 @!p3 $0x180;
	s29 =	rddreg [dreg:$0x1c];
	[sflag:s18] =	ssyncadd.s32 @!p2 $0xFFFFF000  }
0x387: {  	[tilespmem:s13], [sflag:$0x2] =	stream.linear.gather @!p3 [hbm4b:s25+s0], $0x80, $0x38;
	[tilespmem:$0x1FA00] =	vst v63  }
0x388: {  	s0 =	rddreg [dreg:$0x15];
	s13 =	simm.s32 $0x7  }
0x389: {  	_ = 	snop  }
.LBB2_20:
0x38a: {  	s0 =	simm.s32 @!p1 $0x5  }
0x38b: {  	_ =	swait.ge @!p1 [sflag:s0], $0x1000  }
0x38c: {  	[sflag:s0] =	ssyncset.done @!p1 $0x0  }
0x38d: {  	[sflag:s0] =	ssyncadd.s32 @!p1 $0xFFFFF000  }
0x38e: {  	[bflag:$0x0] =	sbarrier.arrive $0xFFFF  }
0x38f: {  	s18 =	rddreg [dreg:$0x12]  }
0x390: {  	s23 =	simm.s32 $0x7;
	s13 =	rddreg [dreg:$0x1d]  }
0x391: {  	[hbm:s18], [sflag:s28] =	dma.local [spmem:s13], $0x30E0  }
0x392: {  	_ =	swait.ge [sflag:s23], $0x30E0  }
0x393: {  	[sflag:s23] =	ssyncset.done $0x0  }
0x394: {  	[sflag:s23] =	ssyncadd.s32 $0xFFFFCF20  }
0x395: {  	[spmem:s13], [sflag:s28] =	dma.local [hbm:s26], $0x30E0  }
0x396: {  	_ =	swait.ge [sflag:s23], $0x30E0  }
0x397: {  	[sflag:s23] =	ssyncset.done $0x0  }
0x398: {  	[sflag:s23] =	ssyncadd.s32 $0xFFFFCF20  }
0x399: {  	s24 =	simm.s32 $0x0;
	s18 =	simm.s32 $0x6300;
	s25 =	rddreg [dreg:$0x3]  }
0x39a: {  	[tilespmem:s18], [sflag:$0x7] =	stream.linear.gather [hbm4b:s25+s24], $0x1000, $0x38;
	[tilespmem:$0x1FA00] =	vst v63  }
0x39b: {  	_ =	swait.ge [sflag:s23], $0x1000  }
0x39c: {  	[sflag:s23] =	ssyncset.done $0x0  }
0x39d: {  	s19 =	simm.s32 $0x100;
	[sflag:s23] =	ssyncadd.s32 $0xFFFFF000  }
0x39e: {  	s29 =	smov.u32 s14;
	s14 =	sadd.s32 $0x0, s17;
	[bflag:$0x0] =	sbarrier.arrive $0xFFFF  }
0x39f: {  	p2 =	sgt.u32 s14, $0xC34;
	s0 =	sadd.s32 $0x3, s14;
	s26 =	rddreg [dreg:$0xd]  }
0x3a0: {  	[tilespmem:s19], [sflag:$0x1] =	stream.linear.gather [hbm4b:s26+s24], $0x80, $0x38;
	[tilespmem:$0x1FA00] =	vst v63  }
0x3a1: {  	s18 =	simm.s32 @!p2 $0x1;
	s25 =	simm.s32 @!p2 $0x100;
	s28 =	rddreg [dreg:$0x18]  }
0x3a2: {  	[tilespmem:s22], [sflag:$0x2] =	stream.linear.gather [hbm4b:s28+s24], $0x80, $0x38;
	[tilespmem:$0x1FA00] =	vst v63  }
0x3a3: {  	s23 =	simm.s32 @!p2 $0x7;
	s19 =	simm.s32 @!p2 $0x6300;
	_ =	swait.ge @!p2 [sflag:s18], $0x80  }
0x3a4: {  	s26 =	sadd.s32 $0x2, s14;
	s28 =	sadd.s32 $0x1, s14;
	[sflag:s18] =	ssyncset.done @!p2 $0x0  }
0x3a5: {  	s24 =	simm.s32 @!p2 $0x80;
	p3 =	sgt.u32 s28, $0xC34;
	[sflag:s18] =	ssyncadd.s32 @!p2 $0xFFFFFF80  }
0x3a6: {  	[spmem:s4] =	stream.indirect.scatter.add.f32 @!p2 [tilespmem:s19], [sflag:$0x7], $0x20, s25, s24, $0xb8;
	[tilespmem:$0x1FA00] =	vst v63  }
0x3a7: {  	p4 =	sgt.u32 s26, $0xC34;
	s18 =	simm.s32 @!p3 $0x2;
	_ =	swait.ge @!p2 [sflag:s23], $0x1000  }
0x3a8: {  	s24 =	simm.s32 @!p4 $0x0;
	[sflag:s23] =	ssyncset.done @!p2 $0x0;
	s25 =	rddreg [dreg:$0x1a]  }
0x3a9: {  	s19 =	sadd.s32 @!p4 $0xFFFFFFF0, s25;
	[sflag:s23] =	ssyncadd.s32 @!p2 $0xFFFFF000;
	s23 =	simm.s32 @!p4 $0x100  }
0x3aa: {  	[tilespmem:s23], [sflag:$0x1] =	stream.linear.gather @!p4 [hbm4b:s19+s24], $0x80, $0x38;
	[tilespmem:$0x1FA00] =	vst v63  }
0x3ab: {  	s31 =	simm.s32 $0x4;
	p2 =	sgt.u32 s0, $0xC34;
	_ =	swait.ge @!p3 [sflag:s18], $0x80  }
0x3ac: {  	s19 =	simm.s32 @!p3 $0x6300;
	s23 =	simm.s32 @!p3 $0x80;
	[sflag:s18] =	ssyncset.done @!p3 $0x0  }
0x3ad: {  	s24 =	simm.s32 @!p3 $0x180;
	s0 =	simm.s32 @!p2 $0x180;
	[sflag:s18] =	ssyncadd.s32 @!p3 $0xFFFFFF80  }
0x3ae: {  	[spmem:s4] =	stream.indirect.scatter.add.f32 @!p3 [tilespmem:s19], [sflag:$0x7], $0x20, s24, s23, $0xb8;
	[tilespmem:$0x1FA00] =	vst v63  }
0x3af: {  	s18 =	simm.s32 @!p3 $0x7;
	s23 =	sadd.s32 $0x20, s25;
	s24 =	sadd.s32 $0x2, s17  }
.LBB2_21:
0x3b0: {  	p4 =	sgt.u32 s24, $0xC34  }
0x3b1: {  	s19 =	sadd.s32 $0x3, s24;
	_ =	swait.ge @!p3 [sflag:s18], $0x1000;
	s28 =	smov.u32 s31  }
0x3b2: {  	s13 =	smov.u32 s25;
	s25 =	smov.u32 s23;
	p5 =	por p2, p2  }
0x3b3: {  	s14 =	simm.s32 @!p4 $0x1;
	[sflag:s18] =	ssyncset.done @!p3 $0x0;
	s26 =	simm.s32 @!p5 $0x0  }
0x3b4: {  	s31 =	sadd.s32 $0x2, s31;
	p2 =	sgt.u32 s19, $0xC34;
	[sflag:s18] =	ssyncadd.s32 @!p3 $0xFFFFF000  }
0x3b5: {  	[tilespmem:s0], [sflag:$0x2] =	stream.linear.gather @!p5 [hbm4b:s13+s26], $0x80, $0x38;
	[tilespmem:$0x1FA00] =	vst v63  }
0x3b6: {  	s0 =	simm.s32 @!p4 $0x6300;
	s13 =	simm.s32 @!p4 $0x7;
	_ =	swait.ge @!p4 [sflag:s14], $0x80  }
0x3b7: {  	s19 =	simm.s32 @!p4 $0x100;
	s18 =	simm.s32 @!p4 $0x80;
	[sflag:s14] =	ssyncset.done @!p4 $0x0  }
0x3b8: {  	p5 =	sne.s32 s31, $0xC2;
	[sflag:s14] =	ssyncadd.s32 @!p4 $0xFFFFFF80;
	s14 =	sadd.s32 $0x2, s24  }
0x3b9: {  	[spmem:s4] =	stream.indirect.scatter.add.f32 @!p4 [tilespmem:s0], [sflag:$0x7], $0x20, s19, s18, $0xb8;
	[tilespmem:$0x1FA00] =	vst v63  }
0x3ba: {  	p6 =	sgt.u32 s14, $0xC34;
	s0 =	sadd.s32 $0x1, s24;
	_ =	swait.ge @!p4 [sflag:s13], $0x1000  }
0x3bb: {  	s14 =	sadd.s32 @!p6 $0xFFFFFFF0, s23;
	s18 =	simm.s32 @!p6 $0x0;
	[sflag:s13] =	ssyncset.done @!p4 $0x0  }
0x3bc: {  	p3 =	sgt.u32 s0, $0xC34;
	[sflag:s13] =	ssyncadd.s32 @!p4 $0xFFFFF000;
	s13 =	simm.s32 @!p6 $0x100  }
0x3bd: {  	[tilespmem:s13], [sflag:$0x1] =	stream.linear.gather @!p6 [hbm4b:s14+s18], $0x80, $0x38;
	[tilespmem:$0x1FA00] =	vst v63  }
.Ltmp28:
0x3be: {  	s23 =	sadd.s32 $0x20, s23;
	s13 =	simm.s32 @!p3 $0x2;
	(pc) =	sbr.rel @p5 .LBB2_21-.Ltmp28, $4  }
0x3bf: {  	s0 =	simm.s32 @!p2 $0x180;
	s14 =	simm.s32 @!p3 $0x6300;
	_ =	swait.ge @!p3 [sflag:s13], $0x80  }
0x3c0: {  	s19 =	simm.s32 @!p3 $0x80;
	s26 =	simm.s32 @!p3 $0x180;
	[sflag:s13] =	ssyncset.done @!p3 $0x0  }
0x3c1: {  	s24 =	sadd.s32 s28, s17;
	s18 =	simm.s32 @!p3 $0x7;
	[sflag:s13] =	ssyncadd.s32 @!p3 $0xFFFFFF80  }
0x3c2: {  	[spmem:s4] =	stream.indirect.scatter.add.f32 @!p3 [tilespmem:s14], [sflag:$0x7], $0x20, s26, s19, $0xb8;
	[tilespmem:$0x1FA00] =	vst v63  }
0x3c3: {  	_ =	swait.ge @!p3 [sflag:s18], $0x1000  }
0x3c4: {  	p4 =	sgt.u32 s24, $0xC34;
	p2 =	por p2, p2;
	[sflag:s18] =	ssyncset.done @!p3 $0x0  }
0x3c5: {  	s13 =	simm.s32 @!p4 $0x1;
	s14 =	simm.s32 @!p2 $0x0;
	[sflag:s18] =	ssyncadd.s32 @!p3 $0xFFFFF000  }
0x3c6: {  	[tilespmem:s0], [sflag:$0x2] =	stream.linear.gather @!p2 [hbm4b:s25+s14], $0x80, $0x38;
	[tilespmem:$0x1FA00] =	vst v63  }
0x3c7: {  	s26 =	sadd.s32 $0x2, s24;
	s28 =	sadd.s32 $0x1, s24;
	_ =	swait.ge @!p4 [sflag:s13], $0x80  }
0x3c8: {  	s19 =	simm.s32 @!p4 $0x100;
	s18 =	simm.s32 @!p4 $0x80;
	[sflag:s13] =	ssyncset.done @!p4 $0x0  }
0x3c9: {  	s0 =	simm.s32 @!p4 $0x6300;
	s14 =	simm.s32 @!p4 $0x7;
	[sflag:s13] =	ssyncadd.s32 @!p4 $0xFFFFFF80  }
0x3ca: {  	[spmem:s4] =	stream.indirect.scatter.add.f32 @!p4 [tilespmem:s0], [sflag:$0x7], $0x20, s19, s18, $0xb8;
	[tilespmem:$0x1FA00] =	vst v63  }
0x3cb: {  	p3 =	sgt.u32 s26, $0xC34;
	p2 =	sgt.u32 s28, $0xC34;
	_ =	swait.ge @!p4 [sflag:s14], $0x1000  }
0x3cc: {  	s13 =	sadd.s32 @!p3 $0xFFFFFFF0, s23;
	s18 =	simm.s32 @!p3 $0x0;
	[sflag:s14] =	ssyncset.done @!p4 $0x0  }
0x3cd: {  	s0 =	simm.s32 @!p2 $0x2;
	[sflag:s14] =	ssyncadd.s32 @!p4 $0xFFFFF000;
	s14 =	simm.s32 @!p3 $0x100  }
0x3ce: {  	[tilespmem:s14], [sflag:$0x1] =	stream.linear.gather @!p3 [hbm4b:s13+s18], $0x80, $0x38;
	[tilespmem:$0x1FA00] =	vst v63  }
0x3cf: {  	s31 =	sadd.s32 $0x3, s24;
	_ =	swait.ge @!p2 [sflag:s0], $0x80  }
0x3d0: {  	s19 =	simm.s32 @!p2 $0x180;
	s14 =	simm.s32 @!p2 $0x6300;
	[sflag:s0] =	ssyncset.done @!p2 $0x0  }
0x3d1: {  	s18 =	simm.s32 @!p2 $0x80;
	[sflag:s0] =	ssyncadd.s32 @!p2 $0xFFFFFF80;
	s0 =	simm.s32 @!p2 $0x7  }
0x3d2: {  	[spmem:s4] =	stream.indirect.scatter.add.f32 @!p2 [tilespmem:s14], [sflag:$0x7], $0x20, s19, s18, $0xb8;
	[tilespmem:$0x1FA00] =	vst v63  }
.Ltmp29:
0x3d3: {  	p3 =	sgt.u32 s31, $0xC34;
	_ =	swait.ge @!p2 [sflag:s0], $0x1000;
	(pc) =	sbr.rel @p1 .LBB2_45-.Ltmp29, $4  }
.Ltmp30:
0x3d4: {  	p4 =	por p3, p3;
	[sflag:s0] =	ssyncset.done @!p2 $0x0;
	(pc) =	sbr.rel @!p1 .LBB2_44-.Ltmp30, $4  }
0x3d5: {  	s13 =	simm.s32 @!p3 $0x180;
	s14 =	simm.s32 @!p4 $0x0;
	[sflag:s0] =	ssyncadd.s32 @!p2 $0xFFFFF000  }
0x3d6: {  	[tilespmem:s13], [sflag:$0x2] =	stream.linear.gather @!p4 [hbm4b:s23+s14], $0x80, $0x38;
	[tilespmem:$0x1FA00] =	vst v63  }
0x3d7: {  	s0 =	rddreg [dreg:$0x13];
	s13 =	simm.s32 $0x7  }
0x3d8: {  	_ = 	snop  }
.LBB2_46:
0x3d9: {  	_ =	sfence.sel $0x180000  }
0x3da: {  	[bflag:$0x0] =	sbarrier.arrive $0xFFFF  }
0x3db: {  	_ =	strace $0x90000047  }
0x3dc: {  	s0 =	stileid.u32;
	[bflag:$0x2] =	sbarrier.arrive $0xFFFF  }
0x3dd: {  	p0 =	sne.s32 s0, $0x0;
	s0 =	rddreg [dreg:$0x5]  }
0x3de: {  	s0 =	sadd.s32 @!p0 $0x100000, s0  }
0x3df: {  	[sflag:s0] =	ssyncadd.tile.s32 @!p0 $0x1;
	_ =	shalt  }
.Lfunc_end2:
_tile_overlayer_lowered:
.L_overlay_start_2:
0x3e0: {  	(tag) =	ssettag $0x2  }
0x3e1: {  	s0 =	rddreg [dreg:$0x0];
	s2 =	stileid.u32  }
0x3e2: {  	s1 =	rddreg [dreg:$0x1];
	p0 =	sne.s32 s2, $0x0  }
0x3e3: {  	s3 =	rddreg [dreg:$0x2];
	[bflag:$0x3] =	sbarrier.arrive $0xFFFF;
	s2 =	simm.s32 @!p0 $0x1C07  }
0x3e4: {  	[timem:s3], [sflag:s2] =	dma.local @!p0 [hbm:s0], s1  }
0x3e5: {  	s0 =	simm.s32 @!p0 $0x7  }
0x3e6: {  	_ =	swait.ge @!p0 [sflag:s0], s1  }
0x3e7: {  	s1 =	ssub.s32 @!p0 $0x0, s1;
	[sflag:s0] =	ssyncset.done @!p0 $0x0  }
0x3e8: {  	[sflag:s0] =	ssyncadd.s32 @!p0 s1  }
0x3e9: {  	[bflag:$0x3] =	sbarrier.arrive $0xFFFF  }
0x3ea: {  	_ =	shalt  }

</sc_bundles>
